<compile_context>
chip_gen: v7x
topology: tpu7x:2x2x1
jax: 0.10.2.dev20260603
libtpu: 0.0.44.dev20260713+nightly
codegen_flags: <defaults>
</compile_context>

<pallas_src>
import functools

import jax
import jax.numpy as jnp
from jax import lax
from jax.experimental import pallas as pl
from jax.experimental.pallas import tpu as pltpu
from jax.experimental.pallas import tpu_sc as plsc

_N = 10000
_D = 128
_E = 320000
_NC = 2
_NS = 16
_NW = _NC * _NS
_CH = 125
_NCHUNK = 80
_KC = 8
_NG = _NCHUNK // _KC
_SLAB = 632
_LAST = _N - (_NS - 1) * _SLAB

_B = 5000
_G = _N // _B

_sc_mesh = plsc.VectorSubcoreMesh(core_axis_name="c", subcore_axis_name="s")


@functools.partial(
    pl.kernel,
    out_type=jax.ShapeDtypeStruct((_NC, _N, 16), jnp.float32),
    mesh=_sc_mesh,
    compiler_params=pltpu.CompilerParams(use_tc_tiling_on_sc=False),
    scratch_types=[
        pltpu.VMEM((_NCHUNK, _CH), jnp.int32),
        pltpu.VMEM((_CH, 16), jnp.float32),
        pltpu.VMEM_SHARED((_N, 16), jnp.float32),
        pltpu.SemaphoreType.DMA,
    ],
)
def _deg_kernel(dst_hbm, ones_hbm, z16_hbm, cnt_hbm, dst_v, ones_v, acc,
                dsem0):
    c = lax.axis_index("c")
    s = lax.axis_index("s")
    wid = c * _NS + s
    pltpu.sync_copy(dst_hbm.at[wid], dst_v)
    pltpu.sync_copy(ones_hbm, ones_v)
    r0 = s * _SLAB

    @pl.when(s < _NS - 1)
    def _():
        pltpu.sync_copy(z16_hbm.at[pl.ds(r0, _SLAB)],
                        acc.at[pl.ds(r0, _SLAB)])

    @pl.when(s == _NS - 1)
    def _():
        pltpu.sync_copy(z16_hbm.at[pl.ds(r0, _LAST)],
                        acc.at[pl.ds(r0, _LAST)])

    plsc.subcore_barrier()

    def body(g, carry):
        for k in range(_KC):
            pltpu.async_copy(ones_v, acc.at[dst_v.at[g * _KC + k]],
                             dsem0, add=True)

        @pl.when(g > 0)
        def _():
            for k in range(_KC):
                pltpu.make_async_copy(ones_v, acc.at[dst_v.at[0]],
                                      dsem0).wait()
        return carry

    lax.fori_loop(0, _NG, body, 0)
    for _k in range(_KC):
        pltpu.make_async_copy(ones_v, acc.at[dst_v.at[0]], dsem0).wait()
    plsc.subcore_barrier()

    @pl.when(s < _NS - 1)
    def _():
        pltpu.sync_copy(acc.at[pl.ds(r0, _SLAB)],
                        cnt_hbm.at[c, pl.ds(r0, _SLAB)])

    @pl.when(s == _NS - 1)
    def _():
        pltpu.sync_copy(acc.at[pl.ds(r0, _LAST)],
                        cnt_hbm.at[c, pl.ds(r0, _LAST)])


@functools.partial(
    pl.kernel,
    out_type=jax.ShapeDtypeStruct((_NC, _N, _D), jnp.float32),
    mesh=_sc_mesh,
    scratch_types=[
        pltpu.VMEM((2, _KC, _CH), jnp.int32),
        pltpu.VMEM((2, _KC, _CH), jnp.int32),
        pltpu.VMEM((2, _CH, _D), jnp.float32),
        pltpu.VMEM_SHARED((_N, _D), jnp.float32),
        pltpu.SemaphoreType.DMA,
        pltpu.SemaphoreType.DMA,
        pltpu.SemaphoreType.DMA,
    ],
)
def _edge_kernel(ys_hbm, src_hbm, dst_hbm, z128_hbm, acc_hbm,
                 sidx, didx, rows_v, acc, gsem0, gsem1, isem):
    c = lax.axis_index("c")
    s = lax.axis_index("s")
    wid = c * _NS + s
    r0 = s * _SLAB

    @pl.when(s < _NS - 1)
    def _():
        @pl.when(c == 0)
        def _():
            pltpu.async_copy(ys_hbm.at[pl.ds(r0, _SLAB)],
                             acc.at[pl.ds(r0, _SLAB)], isem)

        @pl.when(c == 1)
        def _():
            pltpu.async_copy(z128_hbm.at[pl.ds(r0, _SLAB)],
                             acc.at[pl.ds(r0, _SLAB)], isem)

    @pl.when(s == _NS - 1)
    def _():
        @pl.when(c == 0)
        def _():
            pltpu.async_copy(ys_hbm.at[pl.ds(r0, _LAST)],
                             acc.at[pl.ds(r0, _LAST)], isem)

        @pl.when(c == 1)
        def _():
            pltpu.async_copy(z128_hbm.at[pl.ds(r0, _LAST)],
                             acc.at[pl.ds(r0, _LAST)], isem)

    gsems = (gsem0, gsem1)
    pltpu.sync_copy(src_hbm.at[wid, pl.ds(0, _KC)], sidx.at[0])
    pltpu.sync_copy(dst_hbm.at[wid, pl.ds(0, _KC)], didx.at[0])
    pltpu.async_copy(ys_hbm.at[sidx.at[0, 0]], rows_v.at[0], gsem0)

    @pl.when(s < _NS - 1)
    def _():
        pltpu.make_async_copy(ys_hbm.at[pl.ds(r0, _SLAB)],
                              acc.at[pl.ds(r0, _SLAB)], isem).wait()

    @pl.when(s == _NS - 1)
    def _():
        pltpu.make_async_copy(ys_hbm.at[pl.ds(r0, _LAST)],
                              acc.at[pl.ds(r0, _LAST)], isem).wait()

    plsc.subcore_barrier()

    def gbody(g, carry):
        gb = lax.rem(g, 2)
        gn = lax.rem(g + 1, 2)
        gsrc = lax.rem(g + 1, _NG)
        isrc = pltpu.async_copy(src_hbm.at[wid, pl.ds(gsrc * _KC, _KC)],
                                sidx.at[gn], isem)
        idst = pltpu.async_copy(dst_hbm.at[wid, pl.ds(gsrc * _KC, _KC)],
                                didx.at[gn], isem)
        pending = None
        for k in range(_KC):
            cb = k % 2
            nb = (k + 1) % 2
            if k < _KC - 1:
                nxt = pltpu.async_copy(ys_hbm.at[sidx.at[gb, k + 1]],
                                       rows_v.at[nb], gsems[nb])
            else:
                isrc.wait()
                idst.wait()
                nxt = pltpu.async_copy(ys_hbm.at[sidx.at[gn, 0]],
                                       rows_v.at[nb], gsems[nb])
            if pending is None:
                pltpu.make_async_copy(ys_hbm.at[sidx.at[gb, k]],
                                      rows_v.at[cb], gsems[cb]).wait()
            else:
                pending.wait()
            pending = nxt
            pltpu.sync_copy(rows_v.at[cb], acc.at[didx.at[gb, k]], add=True)
        return carry

    lax.fori_loop(0, _NG, gbody, 0)
    pltpu.make_async_copy(ys_hbm.at[sidx.at[0, 0]], rows_v.at[0],
                          gsem0).wait()
    plsc.subcore_barrier()

    @pl.when(s < _NS - 1)
    def _():
        pltpu.sync_copy(acc.at[pl.ds(r0, _SLAB)],
                        acc_hbm.at[c, pl.ds(r0, _SLAB)])

    @pl.when(s == _NS - 1)
    def _():
        pltpu.sync_copy(acc.at[pl.ds(r0, _LAST)],
                        acc_hbm.at[c, pl.ds(r0, _LAST)])


def _dinv_block(cnt_blk):
    deg = cnt_blk[0, :, 0:1] + cnt_blk[1, :, 0:1] + 1.0
    return lax.rsqrt(deg)


def _ka_body(x_ref, wl_ref, bl_ref, w1_ref, cnt_ref, ys_ref):
    h = jnp.maximum(
        jnp.dot(x_ref[...], wl_ref[...], preferred_element_type=jnp.float32)
        + bl_ref[...], 0.0)
    dinv = _dinv_block(cnt_ref[...])
    ys_ref[...] = jnp.dot(h, w1_ref[...],
                          preferred_element_type=jnp.float32) * dinv


def _kb_body(acc_ref, cnt_ref, b_ref, w_ref, ys_ref):
    dinv = _dinv_block(cnt_ref[...])
    h = jnp.maximum(
        (acc_ref[0, :, :] + acc_ref[1, :, :]) * dinv + b_ref[...], 0.0)
    ys_ref[...] = jnp.dot(h, w_ref[...],
                          preferred_element_type=jnp.float32) * dinv


def _kc_body(acc_ref, cnt_ref, b_ref, out_ref):
    dinv = _dinv_block(cnt_ref[...])
    out_ref[...] = jnp.maximum(
        (acc_ref[0, :, :] + acc_ref[1, :, :]) * dinv + b_ref[...], 0.0)


_row_spec = pl.BlockSpec((_B, _D), lambda i: (i, 0))
_mat_spec = pl.BlockSpec((_D, _D), lambda i: (0, 0))
_vec_spec = pl.BlockSpec((_D,), lambda i: (0,))
_cnt_spec = pl.BlockSpec((_NC, _B, 16), lambda i: (0, i, 0))
_acc_spec = pl.BlockSpec((_NC, _B, _D), lambda i: (0, i, 0))
_out_sds = jax.ShapeDtypeStruct((_N, _D), jnp.float32)


def _ka(x, wl, bl, w1, cnt):
    return pl.pallas_call(
        _ka_body, grid=(_G,),
        in_specs=[_row_spec, _mat_spec, _vec_spec, _mat_spec, _cnt_spec],
        out_specs=_row_spec, out_shape=_out_sds,
    )(x, wl, bl, w1, cnt)


def _kb(acc, cnt, b, w):
    return pl.pallas_call(
        _kb_body, grid=(_G,),
        in_specs=[_acc_spec, _cnt_spec, _vec_spec, _mat_spec],
        out_specs=_row_spec, out_shape=_out_sds,
    )(acc, cnt, b, w)


_BF = 5000


def _kc(acc, cnt, b):
    return pl.pallas_call(
        _kc_body, grid=(_N // _BF,),
        in_specs=[
            pl.BlockSpec((_NC, _BF, _D), lambda i: (0, i, 0)),
            pl.BlockSpec((_NC, _BF, 16), lambda i: (0, i, 0)),
            pl.BlockSpec((_D,), lambda i: (0,)),
        ],
        out_specs=pl.BlockSpec((_BF, _D), lambda i: (i, 0)),
        out_shape=jax.ShapeDtypeStruct((_N, _D), jnp.float32),
    )(acc, cnt, b)


def kernel(features, edge_index, lin_w, lin_b, gcn_w, gcn_b):
    src = edge_index[0].reshape(_NW, _NCHUNK, _CH)
    dst = edge_index[1].reshape(_NW, _NCHUNK, _CH)
    ones16 = jnp.ones((_CH, 16), jnp.float32)
    z16 = jnp.zeros((_N, 16), jnp.float32)
    z128 = jnp.zeros((_N, _D), jnp.float32)

    cnt = _deg_kernel(dst, ones16, z16)
    ys = _ka(features, lin_w, lin_b, gcn_w[0], cnt)
    acc = _edge_kernel(ys, src, dst, z128)
    ys = _kb(acc, cnt, gcn_b[0], gcn_w[1])
    acc = _edge_kernel(ys, src, dst, z128)
    return _kc(acc, cnt, gcn_b[1])

# --- scband reference (transcript-rebuilt; emitter-appended) ---
"""Pipeline reference for scband-ignnconv-4664334484030 (READ-ONLY COPY).

The authoritative reference and input builder live on the scoring server;
editing this copy changes nothing except your own understanding.
"""

import jax, jax.numpy as jnp
import numpy as np

N = 10000
E = 320000
D_IN = 128
D_H = 128
N_HOPS = 2


def _gcn_layer(x, W, b, src, dst, norm):
    # GCNConv: x' = D^{-1/2} (A + I) D^{-1/2} (x W) + b, followed by act (ReLU)
    x = x @ W
    msg = x[src] * norm[:, None]
    out = jax.ops.segment_sum(msg, dst, num_segments=N)
    return jax.nn.relu(out + b)


def setup_inputs(seed: int = 0) -> dict:
    key = jax.random.key(seed)
    ks = jax.random.split(key, 6)
    features = jax.random.normal(ks[0], (N, D_IN), dtype=jnp.float32)
    edge_index = jax.random.randint(ks[1], (2, E), 0, N, dtype=jnp.int32)
    # input projection inceptive_agg[0]: Dropout(p=0) -> Linear(in_feats, h_feats) -> Identity -> ReLU
    lin_w = jax.random.normal(ks[2], (D_IN, D_H), dtype=jnp.float32) / np.sqrt(D_IN)
    lin_b = jnp.zeros((D_H,), dtype=jnp.float32)
    # GCNConv weights for hops 1..n_hops
    gcn_w = jax.random.normal(ks[3], (N_HOPS, D_H, D_H), dtype=jnp.float32) / np.sqrt(D_H)
    gcn_b = jnp.zeros((N_HOPS, D_H), dtype=jnp.float32)
    return {"features": features, "edge_index": edge_index, "lin_w": lin_w, "lin_b": lin_b, "gcn_w": gcn_w, "gcn_b": gcn_b}


def reference(features, edge_index, lin_w, lin_b, gcn_w, gcn_b):
    # IGNNConv forward, IN='gcn-nIN-nSN' branch
    loop = jnp.arange(N, dtype=edge_index.dtype)
    src = jnp.concatenate([edge_index[0], loop])  # add_self_loops=True
    dst = jnp.concatenate([edge_index[1], loop])
    deg = jax.ops.segment_sum(jnp.ones(src.shape[0], dtype=jnp.float32), dst, num_segments=N)
    dinv = jnp.where(deg > 0, deg ** -0.5, 0.0)
    norm = dinv[src] * dinv[dst]
    # inceptive_agg[0]: Linear + ReLU (dropout p=0, norm=Identity)
    h = jax.nn.relu(features @ lin_w + lin_b)
    for i in range(N_HOPS):
        h = _gcn_layer(h, gcn_w[i], gcn_b[i], src, dst, norm)
    return h

if __name__ == "__main__":
    import jax
    _d = setup_inputs()
    print(jax.jit(kernel)(*tuple(_d.values())))

</pallas_src>

<mosaic_0001>
#map = affine_map<(d0, d1) -> (0, 0)>
#map1 = affine_map<(d0, d1) -> (0, 0, 0)>
module attributes {stable_mosaic.version = 14 : i64} {
  func.func @_edge_kernel(%arg0: i32, %arg1: i32, %arg2: memref<10000x128xf32, #tpu.memory_space<hbm>>, %arg3: memref<32x80x125xi32, #tpu.memory_space<hbm>>, %arg4: memref<32x80x125xi32, #tpu.memory_space<hbm>>, %arg5: memref<10000x128xf32, #tpu.memory_space<hbm>>, %arg6: memref<2x10000x128xf32, #tpu.memory_space<hbm>>, %arg7: memref<2x8x125xi32, #tpu.memory_space<vmem>>, %arg8: memref<2x8x125xi32, #tpu.memory_space<vmem>>, %arg9: memref<2x125x128xf32, #tpu.memory_space<vmem>>, %arg10: memref<10000x128xf32, #tpu.memory_space<vmem_shared>>, %arg11: memref<!tpu.dma_semaphore, #tpu.memory_space<semaphore_mem>>, %arg12: memref<!tpu.dma_semaphore, #tpu.memory_space<semaphore_mem>>, %arg13: memref<!tpu.dma_semaphore, #tpu.memory_space<semaphore_mem>>) attributes {dimension_semantics = [#tpu.dimension_semantics<core_parallel>, #tpu.dimension_semantics<subcore_parallel>], iteration_bounds = array<i64: 2, 16>, scalar_prefetch = 0 : i64, scratch_operands = 7 : i64, tpu.core_type = #tpu.core_type<sc_vector_subcore>, window_params = [{transform_indices = #map}, {transform_indices = #map1}, {transform_indices = #map1}, {transform_indices = #map}, {transform_indices = #map1}]} {
    %mul3A = arith.constant 16 : i32
    %mul3A_0 = arith.muli %arg0, %mul3A : i32
    %add3A = arith.addi %mul3A_0, %arg1 : i32
    %mul3A_1 = arith.constant 632 : i32
    %mul3A_2 = arith.muli %arg1, %mul3A_1 : i32
    %lt3A = arith.constant 15 : i32
    %lt3A_3 = arith.cmpi slt, %arg1, %lt3A : i32
    %convert_element_type3A = arith.extui %lt3A_3 : i1 to i32
    %cond3A = arith.constant 0 : i32
    %cond3A_4 = arith.cmpi ne, %convert_element_type3A, %cond3A : i32
    scf.if %cond3A_4 {
      %eq3A_60 = arith.constant 0 : i32
      %eq3A_61 = arith.cmpi eq, %arg0, %eq3A_60 : i32
      %convert_element_type3A_62 = arith.extui %eq3A_61 : i1 to i32
      %cond3A_63 = arith.constant 0 : i32
      %cond3A_64 = arith.cmpi ne, %convert_element_type3A_62, %cond3A_63 : i32
      scf.if %cond3A_64 {
        %dma_start3A_70 = arith.constant 0 : i32
        %dma_start3A_71 = tpu.memref_slice %arg10[%mul3A_2, %dma_start3A_70] : memref<10000x128xf32, #tpu.memory_space<vmem_shared>> -> memref<632x128xf32, #tpu.memory_space<vmem_shared>>
        %dma_start3A_72 = arith.constant 0 : i32
        %dma_start3A_73 = tpu.memref_slice %arg2[%mul3A_2, %dma_start3A_72] : memref<10000x128xf32, #tpu.memory_space<hbm>> -> memref<632x128xf32, #tpu.memory_space<hbm>>
        tpu.enqueue_dma source(%dma_start3A_73 : memref<632x128xf32, #tpu.memory_space<hbm>>) target(%dma_start3A_71 : memref<632x128xf32, #tpu.memory_space<vmem_shared>>) target_semaphore(%arg13 : memref<!tpu.dma_semaphore, #tpu.memory_space<semaphore_mem>>)
      } else {
      }
      %eq3A_65 = arith.constant 1 : i32
      %eq3A_66 = arith.cmpi eq, %arg0, %eq3A_65 : i32
      %convert_element_type3A_67 = arith.extui %eq3A_66 : i1 to i32
      %cond3A_68 = arith.constant 0 : i32
      %cond3A_69 = arith.cmpi ne, %convert_element_type3A_67, %cond3A_68 : i32
      scf.if %cond3A_69 {
        %dma_start3A_70 = arith.constant 0 : i32
        %dma_start3A_71 = tpu.memref_slice %arg10[%mul3A_2, %dma_start3A_70] : memref<10000x128xf32, #tpu.memory_space<vmem_shared>> -> memref<632x128xf32, #tpu.memory_space<vmem_shared>>
        %dma_start3A_72 = arith.constant 0 : i32
        %dma_start3A_73 = tpu.memref_slice %arg5[%mul3A_2, %dma_start3A_72] : memref<10000x128xf32, #tpu.memory_space<hbm>> -> memref<632x128xf32, #tpu.memory_space<hbm>>
        tpu.enqueue_dma source(%dma_start3A_73 : memref<632x128xf32, #tpu.memory_space<hbm>>) target(%dma_start3A_71 : memref<632x128xf32, #tpu.memory_space<vmem_shared>>) target_semaphore(%arg13 : memref<!tpu.dma_semaphore, #tpu.memory_space<semaphore_mem>>)
      } else {
      }
    } else {
    }
    %eq3A = arith.constant 15 : i32
    %eq3A_5 = arith.cmpi eq, %arg1, %eq3A : i32
    %convert_element_type3A_6 = arith.extui %eq3A_5 : i1 to i32
    %cond3A_7 = arith.constant 0 : i32
    %cond3A_8 = arith.cmpi ne, %convert_element_type3A_6, %cond3A_7 : i32
    scf.if %cond3A_8 {
      %eq3A_60 = arith.constant 0 : i32
      %eq3A_61 = arith.cmpi eq, %arg0, %eq3A_60 : i32
      %convert_element_type3A_62 = arith.extui %eq3A_61 : i1 to i32
      %cond3A_63 = arith.constant 0 : i32
      %cond3A_64 = arith.cmpi ne, %convert_element_type3A_62, %cond3A_63 : i32
      scf.if %cond3A_64 {
        %dma_start3A_70 = arith.constant 0 : i32
        %dma_start3A_71 = tpu.memref_slice %arg10[%mul3A_2, %dma_start3A_70] : memref<10000x128xf32, #tpu.memory_space<vmem_shared>> -> memref<520x128xf32, #tpu.memory_space<vmem_shared>>
        %dma_start3A_72 = arith.constant 0 : i32
        %dma_start3A_73 = tpu.memref_slice %arg2[%mul3A_2, %dma_start3A_72] : memref<10000x128xf32, #tpu.memory_space<hbm>> -> memref<520x128xf32, #tpu.memory_space<hbm>>
        tpu.enqueue_dma source(%dma_start3A_73 : memref<520x128xf32, #tpu.memory_space<hbm>>) target(%dma_start3A_71 : memref<520x128xf32, #tpu.memory_space<vmem_shared>>) target_semaphore(%arg13 : memref<!tpu.dma_semaphore, #tpu.memory_space<semaphore_mem>>)
      } else {
      }
      %eq3A_65 = arith.constant 1 : i32
      %eq3A_66 = arith.cmpi eq, %arg0, %eq3A_65 : i32
      %convert_element_type3A_67 = arith.extui %eq3A_66 : i1 to i32
      %cond3A_68 = arith.constant 0 : i32
      %cond3A_69 = arith.cmpi ne, %convert_element_type3A_67, %cond3A_68 : i32
      scf.if %cond3A_69 {
        %dma_start3A_70 = arith.constant 0 : i32
        %dma_start3A_71 = tpu.memref_slice %arg10[%mul3A_2, %dma_start3A_70] : memref<10000x128xf32, #tpu.memory_space<vmem_shared>> -> memref<520x128xf32, #tpu.memory_space<vmem_shared>>
        %dma_start3A_72 = arith.constant 0 : i32
        %dma_start3A_73 = tpu.memref_slice %arg5[%mul3A_2, %dma_start3A_72] : memref<10000x128xf32, #tpu.memory_space<hbm>> -> memref<520x128xf32, #tpu.memory_space<hbm>>
        tpu.enqueue_dma source(%dma_start3A_73 : memref<520x128xf32, #tpu.memory_space<hbm>>) target(%dma_start3A_71 : memref<520x128xf32, #tpu.memory_space<vmem_shared>>) target_semaphore(%arg13 : memref<!tpu.dma_semaphore, #tpu.memory_space<semaphore_mem>>)
      } else {
      }
    } else {
    }
    %run_scoped3A = arith.constant 0 : i32
    "tpu.region"() ({
      %run_scoped3A_60 = tpu.sem_alloc : memref<!tpu.dma_semaphore, #tpu.memory_space<semaphore_mem>>
      %dma_start3A_61 = arith.constant 0 : i32
      %dma_start3A_62 = arith.constant 0 : i32
      %dma_start3A_63 = tpu.memref_slice %arg7[%run_scoped3A, %dma_start3A_61, %dma_start3A_62] : memref<2x8x125xi32, #tpu.memory_space<vmem>> -> memref<1x8x125xi32, #tpu.memory_space<vmem>>
      %dma_start3A_64 = tpu.memref_squeeze %dma_start3A_63 : memref<1x8x125xi32, #tpu.memory_space<vmem>> -> memref<8x125xi32, #tpu.memory_space<vmem>>
      %dma_start3A_65 = arith.constant 0 : i32
      %dma_start3A_66 = arith.constant 0 : i32
      %dma_start3A_67 = tpu.memref_slice %arg3[%add3A, %dma_start3A_65, %dma_start3A_66] : memref<32x80x125xi32, #tpu.memory_space<hbm>> -> memref<1x8x125xi32, #tpu.memory_space<hbm>>
      %dma_start3A_68 = tpu.memref_squeeze %dma_start3A_67 : memref<1x8x125xi32, #tpu.memory_space<hbm>> -> memref<8x125xi32, #tpu.memory_space<hbm>>
      %dma_start3A_69 = arith.constant 0 : i32
      %dma_start3A_70 = arith.constant 0 : i32
      %dma_start3A_71 = tpu.memref_slice %arg7[%run_scoped3A, %dma_start3A_69, %dma_start3A_70] : memref<2x8x125xi32, #tpu.memory_space<vmem>> -> memref<1x8x125xi32, #tpu.memory_space<vmem>>
      %dma_start3A_72 = tpu.memref_squeeze %dma_start3A_71 : memref<1x8x125xi32, #tpu.memory_space<vmem>> -> memref<8x125xi32, #tpu.memory_space<vmem>>
      %dma_start3A_73 = arith.constant 0 : i32
      %dma_start3A_74 = arith.constant 0 : i32
      %dma_start3A_75 = tpu.memref_slice %arg3[%add3A, %dma_start3A_73, %dma_start3A_74] : memref<32x80x125xi32, #tpu.memory_space<hbm>> -> memref<1x8x125xi32, #tpu.memory_space<hbm>>
      %dma_start3A_76 = tpu.memref_squeeze %dma_start3A_75 : memref<1x8x125xi32, #tpu.memory_space<hbm>> -> memref<8x125xi32, #tpu.memory_space<hbm>>
      tpu.enqueue_dma source(%dma_start3A_76 : memref<8x125xi32, #tpu.memory_space<hbm>>) target(%dma_start3A_72 : memref<8x125xi32, #tpu.memory_space<vmem>>) target_semaphore(%run_scoped3A_60 : memref<!tpu.dma_semaphore, #tpu.memory_space<semaphore_mem>>)
      %dma_wait3A_77 = arith.constant 0 : i32
      %dma_wait3A_78 = arith.constant 0 : i32
      %dma_wait3A_79 = tpu.memref_slice %arg7[%run_scoped3A, %dma_wait3A_77, %dma_wait3A_78] : memref<2x8x125xi32, #tpu.memory_space<vmem>> -> memref<1x8x125xi32, #tpu.memory_space<vmem>>
      %dma_wait3A_80 = tpu.memref_squeeze %dma_wait3A_79 : memref<1x8x125xi32, #tpu.memory_space<vmem>> -> memref<8x125xi32, #tpu.memory_space<vmem>>
      %dma_wait3A_81 = arith.constant 0 : i32
      %dma_wait3A_82 = arith.constant 0 : i32
      %dma_wait3A_83 = tpu.memref_slice %arg3[%add3A, %dma_wait3A_81, %dma_wait3A_82] : memref<32x80x125xi32, #tpu.memory_space<hbm>> -> memref<1x8x125xi32, #tpu.memory_space<hbm>>
      %dma_wait3A_84 = tpu.memref_squeeze %dma_wait3A_83 : memref<1x8x125xi32, #tpu.memory_space<hbm>> -> memref<8x125xi32, #tpu.memory_space<hbm>>
      %dma_wait3A_85 = arith.constant 0 : i32
      %dma_wait3A_86 = arith.constant 0 : i32
      %dma_wait3A_87 = tpu.memref_slice %arg7[%run_scoped3A, %dma_wait3A_85, %dma_wait3A_86] : memref<2x8x125xi32, #tpu.memory_space<vmem>> -> memref<1x8x125xi32, #tpu.memory_space<vmem>>
      %dma_wait3A_88 = tpu.memref_squeeze %dma_wait3A_87 : memref<1x8x125xi32, #tpu.memory_space<vmem>> -> memref<8x125xi32, #tpu.memory_space<vmem>>
      %dma_wait3A_89 = arith.constant 0 : i32
      %dma_wait3A_90 = arith.constant 0 : i32
      %dma_wait3A_91 = tpu.memref_slice %arg3[%add3A, %dma_wait3A_89, %dma_wait3A_90] : memref<32x80x125xi32, #tpu.memory_space<hbm>> -> memref<1x8x125xi32, #tpu.memory_space<hbm>>
      %dma_wait3A_92 = tpu.memref_squeeze %dma_wait3A_91 : memref<1x8x125xi32, #tpu.memory_space<hbm>> -> memref<8x125xi32, #tpu.memory_space<hbm>>
      tpu.wait_dma2 semaphore(%run_scoped3A_60 : memref<!tpu.dma_semaphore, #tpu.memory_space<semaphore_mem>>) src(%dma_wait3A_92 : memref<8x125xi32, #tpu.memory_space<hbm>>) dst(%dma_wait3A_88 : memref<8x125xi32, #tpu.memory_space<vmem>>)
      tpu.yield
    }) : () -> ()
    %run_scoped3A_9 = arith.constant 0 : i32
    "tpu.region"() ({
      %run_scoped3A_60 = tpu.sem_alloc : memref<!tpu.dma_semaphore, #tpu.memory_space<semaphore_mem>>
      %dma_start3A_61 = arith.constant 0 : i32
      %dma_start3A_62 = arith.constant 0 : i32
      %dma_start3A_63 = tpu.memref_slice %arg8[%run_scoped3A_9, %dma_start3A_61, %dma_start3A_62] : memref<2x8x125xi32, #tpu.memory_space<vmem>> -> memref<1x8x125xi32, #tpu.memory_space<vmem>>
      %dma_start3A_64 = tpu.memref_squeeze %dma_start3A_63 : memref<1x8x125xi32, #tpu.memory_space<vmem>> -> memref<8x125xi32, #tpu.memory_space<vmem>>
      %dma_start3A_65 = arith.constant 0 : i32
      %dma_start3A_66 = arith.constant 0 : i32
      %dma_start3A_67 = tpu.memref_slice %arg4[%add3A, %dma_start3A_65, %dma_start3A_66] : memref<32x80x125xi32, #tpu.memory_space<hbm>> -> memref<1x8x125xi32, #tpu.memory_space<hbm>>
      %dma_start3A_68 = tpu.memref_squeeze %dma_start3A_67 : memref<1x8x125xi32, #tpu.memory_space<hbm>> -> memref<8x125xi32, #tpu.memory_space<hbm>>
      %dma_start3A_69 = arith.constant 0 : i32
      %dma_start3A_70 = arith.constant 0 : i32
      %dma_start3A_71 = tpu.memref_slice %arg8[%run_scoped3A_9, %dma_start3A_69, %dma_start3A_70] : memref<2x8x125xi32, #tpu.memory_space<vmem>> -> memref<1x8x125xi32, #tpu.memory_space<vmem>>
      %dma_start3A_72 = tpu.memref_squeeze %dma_start3A_71 : memref<1x8x125xi32, #tpu.memory_space<vmem>> -> memref<8x125xi32, #tpu.memory_space<vmem>>
      %dma_start3A_73 = arith.constant 0 : i32
      %dma_start3A_74 = arith.constant 0 : i32
      %dma_start3A_75 = tpu.memref_slice %arg4[%add3A, %dma_start3A_73, %dma_start3A_74] : memref<32x80x125xi32, #tpu.memory_space<hbm>> -> memref<1x8x125xi32, #tpu.memory_space<hbm>>
      %dma_start3A_76 = tpu.memref_squeeze %dma_start3A_75 : memref<1x8x125xi32, #tpu.memory_space<hbm>> -> memref<8x125xi32, #tpu.memory_space<hbm>>
      tpu.enqueue_dma source(%dma_start3A_76 : memref<8x125xi32, #tpu.memory_space<hbm>>) target(%dma_start3A_72 : memref<8x125xi32, #tpu.memory_space<vmem>>) target_semaphore(%run_scoped3A_60 : memref<!tpu.dma_semaphore, #tpu.memory_space<semaphore_mem>>)
      %dma_wait3A_77 = arith.constant 0 : i32
      %dma_wait3A_78 = arith.constant 0 : i32
      %dma_wait3A_79 = tpu.memref_slice %arg8[%run_scoped3A_9, %dma_wait3A_77, %dma_wait3A_78] : memref<2x8x125xi32, #tpu.memory_space<vmem>> -> memref<1x8x125xi32, #tpu.memory_space<vmem>>
      %dma_wait3A_80 = tpu.memref_squeeze %dma_wait3A_79 : memref<1x8x125xi32, #tpu.memory_space<vmem>> -> memref<8x125xi32, #tpu.memory_space<vmem>>
      %dma_wait3A_81 = arith.constant 0 : i32
      %dma_wait3A_82 = arith.constant 0 : i32
      %dma_wait3A_83 = tpu.memref_slice %arg4[%add3A, %dma_wait3A_81, %dma_wait3A_82] : memref<32x80x125xi32, #tpu.memory_space<hbm>> -> memref<1x8x125xi32, #tpu.memory_space<hbm>>
      %dma_wait3A_84 = tpu.memref_squeeze %dma_wait3A_83 : memref<1x8x125xi32, #tpu.memory_space<hbm>> -> memref<8x125xi32, #tpu.memory_space<hbm>>
      %dma_wait3A_85 = arith.constant 0 : i32
      %dma_wait3A_86 = arith.constant 0 : i32
      %dma_wait3A_87 = tpu.memref_slice %arg8[%run_scoped3A_9, %dma_wait3A_85, %dma_wait3A_86] : memref<2x8x125xi32, #tpu.memory_space<vmem>> -> memref<1x8x125xi32, #tpu.memory_space<vmem>>
      %dma_wait3A_88 = tpu.memref_squeeze %dma_wait3A_87 : memref<1x8x125xi32, #tpu.memory_space<vmem>> -> memref<8x125xi32, #tpu.memory_space<vmem>>
      %dma_wait3A_89 = arith.constant 0 : i32
      %dma_wait3A_90 = arith.constant 0 : i32
      %dma_wait3A_91 = tpu.memref_slice %arg4[%add3A, %dma_wait3A_89, %dma_wait3A_90] : memref<32x80x125xi32, #tpu.memory_space<hbm>> -> memref<1x8x125xi32, #tpu.memory_space<hbm>>
      %dma_wait3A_92 = tpu.memref_squeeze %dma_wait3A_91 : memref<1x8x125xi32, #tpu.memory_space<hbm>> -> memref<8x125xi32, #tpu.memory_space<hbm>>
      tpu.wait_dma2 semaphore(%run_scoped3A_60 : memref<!tpu.dma_semaphore, #tpu.memory_space<semaphore_mem>>) src(%dma_wait3A_92 : memref<8x125xi32, #tpu.memory_space<hbm>>) dst(%dma_wait3A_88 : memref<8x125xi32, #tpu.memory_space<vmem>>)
      tpu.yield
    }) : () -> ()
    %dma_start3A = arith.constant 0 : i32
    %dma_start3A_10 = arith.constant 0 : i32
    %dma_start3A_11 = arith.constant 0 : i32
    %dma_start3A_12 = arith.constant 0 : i32
    %dma_start3A_13 = arith.constant 0 : i32
    %dma_start3A_14 = tpu.memref_slice %arg9[%dma_start3A_11, %dma_start3A_12, %dma_start3A_13] : memref<2x125x128xf32, #tpu.memory_space<vmem>> -> memref<1x125x128xf32, #tpu.memory_space<vmem>>
    %dma_start3A_15 = tpu.memref_squeeze %dma_start3A_14 : memref<1x125x128xf32, #tpu.memory_space<vmem>> -> memref<125x128xf32, #tpu.memory_space<vmem>>
    %dma_start3A_16 = arith.constant 0 : i32
    %dma_start3A_17 = tpu.memref_slice %arg7[%dma_start3A, %dma_start3A_10, %dma_start3A_16] : memref<2x8x125xi32, #tpu.memory_space<vmem>> -> memref<1x1x125xi32, #tpu.memory_space<vmem>>
    %dma_start3A_18 = tpu.memref_squeeze %dma_start3A_17 : memref<1x1x125xi32, #tpu.memory_space<vmem>> -> memref<125xi32, #tpu.memory_space<vmem>>
    %dma_start3A_19 = arith.constant 0 : i32
    %dma_start3A_20 = arith.constant 0 : i32
    %dma_start3A_21 = tpu.memref_slice %arg2[%dma_start3A_19, %dma_start3A_20] : memref<10000x128xf32, #tpu.memory_space<hbm>> -> memref<10000x128xf32, #tpu.memory_space<hbm>>
    tpu.enqueue_indirect_dma source(%dma_start3A_21 : memref<10000x128xf32, #tpu.memory_space<hbm>>) target(%dma_start3A_15 : memref<125x128xf32, #tpu.memory_space<vmem>>) offsets(%dma_start3A_18 : memref<125xi32, #tpu.memory_space<vmem>>) semaphore(%arg11 : memref<!tpu.dma_semaphore, #tpu.memory_space<semaphore_mem>>)
    %lt3A_22 = arith.constant 15 : i32
    %lt3A_23 = arith.cmpi slt, %arg1, %lt3A_22 : i32
    %convert_element_type3A_24 = arith.extui %lt3A_23 : i1 to i32
    %cond3A_25 = arith.constant 0 : i32
    %cond3A_26 = arith.cmpi ne, %convert_element_type3A_24, %cond3A_25 : i32
    scf.if %cond3A_26 {
      %dma_wait3A_60 = arith.constant 0 : i32
      %dma_wait3A_61 = tpu.memref_slice %arg10[%mul3A_2, %dma_wait3A_60] : memref<10000x128xf32, #tpu.memory_space<vmem_shared>> -> memref<632x128xf32, #tpu.memory_space<vmem_shared>>
      %dma_wait3A_62 = arith.constant 0 : i32
      %dma_wait3A_63 = tpu.memref_slice %arg2[%mul3A_2, %dma_wait3A_62] : memref<10000x128xf32, #tpu.memory_space<hbm>> -> memref<632x128xf32, #tpu.memory_space<hbm>>
      tpu.wait_dma2 semaphore(%arg13 : memref<!tpu.dma_semaphore, #tpu.memory_space<semaphore_mem>>) src(%dma_wait3A_63 : memref<632x128xf32, #tpu.memory_space<hbm>>) dst(%dma_wait3A_61 : memref<632x128xf32, #tpu.memory_space<vmem_shared>>)
    } else {
    }
    %eq3A_27 = arith.constant 15 : i32
    %eq3A_28 = arith.cmpi eq, %arg1, %eq3A_27 : i32
    %convert_element_type3A_29 = arith.extui %eq3A_28 : i1 to i32
    %cond3A_30 = arith.constant 0 : i32
    %cond3A_31 = arith.cmpi ne, %convert_element_type3A_29, %cond3A_30 : i32
    scf.if %cond3A_31 {
      %dma_wait3A_60 = arith.constant 0 : i32
      %dma_wait3A_61 = tpu.memref_slice %arg10[%mul3A_2, %dma_wait3A_60] : memref<10000x128xf32, #tpu.memory_space<vmem_shared>> -> memref<520x128xf32, #tpu.memory_space<vmem_shared>>
      %dma_wait3A_62 = arith.constant 0 : i32
      %dma_wait3A_63 = tpu.memref_slice %arg2[%mul3A_2, %dma_wait3A_62] : memref<10000x128xf32, #tpu.memory_space<hbm>> -> memref<520x128xf32, #tpu.memory_space<hbm>>
      tpu.wait_dma2 semaphore(%arg13 : memref<!tpu.dma_semaphore, #tpu.memory_space<semaphore_mem>>) src(%dma_wait3A_63 : memref<520x128xf32, #tpu.memory_space<hbm>>) dst(%dma_wait3A_61 : memref<520x128xf32, #tpu.memory_space<vmem_shared>>)
    } else {
    }
    %barrier3A = arith.constant 0 : index
    tpu.barrier barrier_id(%barrier3A)
    %scan3A = arith.constant 0 : i32
    %scan3A_32 = arith.constant 0 : i32
    %scan3A_33 = arith.constant 10 : i32
    %scan3A_34 = arith.addi %scan3A_32, %scan3A_33 : i32
    %scan3A_35 = arith.constant 1 : i32
    scf.for %scan3A_60 = %scan3A_32 to %scan3A_34 step %scan3A_35  : i32 {
      %rem3A = arith.constant 2 : i32
      %rem3A_61 = arith.remsi %scan3A_60, %rem3A : i32
      %add3A_62 = arith.constant 1 : i32
      %add3A_63 = arith.addi %scan3A_60, %add3A_62 : i32
      %rem3A_64 = arith.constant 2 : i32
      %rem3A_65 = arith.remsi %add3A_63, %rem3A_64 : i32
      %add3A_66 = arith.constant 1 : i32
      %add3A_67 = arith.addi %scan3A_60, %add3A_66 : i32
      %rem3A_68 = arith.constant 10 : i32
      %rem3A_69 = arith.remsi %add3A_67, %rem3A_68 : i32
      %mul3A_70 = arith.constant 8 : i32
      %mul3A_71 = arith.muli %rem3A_69, %mul3A_70 : i32
      %dma_start3A_72 = arith.constant 0 : i32
      %dma_start3A_73 = arith.constant 0 : i32
      %dma_start3A_74 = tpu.memref_slice %arg7[%rem3A_65, %dma_start3A_72, %dma_start3A_73] : memref<2x8x125xi32, #tpu.memory_space<vmem>> -> memref<1x8x125xi32, #tpu.memory_space<vmem>>
      %dma_start3A_75 = tpu.memref_squeeze %dma_start3A_74 : memref<1x8x125xi32, #tpu.memory_space<vmem>> -> memref<8x125xi32, #tpu.memory_space<vmem>>
      %dma_start3A_76 = arith.constant 0 : i32
      %dma_start3A_77 = tpu.memref_slice %arg3[%add3A, %mul3A_71, %dma_start3A_76] : memref<32x80x125xi32, #tpu.memory_space<hbm>> -> memref<1x8x125xi32, #tpu.memory_space<hbm>>
      %dma_start3A_78 = tpu.memref_squeeze %dma_start3A_77 : memref<1x8x125xi32, #tpu.memory_space<hbm>> -> memref<8x125xi32, #tpu.memory_space<hbm>>
      %dma_start3A_79 = arith.constant 0 : i32
      %dma_start3A_80 = arith.constant 0 : i32
      %dma_start3A_81 = tpu.memref_slice %arg7[%rem3A_65, %dma_start3A_79, %dma_start3A_80] : memref<2x8x125xi32, #tpu.memory_space<vmem>> -> memref<1x8x125xi32, #tpu.memory_space<vmem>>
      %dma_start3A_82 = tpu.memref_squeeze %dma_start3A_81 : memref<1x8x125xi32, #tpu.memory_space<vmem>> -> memref<8x125xi32, #tpu.memory_space<vmem>>
      %dma_start3A_83 = arith.constant 0 : i32
      %dma_start3A_84 = tpu.memref_slice %arg3[%add3A, %mul3A_71, %dma_start3A_83] : memref<32x80x125xi32, #tpu.memory_space<hbm>> -> memref<1x8x125xi32, #tpu.memory_space<hbm>>
      %dma_start3A_85 = tpu.memref_squeeze %dma_start3A_84 : memref<1x8x125xi32, #tpu.memory_space<hbm>> -> memref<8x125xi32, #tpu.memory_space<hbm>>
      tpu.enqueue_dma source(%dma_start3A_85 : memref<8x125xi32, #tpu.memory_space<hbm>>) target(%dma_start3A_82 : memref<8x125xi32, #tpu.memory_space<vmem>>) target_semaphore(%arg13 : memref<!tpu.dma_semaphore, #tpu.memory_space<semaphore_mem>>)
      %mul3A_86 = arith.constant 8 : i32
      %mul3A_87 = arith.muli %rem3A_69, %mul3A_86 : i32
      %dma_start3A_88 = arith.constant 0 : i32
      %dma_start3A_89 = arith.constant 0 : i32
      %dma_start3A_90 = tpu.memref_slice %arg8[%rem3A_65, %dma_start3A_88, %dma_start3A_89] : memref<2x8x125xi32, #tpu.memory_space<vmem>> -> memref<1x8x125xi32, #tpu.memory_space<vmem>>
      %dma_start3A_91 = tpu.memref_squeeze %dma_start3A_90 : memref<1x8x125xi32, #tpu.memory_space<vmem>> -> memref<8x125xi32, #tpu.memory_space<vmem>>
      %dma_start3A_92 = arith.constant 0 : i32
      %dma_start3A_93 = tpu.memref_slice %arg4[%add3A, %mul3A_87, %dma_start3A_92] : memref<32x80x125xi32, #tpu.memory_space<hbm>> -> memref<1x8x125xi32, #tpu.memory_space<hbm>>
      %dma_start3A_94 = tpu.memref_squeeze %dma_start3A_93 : memref<1x8x125xi32, #tpu.memory_space<hbm>> -> memref<8x125xi32, #tpu.memory_space<hbm>>
      %dma_start3A_95 = arith.constant 0 : i32
      %dma_start3A_96 = arith.constant 0 : i32
      %dma_start3A_97 = tpu.memref_slice %arg8[%rem3A_65, %dma_start3A_95, %dma_start3A_96] : memref<2x8x125xi32, #tpu.memory_space<vmem>> -> memref<1x8x125xi32, #tpu.memory_space<vmem>>
      %dma_start3A_98 = tpu.memref_squeeze %dma_start3A_97 : memref<1x8x125xi32, #tpu.memory_space<vmem>> -> memref<8x125xi32, #tpu.memory_space<vmem>>
      %dma_start3A_99 = arith.constant 0 : i32
      %dma_start3A_100 = tpu.memref_slice %arg4[%add3A, %mul3A_87, %dma_start3A_99] : memref<32x80x125xi32, #tpu.memory_space<hbm>> -> memref<1x8x125xi32, #tpu.memory_space<hbm>>
      %dma_start3A_101 = tpu.memref_squeeze %dma_start3A_100 : memref<1x8x125xi32, #tpu.memory_space<hbm>> -> memref<8x125xi32, #tpu.memory_space<hbm>>
      tpu.enqueue_dma source(%dma_start3A_101 : memref<8x125xi32, #tpu.memory_space<hbm>>) target(%dma_start3A_98 : memref<8x125xi32, #tpu.memory_space<vmem>>) target_semaphore(%arg13 : memref<!tpu.dma_semaphore, #tpu.memory_space<semaphore_mem>>)
      %dma_start3A_102 = arith.constant 1 : i32
      %dma_start3A_103 = arith.constant 1 : i32
      %dma_start3A_104 = arith.constant 0 : i32
      %dma_start3A_105 = arith.constant 0 : i32
      %dma_start3A_106 = tpu.memref_slice %arg9[%dma_start3A_103, %dma_start3A_104, %dma_start3A_105] : memref<2x125x128xf32, #tpu.memory_space<vmem>> -> memref<1x125x128xf32, #tpu.memory_space<vmem>>
      %dma_start3A_107 = tpu.memref_squeeze %dma_start3A_106 : memref<1x125x128xf32, #tpu.memory_space<vmem>> -> memref<125x128xf32, #tpu.memory_space<vmem>>
      %dma_start3A_108 = arith.constant 0 : i32
      %dma_start3A_109 = tpu.memref_slice %arg7[%rem3A_61, %dma_start3A_102, %dma_start3A_108] : memref<2x8x125xi32, #tpu.memory_space<vmem>> -> memref<1x1x125xi32, #tpu.memory_space<vmem>>
      %dma_start3A_110 = tpu.memref_squeeze %dma_start3A_109 : memref<1x1x125xi32, #tpu.memory_space<vmem>> -> memref<125xi32, #tpu.memory_space<vmem>>
      %dma_start3A_111 = arith.constant 0 : i32
      %dma_start3A_112 = arith.constant 0 : i32
      %dma_start3A_113 = tpu.memref_slice %arg2[%dma_start3A_111, %dma_start3A_112] : memref<10000x128xf32, #tpu.memory_space<hbm>> -> memref<10000x128xf32, #tpu.memory_space<hbm>>
      tpu.enqueue_indirect_dma source(%dma_start3A_113 : memref<10000x128xf32, #tpu.memory_space<hbm>>) target(%dma_start3A_107 : memref<125x128xf32, #tpu.memory_space<vmem>>) offsets(%dma_start3A_110 : memref<125xi32, #tpu.memory_space<vmem>>) semaphore(%arg12 : memref<!tpu.dma_semaphore, #tpu.memory_space<semaphore_mem>>)
      %dma_wait3A_114 = arith.constant 0 : i32
      %dma_wait3A_115 = arith.constant 0 : i32
      %dma_wait3A_116 = arith.constant 0 : i32
      %dma_wait3A_117 = arith.constant 0 : i32
      %dma_wait3A_118 = tpu.memref_slice %arg9[%dma_wait3A_115, %dma_wait3A_116, %dma_wait3A_117] : memref<2x125x128xf32, #tpu.memory_space<vmem>> -> memref<1x125x128xf32, #tpu.memory_space<vmem>>
      %dma_wait3A_119 = tpu.memref_squeeze %dma_wait3A_118 : memref<1x125x128xf32, #tpu.memory_space<vmem>> -> memref<125x128xf32, #tpu.memory_space<vmem>>
      %dma_wait3A_120 = arith.constant 0 : i32
      %dma_wait3A_121 = tpu.memref_slice %arg7[%rem3A_61, %dma_wait3A_114, %dma_wait3A_120] : memref<2x8x125xi32, #tpu.memory_space<vmem>> -> memref<1x1x125xi32, #tpu.memory_space<vmem>>
      %dma_wait3A_122 = tpu.memref_squeeze %dma_wait3A_121 : memref<1x1x125xi32, #tpu.memory_space<vmem>> -> memref<125xi32, #tpu.memory_space<vmem>>
      %dma_wait3A_123 = arith.constant 0 : i32
      %dma_wait3A_124 = arith.constant 0 : i32
      %dma_wait3A_125 = tpu.memref_slice %arg2[%dma_wait3A_123, %dma_wait3A_124] : memref<10000x128xf32, #tpu.memory_space<hbm>> -> memref<10000x128xf32, #tpu.memory_space<hbm>>
      tpu.wait_indirect_dma semaphore(%arg11 : memref<!tpu.dma_semaphore, #tpu.memory_space<semaphore_mem>>) src(%dma_wait3A_125 : memref<10000x128xf32, #tpu.memory_space<hbm>>) dst(%dma_wait3A_119 : memref<125x128xf32, #tpu.memory_space<vmem>>)
      %run_scoped3A_126 = arith.constant 0 : i32
      %run_scoped3A_127 = arith.constant 0 : i32
      "tpu.region"() ({
        %run_scoped3A_338 = tpu.sem_alloc : memref<!tpu.dma_semaphore, #tpu.memory_space<semaphore_mem>>
        %dma_start3A_339 = arith.constant 0 : i32
        %dma_start3A_340 = arith.constant 0 : i32
        %dma_start3A_341 = tpu.memref_slice %arg9[%run_scoped3A_126, %dma_start3A_339, %dma_start3A_340] : memref<2x125x128xf32, #tpu.memory_space<vmem>> -> memref<1x125x128xf32, #tpu.memory_space<vmem>>
        %dma_start3A_342 = tpu.memref_squeeze %dma_start3A_341 : memref<1x125x128xf32, #tpu.memory_space<vmem>> -> memref<125x128xf32, #tpu.memory_space<vmem>>
        %dma_start3A_343 = arith.constant 0 : i32
        %dma_start3A_344 = tpu.memref_slice %arg8[%rem3A_61, %run_scoped3A_127, %dma_start3A_343] : memref<2x8x125xi32, #tpu.memory_space<vmem>> -> memref<1x1x125xi32, #tpu.memory_space<vmem>>
        %dma_start3A_345 = tpu.memref_squeeze %dma_start3A_344 : memref<1x1x125xi32, #tpu.memory_space<vmem>> -> memref<125xi32, #tpu.memory_space<vmem>>
        %dma_start3A_346 = arith.constant 0 : i32
        %dma_start3A_347 = arith.constant 0 : i32
        %dma_start3A_348 = tpu.memref_slice %arg10[%dma_start3A_346, %dma_start3A_347] : memref<10000x128xf32, #tpu.memory_space<vmem_shared>> -> memref<10000x128xf32, #tpu.memory_space<vmem_shared>>
        tpu.enqueue_indirect_dma source(%dma_start3A_342 : memref<125x128xf32, #tpu.memory_space<vmem>>) target(%dma_start3A_348 : memref<10000x128xf32, #tpu.memory_space<vmem_shared>>) offsets(%dma_start3A_345 : memref<125xi32, #tpu.memory_space<vmem>>) semaphore(%run_scoped3A_338 : memref<!tpu.dma_semaphore, #tpu.memory_space<semaphore_mem>>) {add = true}
        %dma_wait3A_349 = arith.constant 0 : i32
        %dma_wait3A_350 = arith.constant 0 : i32
        %dma_wait3A_351 = tpu.memref_slice %arg9[%run_scoped3A_126, %dma_wait3A_349, %dma_wait3A_350] : memref<2x125x128xf32, #tpu.memory_space<vmem>> -> memref<1x125x128xf32, #tpu.memory_space<vmem>>
        %dma_wait3A_352 = tpu.memref_squeeze %dma_wait3A_351 : memref<1x125x128xf32, #tpu.memory_space<vmem>> -> memref<125x128xf32, #tpu.memory_space<vmem>>
        %dma_wait3A_353 = arith.constant 0 : i32
        %dma_wait3A_354 = tpu.memref_slice %arg8[%rem3A_61, %run_scoped3A_127, %dma_wait3A_353] : memref<2x8x125xi32, #tpu.memory_space<vmem>> -> memref<1x1x125xi32, #tpu.memory_space<vmem>>
        %dma_wait3A_355 = tpu.memref_squeeze %dma_wait3A_354 : memref<1x1x125xi32, #tpu.memory_space<vmem>> -> memref<125xi32, #tpu.memory_space<vmem>>
        %dma_wait3A_356 = arith.constant 0 : i32
        %dma_wait3A_357 = arith.constant 0 : i32
        %dma_wait3A_358 = tpu.memref_slice %arg10[%dma_wait3A_356, %dma_wait3A_357] : memref<10000x128xf32, #tpu.memory_space<vmem_shared>> -> memref<10000x128xf32, #tpu.memory_space<vmem_shared>>
        tpu.wait_indirect_dma semaphore(%run_scoped3A_338 : memref<!tpu.dma_semaphore, #tpu.memory_space<semaphore_mem>>) src(%dma_wait3A_352 : memref<125x128xf32, #tpu.memory_space<vmem>>) dst(%dma_wait3A_358 : memref<10000x128xf32, #tpu.memory_space<vmem_shared>>)
        tpu.yield
      }) : () -> ()
      %dma_start3A_128 = arith.constant 2 : i32
      %dma_start3A_129 = arith.constant 0 : i32
      %dma_start3A_130 = arith.constant 0 : i32
      %dma_start3A_131 = arith.constant 0 : i32
      %dma_start3A_132 = tpu.memref_slice %arg9[%dma_start3A_129, %dma_start3A_130, %dma_start3A_131] : memref<2x125x128xf32, #tpu.memory_space<vmem>> -> memref<1x125x128xf32, #tpu.memory_space<vmem>>
      %dma_start3A_133 = tpu.memref_squeeze %dma_start3A_132 : memref<1x125x128xf32, #tpu.memory_space<vmem>> -> memref<125x128xf32, #tpu.memory_space<vmem>>
      %dma_start3A_134 = arith.constant 0 : i32
      %dma_start3A_135 = tpu.memref_slice %arg7[%rem3A_61, %dma_start3A_128, %dma_start3A_134] : memref<2x8x125xi32, #tpu.memory_space<vmem>> -> memref<1x1x125xi32, #tpu.memory_space<vmem>>
      %dma_start3A_136 = tpu.memref_squeeze %dma_start3A_135 : memref<1x1x125xi32, #tpu.memory_space<vmem>> -> memref<125xi32, #tpu.memory_space<vmem>>
      %dma_start3A_137 = arith.constant 0 : i32
      %dma_start3A_138 = arith.constant 0 : i32
      %dma_start3A_139 = tpu.memref_slice %arg2[%dma_start3A_137, %dma_start3A_138] : memref<10000x128xf32, #tpu.memory_space<hbm>> -> memref<10000x128xf32, #tpu.memory_space<hbm>>
      tpu.enqueue_indirect_dma source(%dma_start3A_139 : memref<10000x128xf32, #tpu.memory_space<hbm>>) target(%dma_start3A_133 : memref<125x128xf32, #tpu.memory_space<vmem>>) offsets(%dma_start3A_136 : memref<125xi32, #tpu.memory_space<vmem>>) semaphore(%arg11 : memref<!tpu.dma_semaphore, #tpu.memory_space<semaphore_mem>>)
      %dma_wait3A_140 = arith.constant 1 : i32
      %dma_wait3A_141 = arith.constant 1 : i32
      %dma_wait3A_142 = arith.constant 0 : i32
      %dma_wait3A_143 = arith.constant 0 : i32
      %dma_wait3A_144 = tpu.memref_slice %arg9[%dma_wait3A_141, %dma_wait3A_142, %dma_wait3A_143] : memref<2x125x128xf32, #tpu.memory_space<vmem>> -> memref<1x125x128xf32, #tpu.memory_space<vmem>>
      %dma_wait3A_145 = tpu.memref_squeeze %dma_wait3A_144 : memref<1x125x128xf32, #tpu.memory_space<vmem>> -> memref<125x128xf32, #tpu.memory_space<vmem>>
      %dma_wait3A_146 = arith.constant 0 : i32
      %dma_wait3A_147 = tpu.memref_slice %arg7[%rem3A_61, %dma_wait3A_140, %dma_wait3A_146] : memref<2x8x125xi32, #tpu.memory_space<vmem>> -> memref<1x1x125xi32, #tpu.memory_space<vmem>>
      %dma_wait3A_148 = tpu.memref_squeeze %dma_wait3A_147 : memref<1x1x125xi32, #tpu.memory_space<vmem>> -> memref<125xi32, #tpu.memory_space<vmem>>
      %dma_wait3A_149 = arith.constant 0 : i32
      %dma_wait3A_150 = arith.constant 0 : i32
      %dma_wait3A_151 = tpu.memref_slice %arg2[%dma_wait3A_149, %dma_wait3A_150] : memref<10000x128xf32, #tpu.memory_space<hbm>> -> memref<10000x128xf32, #tpu.memory_space<hbm>>
      tpu.wait_indirect_dma semaphore(%arg12 : memref<!tpu.dma_semaphore, #tpu.memory_space<semaphore_mem>>) src(%dma_wait3A_151 : memref<10000x128xf32, #tpu.memory_space<hbm>>) dst(%dma_wait3A_145 : memref<125x128xf32, #tpu.memory_space<vmem>>)
      %run_scoped3A_152 = arith.constant 1 : i32
      %run_scoped3A_153 = arith.constant 1 : i32
      "tpu.region"() ({
        %run_scoped3A_338 = tpu.sem_alloc : memref<!tpu.dma_semaphore, #tpu.memory_space<semaphore_mem>>
        %dma_start3A_339 = arith.constant 0 : i32
        %dma_start3A_340 = arith.constant 0 : i32
        %dma_start3A_341 = tpu.memref_slice %arg9[%run_scoped3A_152, %dma_start3A_339, %dma_start3A_340] : memref<2x125x128xf32, #tpu.memory_space<vmem>> -> memref<1x125x128xf32, #tpu.memory_space<vmem>>
        %dma_start3A_342 = tpu.memref_squeeze %dma_start3A_341 : memref<1x125x128xf32, #tpu.memory_space<vmem>> -> memref<125x128xf32, #tpu.memory_space<vmem>>
        %dma_start3A_343 = arith.constant 0 : i32
        %dma_start3A_344 = tpu.memref_slice %arg8[%rem3A_61, %run_scoped3A_153, %dma_start3A_343] : memref<2x8x125xi32, #tpu.memory_space<vmem>> -> memref<1x1x125xi32, #tpu.memory_space<vmem>>
        %dma_start3A_345 = tpu.memref_squeeze %dma_start3A_344 : memref<1x1x125xi32, #tpu.memory_space<vmem>> -> memref<125xi32, #tpu.memory_space<vmem>>
        %dma_start3A_346 = arith.constant 0 : i32
        %dma_start3A_347 = arith.constant 0 : i32
        %dma_start3A_348 = tpu.memref_slice %arg10[%dma_start3A_346, %dma_start3A_347] : memref<10000x128xf32, #tpu.memory_space<vmem_shared>> -> memref<10000x128xf32, #tpu.memory_space<vmem_shared>>
        tpu.enqueue_indirect_dma source(%dma_start3A_342 : memref<125x128xf32, #tpu.memory_space<vmem>>) target(%dma_start3A_348 : memref<10000x128xf32, #tpu.memory_space<vmem_shared>>) offsets(%dma_start3A_345 : memref<125xi32, #tpu.memory_space<vmem>>) semaphore(%run_scoped3A_338 : memref<!tpu.dma_semaphore, #tpu.memory_space<semaphore_mem>>) {add = true}
        %dma_wait3A_349 = arith.constant 0 : i32
        %dma_wait3A_350 = arith.constant 0 : i32
        %dma_wait3A_351 = tpu.memref_slice %arg9[%run_scoped3A_152, %dma_wait3A_349, %dma_wait3A_350] : memref<2x125x128xf32, #tpu.memory_space<vmem>> -> memref<1x125x128xf32, #tpu.memory_space<vmem>>
        %dma_wait3A_352 = tpu.memref_squeeze %dma_wait3A_351 : memref<1x125x128xf32, #tpu.memory_space<vmem>> -> memref<125x128xf32, #tpu.memory_space<vmem>>
        %dma_wait3A_353 = arith.constant 0 : i32
        %dma_wait3A_354 = tpu.memref_slice %arg8[%rem3A_61, %run_scoped3A_153, %dma_wait3A_353] : memref<2x8x125xi32, #tpu.memory_space<vmem>> -> memref<1x1x125xi32, #tpu.memory_space<vmem>>
        %dma_wait3A_355 = tpu.memref_squeeze %dma_wait3A_354 : memref<1x1x125xi32, #tpu.memory_space<vmem>> -> memref<125xi32, #tpu.memory_space<vmem>>
        %dma_wait3A_356 = arith.constant 0 : i32
        %dma_wait3A_357 = arith.constant 0 : i32
        %dma_wait3A_358 = tpu.memref_slice %arg10[%dma_wait3A_356, %dma_wait3A_357] : memref<10000x128xf32, #tpu.memory_space<vmem_shared>> -> memref<10000x128xf32, #tpu.memory_space<vmem_shared>>
        tpu.wait_indirect_dma semaphore(%run_scoped3A_338 : memref<!tpu.dma_semaphore, #tpu.memory_space<semaphore_mem>>) src(%dma_wait3A_352 : memref<125x128xf32, #tpu.memory_space<vmem>>) dst(%dma_wait3A_358 : memref<10000x128xf32, #tpu.memory_space<vmem_shared>>)
        tpu.yield
      }) : () -> ()
      %dma_start3A_154 = arith.constant 3 : i32
      %dma_start3A_155 = arith.constant 1 : i32
      %dma_start3A_156 = arith.constant 0 : i32
      %dma_start3A_157 = arith.constant 0 : i32
      %dma_start3A_158 = tpu.memref_slice %arg9[%dma_start3A_155, %dma_start3A_156, %dma_start3A_157] : memref<2x125x128xf32, #tpu.memory_space<vmem>> -> memref<1x125x128xf32, #tpu.memory_space<vmem>>
      %dma_start3A_159 = tpu.memref_squeeze %dma_start3A_158 : memref<1x125x128xf32, #tpu.memory_space<vmem>> -> memref<125x128xf32, #tpu.memory_space<vmem>>
      %dma_start3A_160 = arith.constant 0 : i32
      %dma_start3A_161 = tpu.memref_slice %arg7[%rem3A_61, %dma_start3A_154, %dma_start3A_160] : memref<2x8x125xi32, #tpu.memory_space<vmem>> -> memref<1x1x125xi32, #tpu.memory_space<vmem>>
      %dma_start3A_162 = tpu.memref_squeeze %dma_start3A_161 : memref<1x1x125xi32, #tpu.memory_space<vmem>> -> memref<125xi32, #tpu.memory_space<vmem>>
      %dma_start3A_163 = arith.constant 0 : i32
      %dma_start3A_164 = arith.constant 0 : i32
      %dma_start3A_165 = tpu.memref_slice %arg2[%dma_start3A_163, %dma_start3A_164] : memref<10000x128xf32, #tpu.memory_space<hbm>> -> memref<10000x128xf32, #tpu.memory_space<hbm>>
      tpu.enqueue_indirect_dma source(%dma_start3A_165 : memref<10000x128xf32, #tpu.memory_space<hbm>>) target(%dma_start3A_159 : memref<125x128xf32, #tpu.memory_space<vmem>>) offsets(%dma_start3A_162 : memref<125xi32, #tpu.memory_space<vmem>>) semaphore(%arg12 : memref<!tpu.dma_semaphore, #tpu.memory_space<semaphore_mem>>)
      %dma_wait3A_166 = arith.constant 2 : i32
      %dma_wait3A_167 = arith.constant 0 : i32
      %dma_wait3A_168 = arith.constant 0 : i32
      %dma_wait3A_169 = arith.constant 0 : i32
      %dma_wait3A_170 = tpu.memref_slice %arg9[%dma_wait3A_167, %dma_wait3A_168, %dma_wait3A_169] : memref<2x125x128xf32, #tpu.memory_space<vmem>> -> memref<1x125x128xf32, #tpu.memory_space<vmem>>
      %dma_wait3A_171 = tpu.memref_squeeze %dma_wait3A_170 : memref<1x125x128xf32, #tpu.memory_space<vmem>> -> memref<125x128xf32, #tpu.memory_space<vmem>>
      %dma_wait3A_172 = arith.constant 0 : i32
      %dma_wait3A_173 = tpu.memref_slice %arg7[%rem3A_61, %dma_wait3A_166, %dma_wait3A_172] : memref<2x8x125xi32, #tpu.memory_space<vmem>> -> memref<1x1x125xi32, #tpu.memory_space<vmem>>
      %dma_wait3A_174 = tpu.memref_squeeze %dma_wait3A_173 : memref<1x1x125xi32, #tpu.memory_space<vmem>> -> memref<125xi32, #tpu.memory_space<vmem>>
      %dma_wait3A_175 = arith.constant 0 : i32
      %dma_wait3A_176 = arith.constant 0 : i32
      %dma_wait3A_177 = tpu.memref_slice %arg2[%dma_wait3A_175, %dma_wait3A_176] : memref<10000x128xf32, #tpu.memory_space<hbm>> -> memref<10000x128xf32, #tpu.memory_space<hbm>>
      tpu.wait_indirect_dma semaphore(%arg11 : memref<!tpu.dma_semaphore, #tpu.memory_space<semaphore_mem>>) src(%dma_wait3A_177 : memref<10000x128xf32, #tpu.memory_space<hbm>>) dst(%dma_wait3A_171 : memref<125x128xf32, #tpu.memory_space<vmem>>)
      %run_scoped3A_178 = arith.constant 0 : i32
      %run_scoped3A_179 = arith.constant 2 : i32
      "tpu.region"() ({
        %run_scoped3A_338 = tpu.sem_alloc : memref<!tpu.dma_semaphore, #tpu.memory_space<semaphore_mem>>
        %dma_start3A_339 = arith.constant 0 : i32
        %dma_start3A_340 = arith.constant 0 : i32
        %dma_start3A_341 = tpu.memref_slice %arg9[%run_scoped3A_178, %dma_start3A_339, %dma_start3A_340] : memref<2x125x128xf32, #tpu.memory_space<vmem>> -> memref<1x125x128xf32, #tpu.memory_space<vmem>>
        %dma_start3A_342 = tpu.memref_squeeze %dma_start3A_341 : memref<1x125x128xf32, #tpu.memory_space<vmem>> -> memref<125x128xf32, #tpu.memory_space<vmem>>
        %dma_start3A_343 = arith.constant 0 : i32
        %dma_start3A_344 = tpu.memref_slice %arg8[%rem3A_61, %run_scoped3A_179, %dma_start3A_343] : memref<2x8x125xi32, #tpu.memory_space<vmem>> -> memref<1x1x125xi32, #tpu.memory_space<vmem>>
        %dma_start3A_345 = tpu.memref_squeeze %dma_start3A_344 : memref<1x1x125xi32, #tpu.memory_space<vmem>> -> memref<125xi32, #tpu.memory_space<vmem>>
        %dma_start3A_346 = arith.constant 0 : i32
        %dma_start3A_347 = arith.constant 0 : i32
        %dma_start3A_348 = tpu.memref_slice %arg10[%dma_start3A_346, %dma_start3A_347] : memref<10000x128xf32, #tpu.memory_space<vmem_shared>> -> memref<10000x128xf32, #tpu.memory_space<vmem_shared>>
        tpu.enqueue_indirect_dma source(%dma_start3A_342 : memref<125x128xf32, #tpu.memory_space<vmem>>) target(%dma_start3A_348 : memref<10000x128xf32, #tpu.memory_space<vmem_shared>>) offsets(%dma_start3A_345 : memref<125xi32, #tpu.memory_space<vmem>>) semaphore(%run_scoped3A_338 : memref<!tpu.dma_semaphore, #tpu.memory_space<semaphore_mem>>) {add = true}
        %dma_wait3A_349 = arith.constant 0 : i32
        %dma_wait3A_350 = arith.constant 0 : i32
        %dma_wait3A_351 = tpu.memref_slice %arg9[%run_scoped3A_178, %dma_wait3A_349, %dma_wait3A_350] : memref<2x125x128xf32, #tpu.memory_space<vmem>> -> memref<1x125x128xf32, #tpu.memory_space<vmem>>
        %dma_wait3A_352 = tpu.memref_squeeze %dma_wait3A_351 : memref<1x125x128xf32, #tpu.memory_space<vmem>> -> memref<125x128xf32, #tpu.memory_space<vmem>>
        %dma_wait3A_353 = arith.constant 0 : i32
        %dma_wait3A_354 = tpu.memref_slice %arg8[%rem3A_61, %run_scoped3A_179, %dma_wait3A_353] : memref<2x8x125xi32, #tpu.memory_space<vmem>> -> memref<1x1x125xi32, #tpu.memory_space<vmem>>
        %dma_wait3A_355 = tpu.memref_squeeze %dma_wait3A_354 : memref<1x1x125xi32, #tpu.memory_space<vmem>> -> memref<125xi32, #tpu.memory_space<vmem>>
        %dma_wait3A_356 = arith.constant 0 : i32
        %dma_wait3A_357 = arith.constant 0 : i32
        %dma_wait3A_358 = tpu.memref_slice %arg10[%dma_wait3A_356, %dma_wait3A_357] : memref<10000x128xf32, #tpu.memory_space<vmem_shared>> -> memref<10000x128xf32, #tpu.memory_space<vmem_shared>>
        tpu.wait_indirect_dma semaphore(%run_scoped3A_338 : memref<!tpu.dma_semaphore, #tpu.memory_space<semaphore_mem>>) src(%dma_wait3A_352 : memref<125x128xf32, #tpu.memory_space<vmem>>) dst(%dma_wait3A_358 : memref<10000x128xf32, #tpu.memory_space<vmem_shared>>)
        tpu.yield
      }) : () -> ()
      %dma_start3A_180 = arith.constant 4 : i32
      %dma_start3A_181 = arith.constant 0 : i32
      %dma_start3A_182 = arith.constant 0 : i32
      %dma_start3A_183 = arith.constant 0 : i32
      %dma_start3A_184 = tpu.memref_slice %arg9[%dma_start3A_181, %dma_start3A_182, %dma_start3A_183] : memref<2x125x128xf32, #tpu.memory_space<vmem>> -> memref<1x125x128xf32, #tpu.memory_space<vmem>>
      %dma_start3A_185 = tpu.memref_squeeze %dma_start3A_184 : memref<1x125x128xf32, #tpu.memory_space<vmem>> -> memref<125x128xf32, #tpu.memory_space<vmem>>
      %dma_start3A_186 = arith.constant 0 : i32
      %dma_start3A_187 = tpu.memref_slice %arg7[%rem3A_61, %dma_start3A_180, %dma_start3A_186] : memref<2x8x125xi32, #tpu.memory_space<vmem>> -> memref<1x1x125xi32, #tpu.memory_space<vmem>>
      %dma_start3A_188 = tpu.memref_squeeze %dma_start3A_187 : memref<1x1x125xi32, #tpu.memory_space<vmem>> -> memref<125xi32, #tpu.memory_space<vmem>>
      %dma_start3A_189 = arith.constant 0 : i32
      %dma_start3A_190 = arith.constant 0 : i32
      %dma_start3A_191 = tpu.memref_slice %arg2[%dma_start3A_189, %dma_start3A_190] : memref<10000x128xf32, #tpu.memory_space<hbm>> -> memref<10000x128xf32, #tpu.memory_space<hbm>>
      tpu.enqueue_indirect_dma source(%dma_start3A_191 : memref<10000x128xf32, #tpu.memory_space<hbm>>) target(%dma_start3A_185 : memref<125x128xf32, #tpu.memory_space<vmem>>) offsets(%dma_start3A_188 : memref<125xi32, #tpu.memory_space<vmem>>) semaphore(%arg11 : memref<!tpu.dma_semaphore, #tpu.memory_space<semaphore_mem>>)
      %dma_wait3A_192 = arith.constant 3 : i32
      %dma_wait3A_193 = arith.constant 1 : i32
      %dma_wait3A_194 = arith.constant 0 : i32
      %dma_wait3A_195 = arith.constant 0 : i32
      %dma_wait3A_196 = tpu.memref_slice %arg9[%dma_wait3A_193, %dma_wait3A_194, %dma_wait3A_195] : memref<2x125x128xf32, #tpu.memory_space<vmem>> -> memref<1x125x128xf32, #tpu.memory_space<vmem>>
      %dma_wait3A_197 = tpu.memref_squeeze %dma_wait3A_196 : memref<1x125x128xf32, #tpu.memory_space<vmem>> -> memref<125x128xf32, #tpu.memory_space<vmem>>
      %dma_wait3A_198 = arith.constant 0 : i32
      %dma_wait3A_199 = tpu.memref_slice %arg7[%rem3A_61, %dma_wait3A_192, %dma_wait3A_198] : memref<2x8x125xi32, #tpu.memory_space<vmem>> -> memref<1x1x125xi32, #tpu.memory_space<vmem>>
      %dma_wait3A_200 = tpu.memref_squeeze %dma_wait3A_199 : memref<1x1x125xi32, #tpu.memory_space<vmem>> -> memref<125xi32, #tpu.memory_space<vmem>>
      %dma_wait3A_201 = arith.constant 0 : i32
      %dma_wait3A_202 = arith.constant 0 : i32
      %dma_wait3A_203 = tpu.memref_slice %arg2[%dma_wait3A_201, %dma_wait3A_202] : memref<10000x128xf32, #tpu.memory_space<hbm>> -> memref<10000x128xf32, #tpu.memory_space<hbm>>
      tpu.wait_indirect_dma semaphore(%arg12 : memref<!tpu.dma_semaphore, #tpu.memory_space<semaphore_mem>>) src(%dma_wait3A_203 : memref<10000x128xf32, #tpu.memory_space<hbm>>) dst(%dma_wait3A_197 : memref<125x128xf32, #tpu.memory_space<vmem>>)
      %run_scoped3A_204 = arith.constant 1 : i32
      %run_scoped3A_205 = arith.constant 3 : i32
      "tpu.region"() ({
        %run_scoped3A_338 = tpu.sem_alloc : memref<!tpu.dma_semaphore, #tpu.memory_space<semaphore_mem>>
        %dma_start3A_339 = arith.constant 0 : i32
        %dma_start3A_340 = arith.constant 0 : i32
        %dma_start3A_341 = tpu.memref_slice %arg9[%run_scoped3A_204, %dma_start3A_339, %dma_start3A_340] : memref<2x125x128xf32, #tpu.memory_space<vmem>> -> memref<1x125x128xf32, #tpu.memory_space<vmem>>
        %dma_start3A_342 = tpu.memref_squeeze %dma_start3A_341 : memref<1x125x128xf32, #tpu.memory_space<vmem>> -> memref<125x128xf32, #tpu.memory_space<vmem>>
        %dma_start3A_343 = arith.constant 0 : i32
        %dma_start3A_344 = tpu.memref_slice %arg8[%rem3A_61, %run_scoped3A_205, %dma_start3A_343] : memref<2x8x125xi32, #tpu.memory_space<vmem>> -> memref<1x1x125xi32, #tpu.memory_space<vmem>>
        %dma_start3A_345 = tpu.memref_squeeze %dma_start3A_344 : memref<1x1x125xi32, #tpu.memory_space<vmem>> -> memref<125xi32, #tpu.memory_space<vmem>>
        %dma_start3A_346 = arith.constant 0 : i32
        %dma_start3A_347 = arith.constant 0 : i32
        %dma_start3A_348 = tpu.memref_slice %arg10[%dma_start3A_346, %dma_start3A_347] : memref<10000x128xf32, #tpu.memory_space<vmem_shared>> -> memref<10000x128xf32, #tpu.memory_space<vmem_shared>>
        tpu.enqueue_indirect_dma source(%dma_start3A_342 : memref<125x128xf32, #tpu.memory_space<vmem>>) target(%dma_start3A_348 : memref<10000x128xf32, #tpu.memory_space<vmem_shared>>) offsets(%dma_start3A_345 : memref<125xi32, #tpu.memory_space<vmem>>) semaphore(%run_scoped3A_338 : memref<!tpu.dma_semaphore, #tpu.memory_space<semaphore_mem>>) {add = true}
        %dma_wait3A_349 = arith.constant 0 : i32
        %dma_wait3A_350 = arith.constant 0 : i32
        %dma_wait3A_351 = tpu.memref_slice %arg9[%run_scoped3A_204, %dma_wait3A_349, %dma_wait3A_350] : memref<2x125x128xf32, #tpu.memory_space<vmem>> -> memref<1x125x128xf32, #tpu.memory_space<vmem>>
        %dma_wait3A_352 = tpu.memref_squeeze %dma_wait3A_351 : memref<1x125x128xf32, #tpu.memory_space<vmem>> -> memref<125x128xf32, #tpu.memory_space<vmem>>
        %dma_wait3A_353 = arith.constant 0 : i32
        %dma_wait3A_354 = tpu.memref_slice %arg8[%rem3A_61, %run_scoped3A_205, %dma_wait3A_353] : memref<2x8x125xi32, #tpu.memory_space<vmem>> -> memref<1x1x125xi32, #tpu.memory_space<vmem>>
        %dma_wait3A_355 = tpu.memref_squeeze %dma_wait3A_354 : memref<1x1x125xi32, #tpu.memory_space<vmem>> -> memref<125xi32, #tpu.memory_space<vmem>>
        %dma_wait3A_356 = arith.constant 0 : i32
        %dma_wait3A_357 = arith.constant 0 : i32
        %dma_wait3A_358 = tpu.memref_slice %arg10[%dma_wait3A_356, %dma_wait3A_357] : memref<10000x128xf32, #tpu.memory_space<vmem_shared>> -> memref<10000x128xf32, #tpu.memory_space<vmem_shared>>
        tpu.wait_indirect_dma semaphore(%run_scoped3A_338 : memref<!tpu.dma_semaphore, #tpu.memory_space<semaphore_mem>>) src(%dma_wait3A_352 : memref<125x128xf32, #tpu.memory_space<vmem>>) dst(%dma_wait3A_358 : memref<10000x128xf32, #tpu.memory_space<vmem_shared>>)
        tpu.yield
      }) : () -> ()
      %dma_start3A_206 = arith.constant 5 : i32
      %dma_start3A_207 = arith.constant 1 : i32
      %dma_start3A_208 = arith.constant 0 : i32
      %dma_start3A_209 = arith.constant 0 : i32
      %dma_start3A_210 = tpu.memref_slice %arg9[%dma_start3A_207, %dma_start3A_208, %dma_start3A_209] : memref<2x125x128xf32, #tpu.memory_space<vmem>> -> memref<1x125x128xf32, #tpu.memory_space<vmem>>
      %dma_start3A_211 = tpu.memref_squeeze %dma_start3A_210 : memref<1x125x128xf32, #tpu.memory_space<vmem>> -> memref<125x128xf32, #tpu.memory_space<vmem>>
      %dma_start3A_212 = arith.constant 0 : i32
      %dma_start3A_213 = tpu.memref_slice %arg7[%rem3A_61, %dma_start3A_206, %dma_start3A_212] : memref<2x8x125xi32, #tpu.memory_space<vmem>> -> memref<1x1x125xi32, #tpu.memory_space<vmem>>
      %dma_start3A_214 = tpu.memref_squeeze %dma_start3A_213 : memref<1x1x125xi32, #tpu.memory_space<vmem>> -> memref<125xi32, #tpu.memory_space<vmem>>
      %dma_start3A_215 = arith.constant 0 : i32
      %dma_start3A_216 = arith.constant 0 : i32
      %dma_start3A_217 = tpu.memref_slice %arg2[%dma_start3A_215, %dma_start3A_216] : memref<10000x128xf32, #tpu.memory_space<hbm>> -> memref<10000x128xf32, #tpu.memory_space<hbm>>
      tpu.enqueue_indirect_dma source(%dma_start3A_217 : memref<10000x128xf32, #tpu.memory_space<hbm>>) target(%dma_start3A_211 : memref<125x128xf32, #tpu.memory_space<vmem>>) offsets(%dma_start3A_214 : memref<125xi32, #tpu.memory_space<vmem>>) semaphore(%arg12 : memref<!tpu.dma_semaphore, #tpu.memory_space<semaphore_mem>>)
      %dma_wait3A_218 = arith.constant 4 : i32
      %dma_wait3A_219 = arith.constant 0 : i32
      %dma_wait3A_220 = arith.constant 0 : i32
      %dma_wait3A_221 = arith.constant 0 : i32
      %dma_wait3A_222 = tpu.memref_slice %arg9[%dma_wait3A_219, %dma_wait3A_220, %dma_wait3A_221] : memref<2x125x128xf32, #tpu.memory_space<vmem>> -> memref<1x125x128xf32, #tpu.memory_space<vmem>>
      %dma_wait3A_223 = tpu.memref_squeeze %dma_wait3A_222 : memref<1x125x128xf32, #tpu.memory_space<vmem>> -> memref<125x128xf32, #tpu.memory_space<vmem>>
      %dma_wait3A_224 = arith.constant 0 : i32
      %dma_wait3A_225 = tpu.memref_slice %arg7[%rem3A_61, %dma_wait3A_218, %dma_wait3A_224] : memref<2x8x125xi32, #tpu.memory_space<vmem>> -> memref<1x1x125xi32, #tpu.memory_space<vmem>>
      %dma_wait3A_226 = tpu.memref_squeeze %dma_wait3A_225 : memref<1x1x125xi32, #tpu.memory_space<vmem>> -> memref<125xi32, #tpu.memory_space<vmem>>
      %dma_wait3A_227 = arith.constant 0 : i32
      %dma_wait3A_228 = arith.constant 0 : i32
      %dma_wait3A_229 = tpu.memref_slice %arg2[%dma_wait3A_227, %dma_wait3A_228] : memref<10000x128xf32, #tpu.memory_space<hbm>> -> memref<10000x128xf32, #tpu.memory_space<hbm>>
      tpu.wait_indirect_dma semaphore(%arg11 : memref<!tpu.dma_semaphore, #tpu.memory_space<semaphore_mem>>) src(%dma_wait3A_229 : memref<10000x128xf32, #tpu.memory_space<hbm>>) dst(%dma_wait3A_223 : memref<125x128xf32, #tpu.memory_space<vmem>>)
      %run_scoped3A_230 = arith.constant 0 : i32
      %run_scoped3A_231 = arith.constant 4 : i32
      "tpu.region"() ({
        %run_scoped3A_338 = tpu.sem_alloc : memref<!tpu.dma_semaphore, #tpu.memory_space<semaphore_mem>>
        %dma_start3A_339 = arith.constant 0 : i32
        %dma_start3A_340 = arith.constant 0 : i32
        %dma_start3A_341 = tpu.memref_slice %arg9[%run_scoped3A_230, %dma_start3A_339, %dma_start3A_340] : memref<2x125x128xf32, #tpu.memory_space<vmem>> -> memref<1x125x128xf32, #tpu.memory_space<vmem>>
        %dma_start3A_342 = tpu.memref_squeeze %dma_start3A_341 : memref<1x125x128xf32, #tpu.memory_space<vmem>> -> memref<125x128xf32, #tpu.memory_space<vmem>>
        %dma_start3A_343 = arith.constant 0 : i32
        %dma_start3A_344 = tpu.memref_slice %arg8[%rem3A_61, %run_scoped3A_231, %dma_start3A_343] : memref<2x8x125xi32, #tpu.memory_space<vmem>> -> memref<1x1x125xi32, #tpu.memory_space<vmem>>
        %dma_start3A_345 = tpu.memref_squeeze %dma_start3A_344 : memref<1x1x125xi32, #tpu.memory_space<vmem>> -> memref<125xi32, #tpu.memory_space<vmem>>
        %dma_start3A_346 = arith.constant 0 : i32
        %dma_start3A_347 = arith.constant 0 : i32
        %dma_start3A_348 = tpu.memref_slice %arg10[%dma_start3A_346, %dma_start3A_347] : memref<10000x128xf32, #tpu.memory_space<vmem_shared>> -> memref<10000x128xf32, #tpu.memory_space<vmem_shared>>
        tpu.enqueue_indirect_dma source(%dma_start3A_342 : memref<125x128xf32, #tpu.memory_space<vmem>>) target(%dma_start3A_348 : memref<10000x128xf32, #tpu.memory_space<vmem_shared>>) offsets(%dma_start3A_345 : memref<125xi32, #tpu.memory_space<vmem>>) semaphore(%run_scoped3A_338 : memref<!tpu.dma_semaphore, #tpu.memory_space<semaphore_mem>>) {add = true}
        %dma_wait3A_349 = arith.constant 0 : i32
        %dma_wait3A_350 = arith.constant 0 : i32
        %dma_wait3A_351 = tpu.memref_slice %arg9[%run_scoped3A_230, %dma_wait3A_349, %dma_wait3A_350] : memref<2x125x128xf32, #tpu.memory_space<vmem>> -> memref<1x125x128xf32, #tpu.memory_space<vmem>>
        %dma_wait3A_352 = tpu.memref_squeeze %dma_wait3A_351 : memref<1x125x128xf32, #tpu.memory_space<vmem>> -> memref<125x128xf32, #tpu.memory_space<vmem>>
        %dma_wait3A_353 = arith.constant 0 : i32
        %dma_wait3A_354 = tpu.memref_slice %arg8[%rem3A_61, %run_scoped3A_231, %dma_wait3A_353] : memref<2x8x125xi32, #tpu.memory_space<vmem>> -> memref<1x1x125xi32, #tpu.memory_space<vmem>>
        %dma_wait3A_355 = tpu.memref_squeeze %dma_wait3A_354 : memref<1x1x125xi32, #tpu.memory_space<vmem>> -> memref<125xi32, #tpu.memory_space<vmem>>
        %dma_wait3A_356 = arith.constant 0 : i32
        %dma_wait3A_357 = arith.constant 0 : i32
        %dma_wait3A_358 = tpu.memref_slice %arg10[%dma_wait3A_356, %dma_wait3A_357] : memref<10000x128xf32, #tpu.memory_space<vmem_shared>> -> memref<10000x128xf32, #tpu.memory_space<vmem_shared>>
        tpu.wait_indirect_dma semaphore(%run_scoped3A_338 : memref<!tpu.dma_semaphore, #tpu.memory_space<semaphore_mem>>) src(%dma_wait3A_352 : memref<125x128xf32, #tpu.memory_space<vmem>>) dst(%dma_wait3A_358 : memref<10000x128xf32, #tpu.memory_space<vmem_shared>>)
        tpu.yield
      }) : () -> ()
      %dma_start3A_232 = arith.constant 6 : i32
      %dma_start3A_233 = arith.constant 0 : i32
      %dma_start3A_234 = arith.constant 0 : i32
      %dma_start3A_235 = arith.constant 0 : i32
      %dma_start3A_236 = tpu.memref_slice %arg9[%dma_start3A_233, %dma_start3A_234, %dma_start3A_235] : memref<2x125x128xf32, #tpu.memory_space<vmem>> -> memref<1x125x128xf32, #tpu.memory_space<vmem>>
      %dma_start3A_237 = tpu.memref_squeeze %dma_start3A_236 : memref<1x125x128xf32, #tpu.memory_space<vmem>> -> memref<125x128xf32, #tpu.memory_space<vmem>>
      %dma_start3A_238 = arith.constant 0 : i32
      %dma_start3A_239 = tpu.memref_slice %arg7[%rem3A_61, %dma_start3A_232, %dma_start3A_238] : memref<2x8x125xi32, #tpu.memory_space<vmem>> -> memref<1x1x125xi32, #tpu.memory_space<vmem>>
      %dma_start3A_240 = tpu.memref_squeeze %dma_start3A_239 : memref<1x1x125xi32, #tpu.memory_space<vmem>> -> memref<125xi32, #tpu.memory_space<vmem>>
      %dma_start3A_241 = arith.constant 0 : i32
      %dma_start3A_242 = arith.constant 0 : i32
      %dma_start3A_243 = tpu.memref_slice %arg2[%dma_start3A_241, %dma_start3A_242] : memref<10000x128xf32, #tpu.memory_space<hbm>> -> memref<10000x128xf32, #tpu.memory_space<hbm>>
      tpu.enqueue_indirect_dma source(%dma_start3A_243 : memref<10000x128xf32, #tpu.memory_space<hbm>>) target(%dma_start3A_237 : memref<125x128xf32, #tpu.memory_space<vmem>>) offsets(%dma_start3A_240 : memref<125xi32, #tpu.memory_space<vmem>>) semaphore(%arg11 : memref<!tpu.dma_semaphore, #tpu.memory_space<semaphore_mem>>)
      %dma_wait3A_244 = arith.constant 5 : i32
      %dma_wait3A_245 = arith.constant 1 : i32
      %dma_wait3A_246 = arith.constant 0 : i32
      %dma_wait3A_247 = arith.constant 0 : i32
      %dma_wait3A_248 = tpu.memref_slice %arg9[%dma_wait3A_245, %dma_wait3A_246, %dma_wait3A_247] : memref<2x125x128xf32, #tpu.memory_space<vmem>> -> memref<1x125x128xf32, #tpu.memory_space<vmem>>
      %dma_wait3A_249 = tpu.memref_squeeze %dma_wait3A_248 : memref<1x125x128xf32, #tpu.memory_space<vmem>> -> memref<125x128xf32, #tpu.memory_space<vmem>>
      %dma_wait3A_250 = arith.constant 0 : i32
      %dma_wait3A_251 = tpu.memref_slice %arg7[%rem3A_61, %dma_wait3A_244, %dma_wait3A_250] : memref<2x8x125xi32, #tpu.memory_space<vmem>> -> memref<1x1x125xi32, #tpu.memory_space<vmem>>
      %dma_wait3A_252 = tpu.memref_squeeze %dma_wait3A_251 : memref<1x1x125xi32, #tpu.memory_space<vmem>> -> memref<125xi32, #tpu.memory_space<vmem>>
      %dma_wait3A_253 = arith.constant 0 : i32
      %dma_wait3A_254 = arith.constant 0 : i32
      %dma_wait3A_255 = tpu.memref_slice %arg2[%dma_wait3A_253, %dma_wait3A_254] : memref<10000x128xf32, #tpu.memory_space<hbm>> -> memref<10000x128xf32, #tpu.memory_space<hbm>>
      tpu.wait_indirect_dma semaphore(%arg12 : memref<!tpu.dma_semaphore, #tpu.memory_space<semaphore_mem>>) src(%dma_wait3A_255 : memref<10000x128xf32, #tpu.memory_space<hbm>>) dst(%dma_wait3A_249 : memref<125x128xf32, #tpu.memory_space<vmem>>)
      %run_scoped3A_256 = arith.constant 1 : i32
      %run_scoped3A_257 = arith.constant 5 : i32
      "tpu.region"() ({
        %run_scoped3A_338 = tpu.sem_alloc : memref<!tpu.dma_semaphore, #tpu.memory_space<semaphore_mem>>
        %dma_start3A_339 = arith.constant 0 : i32
        %dma_start3A_340 = arith.constant 0 : i32
        %dma_start3A_341 = tpu.memref_slice %arg9[%run_scoped3A_256, %dma_start3A_339, %dma_start3A_340] : memref<2x125x128xf32, #tpu.memory_space<vmem>> -> memref<1x125x128xf32, #tpu.memory_space<vmem>>
        %dma_start3A_342 = tpu.memref_squeeze %dma_start3A_341 : memref<1x125x128xf32, #tpu.memory_space<vmem>> -> memref<125x128xf32, #tpu.memory_space<vmem>>
        %dma_start3A_343 = arith.constant 0 : i32
        %dma_start3A_344 = tpu.memref_slice %arg8[%rem3A_61, %run_scoped3A_257, %dma_start3A_343] : memref<2x8x125xi32, #tpu.memory_space<vmem>> -> memref<1x1x125xi32, #tpu.memory_space<vmem>>
        %dma_start3A_345 = tpu.memref_squeeze %dma_start3A_344 : memref<1x1x125xi32, #tpu.memory_space<vmem>> -> memref<125xi32, #tpu.memory_space<vmem>>
        %dma_start3A_346 = arith.constant 0 : i32
        %dma_start3A_347 = arith.constant 0 : i32
        %dma_start3A_348 = tpu.memref_slice %arg10[%dma_start3A_346, %dma_start3A_347] : memref<10000x128xf32, #tpu.memory_space<vmem_shared>> -> memref<10000x128xf32, #tpu.memory_space<vmem_shared>>
        tpu.enqueue_indirect_dma source(%dma_start3A_342 : memref<125x128xf32, #tpu.memory_space<vmem>>) target(%dma_start3A_348 : memref<10000x128xf32, #tpu.memory_space<vmem_shared>>) offsets(%dma_start3A_345 : memref<125xi32, #tpu.memory_space<vmem>>) semaphore(%run_scoped3A_338 : memref<!tpu.dma_semaphore, #tpu.memory_space<semaphore_mem>>) {add = true}
        %dma_wait3A_349 = arith.constant 0 : i32
        %dma_wait3A_350 = arith.constant 0 : i32
        %dma_wait3A_351 = tpu.memref_slice %arg9[%run_scoped3A_256, %dma_wait3A_349, %dma_wait3A_350] : memref<2x125x128xf32, #tpu.memory_space<vmem>> -> memref<1x125x128xf32, #tpu.memory_space<vmem>>
        %dma_wait3A_352 = tpu.memref_squeeze %dma_wait3A_351 : memref<1x125x128xf32, #tpu.memory_space<vmem>> -> memref<125x128xf32, #tpu.memory_space<vmem>>
        %dma_wait3A_353 = arith.constant 0 : i32
        %dma_wait3A_354 = tpu.memref_slice %arg8[%rem3A_61, %run_scoped3A_257, %dma_wait3A_353] : memref<2x8x125xi32, #tpu.memory_space<vmem>> -> memref<1x1x125xi32, #tpu.memory_space<vmem>>
        %dma_wait3A_355 = tpu.memref_squeeze %dma_wait3A_354 : memref<1x1x125xi32, #tpu.memory_space<vmem>> -> memref<125xi32, #tpu.memory_space<vmem>>
        %dma_wait3A_356 = arith.constant 0 : i32
        %dma_wait3A_357 = arith.constant 0 : i32
        %dma_wait3A_358 = tpu.memref_slice %arg10[%dma_wait3A_356, %dma_wait3A_357] : memref<10000x128xf32, #tpu.memory_space<vmem_shared>> -> memref<10000x128xf32, #tpu.memory_space<vmem_shared>>
        tpu.wait_indirect_dma semaphore(%run_scoped3A_338 : memref<!tpu.dma_semaphore, #tpu.memory_space<semaphore_mem>>) src(%dma_wait3A_352 : memref<125x128xf32, #tpu.memory_space<vmem>>) dst(%dma_wait3A_358 : memref<10000x128xf32, #tpu.memory_space<vmem_shared>>)
        tpu.yield
      }) : () -> ()
      %dma_start3A_258 = arith.constant 7 : i32
      %dma_start3A_259 = arith.constant 1 : i32
      %dma_start3A_260 = arith.constant 0 : i32
      %dma_start3A_261 = arith.constant 0 : i32
      %dma_start3A_262 = tpu.memref_slice %arg9[%dma_start3A_259, %dma_start3A_260, %dma_start3A_261] : memref<2x125x128xf32, #tpu.memory_space<vmem>> -> memref<1x125x128xf32, #tpu.memory_space<vmem>>
      %dma_start3A_263 = tpu.memref_squeeze %dma_start3A_262 : memref<1x125x128xf32, #tpu.memory_space<vmem>> -> memref<125x128xf32, #tpu.memory_space<vmem>>
      %dma_start3A_264 = arith.constant 0 : i32
      %dma_start3A_265 = tpu.memref_slice %arg7[%rem3A_61, %dma_start3A_258, %dma_start3A_264] : memref<2x8x125xi32, #tpu.memory_space<vmem>> -> memref<1x1x125xi32, #tpu.memory_space<vmem>>
      %dma_start3A_266 = tpu.memref_squeeze %dma_start3A_265 : memref<1x1x125xi32, #tpu.memory_space<vmem>> -> memref<125xi32, #tpu.memory_space<vmem>>
      %dma_start3A_267 = arith.constant 0 : i32
      %dma_start3A_268 = arith.constant 0 : i32
      %dma_start3A_269 = tpu.memref_slice %arg2[%dma_start3A_267, %dma_start3A_268] : memref<10000x128xf32, #tpu.memory_space<hbm>> -> memref<10000x128xf32, #tpu.memory_space<hbm>>
      tpu.enqueue_indirect_dma source(%dma_start3A_269 : memref<10000x128xf32, #tpu.memory_space<hbm>>) target(%dma_start3A_263 : memref<125x128xf32, #tpu.memory_space<vmem>>) offsets(%dma_start3A_266 : memref<125xi32, #tpu.memory_space<vmem>>) semaphore(%arg12 : memref<!tpu.dma_semaphore, #tpu.memory_space<semaphore_mem>>)
      %dma_wait3A_270 = arith.constant 6 : i32
      %dma_wait3A_271 = arith.constant 0 : i32
      %dma_wait3A_272 = arith.constant 0 : i32
      %dma_wait3A_273 = arith.constant 0 : i32
      %dma_wait3A_274 = tpu.memref_slice %arg9[%dma_wait3A_271, %dma_wait3A_272, %dma_wait3A_273] : memref<2x125x128xf32, #tpu.memory_space<vmem>> -> memref<1x125x128xf32, #tpu.memory_space<vmem>>
      %dma_wait3A_275 = tpu.memref_squeeze %dma_wait3A_274 : memref<1x125x128xf32, #tpu.memory_space<vmem>> -> memref<125x128xf32, #tpu.memory_space<vmem>>
      %dma_wait3A_276 = arith.constant 0 : i32
      %dma_wait3A_277 = tpu.memref_slice %arg7[%rem3A_61, %dma_wait3A_270, %dma_wait3A_276] : memref<2x8x125xi32, #tpu.memory_space<vmem>> -> memref<1x1x125xi32, #tpu.memory_space<vmem>>
      %dma_wait3A_278 = tpu.memref_squeeze %dma_wait3A_277 : memref<1x1x125xi32, #tpu.memory_space<vmem>> -> memref<125xi32, #tpu.memory_space<vmem>>
      %dma_wait3A_279 = arith.constant 0 : i32
      %dma_wait3A_280 = arith.constant 0 : i32
      %dma_wait3A_281 = tpu.memref_slice %arg2[%dma_wait3A_279, %dma_wait3A_280] : memref<10000x128xf32, #tpu.memory_space<hbm>> -> memref<10000x128xf32, #tpu.memory_space<hbm>>
      tpu.wait_indirect_dma semaphore(%arg11 : memref<!tpu.dma_semaphore, #tpu.memory_space<semaphore_mem>>) src(%dma_wait3A_281 : memref<10000x128xf32, #tpu.memory_space<hbm>>) dst(%dma_wait3A_275 : memref<125x128xf32, #tpu.memory_space<vmem>>)
      %run_scoped3A_282 = arith.constant 0 : i32
      %run_scoped3A_283 = arith.constant 6 : i32
      "tpu.region"() ({
        %run_scoped3A_338 = tpu.sem_alloc : memref<!tpu.dma_semaphore, #tpu.memory_space<semaphore_mem>>
        %dma_start3A_339 = arith.constant 0 : i32
        %dma_start3A_340 = arith.constant 0 : i32
        %dma_start3A_341 = tpu.memref_slice %arg9[%run_scoped3A_282, %dma_start3A_339, %dma_start3A_340] : memref<2x125x128xf32, #tpu.memory_space<vmem>> -> memref<1x125x128xf32, #tpu.memory_space<vmem>>
        %dma_start3A_342 = tpu.memref_squeeze %dma_start3A_341 : memref<1x125x128xf32, #tpu.memory_space<vmem>> -> memref<125x128xf32, #tpu.memory_space<vmem>>
        %dma_start3A_343 = arith.constant 0 : i32
        %dma_start3A_344 = tpu.memref_slice %arg8[%rem3A_61, %run_scoped3A_283, %dma_start3A_343] : memref<2x8x125xi32, #tpu.memory_space<vmem>> -> memref<1x1x125xi32, #tpu.memory_space<vmem>>
        %dma_start3A_345 = tpu.memref_squeeze %dma_start3A_344 : memref<1x1x125xi32, #tpu.memory_space<vmem>> -> memref<125xi32, #tpu.memory_space<vmem>>
        %dma_start3A_346 = arith.constant 0 : i32
        %dma_start3A_347 = arith.constant 0 : i32
        %dma_start3A_348 = tpu.memref_slice %arg10[%dma_start3A_346, %dma_start3A_347] : memref<10000x128xf32, #tpu.memory_space<vmem_shared>> -> memref<10000x128xf32, #tpu.memory_space<vmem_shared>>
        tpu.enqueue_indirect_dma source(%dma_start3A_342 : memref<125x128xf32, #tpu.memory_space<vmem>>) target(%dma_start3A_348 : memref<10000x128xf32, #tpu.memory_space<vmem_shared>>) offsets(%dma_start3A_345 : memref<125xi32, #tpu.memory_space<vmem>>) semaphore(%run_scoped3A_338 : memref<!tpu.dma_semaphore, #tpu.memory_space<semaphore_mem>>) {add = true}
        %dma_wait3A_349 = arith.constant 0 : i32
        %dma_wait3A_350 = arith.constant 0 : i32
        %dma_wait3A_351 = tpu.memref_slice %arg9[%run_scoped3A_282, %dma_wait3A_349, %dma_wait3A_350] : memref<2x125x128xf32, #tpu.memory_space<vmem>> -> memref<1x125x128xf32, #tpu.memory_space<vmem>>
        %dma_wait3A_352 = tpu.memref_squeeze %dma_wait3A_351 : memref<1x125x128xf32, #tpu.memory_space<vmem>> -> memref<125x128xf32, #tpu.memory_space<vmem>>
        %dma_wait3A_353 = arith.constant 0 : i32
        %dma_wait3A_354 = tpu.memref_slice %arg8[%rem3A_61, %run_scoped3A_283, %dma_wait3A_353] : memref<2x8x125xi32, #tpu.memory_space<vmem>> -> memref<1x1x125xi32, #tpu.memory_space<vmem>>
        %dma_wait3A_355 = tpu.memref_squeeze %dma_wait3A_354 : memref<1x1x125xi32, #tpu.memory_space<vmem>> -> memref<125xi32, #tpu.memory_space<vmem>>
        %dma_wait3A_356 = arith.constant 0 : i32
        %dma_wait3A_357 = arith.constant 0 : i32
        %dma_wait3A_358 = tpu.memref_slice %arg10[%dma_wait3A_356, %dma_wait3A_357] : memref<10000x128xf32, #tpu.memory_space<vmem_shared>> -> memref<10000x128xf32, #tpu.memory_space<vmem_shared>>
        tpu.wait_indirect_dma semaphore(%run_scoped3A_338 : memref<!tpu.dma_semaphore, #tpu.memory_space<semaphore_mem>>) src(%dma_wait3A_352 : memref<125x128xf32, #tpu.memory_space<vmem>>) dst(%dma_wait3A_358 : memref<10000x128xf32, #tpu.memory_space<vmem_shared>>)
        tpu.yield
      }) : () -> ()
      %dma_wait3A_284 = arith.constant 0 : i32
      %dma_wait3A_285 = arith.constant 0 : i32
      %dma_wait3A_286 = tpu.memref_slice %arg7[%rem3A_65, %dma_wait3A_284, %dma_wait3A_285] : memref<2x8x125xi32, #tpu.memory_space<vmem>> -> memref<1x8x125xi32, #tpu.memory_space<vmem>>
      %dma_wait3A_287 = tpu.memref_squeeze %dma_wait3A_286 : memref<1x8x125xi32, #tpu.memory_space<vmem>> -> memref<8x125xi32, #tpu.memory_space<vmem>>
      %dma_wait3A_288 = arith.constant 0 : i32
      %dma_wait3A_289 = tpu.memref_slice %arg3[%add3A, %mul3A_71, %dma_wait3A_288] : memref<32x80x125xi32, #tpu.memory_space<hbm>> -> memref<1x8x125xi32, #tpu.memory_space<hbm>>
      %dma_wait3A_290 = tpu.memref_squeeze %dma_wait3A_289 : memref<1x8x125xi32, #tpu.memory_space<hbm>> -> memref<8x125xi32, #tpu.memory_space<hbm>>
      %dma_wait3A_291 = arith.constant 0 : i32
      %dma_wait3A_292 = arith.constant 0 : i32
      %dma_wait3A_293 = tpu.memref_slice %arg7[%rem3A_65, %dma_wait3A_291, %dma_wait3A_292] : memref<2x8x125xi32, #tpu.memory_space<vmem>> -> memref<1x8x125xi32, #tpu.memory_space<vmem>>
      %dma_wait3A_294 = tpu.memref_squeeze %dma_wait3A_293 : memref<1x8x125xi32, #tpu.memory_space<vmem>> -> memref<8x125xi32, #tpu.memory_space<vmem>>
      %dma_wait3A_295 = arith.constant 0 : i32
      %dma_wait3A_296 = tpu.memref_slice %arg3[%add3A, %mul3A_71, %dma_wait3A_295] : memref<32x80x125xi32, #tpu.memory_space<hbm>> -> memref<1x8x125xi32, #tpu.memory_space<hbm>>
      %dma_wait3A_297 = tpu.memref_squeeze %dma_wait3A_296 : memref<1x8x125xi32, #tpu.memory_space<hbm>> -> memref<8x125xi32, #tpu.memory_space<hbm>>
      tpu.wait_dma2 semaphore(%arg13 : memref<!tpu.dma_semaphore, #tpu.memory_space<semaphore_mem>>) src(%dma_wait3A_297 : memref<8x125xi32, #tpu.memory_space<hbm>>) dst(%dma_wait3A_294 : memref<8x125xi32, #tpu.memory_space<vmem>>)
      %dma_wait3A_298 = arith.constant 0 : i32
      %dma_wait3A_299 = arith.constant 0 : i32
      %dma_wait3A_300 = tpu.memref_slice %arg8[%rem3A_65, %dma_wait3A_298, %dma_wait3A_299] : memref<2x8x125xi32, #tpu.memory_space<vmem>> -> memref<1x8x125xi32, #tpu.memory_space<vmem>>
      %dma_wait3A_301 = tpu.memref_squeeze %dma_wait3A_300 : memref<1x8x125xi32, #tpu.memory_space<vmem>> -> memref<8x125xi32, #tpu.memory_space<vmem>>
      %dma_wait3A_302 = arith.constant 0 : i32
      %dma_wait3A_303 = tpu.memref_slice %arg4[%add3A, %mul3A_87, %dma_wait3A_302] : memref<32x80x125xi32, #tpu.memory_space<hbm>> -> memref<1x8x125xi32, #tpu.memory_space<hbm>>
      %dma_wait3A_304 = tpu.memref_squeeze %dma_wait3A_303 : memref<1x8x125xi32, #tpu.memory_space<hbm>> -> memref<8x125xi32, #tpu.memory_space<hbm>>
      %dma_wait3A_305 = arith.constant 0 : i32
      %dma_wait3A_306 = arith.constant 0 : i32
      %dma_wait3A_307 = tpu.memref_slice %arg8[%rem3A_65, %dma_wait3A_305, %dma_wait3A_306] : memref<2x8x125xi32, #tpu.memory_space<vmem>> -> memref<1x8x125xi32, #tpu.memory_space<vmem>>
      %dma_wait3A_308 = tpu.memref_squeeze %dma_wait3A_307 : memref<1x8x125xi32, #tpu.memory_space<vmem>> -> memref<8x125xi32, #tpu.memory_space<vmem>>
      %dma_wait3A_309 = arith.constant 0 : i32
      %dma_wait3A_310 = tpu.memref_slice %arg4[%add3A, %mul3A_87, %dma_wait3A_309] : memref<32x80x125xi32, #tpu.memory_space<hbm>> -> memref<1x8x125xi32, #tpu.memory_space<hbm>>
      %dma_wait3A_311 = tpu.memref_squeeze %dma_wait3A_310 : memref<1x8x125xi32, #tpu.memory_space<hbm>> -> memref<8x125xi32, #tpu.memory_space<hbm>>
      tpu.wait_dma2 semaphore(%arg13 : memref<!tpu.dma_semaphore, #tpu.memory_space<semaphore_mem>>) src(%dma_wait3A_311 : memref<8x125xi32, #tpu.memory_space<hbm>>) dst(%dma_wait3A_308 : memref<8x125xi32, #tpu.memory_space<vmem>>)
      %dma_start3A_312 = arith.constant 0 : i32
      %dma_start3A_313 = arith.constant 0 : i32
      %dma_start3A_314 = arith.constant 0 : i32
      %dma_start3A_315 = arith.constant 0 : i32
      %dma_start3A_316 = tpu.memref_slice %arg9[%dma_start3A_313, %dma_start3A_314, %dma_start3A_315] : memref<2x125x128xf32, #tpu.memory_space<vmem>> -> memref<1x125x128xf32, #tpu.memory_space<vmem>>
      %dma_start3A_317 = tpu.memref_squeeze %dma_start3A_316 : memref<1x125x128xf32, #tpu.memory_space<vmem>> -> memref<125x128xf32, #tpu.memory_space<vmem>>
      %dma_start3A_318 = arith.constant 0 : i32
      %dma_start3A_319 = tpu.memref_slice %arg7[%rem3A_65, %dma_start3A_312, %dma_start3A_318] : memref<2x8x125xi32, #tpu.memory_space<vmem>> -> memref<1x1x125xi32, #tpu.memory_space<vmem>>
      %dma_start3A_320 = tpu.memref_squeeze %dma_start3A_319 : memref<1x1x125xi32, #tpu.memory_space<vmem>> -> memref<125xi32, #tpu.memory_space<vmem>>
      %dma_start3A_321 = arith.constant 0 : i32
      %dma_start3A_322 = arith.constant 0 : i32
      %dma_start3A_323 = tpu.memref_slice %arg2[%dma_start3A_321, %dma_start3A_322] : memref<10000x128xf32, #tpu.memory_space<hbm>> -> memref<10000x128xf32, #tpu.memory_space<hbm>>
      tpu.enqueue_indirect_dma source(%dma_start3A_323 : memref<10000x128xf32, #tpu.memory_space<hbm>>) target(%dma_start3A_317 : memref<125x128xf32, #tpu.memory_space<vmem>>) offsets(%dma_start3A_320 : memref<125xi32, #tpu.memory_space<vmem>>) semaphore(%arg11 : memref<!tpu.dma_semaphore, #tpu.memory_space<semaphore_mem>>)
      %dma_wait3A_324 = arith.constant 7 : i32
      %dma_wait3A_325 = arith.constant 1 : i32
      %dma_wait3A_326 = arith.constant 0 : i32
      %dma_wait3A_327 = arith.constant 0 : i32
      %dma_wait3A_328 = tpu.memref_slice %arg9[%dma_wait3A_325, %dma_wait3A_326, %dma_wait3A_327] : memref<2x125x128xf32, #tpu.memory_space<vmem>> -> memref<1x125x128xf32, #tpu.memory_space<vmem>>
      %dma_wait3A_329 = tpu.memref_squeeze %dma_wait3A_328 : memref<1x125x128xf32, #tpu.memory_space<vmem>> -> memref<125x128xf32, #tpu.memory_space<vmem>>
      %dma_wait3A_330 = arith.constant 0 : i32
      %dma_wait3A_331 = tpu.memref_slice %arg7[%rem3A_61, %dma_wait3A_324, %dma_wait3A_330] : memref<2x8x125xi32, #tpu.memory_space<vmem>> -> memref<1x1x125xi32, #tpu.memory_space<vmem>>
      %dma_wait3A_332 = tpu.memref_squeeze %dma_wait3A_331 : memref<1x1x125xi32, #tpu.memory_space<vmem>> -> memref<125xi32, #tpu.memory_space<vmem>>
      %dma_wait3A_333 = arith.constant 0 : i32
      %dma_wait3A_334 = arith.constant 0 : i32
      %dma_wait3A_335 = tpu.memref_slice %arg2[%dma_wait3A_333, %dma_wait3A_334] : memref<10000x128xf32, #tpu.memory_space<hbm>> -> memref<10000x128xf32, #tpu.memory_space<hbm>>
      tpu.wait_indirect_dma semaphore(%arg12 : memref<!tpu.dma_semaphore, #tpu.memory_space<semaphore_mem>>) src(%dma_wait3A_335 : memref<10000x128xf32, #tpu.memory_space<hbm>>) dst(%dma_wait3A_329 : memref<125x128xf32, #tpu.memory_space<vmem>>)
      %run_scoped3A_336 = arith.constant 1 : i32
      %run_scoped3A_337 = arith.constant 7 : i32
      "tpu.region"() ({
        %run_scoped3A_338 = tpu.sem_alloc : memref<!tpu.dma_semaphore, #tpu.memory_space<semaphore_mem>>
        %dma_start3A_339 = arith.constant 0 : i32
        %dma_start3A_340 = arith.constant 0 : i32
        %dma_start3A_341 = tpu.memref_slice %arg9[%run_scoped3A_336, %dma_start3A_339, %dma_start3A_340] : memref<2x125x128xf32, #tpu.memory_space<vmem>> -> memref<1x125x128xf32, #tpu.memory_space<vmem>>
        %dma_start3A_342 = tpu.memref_squeeze %dma_start3A_341 : memref<1x125x128xf32, #tpu.memory_space<vmem>> -> memref<125x128xf32, #tpu.memory_space<vmem>>
        %dma_start3A_343 = arith.constant 0 : i32
        %dma_start3A_344 = tpu.memref_slice %arg8[%rem3A_61, %run_scoped3A_337, %dma_start3A_343] : memref<2x8x125xi32, #tpu.memory_space<vmem>> -> memref<1x1x125xi32, #tpu.memory_space<vmem>>
        %dma_start3A_345 = tpu.memref_squeeze %dma_start3A_344 : memref<1x1x125xi32, #tpu.memory_space<vmem>> -> memref<125xi32, #tpu.memory_space<vmem>>
        %dma_start3A_346 = arith.constant 0 : i32
        %dma_start3A_347 = arith.constant 0 : i32
        %dma_start3A_348 = tpu.memref_slice %arg10[%dma_start3A_346, %dma_start3A_347] : memref<10000x128xf32, #tpu.memory_space<vmem_shared>> -> memref<10000x128xf32, #tpu.memory_space<vmem_shared>>
        tpu.enqueue_indirect_dma source(%dma_start3A_342 : memref<125x128xf32, #tpu.memory_space<vmem>>) target(%dma_start3A_348 : memref<10000x128xf32, #tpu.memory_space<vmem_shared>>) offsets(%dma_start3A_345 : memref<125xi32, #tpu.memory_space<vmem>>) semaphore(%run_scoped3A_338 : memref<!tpu.dma_semaphore, #tpu.memory_space<semaphore_mem>>) {add = true}
        %dma_wait3A_349 = arith.constant 0 : i32
        %dma_wait3A_350 = arith.constant 0 : i32
        %dma_wait3A_351 = tpu.memref_slice %arg9[%run_scoped3A_336, %dma_wait3A_349, %dma_wait3A_350] : memref<2x125x128xf32, #tpu.memory_space<vmem>> -> memref<1x125x128xf32, #tpu.memory_space<vmem>>
        %dma_wait3A_352 = tpu.memref_squeeze %dma_wait3A_351 : memref<1x125x128xf32, #tpu.memory_space<vmem>> -> memref<125x128xf32, #tpu.memory_space<vmem>>
        %dma_wait3A_353 = arith.constant 0 : i32
        %dma_wait3A_354 = tpu.memref_slice %arg8[%rem3A_61, %run_scoped3A_337, %dma_wait3A_353] : memref<2x8x125xi32, #tpu.memory_space<vmem>> -> memref<1x1x125xi32, #tpu.memory_space<vmem>>
        %dma_wait3A_355 = tpu.memref_squeeze %dma_wait3A_354 : memref<1x1x125xi32, #tpu.memory_space<vmem>> -> memref<125xi32, #tpu.memory_space<vmem>>
        %dma_wait3A_356 = arith.constant 0 : i32
        %dma_wait3A_357 = arith.constant 0 : i32
        %dma_wait3A_358 = tpu.memref_slice %arg10[%dma_wait3A_356, %dma_wait3A_357] : memref<10000x128xf32, #tpu.memory_space<vmem_shared>> -> memref<10000x128xf32, #tpu.memory_space<vmem_shared>>
        tpu.wait_indirect_dma semaphore(%run_scoped3A_338 : memref<!tpu.dma_semaphore, #tpu.memory_space<semaphore_mem>>) src(%dma_wait3A_352 : memref<125x128xf32, #tpu.memory_space<vmem>>) dst(%dma_wait3A_358 : memref<10000x128xf32, #tpu.memory_space<vmem_shared>>)
        tpu.yield
      }) : () -> ()
    }
    %scan3A_36 = arith.constant 10 : i32
    %dma_wait3A = arith.constant 0 : i32
    %dma_wait3A_37 = arith.constant 0 : i32
    %dma_wait3A_38 = arith.constant 0 : i32
    %dma_wait3A_39 = arith.constant 0 : i32
    %dma_wait3A_40 = arith.constant 0 : i32
    %dma_wait3A_41 = tpu.memref_slice %arg9[%dma_wait3A_38, %dma_wait3A_39, %dma_wait3A_40] : memref<2x125x128xf32, #tpu.memory_space<vmem>> -> memref<1x125x128xf32, #tpu.memory_space<vmem>>
    %dma_wait3A_42 = tpu.memref_squeeze %dma_wait3A_41 : memref<1x125x128xf32, #tpu.memory_space<vmem>> -> memref<125x128xf32, #tpu.memory_space<vmem>>
    %dma_wait3A_43 = arith.constant 0 : i32
    %dma_wait3A_44 = tpu.memref_slice %arg7[%dma_wait3A, %dma_wait3A_37, %dma_wait3A_43] : memref<2x8x125xi32, #tpu.memory_space<vmem>> -> memref<1x1x125xi32, #tpu.memory_space<vmem>>
    %dma_wait3A_45 = tpu.memref_squeeze %dma_wait3A_44 : memref<1x1x125xi32, #tpu.memory_space<vmem>> -> memref<125xi32, #tpu.memory_space<vmem>>
    %dma_wait3A_46 = arith.constant 0 : i32
    %dma_wait3A_47 = arith.constant 0 : i32
    %dma_wait3A_48 = tpu.memref_slice %arg2[%dma_wait3A_46, %dma_wait3A_47] : memref<10000x128xf32, #tpu.memory_space<hbm>> -> memref<10000x128xf32, #tpu.memory_space<hbm>>
    tpu.wait_indirect_dma semaphore(%arg11 : memref<!tpu.dma_semaphore, #tpu.memory_space<semaphore_mem>>) src(%dma_wait3A_48 : memref<10000x128xf32, #tpu.memory_space<hbm>>) dst(%dma_wait3A_42 : memref<125x128xf32, #tpu.memory_space<vmem>>)
    %barrier3A_49 = arith.constant 0 : index
    tpu.barrier barrier_id(%barrier3A_49)
    %lt3A_50 = arith.constant 15 : i32
    %lt3A_51 = arith.cmpi slt, %arg1, %lt3A_50 : i32
    %convert_element_type3A_52 = arith.extui %lt3A_51 : i1 to i32
    %cond3A_53 = arith.constant 0 : i32
    %cond3A_54 = arith.cmpi ne, %convert_element_type3A_52, %cond3A_53 : i32
    scf.if %cond3A_54 {
      "tpu.region"() ({
        %run_scoped3A_60 = tpu.sem_alloc : memref<!tpu.dma_semaphore, #tpu.memory_space<semaphore_mem>>
        %dma_start3A_61 = arith.constant 0 : i32
        %dma_start3A_62 = tpu.memref_slice %arg6[%arg0, %mul3A_2, %dma_start3A_61] : memref<2x10000x128xf32, #tpu.memory_space<hbm>> -> memref<1x632x128xf32, #tpu.memory_space<hbm>>
        %dma_start3A_63 = tpu.memref_squeeze %dma_start3A_62 : memref<1x632x128xf32, #tpu.memory_space<hbm>> -> memref<632x128xf32, #tpu.memory_space<hbm>>
        %dma_start3A_64 = arith.constant 0 : i32
        %dma_start3A_65 = tpu.memref_slice %arg10[%mul3A_2, %dma_start3A_64] : memref<10000x128xf32, #tpu.memory_space<vmem_shared>> -> memref<632x128xf32, #tpu.memory_space<vmem_shared>>
        tpu.enqueue_dma source(%dma_start3A_65 : memref<632x128xf32, #tpu.memory_space<vmem_shared>>) target(%dma_start3A_63 : memref<632x128xf32, #tpu.memory_space<hbm>>) target_semaphore(%run_scoped3A_60 : memref<!tpu.dma_semaphore, #tpu.memory_space<semaphore_mem>>)
        %dma_wait3A_66 = arith.constant 0 : i32
        %dma_wait3A_67 = tpu.memref_slice %arg6[%arg0, %mul3A_2, %dma_wait3A_66] : memref<2x10000x128xf32, #tpu.memory_space<hbm>> -> memref<1x632x128xf32, #tpu.memory_space<hbm>>
        %dma_wait3A_68 = tpu.memref_squeeze %dma_wait3A_67 : memref<1x632x128xf32, #tpu.memory_space<hbm>> -> memref<632x128xf32, #tpu.memory_space<hbm>>
        %dma_wait3A_69 = arith.constant 0 : i32
        %dma_wait3A_70 = tpu.memref_slice %arg10[%mul3A_2, %dma_wait3A_69] : memref<10000x128xf32, #tpu.memory_space<vmem_shared>> -> memref<632x128xf32, #tpu.memory_space<vmem_shared>>
        tpu.wait_dma2 semaphore(%run_scoped3A_60 : memref<!tpu.dma_semaphore, #tpu.memory_space<semaphore_mem>>) src(%dma_wait3A_70 : memref<632x128xf32, #tpu.memory_space<vmem_shared>>) dst(%dma_wait3A_68 : memref<632x128xf32, #tpu.memory_space<hbm>>)
        tpu.yield
      }) : () -> ()
    } else {
    }
    %eq3A_55 = arith.constant 15 : i32
    %eq3A_56 = arith.cmpi eq, %arg1, %eq3A_55 : i32
    %convert_element_type3A_57 = arith.extui %eq3A_56 : i1 to i32
    %cond3A_58 = arith.constant 0 : i32
    %cond3A_59 = arith.cmpi ne, %convert_element_type3A_57, %cond3A_58 : i32
    scf.if %cond3A_59 {
      "tpu.region"() ({
        %run_scoped3A_60 = tpu.sem_alloc : memref<!tpu.dma_semaphore, #tpu.memory_space<semaphore_mem>>
        %dma_start3A_61 = arith.constant 0 : i32
        %dma_start3A_62 = tpu.memref_slice %arg6[%arg0, %mul3A_2, %dma_start3A_61] : memref<2x10000x128xf32, #tpu.memory_space<hbm>> -> memref<1x520x128xf32, #tpu.memory_space<hbm>>
        %dma_start3A_63 = tpu.memref_squeeze %dma_start3A_62 : memref<1x520x128xf32, #tpu.memory_space<hbm>> -> memref<520x128xf32, #tpu.memory_space<hbm>>
        %dma_start3A_64 = arith.constant 0 : i32
        %dma_start3A_65 = tpu.memref_slice %arg10[%mul3A_2, %dma_start3A_64] : memref<10000x128xf32, #tpu.memory_space<vmem_shared>> -> memref<520x128xf32, #tpu.memory_space<vmem_shared>>
        tpu.enqueue_dma source(%dma_start3A_65 : memref<520x128xf32, #tpu.memory_space<vmem_shared>>) target(%dma_start3A_63 : memref<520x128xf32, #tpu.memory_space<hbm>>) target_semaphore(%run_scoped3A_60 : memref<!tpu.dma_semaphore, #tpu.memory_space<semaphore_mem>>)
        %dma_wait3A_66 = arith.constant 0 : i32
        %dma_wait3A_67 = tpu.memref_slice %arg6[%arg0, %mul3A_2, %dma_wait3A_66] : memref<2x10000x128xf32, #tpu.memory_space<hbm>> -> memref<1x520x128xf32, #tpu.memory_space<hbm>>
        %dma_wait3A_68 = tpu.memref_squeeze %dma_wait3A_67 : memref<1x520x128xf32, #tpu.memory_space<hbm>> -> memref<520x128xf32, #tpu.memory_space<hbm>>
        %dma_wait3A_69 = arith.constant 0 : i32
        %dma_wait3A_70 = tpu.memref_slice %arg10[%mul3A_2, %dma_wait3A_69] : memref<10000x128xf32, #tpu.memory_space<vmem_shared>> -> memref<520x128xf32, #tpu.memory_space<vmem_shared>>
        tpu.wait_dma2 semaphore(%run_scoped3A_60 : memref<!tpu.dma_semaphore, #tpu.memory_space<semaphore_mem>>) src(%dma_wait3A_70 : memref<520x128xf32, #tpu.memory_space<vmem_shared>>) dst(%dma_wait3A_68 : memref<520x128xf32, #tpu.memory_space<hbm>>)
        tpu.yield
      }) : () -> ()
    } else {
    }
    return
  }
}

#map = affine_map<(d0, d1) -> (0, 0, 0)>
#map1 = affine_map<(d0, d1) -> (0, 0)>
module attributes {stable_mosaic.version = 14 : i64} {
  func.func @_deg_kernel(%arg0: i32, %arg1: i32, %arg2: memref<32x80x125xi32, #tpu.memory_space<hbm>>, %arg3: memref<125x16xf32, #tpu.memory_space<hbm>>, %arg4: memref<10000x16xf32, #tpu.memory_space<hbm>>, %arg5: memref<2x10000x16xf32, #tpu.memory_space<hbm>>, %arg6: memref<80x125xi32, #tpu.memory_space<vmem>>, %arg7: memref<125x16xf32, #tpu.memory_space<vmem>>, %arg8: memref<10000x16xf32, #tpu.memory_space<vmem_shared>>, %arg9: memref<!tpu.dma_semaphore, #tpu.memory_space<semaphore_mem>>) attributes {dimension_semantics = [#tpu.dimension_semantics<core_parallel>, #tpu.dimension_semantics<subcore_parallel>], iteration_bounds = array<i64: 2, 16>, scalar_prefetch = 0 : i64, scratch_operands = 4 : i64, tpu.core_type = #tpu.core_type<sc_vector_subcore>, window_params = [{transform_indices = #map}, {transform_indices = #map1}, {transform_indices = #map1}, {transform_indices = #map}]} {
    %mul3A = arith.constant 16 : i32
    %mul3A_0 = arith.muli %arg0, %mul3A : i32
    %add3A = arith.addi %mul3A_0, %arg1 : i32
    "tpu.region"() ({
      %run_scoped3A = tpu.sem_alloc : memref<!tpu.dma_semaphore, #tpu.memory_space<semaphore_mem>>
      %dma_start3A = arith.constant 0 : i32
      %dma_start3A_80 = arith.constant 0 : i32
      %dma_start3A_81 = tpu.memref_slice %arg2[%add3A, %dma_start3A, %dma_start3A_80] : memref<32x80x125xi32, #tpu.memory_space<hbm>> -> memref<1x80x125xi32, #tpu.memory_space<hbm>>
      %dma_start3A_82 = tpu.memref_squeeze %dma_start3A_81 : memref<1x80x125xi32, #tpu.memory_space<hbm>> -> memref<80x125xi32, #tpu.memory_space<hbm>>
      %dma_start3A_83 = arith.constant 0 : i32
      %dma_start3A_84 = arith.constant 0 : i32
      %dma_start3A_85 = tpu.memref_slice %arg2[%add3A, %dma_start3A_83, %dma_start3A_84] : memref<32x80x125xi32, #tpu.memory_space<hbm>> -> memref<1x80x125xi32, #tpu.memory_space<hbm>>
      %dma_start3A_86 = tpu.memref_squeeze %dma_start3A_85 : memref<1x80x125xi32, #tpu.memory_space<hbm>> -> memref<80x125xi32, #tpu.memory_space<hbm>>
      tpu.enqueue_dma source(%dma_start3A_86 : memref<80x125xi32, #tpu.memory_space<hbm>>) target(%arg6 : memref<80x125xi32, #tpu.memory_space<vmem>>) target_semaphore(%run_scoped3A : memref<!tpu.dma_semaphore, #tpu.memory_space<semaphore_mem>>)
      %dma_wait3A_87 = arith.constant 0 : i32
      %dma_wait3A_88 = arith.constant 0 : i32
      %dma_wait3A_89 = tpu.memref_slice %arg2[%add3A, %dma_wait3A_87, %dma_wait3A_88] : memref<32x80x125xi32, #tpu.memory_space<hbm>> -> memref<1x80x125xi32, #tpu.memory_space<hbm>>
      %dma_wait3A_90 = tpu.memref_squeeze %dma_wait3A_89 : memref<1x80x125xi32, #tpu.memory_space<hbm>> -> memref<80x125xi32, #tpu.memory_space<hbm>>
      %dma_wait3A_91 = arith.constant 0 : i32
      %dma_wait3A_92 = arith.constant 0 : i32
      %dma_wait3A_93 = tpu.memref_slice %arg2[%add3A, %dma_wait3A_91, %dma_wait3A_92] : memref<32x80x125xi32, #tpu.memory_space<hbm>> -> memref<1x80x125xi32, #tpu.memory_space<hbm>>
      %dma_wait3A_94 = tpu.memref_squeeze %dma_wait3A_93 : memref<1x80x125xi32, #tpu.memory_space<hbm>> -> memref<80x125xi32, #tpu.memory_space<hbm>>
      tpu.wait_dma2 semaphore(%run_scoped3A : memref<!tpu.dma_semaphore, #tpu.memory_space<semaphore_mem>>) src(%dma_wait3A_94 : memref<80x125xi32, #tpu.memory_space<hbm>>) dst(%arg6 : memref<80x125xi32, #tpu.memory_space<vmem>>)
      tpu.yield
    }) : () -> ()
    "tpu.region"() ({
      %run_scoped3A = tpu.sem_alloc : memref<!tpu.dma_semaphore, #tpu.memory_space<semaphore_mem>>
      tpu.enqueue_dma source(%arg3 : memref<125x16xf32, #tpu.memory_space<hbm>>) target(%arg7 : memref<125x16xf32, #tpu.memory_space<vmem>>) target_semaphore(%run_scoped3A : memref<!tpu.dma_semaphore, #tpu.memory_space<semaphore_mem>>)
      tpu.wait_dma2 semaphore(%run_scoped3A : memref<!tpu.dma_semaphore, #tpu.memory_space<semaphore_mem>>) src(%arg3 : memref<125x16xf32, #tpu.memory_space<hbm>>) dst(%arg7 : memref<125x16xf32, #tpu.memory_space<vmem>>)
      tpu.yield
    }) : () -> ()
    %mul3A_1 = arith.constant 632 : i32
    %mul3A_2 = arith.muli %arg1, %mul3A_1 : i32
    %lt3A = arith.constant 15 : i32
    %lt3A_3 = arith.cmpi slt, %arg1, %lt3A : i32
    %convert_element_type3A = arith.extui %lt3A_3 : i1 to i32
    %cond3A = arith.constant 0 : i32
    %cond3A_4 = arith.cmpi ne, %convert_element_type3A, %cond3A : i32
    scf.if %cond3A_4 {
      "tpu.region"() ({
        %run_scoped3A = tpu.sem_alloc : memref<!tpu.dma_semaphore, #tpu.memory_space<semaphore_mem>>
        %dma_start3A = arith.constant 0 : i32
        %dma_start3A_80 = tpu.memref_slice %arg8[%mul3A_2, %dma_start3A] : memref<10000x16xf32, #tpu.memory_space<vmem_shared>> -> memref<632x16xf32, #tpu.memory_space<vmem_shared>>
        %dma_start3A_81 = arith.constant 0 : i32
        %dma_start3A_82 = tpu.memref_slice %arg4[%mul3A_2, %dma_start3A_81] : memref<10000x16xf32, #tpu.memory_space<hbm>> -> memref<632x16xf32, #tpu.memory_space<hbm>>
        tpu.enqueue_dma source(%dma_start3A_82 : memref<632x16xf32, #tpu.memory_space<hbm>>) target(%dma_start3A_80 : memref<632x16xf32, #tpu.memory_space<vmem_shared>>) target_semaphore(%run_scoped3A : memref<!tpu.dma_semaphore, #tpu.memory_space<semaphore_mem>>)
        %dma_wait3A_83 = arith.constant 0 : i32
        %dma_wait3A_84 = tpu.memref_slice %arg8[%mul3A_2, %dma_wait3A_83] : memref<10000x16xf32, #tpu.memory_space<vmem_shared>> -> memref<632x16xf32, #tpu.memory_space<vmem_shared>>
        %dma_wait3A_85 = arith.constant 0 : i32
        %dma_wait3A_86 = tpu.memref_slice %arg4[%mul3A_2, %dma_wait3A_85] : memref<10000x16xf32, #tpu.memory_space<hbm>> -> memref<632x16xf32, #tpu.memory_space<hbm>>
        tpu.wait_dma2 semaphore(%run_scoped3A : memref<!tpu.dma_semaphore, #tpu.memory_space<semaphore_mem>>) src(%dma_wait3A_86 : memref<632x16xf32, #tpu.memory_space<hbm>>) dst(%dma_wait3A_84 : memref<632x16xf32, #tpu.memory_space<vmem_shared>>)
        tpu.yield
      }) : () -> ()
    } else {
    }
    %eq3A = arith.constant 15 : i32
    %eq3A_5 = arith.cmpi eq, %arg1, %eq3A : i32
    %convert_element_type3A_6 = arith.extui %eq3A_5 : i1 to i32
    %cond3A_7 = arith.constant 0 : i32
    %cond3A_8 = arith.cmpi ne, %convert_element_type3A_6, %cond3A_7 : i32
    scf.if %cond3A_8 {
      "tpu.region"() ({
        %run_scoped3A = tpu.sem_alloc : memref<!tpu.dma_semaphore, #tpu.memory_space<semaphore_mem>>
        %dma_start3A = arith.constant 0 : i32
        %dma_start3A_80 = tpu.memref_slice %arg8[%mul3A_2, %dma_start3A] : memref<10000x16xf32, #tpu.memory_space<vmem_shared>> -> memref<520x16xf32, #tpu.memory_space<vmem_shared>>
        %dma_start3A_81 = arith.constant 0 : i32
        %dma_start3A_82 = tpu.memref_slice %arg4[%mul3A_2, %dma_start3A_81] : memref<10000x16xf32, #tpu.memory_space<hbm>> -> memref<520x16xf32, #tpu.memory_space<hbm>>
        tpu.enqueue_dma source(%dma_start3A_82 : memref<520x16xf32, #tpu.memory_space<hbm>>) target(%dma_start3A_80 : memref<520x16xf32, #tpu.memory_space<vmem_shared>>) target_semaphore(%run_scoped3A : memref<!tpu.dma_semaphore, #tpu.memory_space<semaphore_mem>>)
        %dma_wait3A_83 = arith.constant 0 : i32
        %dma_wait3A_84 = tpu.memref_slice %arg8[%mul3A_2, %dma_wait3A_83] : memref<10000x16xf32, #tpu.memory_space<vmem_shared>> -> memref<520x16xf32, #tpu.memory_space<vmem_shared>>
        %dma_wait3A_85 = arith.constant 0 : i32
        %dma_wait3A_86 = tpu.memref_slice %arg4[%mul3A_2, %dma_wait3A_85] : memref<10000x16xf32, #tpu.memory_space<hbm>> -> memref<520x16xf32, #tpu.memory_space<hbm>>
        tpu.wait_dma2 semaphore(%run_scoped3A : memref<!tpu.dma_semaphore, #tpu.memory_space<semaphore_mem>>) src(%dma_wait3A_86 : memref<520x16xf32, #tpu.memory_space<hbm>>) dst(%dma_wait3A_84 : memref<520x16xf32, #tpu.memory_space<vmem_shared>>)
        tpu.yield
      }) : () -> ()
    } else {
    }
    %barrier3A = arith.constant 0 : index
    tpu.barrier barrier_id(%barrier3A)
    %scan3A = arith.constant 0 : i32
    %scan3A_9 = arith.constant 0 : i32
    %scan3A_10 = arith.constant 10 : i32
    %scan3A_11 = arith.addi %scan3A_9, %scan3A_10 : i32
    %scan3A_12 = arith.constant 1 : i32
    scf.for %scan3A_80 = %scan3A_9 to %scan3A_11 step %scan3A_12  : i32 {
      %mul3A_81 = arith.constant 8 : i32
      %mul3A_82 = arith.muli %scan3A_80, %mul3A_81 : i32
      %add3A_83 = arith.constant 0 : i32
      %add3A_84 = arith.addi %mul3A_82, %add3A_83 : i32
      %dma_start3A = arith.constant 0 : i32
      %dma_start3A_85 = tpu.memref_slice %arg6[%add3A_84, %dma_start3A] : memref<80x125xi32, #tpu.memory_space<vmem>> -> memref<1x125xi32, #tpu.memory_space<vmem>>
      %dma_start3A_86 = tpu.memref_squeeze %dma_start3A_85 : memref<1x125xi32, #tpu.memory_space<vmem>> -> memref<125xi32, #tpu.memory_space<vmem>>
      %dma_start3A_87 = arith.constant 0 : i32
      %dma_start3A_88 = arith.constant 0 : i32
      %dma_start3A_89 = tpu.memref_slice %arg8[%dma_start3A_87, %dma_start3A_88] : memref<10000x16xf32, #tpu.memory_space<vmem_shared>> -> memref<10000x16xf32, #tpu.memory_space<vmem_shared>>
      tpu.enqueue_indirect_dma source(%arg7 : memref<125x16xf32, #tpu.memory_space<vmem>>) target(%dma_start3A_89 : memref<10000x16xf32, #tpu.memory_space<vmem_shared>>) offsets(%dma_start3A_86 : memref<125xi32, #tpu.memory_space<vmem>>) semaphore(%arg9 : memref<!tpu.dma_semaphore, #tpu.memory_space<semaphore_mem>>) {add = true}
      %mul3A_90 = arith.constant 8 : i32
      %mul3A_91 = arith.muli %scan3A_80, %mul3A_90 : i32
      %add3A_92 = arith.constant 1 : i32
      %add3A_93 = arith.addi %mul3A_91, %add3A_92 : i32
      %dma_start3A_94 = arith.constant 0 : i32
      %dma_start3A_95 = tpu.memref_slice %arg6[%add3A_93, %dma_start3A_94] : memref<80x125xi32, #tpu.memory_space<vmem>> -> memref<1x125xi32, #tpu.memory_space<vmem>>
      %dma_start3A_96 = tpu.memref_squeeze %dma_start3A_95 : memref<1x125xi32, #tpu.memory_space<vmem>> -> memref<125xi32, #tpu.memory_space<vmem>>
      %dma_start3A_97 = arith.constant 0 : i32
      %dma_start3A_98 = arith.constant 0 : i32
      %dma_start3A_99 = tpu.memref_slice %arg8[%dma_start3A_97, %dma_start3A_98] : memref<10000x16xf32, #tpu.memory_space<vmem_shared>> -> memref<10000x16xf32, #tpu.memory_space<vmem_shared>>
      tpu.enqueue_indirect_dma source(%arg7 : memref<125x16xf32, #tpu.memory_space<vmem>>) target(%dma_start3A_99 : memref<10000x16xf32, #tpu.memory_space<vmem_shared>>) offsets(%dma_start3A_96 : memref<125xi32, #tpu.memory_space<vmem>>) semaphore(%arg9 : memref<!tpu.dma_semaphore, #tpu.memory_space<semaphore_mem>>) {add = true}
      %mul3A_100 = arith.constant 8 : i32
      %mul3A_101 = arith.muli %scan3A_80, %mul3A_100 : i32
      %add3A_102 = arith.constant 2 : i32
      %add3A_103 = arith.addi %mul3A_101, %add3A_102 : i32
      %dma_start3A_104 = arith.constant 0 : i32
      %dma_start3A_105 = tpu.memref_slice %arg6[%add3A_103, %dma_start3A_104] : memref<80x125xi32, #tpu.memory_space<vmem>> -> memref<1x125xi32, #tpu.memory_space<vmem>>
      %dma_start3A_106 = tpu.memref_squeeze %dma_start3A_105 : memref<1x125xi32, #tpu.memory_space<vmem>> -> memref<125xi32, #tpu.memory_space<vmem>>
      %dma_start3A_107 = arith.constant 0 : i32
      %dma_start3A_108 = arith.constant 0 : i32
      %dma_start3A_109 = tpu.memref_slice %arg8[%dma_start3A_107, %dma_start3A_108] : memref<10000x16xf32, #tpu.memory_space<vmem_shared>> -> memref<10000x16xf32, #tpu.memory_space<vmem_shared>>
      tpu.enqueue_indirect_dma source(%arg7 : memref<125x16xf32, #tpu.memory_space<vmem>>) target(%dma_start3A_109 : memref<10000x16xf32, #tpu.memory_space<vmem_shared>>) offsets(%dma_start3A_106 : memref<125xi32, #tpu.memory_space<vmem>>) semaphore(%arg9 : memref<!tpu.dma_semaphore, #tpu.memory_space<semaphore_mem>>) {add = true}
      %mul3A_110 = arith.constant 8 : i32
      %mul3A_111 = arith.muli %scan3A_80, %mul3A_110 : i32
      %add3A_112 = arith.constant 3 : i32
      %add3A_113 = arith.addi %mul3A_111, %add3A_112 : i32
      %dma_start3A_114 = arith.constant 0 : i32
      %dma_start3A_115 = tpu.memref_slice %arg6[%add3A_113, %dma_start3A_114] : memref<80x125xi32, #tpu.memory_space<vmem>> -> memref<1x125xi32, #tpu.memory_space<vmem>>
      %dma_start3A_116 = tpu.memref_squeeze %dma_start3A_115 : memref<1x125xi32, #tpu.memory_space<vmem>> -> memref<125xi32, #tpu.memory_space<vmem>>
      %dma_start3A_117 = arith.constant 0 : i32
      %dma_start3A_118 = arith.constant 0 : i32
      %dma_start3A_119 = tpu.memref_slice %arg8[%dma_start3A_117, %dma_start3A_118] : memref<10000x16xf32, #tpu.memory_space<vmem_shared>> -> memref<10000x16xf32, #tpu.memory_space<vmem_shared>>
      tpu.enqueue_indirect_dma source(%arg7 : memref<125x16xf32, #tpu.memory_space<vmem>>) target(%dma_start3A_119 : memref<10000x16xf32, #tpu.memory_space<vmem_shared>>) offsets(%dma_start3A_116 : memref<125xi32, #tpu.memory_space<vmem>>) semaphore(%arg9 : memref<!tpu.dma_semaphore, #tpu.memory_space<semaphore_mem>>) {add = true}
      %mul3A_120 = arith.constant 8 : i32
      %mul3A_121 = arith.muli %scan3A_80, %mul3A_120 : i32
      %add3A_122 = arith.constant 4 : i32
      %add3A_123 = arith.addi %mul3A_121, %add3A_122 : i32
      %dma_start3A_124 = arith.constant 0 : i32
      %dma_start3A_125 = tpu.memref_slice %arg6[%add3A_123, %dma_start3A_124] : memref<80x125xi32, #tpu.memory_space<vmem>> -> memref<1x125xi32, #tpu.memory_space<vmem>>
      %dma_start3A_126 = tpu.memref_squeeze %dma_start3A_125 : memref<1x125xi32, #tpu.memory_space<vmem>> -> memref<125xi32, #tpu.memory_space<vmem>>
      %dma_start3A_127 = arith.constant 0 : i32
      %dma_start3A_128 = arith.constant 0 : i32
      %dma_start3A_129 = tpu.memref_slice %arg8[%dma_start3A_127, %dma_start3A_128] : memref<10000x16xf32, #tpu.memory_space<vmem_shared>> -> memref<10000x16xf32, #tpu.memory_space<vmem_shared>>
      tpu.enqueue_indirect_dma source(%arg7 : memref<125x16xf32, #tpu.memory_space<vmem>>) target(%dma_start3A_129 : memref<10000x16xf32, #tpu.memory_space<vmem_shared>>) offsets(%dma_start3A_126 : memref<125xi32, #tpu.memory_space<vmem>>) semaphore(%arg9 : memref<!tpu.dma_semaphore, #tpu.memory_space<semaphore_mem>>) {add = true}
      %mul3A_130 = arith.constant 8 : i32
      %mul3A_131 = arith.muli %scan3A_80, %mul3A_130 : i32
      %add3A_132 = arith.constant 5 : i32
      %add3A_133 = arith.addi %mul3A_131, %add3A_132 : i32
      %dma_start3A_134 = arith.constant 0 : i32
      %dma_start3A_135 = tpu.memref_slice %arg6[%add3A_133, %dma_start3A_134] : memref<80x125xi32, #tpu.memory_space<vmem>> -> memref<1x125xi32, #tpu.memory_space<vmem>>
      %dma_start3A_136 = tpu.memref_squeeze %dma_start3A_135 : memref<1x125xi32, #tpu.memory_space<vmem>> -> memref<125xi32, #tpu.memory_space<vmem>>
      %dma_start3A_137 = arith.constant 0 : i32
      %dma_start3A_138 = arith.constant 0 : i32
      %dma_start3A_139 = tpu.memref_slice %arg8[%dma_start3A_137, %dma_start3A_138] : memref<10000x16xf32, #tpu.memory_space<vmem_shared>> -> memref<10000x16xf32, #tpu.memory_space<vmem_shared>>
      tpu.enqueue_indirect_dma source(%arg7 : memref<125x16xf32, #tpu.memory_space<vmem>>) target(%dma_start3A_139 : memref<10000x16xf32, #tpu.memory_space<vmem_shared>>) offsets(%dma_start3A_136 : memref<125xi32, #tpu.memory_space<vmem>>) semaphore(%arg9 : memref<!tpu.dma_semaphore, #tpu.memory_space<semaphore_mem>>) {add = true}
      %mul3A_140 = arith.constant 8 : i32
      %mul3A_141 = arith.muli %scan3A_80, %mul3A_140 : i32
      %add3A_142 = arith.constant 6 : i32
      %add3A_143 = arith.addi %mul3A_141, %add3A_142 : i32
      %dma_start3A_144 = arith.constant 0 : i32
      %dma_start3A_145 = tpu.memref_slice %arg6[%add3A_143, %dma_start3A_144] : memref<80x125xi32, #tpu.memory_space<vmem>> -> memref<1x125xi32, #tpu.memory_space<vmem>>
      %dma_start3A_146 = tpu.memref_squeeze %dma_start3A_145 : memref<1x125xi32, #tpu.memory_space<vmem>> -> memref<125xi32, #tpu.memory_space<vmem>>
      %dma_start3A_147 = arith.constant 0 : i32
      %dma_start3A_148 = arith.constant 0 : i32
      %dma_start3A_149 = tpu.memref_slice %arg8[%dma_start3A_147, %dma_start3A_148] : memref<10000x16xf32, #tpu.memory_space<vmem_shared>> -> memref<10000x16xf32, #tpu.memory_space<vmem_shared>>
      tpu.enqueue_indirect_dma source(%arg7 : memref<125x16xf32, #tpu.memory_space<vmem>>) target(%dma_start3A_149 : memref<10000x16xf32, #tpu.memory_space<vmem_shared>>) offsets(%dma_start3A_146 : memref<125xi32, #tpu.memory_space<vmem>>) semaphore(%arg9 : memref<!tpu.dma_semaphore, #tpu.memory_space<semaphore_mem>>) {add = true}
      %mul3A_150 = arith.constant 8 : i32
      %mul3A_151 = arith.muli %scan3A_80, %mul3A_150 : i32
      %add3A_152 = arith.constant 7 : i32
      %add3A_153 = arith.addi %mul3A_151, %add3A_152 : i32
      %dma_start3A_154 = arith.constant 0 : i32
      %dma_start3A_155 = tpu.memref_slice %arg6[%add3A_153, %dma_start3A_154] : memref<80x125xi32, #tpu.memory_space<vmem>> -> memref<1x125xi32, #tpu.memory_space<vmem>>
      %dma_start3A_156 = tpu.memref_squeeze %dma_start3A_155 : memref<1x125xi32, #tpu.memory_space<vmem>> -> memref<125xi32, #tpu.memory_space<vmem>>
      %dma_start3A_157 = arith.constant 0 : i32
      %dma_start3A_158 = arith.constant 0 : i32
      %dma_start3A_159 = tpu.memref_slice %arg8[%dma_start3A_157, %dma_start3A_158] : memref<10000x16xf32, #tpu.memory_space<vmem_shared>> -> memref<10000x16xf32, #tpu.memory_space<vmem_shared>>
      tpu.enqueue_indirect_dma source(%arg7 : memref<125x16xf32, #tpu.memory_space<vmem>>) target(%dma_start3A_159 : memref<10000x16xf32, #tpu.memory_space<vmem_shared>>) offsets(%dma_start3A_156 : memref<125xi32, #tpu.memory_space<vmem>>) semaphore(%arg9 : memref<!tpu.dma_semaphore, #tpu.memory_space<semaphore_mem>>) {add = true}
      %gt3A = arith.constant 0 : i32
      %gt3A_160 = arith.cmpi sgt, %scan3A_80, %gt3A : i32
      %convert_element_type3A_161 = arith.extui %gt3A_160 : i1 to i32
      %cond3A_162 = arith.constant 0 : i32
      %cond3A_163 = arith.cmpi ne, %convert_element_type3A_161, %cond3A_162 : i32
      scf.if %cond3A_163 {
        %dma_wait3A_164 = arith.constant 0 : i32
        %dma_wait3A_165 = arith.constant 0 : i32
        %dma_wait3A_166 = tpu.memref_slice %arg6[%dma_wait3A_164, %dma_wait3A_165] : memref<80x125xi32, #tpu.memory_space<vmem>> -> memref<1x125xi32, #tpu.memory_space<vmem>>
        %dma_wait3A_167 = tpu.memref_squeeze %dma_wait3A_166 : memref<1x125xi32, #tpu.memory_space<vmem>> -> memref<125xi32, #tpu.memory_space<vmem>>
        %dma_wait3A_168 = arith.constant 0 : i32
        %dma_wait3A_169 = arith.constant 0 : i32
        %dma_wait3A_170 = tpu.memref_slice %arg8[%dma_wait3A_168, %dma_wait3A_169] : memref<10000x16xf32, #tpu.memory_space<vmem_shared>> -> memref<10000x16xf32, #tpu.memory_space<vmem_shared>>
        tpu.wait_indirect_dma semaphore(%arg9 : memref<!tpu.dma_semaphore, #tpu.memory_space<semaphore_mem>>) src(%arg7 : memref<125x16xf32, #tpu.memory_space<vmem>>) dst(%dma_wait3A_170 : memref<10000x16xf32, #tpu.memory_space<vmem_shared>>)
        %dma_wait3A_171 = arith.constant 0 : i32
        %dma_wait3A_172 = arith.constant 0 : i32
        %dma_wait3A_173 = tpu.memref_slice %arg6[%dma_wait3A_171, %dma_wait3A_172] : memref<80x125xi32, #tpu.memory_space<vmem>> -> memref<1x125xi32, #tpu.memory_space<vmem>>
        %dma_wait3A_174 = tpu.memref_squeeze %dma_wait3A_173 : memref<1x125xi32, #tpu.memory_space<vmem>> -> memref<125xi32, #tpu.memory_space<vmem>>
        %dma_wait3A_175 = arith.constant 0 : i32
        %dma_wait3A_176 = arith.constant 0 : i32
        %dma_wait3A_177 = tpu.memref_slice %arg8[%dma_wait3A_175, %dma_wait3A_176] : memref<10000x16xf32, #tpu.memory_space<vmem_shared>> -> memref<10000x16xf32, #tpu.memory_space<vmem_shared>>
        tpu.wait_indirect_dma semaphore(%arg9 : memref<!tpu.dma_semaphore, #tpu.memory_space<semaphore_mem>>) src(%arg7 : memref<125x16xf32, #tpu.memory_space<vmem>>) dst(%dma_wait3A_177 : memref<10000x16xf32, #tpu.memory_space<vmem_shared>>)
        %dma_wait3A_178 = arith.constant 0 : i32
        %dma_wait3A_179 = arith.constant 0 : i32
        %dma_wait3A_180 = tpu.memref_slice %arg6[%dma_wait3A_178, %dma_wait3A_179] : memref<80x125xi32, #tpu.memory_space<vmem>> -> memref<1x125xi32, #tpu.memory_space<vmem>>
        %dma_wait3A_181 = tpu.memref_squeeze %dma_wait3A_180 : memref<1x125xi32, #tpu.memory_space<vmem>> -> memref<125xi32, #tpu.memory_space<vmem>>
        %dma_wait3A_182 = arith.constant 0 : i32
        %dma_wait3A_183 = arith.constant 0 : i32
        %dma_wait3A_184 = tpu.memref_slice %arg8[%dma_wait3A_182, %dma_wait3A_183] : memref<10000x16xf32, #tpu.memory_space<vmem_shared>> -> memref<10000x16xf32, #tpu.memory_space<vmem_shared>>
        tpu.wait_indirect_dma semaphore(%arg9 : memref<!tpu.dma_semaphore, #tpu.memory_space<semaphore_mem>>) src(%arg7 : memref<125x16xf32, #tpu.memory_space<vmem>>) dst(%dma_wait3A_184 : memref<10000x16xf32, #tpu.memory_space<vmem_shared>>)
        %dma_wait3A_185 = arith.constant 0 : i32
        %dma_wait3A_186 = arith.constant 0 : i32
        %dma_wait3A_187 = tpu.memref_slice %arg6[%dma_wait3A_185, %dma_wait3A_186] : memref<80x125xi32, #tpu.memory_space<vmem>> -> memref<1x125xi32, #tpu.memory_space<vmem>>
        %dma_wait3A_188 = tpu.memref_squeeze %dma_wait3A_187 : memref<1x125xi32, #tpu.memory_space<vmem>> -> memref<125xi32, #tpu.memory_space<vmem>>
        %dma_wait3A_189 = arith.constant 0 : i32
        %dma_wait3A_190 = arith.constant 0 : i32
        %dma_wait3A_191 = tpu.memref_slice %arg8[%dma_wait3A_189, %dma_wait3A_190] : memref<10000x16xf32, #tpu.memory_space<vmem_shared>> -> memref<10000x16xf32, #tpu.memory_space<vmem_shared>>
        tpu.wait_indirect_dma semaphore(%arg9 : memref<!tpu.dma_semaphore, #tpu.memory_space<semaphore_mem>>) src(%arg7 : memref<125x16xf32, #tpu.memory_space<vmem>>) dst(%dma_wait3A_191 : memref<10000x16xf32, #tpu.memory_space<vmem_shared>>)
        %dma_wait3A_192 = arith.constant 0 : i32
        %dma_wait3A_193 = arith.constant 0 : i32
        %dma_wait3A_194 = tpu.memref_slice %arg6[%dma_wait3A_192, %dma_wait3A_193] : memref<80x125xi32, #tpu.memory_space<vmem>> -> memref<1x125xi32, #tpu.memory_space<vmem>>
        %dma_wait3A_195 = tpu.memref_squeeze %dma_wait3A_194 : memref<1x125xi32, #tpu.memory_space<vmem>> -> memref<125xi32, #tpu.memory_space<vmem>>
        %dma_wait3A_196 = arith.constant 0 : i32
        %dma_wait3A_197 = arith.constant 0 : i32
        %dma_wait3A_198 = tpu.memref_slice %arg8[%dma_wait3A_196, %dma_wait3A_197] : memref<10000x16xf32, #tpu.memory_space<vmem_shared>> -> memref<10000x16xf32, #tpu.memory_space<vmem_shared>>
        tpu.wait_indirect_dma semaphore(%arg9 : memref<!tpu.dma_semaphore, #tpu.memory_space<semaphore_mem>>) src(%arg7 : memref<125x16xf32, #tpu.memory_space<vmem>>) dst(%dma_wait3A_198 : memref<10000x16xf32, #tpu.memory_space<vmem_shared>>)
        %dma_wait3A_199 = arith.constant 0 : i32
        %dma_wait3A_200 = arith.constant 0 : i32
        %dma_wait3A_201 = tpu.memref_slice %arg6[%dma_wait3A_199, %dma_wait3A_200] : memref<80x125xi32, #tpu.memory_space<vmem>> -> memref<1x125xi32, #tpu.memory_space<vmem>>
        %dma_wait3A_202 = tpu.memref_squeeze %dma_wait3A_201 : memref<1x125xi32, #tpu.memory_space<vmem>> -> memref<125xi32, #tpu.memory_space<vmem>>
        %dma_wait3A_203 = arith.constant 0 : i32
        %dma_wait3A_204 = arith.constant 0 : i32
        %dma_wait3A_205 = tpu.memref_slice %arg8[%dma_wait3A_203, %dma_wait3A_204] : memref<10000x16xf32, #tpu.memory_space<vmem_shared>> -> memref<10000x16xf32, #tpu.memory_space<vmem_shared>>
        tpu.wait_indirect_dma semaphore(%arg9 : memref<!tpu.dma_semaphore, #tpu.memory_space<semaphore_mem>>) src(%arg7 : memref<125x16xf32, #tpu.memory_space<vmem>>) dst(%dma_wait3A_205 : memref<10000x16xf32, #tpu.memory_space<vmem_shared>>)
        %dma_wait3A_206 = arith.constant 0 : i32
        %dma_wait3A_207 = arith.constant 0 : i32
        %dma_wait3A_208 = tpu.memref_slice %arg6[%dma_wait3A_206, %dma_wait3A_207] : memref<80x125xi32, #tpu.memory_space<vmem>> -> memref<1x125xi32, #tpu.memory_space<vmem>>
        %dma_wait3A_209 = tpu.memref_squeeze %dma_wait3A_208 : memref<1x125xi32, #tpu.memory_space<vmem>> -> memref<125xi32, #tpu.memory_space<vmem>>
        %dma_wait3A_210 = arith.constant 0 : i32
        %dma_wait3A_211 = arith.constant 0 : i32
        %dma_wait3A_212 = tpu.memref_slice %arg8[%dma_wait3A_210, %dma_wait3A_211] : memref<10000x16xf32, #tpu.memory_space<vmem_shared>> -> memref<10000x16xf32, #tpu.memory_space<vmem_shared>>
        tpu.wait_indirect_dma semaphore(%arg9 : memref<!tpu.dma_semaphore, #tpu.memory_space<semaphore_mem>>) src(%arg7 : memref<125x16xf32, #tpu.memory_space<vmem>>) dst(%dma_wait3A_212 : memref<10000x16xf32, #tpu.memory_space<vmem_shared>>)
        %dma_wait3A_213 = arith.constant 0 : i32
        %dma_wait3A_214 = arith.constant 0 : i32
        %dma_wait3A_215 = tpu.memref_slice %arg6[%dma_wait3A_213, %dma_wait3A_214] : memref<80x125xi32, #tpu.memory_space<vmem>> -> memref<1x125xi32, #tpu.memory_space<vmem>>
        %dma_wait3A_216 = tpu.memref_squeeze %dma_wait3A_215 : memref<1x125xi32, #tpu.memory_space<vmem>> -> memref<125xi32, #tpu.memory_space<vmem>>
        %dma_wait3A_217 = arith.constant 0 : i32
        %dma_wait3A_218 = arith.constant 0 : i32
        %dma_wait3A_219 = tpu.memref_slice %arg8[%dma_wait3A_217, %dma_wait3A_218] : memref<10000x16xf32, #tpu.memory_space<vmem_shared>> -> memref<10000x16xf32, #tpu.memory_space<vmem_shared>>
        tpu.wait_indirect_dma semaphore(%arg9 : memref<!tpu.dma_semaphore, #tpu.memory_space<semaphore_mem>>) src(%arg7 : memref<125x16xf32, #tpu.memory_space<vmem>>) dst(%dma_wait3A_219 : memref<10000x16xf32, #tpu.memory_space<vmem_shared>>)
      } else {
      }
    }
    %scan3A_13 = arith.constant 10 : i32
    %dma_wait3A = arith.constant 0 : i32
    %dma_wait3A_14 = arith.constant 0 : i32
    %dma_wait3A_15 = tpu.memref_slice %arg6[%dma_wait3A, %dma_wait3A_14] : memref<80x125xi32, #tpu.memory_space<vmem>> -> memref<1x125xi32, #tpu.memory_space<vmem>>
    %dma_wait3A_16 = tpu.memref_squeeze %dma_wait3A_15 : memref<1x125xi32, #tpu.memory_space<vmem>> -> memref<125xi32, #tpu.memory_space<vmem>>
    %dma_wait3A_17 = arith.constant 0 : i32
    %dma_wait3A_18 = arith.constant 0 : i32
    %dma_wait3A_19 = tpu.memref_slice %arg8[%dma_wait3A_17, %dma_wait3A_18] : memref<10000x16xf32, #tpu.memory_space<vmem_shared>> -> memref<10000x16xf32, #tpu.memory_space<vmem_shared>>
    tpu.wait_indirect_dma semaphore(%arg9 : memref<!tpu.dma_semaphore, #tpu.memory_space<semaphore_mem>>) src(%arg7 : memref<125x16xf32, #tpu.memory_space<vmem>>) dst(%dma_wait3A_19 : memref<10000x16xf32, #tpu.memory_space<vmem_shared>>)
    %dma_wait3A_20 = arith.constant 0 : i32
    %dma_wait3A_21 = arith.constant 0 : i32
    %dma_wait3A_22 = tpu.memref_slice %arg6[%dma_wait3A_20, %dma_wait3A_21] : memref<80x125xi32, #tpu.memory_space<vmem>> -> memref<1x125xi32, #tpu.memory_space<vmem>>
    %dma_wait3A_23 = tpu.memref_squeeze %dma_wait3A_22 : memref<1x125xi32, #tpu.memory_space<vmem>> -> memref<125xi32, #tpu.memory_space<vmem>>
    %dma_wait3A_24 = arith.constant 0 : i32
    %dma_wait3A_25 = arith.constant 0 : i32
    %dma_wait3A_26 = tpu.memref_slice %arg8[%dma_wait3A_24, %dma_wait3A_25] : memref<10000x16xf32, #tpu.memory_space<vmem_shared>> -> memref<10000x16xf32, #tpu.memory_space<vmem_shared>>
    tpu.wait_indirect_dma semaphore(%arg9 : memref<!tpu.dma_semaphore, #tpu.memory_space<semaphore_mem>>) src(%arg7 : memref<125x16xf32, #tpu.memory_space<vmem>>) dst(%dma_wait3A_26 : memref<10000x16xf32, #tpu.memory_space<vmem_shared>>)
    %dma_wait3A_27 = arith.constant 0 : i32
    %dma_wait3A_28 = arith.constant 0 : i32
    %dma_wait3A_29 = tpu.memref_slice %arg6[%dma_wait3A_27, %dma_wait3A_28] : memref<80x125xi32, #tpu.memory_space<vmem>> -> memref<1x125xi32, #tpu.memory_space<vmem>>
    %dma_wait3A_30 = tpu.memref_squeeze %dma_wait3A_29 : memref<1x125xi32, #tpu.memory_space<vmem>> -> memref<125xi32, #tpu.memory_space<vmem>>
    %dma_wait3A_31 = arith.constant 0 : i32
    %dma_wait3A_32 = arith.constant 0 : i32
    %dma_wait3A_33 = tpu.memref_slice %arg8[%dma_wait3A_31, %dma_wait3A_32] : memref<10000x16xf32, #tpu.memory_space<vmem_shared>> -> memref<10000x16xf32, #tpu.memory_space<vmem_shared>>
    tpu.wait_indirect_dma semaphore(%arg9 : memref<!tpu.dma_semaphore, #tpu.memory_space<semaphore_mem>>) src(%arg7 : memref<125x16xf32, #tpu.memory_space<vmem>>) dst(%dma_wait3A_33 : memref<10000x16xf32, #tpu.memory_space<vmem_shared>>)
    %dma_wait3A_34 = arith.constant 0 : i32
    %dma_wait3A_35 = arith.constant 0 : i32
    %dma_wait3A_36 = tpu.memref_slice %arg6[%dma_wait3A_34, %dma_wait3A_35] : memref<80x125xi32, #tpu.memory_space<vmem>> -> memref<1x125xi32, #tpu.memory_space<vmem>>
    %dma_wait3A_37 = tpu.memref_squeeze %dma_wait3A_36 : memref<1x125xi32, #tpu.memory_space<vmem>> -> memref<125xi32, #tpu.memory_space<vmem>>
    %dma_wait3A_38 = arith.constant 0 : i32
    %dma_wait3A_39 = arith.constant 0 : i32
    %dma_wait3A_40 = tpu.memref_slice %arg8[%dma_wait3A_38, %dma_wait3A_39] : memref<10000x16xf32, #tpu.memory_space<vmem_shared>> -> memref<10000x16xf32, #tpu.memory_space<vmem_shared>>
    tpu.wait_indirect_dma semaphore(%arg9 : memref<!tpu.dma_semaphore, #tpu.memory_space<semaphore_mem>>) src(%arg7 : memref<125x16xf32, #tpu.memory_space<vmem>>) dst(%dma_wait3A_40 : memref<10000x16xf32, #tpu.memory_space<vmem_shared>>)
    %dma_wait3A_41 = arith.constant 0 : i32
    %dma_wait3A_42 = arith.constant 0 : i32
    %dma_wait3A_43 = tpu.memref_slice %arg6[%dma_wait3A_41, %dma_wait3A_42] : memref<80x125xi32, #tpu.memory_space<vmem>> -> memref<1x125xi32, #tpu.memory_space<vmem>>
    %dma_wait3A_44 = tpu.memref_squeeze %dma_wait3A_43 : memref<1x125xi32, #tpu.memory_space<vmem>> -> memref<125xi32, #tpu.memory_space<vmem>>
    %dma_wait3A_45 = arith.constant 0 : i32
    %dma_wait3A_46 = arith.constant 0 : i32
    %dma_wait3A_47 = tpu.memref_slice %arg8[%dma_wait3A_45, %dma_wait3A_46] : memref<10000x16xf32, #tpu.memory_space<vmem_shared>> -> memref<10000x16xf32, #tpu.memory_space<vmem_shared>>
    tpu.wait_indirect_dma semaphore(%arg9 : memref<!tpu.dma_semaphore, #tpu.memory_space<semaphore_mem>>) src(%arg7 : memref<125x16xf32, #tpu.memory_space<vmem>>) dst(%dma_wait3A_47 : memref<10000x16xf32, #tpu.memory_space<vmem_shared>>)
    %dma_wait3A_48 = arith.constant 0 : i32
    %dma_wait3A_49 = arith.constant 0 : i32
    %dma_wait3A_50 = tpu.memref_slice %arg6[%dma_wait3A_48, %dma_wait3A_49] : memref<80x125xi32, #tpu.memory_space<vmem>> -> memref<1x125xi32, #tpu.memory_space<vmem>>
    %dma_wait3A_51 = tpu.memref_squeeze %dma_wait3A_50 : memref<1x125xi32, #tpu.memory_space<vmem>> -> memref<125xi32, #tpu.memory_space<vmem>>
    %dma_wait3A_52 = arith.constant 0 : i32
    %dma_wait3A_53 = arith.constant 0 : i32
    %dma_wait3A_54 = tpu.memref_slice %arg8[%dma_wait3A_52, %dma_wait3A_53] : memref<10000x16xf32, #tpu.memory_space<vmem_shared>> -> memref<10000x16xf32, #tpu.memory_space<vmem_shared>>
    tpu.wait_indirect_dma semaphore(%arg9 : memref<!tpu.dma_semaphore, #tpu.memory_space<semaphore_mem>>) src(%arg7 : memref<125x16xf32, #tpu.memory_space<vmem>>) dst(%dma_wait3A_54 : memref<10000x16xf32, #tpu.memory_space<vmem_shared>>)
    %dma_wait3A_55 = arith.constant 0 : i32
    %dma_wait3A_56 = arith.constant 0 : i32
    %dma_wait3A_57 = tpu.memref_slice %arg6[%dma_wait3A_55, %dma_wait3A_56] : memref<80x125xi32, #tpu.memory_space<vmem>> -> memref<1x125xi32, #tpu.memory_space<vmem>>
    %dma_wait3A_58 = tpu.memref_squeeze %dma_wait3A_57 : memref<1x125xi32, #tpu.memory_space<vmem>> -> memref<125xi32, #tpu.memory_space<vmem>>
    %dma_wait3A_59 = arith.constant 0 : i32
    %dma_wait3A_60 = arith.constant 0 : i32
    %dma_wait3A_61 = tpu.memref_slice %arg8[%dma_wait3A_59, %dma_wait3A_60] : memref<10000x16xf32, #tpu.memory_space<vmem_shared>> -> memref<10000x16xf32, #tpu.memory_space<vmem_shared>>
    tpu.wait_indirect_dma semaphore(%arg9 : memref<!tpu.dma_semaphore, #tpu.memory_space<semaphore_mem>>) src(%arg7 : memref<125x16xf32, #tpu.memory_space<vmem>>) dst(%dma_wait3A_61 : memref<10000x16xf32, #tpu.memory_space<vmem_shared>>)
    %dma_wait3A_62 = arith.constant 0 : i32
    %dma_wait3A_63 = arith.constant 0 : i32
    %dma_wait3A_64 = tpu.memref_slice %arg6[%dma_wait3A_62, %dma_wait3A_63] : memref<80x125xi32, #tpu.memory_space<vmem>> -> memref<1x125xi32, #tpu.memory_space<vmem>>
    %dma_wait3A_65 = tpu.memref_squeeze %dma_wait3A_64 : memref<1x125xi32, #tpu.memory_space<vmem>> -> memref<125xi32, #tpu.memory_space<vmem>>
    %dma_wait3A_66 = arith.constant 0 : i32
    %dma_wait3A_67 = arith.constant 0 : i32
    %dma_wait3A_68 = tpu.memref_slice %arg8[%dma_wait3A_66, %dma_wait3A_67] : memref<10000x16xf32, #tpu.memory_space<vmem_shared>> -> memref<10000x16xf32, #tpu.memory_space<vmem_shared>>
    tpu.wait_indirect_dma semaphore(%arg9 : memref<!tpu.dma_semaphore, #tpu.memory_space<semaphore_mem>>) src(%arg7 : memref<125x16xf32, #tpu.memory_space<vmem>>) dst(%dma_wait3A_68 : memref<10000x16xf32, #tpu.memory_space<vmem_shared>>)
    %barrier3A_69 = arith.constant 0 : index
    tpu.barrier barrier_id(%barrier3A_69)
    %lt3A_70 = arith.constant 15 : i32
    %lt3A_71 = arith.cmpi slt, %arg1, %lt3A_70 : i32
    %convert_element_type3A_72 = arith.extui %lt3A_71 : i1 to i32
    %cond3A_73 = arith.constant 0 : i32
    %cond3A_74 = arith.cmpi ne, %convert_element_type3A_72, %cond3A_73 : i32
    scf.if %cond3A_74 {
      "tpu.region"() ({
        %run_scoped3A = tpu.sem_alloc : memref<!tpu.dma_semaphore, #tpu.memory_space<semaphore_mem>>
        %dma_start3A = arith.constant 0 : i32
        %dma_start3A_80 = tpu.memref_slice %arg5[%arg0, %mul3A_2, %dma_start3A] : memref<2x10000x16xf32, #tpu.memory_space<hbm>> -> memref<1x632x16xf32, #tpu.memory_space<hbm>>
        %dma_start3A_81 = tpu.memref_squeeze %dma_start3A_80 : memref<1x632x16xf32, #tpu.memory_space<hbm>> -> memref<632x16xf32, #tpu.memory_space<hbm>>
        %dma_start3A_82 = arith.constant 0 : i32
        %dma_start3A_83 = tpu.memref_slice %arg8[%mul3A_2, %dma_start3A_82] : memref<10000x16xf32, #tpu.memory_space<vmem_shared>> -> memref<632x16xf32, #tpu.memory_space<vmem_shared>>
        tpu.enqueue_dma source(%dma_start3A_83 : memref<632x16xf32, #tpu.memory_space<vmem_shared>>) target(%dma_start3A_81 : memref<632x16xf32, #tpu.memory_space<hbm>>) target_semaphore(%run_scoped3A : memref<!tpu.dma_semaphore, #tpu.memory_space<semaphore_mem>>)
        %dma_wait3A_84 = arith.constant 0 : i32
        %dma_wait3A_85 = tpu.memref_slice %arg5[%arg0, %mul3A_2, %dma_wait3A_84] : memref<2x10000x16xf32, #tpu.memory_space<hbm>> -> memref<1x632x16xf32, #tpu.memory_space<hbm>>
        %dma_wait3A_86 = tpu.memref_squeeze %dma_wait3A_85 : memref<1x632x16xf32, #tpu.memory_space<hbm>> -> memref<632x16xf32, #tpu.memory_space<hbm>>
        %dma_wait3A_87 = arith.constant 0 : i32
        %dma_wait3A_88 = tpu.memref_slice %arg8[%mul3A_2, %dma_wait3A_87] : memref<10000x16xf32, #tpu.memory_space<vmem_shared>> -> memref<632x16xf32, #tpu.memory_space<vmem_shared>>
        tpu.wait_dma2 semaphore(%run_scoped3A : memref<!tpu.dma_semaphore, #tpu.memory_space<semaphore_mem>>) src(%dma_wait3A_88 : memref<632x16xf32, #tpu.memory_space<vmem_shared>>) dst(%dma_wait3A_86 : memref<632x16xf32, #tpu.memory_space<hbm>>)
        tpu.yield
      }) : () -> ()
    } else {
    }
    %eq3A_75 = arith.constant 15 : i32
    %eq3A_76 = arith.cmpi eq, %arg1, %eq3A_75 : i32
    %convert_element_type3A_77 = arith.extui %eq3A_76 : i1 to i32
    %cond3A_78 = arith.constant 0 : i32
    %cond3A_79 = arith.cmpi ne, %convert_element_type3A_77, %cond3A_78 : i32
    scf.if %cond3A_79 {
      "tpu.region"() ({
        %run_scoped3A = tpu.sem_alloc : memref<!tpu.dma_semaphore, #tpu.memory_space<semaphore_mem>>
        %dma_start3A = arith.constant 0 : i32
        %dma_start3A_80 = tpu.memref_slice %arg5[%arg0, %mul3A_2, %dma_start3A] : memref<2x10000x16xf32, #tpu.memory_space<hbm>> -> memref<1x520x16xf32, #tpu.memory_space<hbm>>
        %dma_start3A_81 = tpu.memref_squeeze %dma_start3A_80 : memref<1x520x16xf32, #tpu.memory_space<hbm>> -> memref<520x16xf32, #tpu.memory_space<hbm>>
        %dma_start3A_82 = arith.constant 0 : i32
        %dma_start3A_83 = tpu.memref_slice %arg8[%mul3A_2, %dma_start3A_82] : memref<10000x16xf32, #tpu.memory_space<vmem_shared>> -> memref<520x16xf32, #tpu.memory_space<vmem_shared>>
        tpu.enqueue_dma source(%dma_start3A_83 : memref<520x16xf32, #tpu.memory_space<vmem_shared>>) target(%dma_start3A_81 : memref<520x16xf32, #tpu.memory_space<hbm>>) target_semaphore(%run_scoped3A : memref<!tpu.dma_semaphore, #tpu.memory_space<semaphore_mem>>)
        %dma_wait3A_84 = arith.constant 0 : i32
        %dma_wait3A_85 = tpu.memref_slice %arg5[%arg0, %mul3A_2, %dma_wait3A_84] : memref<2x10000x16xf32, #tpu.memory_space<hbm>> -> memref<1x520x16xf32, #tpu.memory_space<hbm>>
        %dma_wait3A_86 = tpu.memref_squeeze %dma_wait3A_85 : memref<1x520x16xf32, #tpu.memory_space<hbm>> -> memref<520x16xf32, #tpu.memory_space<hbm>>
        %dma_wait3A_87 = arith.constant 0 : i32
        %dma_wait3A_88 = tpu.memref_slice %arg8[%mul3A_2, %dma_wait3A_87] : memref<10000x16xf32, #tpu.memory_space<vmem_shared>> -> memref<520x16xf32, #tpu.memory_space<vmem_shared>>
        tpu.wait_dma2 semaphore(%run_scoped3A : memref<!tpu.dma_semaphore, #tpu.memory_space<semaphore_mem>>) src(%dma_wait3A_88 : memref<520x16xf32, #tpu.memory_space<vmem_shared>>) dst(%dma_wait3A_86 : memref<520x16xf32, #tpu.memory_space<hbm>>)
        tpu.yield
      }) : () -> ()
    } else {
    }
    return
  }
}

#map = affine_map<(d0, d1) -> (0, 0)>
#map1 = affine_map<(d0, d1) -> (0, 0, 0)>
module attributes {stable_mosaic.version = 14 : i64} {
  func.func @_edge_kernel(%arg0: i32, %arg1: i32, %arg2: memref<10000x128xf32, #tpu.memory_space<hbm>>, %arg3: memref<32x80x125xi32, #tpu.memory_space<hbm>>, %arg4: memref<32x80x125xi32, #tpu.memory_space<hbm>>, %arg5: memref<10000x128xf32, #tpu.memory_space<hbm>>, %arg6: memref<2x10000x128xf32, #tpu.memory_space<hbm>>, %arg7: memref<2x8x125xi32, #tpu.memory_space<vmem>>, %arg8: memref<2x8x125xi32, #tpu.memory_space<vmem>>, %arg9: memref<2x125x128xf32, #tpu.memory_space<vmem>>, %arg10: memref<10000x128xf32, #tpu.memory_space<vmem_shared>>, %arg11: memref<!tpu.dma_semaphore, #tpu.memory_space<semaphore_mem>>, %arg12: memref<!tpu.dma_semaphore, #tpu.memory_space<semaphore_mem>>, %arg13: memref<!tpu.dma_semaphore, #tpu.memory_space<semaphore_mem>>) attributes {dimension_semantics = [#tpu.dimension_semantics<core_parallel>, #tpu.dimension_semantics<subcore_parallel>], iteration_bounds = array<i64: 2, 16>, scalar_prefetch = 0 : i64, scratch_operands = 7 : i64, tpu.core_type = #tpu.core_type<sc_vector_subcore>, window_params = [{transform_indices = #map}, {transform_indices = #map1}, {transform_indices = #map1}, {transform_indices = #map}, {transform_indices = #map1}]} {
    %mul3A = arith.constant 16 : i32
    %mul3A_0 = arith.muli %arg0, %mul3A : i32
    %add3A = arith.addi %mul3A_0, %arg1 : i32
    %mul3A_1 = arith.constant 632 : i32
    %mul3A_2 = arith.muli %arg1, %mul3A_1 : i32
    %lt3A = arith.constant 15 : i32
    %lt3A_3 = arith.cmpi slt, %arg1, %lt3A : i32
    %convert_element_type3A = arith.extui %lt3A_3 : i1 to i32
    %cond3A = arith.constant 0 : i32
    %cond3A_4 = arith.cmpi ne, %convert_element_type3A, %cond3A : i32
    scf.if %cond3A_4 {
      %eq3A_60 = arith.constant 0 : i32
      %eq3A_61 = arith.cmpi eq, %arg0, %eq3A_60 : i32
      %convert_element_type3A_62 = arith.extui %eq3A_61 : i1 to i32
      %cond3A_63 = arith.constant 0 : i32
      %cond3A_64 = arith.cmpi ne, %convert_element_type3A_62, %cond3A_63 : i32
      scf.if %cond3A_64 {
        %dma_start3A_70 = arith.constant 0 : i32
        %dma_start3A_71 = tpu.memref_slice %arg10[%mul3A_2, %dma_start3A_70] : memref<10000x128xf32, #tpu.memory_space<vmem_shared>> -> memref<632x128xf32, #tpu.memory_space<vmem_shared>>
        %dma_start3A_72 = arith.constant 0 : i32
        %dma_start3A_73 = tpu.memref_slice %arg2[%mul3A_2, %dma_start3A_72] : memref<10000x128xf32, #tpu.memory_space<hbm>> -> memref<632x128xf32, #tpu.memory_space<hbm>>
        tpu.enqueue_dma source(%dma_start3A_73 : memref<632x128xf32, #tpu.memory_space<hbm>>) target(%dma_start3A_71 : memref<632x128xf32, #tpu.memory_space<vmem_shared>>) target_semaphore(%arg13 : memref<!tpu.dma_semaphore, #tpu.memory_space<semaphore_mem>>)
      } else {
      }
      %eq3A_65 = arith.constant 1 : i32
      %eq3A_66 = arith.cmpi eq, %arg0, %eq3A_65 : i32
      %convert_element_type3A_67 = arith.extui %eq3A_66 : i1 to i32
      %cond3A_68 = arith.constant 0 : i32
      %cond3A_69 = arith.cmpi ne, %convert_element_type3A_67, %cond3A_68 : i32
      scf.if %cond3A_69 {
        %dma_start3A_70 = arith.constant 0 : i32
        %dma_start3A_71 = tpu.memref_slice %arg10[%mul3A_2, %dma_start3A_70] : memref<10000x128xf32, #tpu.memory_space<vmem_shared>> -> memref<632x128xf32, #tpu.memory_space<vmem_shared>>
        %dma_start3A_72 = arith.constant 0 : i32
        %dma_start3A_73 = tpu.memref_slice %arg5[%mul3A_2, %dma_start3A_72] : memref<10000x128xf32, #tpu.memory_space<hbm>> -> memref<632x128xf32, #tpu.memory_space<hbm>>
        tpu.enqueue_dma source(%dma_start3A_73 : memref<632x128xf32, #tpu.memory_space<hbm>>) target(%dma_start3A_71 : memref<632x128xf32, #tpu.memory_space<vmem_shared>>) target_semaphore(%arg13 : memref<!tpu.dma_semaphore, #tpu.memory_space<semaphore_mem>>)
      } else {
      }
    } else {
    }
    %eq3A = arith.constant 15 : i32
    %eq3A_5 = arith.cmpi eq, %arg1, %eq3A : i32
    %convert_element_type3A_6 = arith.extui %eq3A_5 : i1 to i32
    %cond3A_7 = arith.constant 0 : i32
    %cond3A_8 = arith.cmpi ne, %convert_element_type3A_6, %cond3A_7 : i32
    scf.if %cond3A_8 {
      %eq3A_60 = arith.constant 0 : i32
      %eq3A_61 = arith.cmpi eq, %arg0, %eq3A_60 : i32
      %convert_element_type3A_62 = arith.extui %eq3A_61 : i1 to i32
      %cond3A_63 = arith.constant 0 : i32
      %cond3A_64 = arith.cmpi ne, %convert_element_type3A_62, %cond3A_63 : i32
      scf.if %cond3A_64 {
        %dma_start3A_70 = arith.constant 0 : i32
        %dma_start3A_71 = tpu.memref_slice %arg10[%mul3A_2, %dma_start3A_70] : memref<10000x128xf32, #tpu.memory_space<vmem_shared>> -> memref<520x128xf32, #tpu.memory_space<vmem_shared>>
        %dma_start3A_72 = arith.constant 0 : i32
        %dma_start3A_73 = tpu.memref_slice %arg2[%mul3A_2, %dma_start3A_72] : memref<10000x128xf32, #tpu.memory_space<hbm>> -> memref<520x128xf32, #tpu.memory_space<hbm>>
        tpu.enqueue_dma source(%dma_start3A_73 : memref<520x128xf32, #tpu.memory_space<hbm>>) target(%dma_start3A_71 : memref<520x128xf32, #tpu.memory_space<vmem_shared>>) target_semaphore(%arg13 : memref<!tpu.dma_semaphore, #tpu.memory_space<semaphore_mem>>)
      } else {
      }
      %eq3A_65 = arith.constant 1 : i32
      %eq3A_66 = arith.cmpi eq, %arg0, %eq3A_65 : i32
      %convert_element_type3A_67 = arith.extui %eq3A_66 : i1 to i32
      %cond3A_68 = arith.constant 0 : i32
      %cond3A_69 = arith.cmpi ne, %convert_element_type3A_67, %cond3A_68 : i32
      scf.if %cond3A_69 {
        %dma_start3A_70 = arith.constant 0 : i32
        %dma_start3A_71 = tpu.memref_slice %arg10[%mul3A_2, %dma_start3A_70] : memref<10000x128xf32, #tpu.memory_space<vmem_shared>> -> memref<520x128xf32, #tpu.memory_space<vmem_shared>>
        %dma_start3A_72 = arith.constant 0 : i32
        %dma_start3A_73 = tpu.memref_slice %arg5[%mul3A_2, %dma_start3A_72] : memref<10000x128xf32, #tpu.memory_space<hbm>> -> memref<520x128xf32, #tpu.memory_space<hbm>>
        tpu.enqueue_dma source(%dma_start3A_73 : memref<520x128xf32, #tpu.memory_space<hbm>>) target(%dma_start3A_71 : memref<520x128xf32, #tpu.memory_space<vmem_shared>>) target_semaphore(%arg13 : memref<!tpu.dma_semaphore, #tpu.memory_space<semaphore_mem>>)
      } else {
      }
    } else {
    }
    %run_scoped3A = arith.constant 0 : i32
    "tpu.region"() ({
      %run_scoped3A_60 = tpu.sem_alloc : memref<!tpu.dma_semaphore, #tpu.memory_space<semaphore_mem>>
      %dma_start3A_61 = arith.constant 0 : i32
      %dma_start3A_62 = arith.constant 0 : i32
      %dma_start3A_63 = tpu.memref_slice %arg7[%run_scoped3A, %dma_start3A_61, %dma_start3A_62] : memref<2x8x125xi32, #tpu.memory_space<vmem>> -> memref<1x8x125xi32, #tpu.memory_space<vmem>>
      %dma_start3A_64 = tpu.memref_squeeze %dma_start3A_63 : memref<1x8x125xi32, #tpu.memory_space<vmem>> -> memref<8x125xi32, #tpu.memory_space<vmem>>
      %dma_start3A_65 = arith.constant 0 : i32
      %dma_start3A_66 = arith.constant 0 : i32
      %dma_start3A_67 = tpu.memref_slice %arg3[%add3A, %dma_start3A_65, %dma_start3A_66] : memref<32x80x125xi32, #tpu.memory_space<hbm>> -> memref<1x8x125xi32, #tpu.memory_space<hbm>>
      %dma_start3A_68 = tpu.memref_squeeze %dma_start3A_67 : memref<1x8x125xi32, #tpu.memory_space<hbm>> -> memref<8x125xi32, #tpu.memory_space<hbm>>
      %dma_start3A_69 = arith.constant 0 : i32
      %dma_start3A_70 = arith.constant 0 : i32
      %dma_start3A_71 = tpu.memref_slice %arg7[%run_scoped3A, %dma_start3A_69, %dma_start3A_70] : memref<2x8x125xi32, #tpu.memory_space<vmem>> -> memref<1x8x125xi32, #tpu.memory_space<vmem>>
      %dma_start3A_72 = tpu.memref_squeeze %dma_start3A_71 : memref<1x8x125xi32, #tpu.memory_space<vmem>> -> memref<8x125xi32, #tpu.memory_space<vmem>>
      %dma_start3A_73 = arith.constant 0 : i32
      %dma_start3A_74 = arith.constant 0 : i32
      %dma_start3A_75 = tpu.memref_slice %arg3[%add3A, %dma_start3A_73, %dma_start3A_74] : memref<32x80x125xi32, #tpu.memory_space<hbm>> -> memref<1x8x125xi32, #tpu.memory_space<hbm>>
      %dma_start3A_76 = tpu.memref_squeeze %dma_start3A_75 : memref<1x8x125xi32, #tpu.memory_space<hbm>> -> memref<8x125xi32, #tpu.memory_space<hbm>>
      tpu.enqueue_dma source(%dma_start3A_76 : memref<8x125xi32, #tpu.memory_space<hbm>>) target(%dma_start3A_72 : memref<8x125xi32, #tpu.memory_space<vmem>>) target_semaphore(%run_scoped3A_60 : memref<!tpu.dma_semaphore, #tpu.memory_space<semaphore_mem>>)
      %dma_wait3A_77 = arith.constant 0 : i32
      %dma_wait3A_78 = arith.constant 0 : i32
      %dma_wait3A_79 = tpu.memref_slice %arg7[%run_scoped3A, %dma_wait3A_77, %dma_wait3A_78] : memref<2x8x125xi32, #tpu.memory_space<vmem>> -> memref<1x8x125xi32, #tpu.memory_space<vmem>>
      %dma_wait3A_80 = tpu.memref_squeeze %dma_wait3A_79 : memref<1x8x125xi32, #tpu.memory_space<vmem>> -> memref<8x125xi32, #tpu.memory_space<vmem>>
      %dma_wait3A_81 = arith.constant 0 : i32
      %dma_wait3A_82 = arith.constant 0 : i32
      %dma_wait3A_83 = tpu.memref_slice %arg3[%add3A, %dma_wait3A_81, %dma_wait3A_82] : memref<32x80x125xi32, #tpu.memory_space<hbm>> -> memref<1x8x125xi32, #tpu.memory_space<hbm>>
      %dma_wait3A_84 = tpu.memref_squeeze %dma_wait3A_83 : memref<1x8x125xi32, #tpu.memory_space<hbm>> -> memref<8x125xi32, #tpu.memory_space<hbm>>
      %dma_wait3A_85 = arith.constant 0 : i32
      %dma_wait3A_86 = arith.constant 0 : i32
      %dma_wait3A_87 = tpu.memref_slice %arg7[%run_scoped3A, %dma_wait3A_85, %dma_wait3A_86] : memref<2x8x125xi32, #tpu.memory_space<vmem>> -> memref<1x8x125xi32, #tpu.memory_space<vmem>>
      %dma_wait3A_88 = tpu.memref_squeeze %dma_wait3A_87 : memref<1x8x125xi32, #tpu.memory_space<vmem>> -> memref<8x125xi32, #tpu.memory_space<vmem>>
      %dma_wait3A_89 = arith.constant 0 : i32
      %dma_wait3A_90 = arith.constant 0 : i32
      %dma_wait3A_91 = tpu.memref_slice %arg3[%add3A, %dma_wait3A_89, %dma_wait3A_90] : memref<32x80x125xi32, #tpu.memory_space<hbm>> -> memref<1x8x125xi32, #tpu.memory_space<hbm>>
      %dma_wait3A_92 = tpu.memref_squeeze %dma_wait3A_91 : memref<1x8x125xi32, #tpu.memory_space<hbm>> -> memref<8x125xi32, #tpu.memory_space<hbm>>
      tpu.wait_dma2 semaphore(%run_scoped3A_60 : memref<!tpu.dma_semaphore, #tpu.memory_space<semaphore_mem>>) src(%dma_wait3A_92 : memref<8x125xi32, #tpu.memory_space<hbm>>) dst(%dma_wait3A_88 : memref<8x125xi32, #tpu.memory_space<vmem>>)
      tpu.yield
    }) : () -> ()
    %run_scoped3A_9 = arith.constant 0 : i32
    "tpu.region"() ({
      %run_scoped3A_60 = tpu.sem_alloc : memref<!tpu.dma_semaphore, #tpu.memory_space<semaphore_mem>>
      %dma_start3A_61 = arith.constant 0 : i32
      %dma_start3A_62 = arith.constant 0 : i32
      %dma_start3A_63 = tpu.memref_slice %arg8[%run_scoped3A_9, %dma_start3A_61, %dma_start3A_62] : memref<2x8x125xi32, #tpu.memory_space<vmem>> -> memref<1x8x125xi32, #tpu.memory_space<vmem>>
      %dma_start3A_64 = tpu.memref_squeeze %dma_start3A_63 : memref<1x8x125xi32, #tpu.memory_space<vmem>> -> memref<8x125xi32, #tpu.memory_space<vmem>>
      %dma_start3A_65 = arith.constant 0 : i32
      %dma_start3A_66 = arith.constant 0 : i32
      %dma_start3A_67 = tpu.memref_slice %arg4[%add3A, %dma_start3A_65, %dma_start3A_66] : memref<32x80x125xi32, #tpu.memory_space<hbm>> -> memref<1x8x125xi32, #tpu.memory_space<hbm>>
      %dma_start3A_68 = tpu.memref_squeeze %dma_start3A_67 : memref<1x8x125xi32, #tpu.memory_space<hbm>> -> memref<8x125xi32, #tpu.memory_space<hbm>>
      %dma_start3A_69 = arith.constant 0 : i32
      %dma_start3A_70 = arith.constant 0 : i32
      %dma_start3A_71 = tpu.memref_slice %arg8[%run_scoped3A_9, %dma_start3A_69, %dma_start3A_70] : memref<2x8x125xi32, #tpu.memory_space<vmem>> -> memref<1x8x125xi32, #tpu.memory_space<vmem>>
      %dma_start3A_72 = tpu.memref_squeeze %dma_start3A_71 : memref<1x8x125xi32, #tpu.memory_space<vmem>> -> memref<8x125xi32, #tpu.memory_space<vmem>>
      %dma_start3A_73 = arith.constant 0 : i32
      %dma_start3A_74 = arith.constant 0 : i32
      %dma_start3A_75 = tpu.memref_slice %arg4[%add3A, %dma_start3A_73, %dma_start3A_74] : memref<32x80x125xi32, #tpu.memory_space<hbm>> -> memref<1x8x125xi32, #tpu.memory_space<hbm>>
      %dma_start3A_76 = tpu.memref_squeeze %dma_start3A_75 : memref<1x8x125xi32, #tpu.memory_space<hbm>> -> memref<8x125xi32, #tpu.memory_space<hbm>>
      tpu.enqueue_dma source(%dma_start3A_76 : memref<8x125xi32, #tpu.memory_space<hbm>>) target(%dma_start3A_72 : memref<8x125xi32, #tpu.memory_space<vmem>>) target_semaphore(%run_scoped3A_60 : memref<!tpu.dma_semaphore, #tpu.memory_space<semaphore_mem>>)
      %dma_wait3A_77 = arith.constant 0 : i32
      %dma_wait3A_78 = arith.constant 0 : i32
      %dma_wait3A_79 = tpu.memref_slice %arg8[%run_scoped3A_9, %dma_wait3A_77, %dma_wait3A_78] : memref<2x8x125xi32, #tpu.memory_space<vmem>> -> memref<1x8x125xi32, #tpu.memory_space<vmem>>
      %dma_wait3A_80 = tpu.memref_squeeze %dma_wait3A_79 : memref<1x8x125xi32, #tpu.memory_space<vmem>> -> memref<8x125xi32, #tpu.memory_space<vmem>>
      %dma_wait3A_81 = arith.constant 0 : i32
      %dma_wait3A_82 = arith.constant 0 : i32
      %dma_wait3A_83 = tpu.memref_slice %arg4[%add3A, %dma_wait3A_81, %dma_wait3A_82] : memref<32x80x125xi32, #tpu.memory_space<hbm>> -> memref<1x8x125xi32, #tpu.memory_space<hbm>>
      %dma_wait3A_84 = tpu.memref_squeeze %dma_wait3A_83 : memref<1x8x125xi32, #tpu.memory_space<hbm>> -> memref<8x125xi32, #tpu.memory_space<hbm>>
      %dma_wait3A_85 = arith.constant 0 : i32
      %dma_wait3A_86 = arith.constant 0 : i32
      %dma_wait3A_87 = tpu.memref_slice %arg8[%run_scoped3A_9, %dma_wait3A_85, %dma_wait3A_86] : memref<2x8x125xi32, #tpu.memory_space<vmem>> -> memref<1x8x125xi32, #tpu.memory_space<vmem>>
      %dma_wait3A_88 = tpu.memref_squeeze %dma_wait3A_87 : memref<1x8x125xi32, #tpu.memory_space<vmem>> -> memref<8x125xi32, #tpu.memory_space<vmem>>
      %dma_wait3A_89 = arith.constant 0 : i32
      %dma_wait3A_90 = arith.constant 0 : i32
      %dma_wait3A_91 = tpu.memref_slice %arg4[%add3A, %dma_wait3A_89, %dma_wait3A_90] : memref<32x80x125xi32, #tpu.memory_space<hbm>> -> memref<1x8x125xi32, #tpu.memory_space<hbm>>
      %dma_wait3A_92 = tpu.memref_squeeze %dma_wait3A_91 : memref<1x8x125xi32, #tpu.memory_space<hbm>> -> memref<8x125xi32, #tpu.memory_space<hbm>>
      tpu.wait_dma2 semaphore(%run_scoped3A_60 : memref<!tpu.dma_semaphore, #tpu.memory_space<semaphore_mem>>) src(%dma_wait3A_92 : memref<8x125xi32, #tpu.memory_space<hbm>>) dst(%dma_wait3A_88 : memref<8x125xi32, #tpu.memory_space<vmem>>)
      tpu.yield
    }) : () -> ()
    %dma_start3A = arith.constant 0 : i32
    %dma_start3A_10 = arith.constant 0 : i32
    %dma_start3A_11 = arith.constant 0 : i32
    %dma_start3A_12 = arith.constant 0 : i32
    %dma_start3A_13 = arith.constant 0 : i32
    %dma_start3A_14 = tpu.memref_slice %arg9[%dma_start3A_11, %dma_start3A_12, %dma_start3A_13] : memref<2x125x128xf32, #tpu.memory_space<vmem>> -> memref<1x125x128xf32, #tpu.memory_space<vmem>>
    %dma_start3A_15 = tpu.memref_squeeze %dma_start3A_14 : memref<1x125x128xf32, #tpu.memory_space<vmem>> -> memref<125x128xf32, #tpu.memory_space<vmem>>
    %dma_start3A_16 = arith.constant 0 : i32
    %dma_start3A_17 = tpu.memref_slice %arg7[%dma_start3A, %dma_start3A_10, %dma_start3A_16] : memref<2x8x125xi32, #tpu.memory_space<vmem>> -> memref<1x1x125xi32, #tpu.memory_space<vmem>>
    %dma_start3A_18 = tpu.memref_squeeze %dma_start3A_17 : memref<1x1x125xi32, #tpu.memory_space<vmem>> -> memref<125xi32, #tpu.memory_space<vmem>>
    %dma_start3A_19 = arith.constant 0 : i32
    %dma_start3A_20 = arith.constant 0 : i32
    %dma_start3A_21 = tpu.memref_slice %arg2[%dma_start3A_19, %dma_start3A_20] : memref<10000x128xf32, #tpu.memory_space<hbm>> -> memref<10000x128xf32, #tpu.memory_space<hbm>>
    tpu.enqueue_indirect_dma source(%dma_start3A_21 : memref<10000x128xf32, #tpu.memory_space<hbm>>) target(%dma_start3A_15 : memref<125x128xf32, #tpu.memory_space<vmem>>) offsets(%dma_start3A_18 : memref<125xi32, #tpu.memory_space<vmem>>) semaphore(%arg11 : memref<!tpu.dma_semaphore, #tpu.memory_space<semaphore_mem>>)
    %lt3A_22 = arith.constant 15 : i32
    %lt3A_23 = arith.cmpi slt, %arg1, %lt3A_22 : i32
    %convert_element_type3A_24 = arith.extui %lt3A_23 : i1 to i32
    %cond3A_25 = arith.constant 0 : i32
    %cond3A_26 = arith.cmpi ne, %convert_element_type3A_24, %cond3A_25 : i32
    scf.if %cond3A_26 {
      %dma_wait3A_60 = arith.constant 0 : i32
      %dma_wait3A_61 = tpu.memref_slice %arg10[%mul3A_2, %dma_wait3A_60] : memref<10000x128xf32, #tpu.memory_space<vmem_shared>> -> memref<632x128xf32, #tpu.memory_space<vmem_shared>>
      %dma_wait3A_62 = arith.constant 0 : i32
      %dma_wait3A_63 = tpu.memref_slice %arg2[%mul3A_2, %dma_wait3A_62] : memref<10000x128xf32, #tpu.memory_space<hbm>> -> memref<632x128xf32, #tpu.memory_space<hbm>>
      tpu.wait_dma2 semaphore(%arg13 : memref<!tpu.dma_semaphore, #tpu.memory_space<semaphore_mem>>) src(%dma_wait3A_63 : memref<632x128xf32, #tpu.memory_space<hbm>>) dst(%dma_wait3A_61 : memref<632x128xf32, #tpu.memory_space<vmem_shared>>)
    } else {
    }
    %eq3A_27 = arith.constant 15 : i32
    %eq3A_28 = arith.cmpi eq, %arg1, %eq3A_27 : i32
    %convert_element_type3A_29 = arith.extui %eq3A_28 : i1 to i32
    %cond3A_30 = arith.constant 0 : i32
    %cond3A_31 = arith.cmpi ne, %convert_element_type3A_29, %cond3A_30 : i32
    scf.if %cond3A_31 {
      %dma_wait3A_60 = arith.constant 0 : i32
      %dma_wait3A_61 = tpu.memref_slice %arg10[%mul3A_2, %dma_wait3A_60] : memref<10000x128xf32, #tpu.memory_space<vmem_shared>> -> memref<520x128xf32, #tpu.memory_space<vmem_shared>>
      %dma_wait3A_62 = arith.constant 0 : i32
      %dma_wait3A_63 = tpu.memref_slice %arg2[%mul3A_2, %dma_wait3A_62] : memref<10000x128xf32, #tpu.memory_space<hbm>> -> memref<520x128xf32, #tpu.memory_space<hbm>>
      tpu.wait_dma2 semaphore(%arg13 : memref<!tpu.dma_semaphore, #tpu.memory_space<semaphore_mem>>) src(%dma_wait3A_63 : memref<520x128xf32, #tpu.memory_space<hbm>>) dst(%dma_wait3A_61 : memref<520x128xf32, #tpu.memory_space<vmem_shared>>)
    } else {
    }
    %barrier3A = arith.constant 0 : index
    tpu.barrier barrier_id(%barrier3A)
    %scan3A = arith.constant 0 : i32
    %scan3A_32 = arith.constant 0 : i32
    %scan3A_33 = arith.constant 10 : i32
    %scan3A_34 = arith.addi %scan3A_32, %scan3A_33 : i32
    %scan3A_35 = arith.constant 1 : i32
    scf.for %scan3A_60 = %scan3A_32 to %scan3A_34 step %scan3A_35  : i32 {
      %rem3A = arith.constant 2 : i32
      %rem3A_61 = arith.remsi %scan3A_60, %rem3A : i32
      %add3A_62 = arith.constant 1 : i32
      %add3A_63 = arith.addi %scan3A_60, %add3A_62 : i32
      %rem3A_64 = arith.constant 2 : i32
      %rem3A_65 = arith.remsi %add3A_63, %rem3A_64 : i32
      %add3A_66 = arith.constant 1 : i32
      %add3A_67 = arith.addi %scan3A_60, %add3A_66 : i32
      %rem3A_68 = arith.constant 10 : i32
      %rem3A_69 = arith.remsi %add3A_67, %rem3A_68 : i32
      %mul3A_70 = arith.constant 8 : i32
      %mul3A_71 = arith.muli %rem3A_69, %mul3A_70 : i32
      %dma_start3A_72 = arith.constant 0 : i32
      %dma_start3A_73 = arith.constant 0 : i32
      %dma_start3A_74 = tpu.memref_slice %arg7[%rem3A_65, %dma_start3A_72, %dma_start3A_73] : memref<2x8x125xi32, #tpu.memory_space<vmem>> -> memref<1x8x125xi32, #tpu.memory_space<vmem>>
      %dma_start3A_75 = tpu.memref_squeeze %dma_start3A_74 : memref<1x8x125xi32, #tpu.memory_space<vmem>> -> memref<8x125xi32, #tpu.memory_space<vmem>>
      %dma_start3A_76 = arith.constant 0 : i32
      %dma_start3A_77 = tpu.memref_slice %arg3[%add3A, %mul3A_71, %dma_start3A_76] : memref<32x80x125xi32, #tpu.memory_space<hbm>> -> memref<1x8x125xi32, #tpu.memory_space<hbm>>
      %dma_start3A_78 = tpu.memref_squeeze %dma_start3A_77 : memref<1x8x125xi32, #tpu.memory_space<hbm>> -> memref<8x125xi32, #tpu.memory_space<hbm>>
      %dma_start3A_79 = arith.constant 0 : i32
      %dma_start3A_80 = arith.constant 0 : i32
      %dma_start3A_81 = tpu.memref_slice %arg7[%rem3A_65, %dma_start3A_79, %dma_start3A_80] : memref<2x8x125xi32, #tpu.memory_space<vmem>> -> memref<1x8x125xi32, #tpu.memory_space<vmem>>
      %dma_start3A_82 = tpu.memref_squeeze %dma_start3A_81 : memref<1x8x125xi32, #tpu.memory_space<vmem>> -> memref<8x125xi32, #tpu.memory_space<vmem>>
      %dma_start3A_83 = arith.constant 0 : i32
      %dma_start3A_84 = tpu.memref_slice %arg3[%add3A, %mul3A_71, %dma_start3A_83] : memref<32x80x125xi32, #tpu.memory_space<hbm>> -> memref<1x8x125xi32, #tpu.memory_space<hbm>>
      %dma_start3A_85 = tpu.memref_squeeze %dma_start3A_84 : memref<1x8x125xi32, #tpu.memory_space<hbm>> -> memref<8x125xi32, #tpu.memory_space<hbm>>
      tpu.enqueue_dma source(%dma_start3A_85 : memref<8x125xi32, #tpu.memory_space<hbm>>) target(%dma_start3A_82 : memref<8x125xi32, #tpu.memory_space<vmem>>) target_semaphore(%arg13 : memref<!tpu.dma_semaphore, #tpu.memory_space<semaphore_mem>>)
      %mul3A_86 = arith.constant 8 : i32
      %mul3A_87 = arith.muli %rem3A_69, %mul3A_86 : i32
      %dma_start3A_88 = arith.constant 0 : i32
      %dma_start3A_89 = arith.constant 0 : i32
      %dma_start3A_90 = tpu.memref_slice %arg8[%rem3A_65, %dma_start3A_88, %dma_start3A_89] : memref<2x8x125xi32, #tpu.memory_space<vmem>> -> memref<1x8x125xi32, #tpu.memory_space<vmem>>
      %dma_start3A_91 = tpu.memref_squeeze %dma_start3A_90 : memref<1x8x125xi32, #tpu.memory_space<vmem>> -> memref<8x125xi32, #tpu.memory_space<vmem>>
      %dma_start3A_92 = arith.constant 0 : i32
      %dma_start3A_93 = tpu.memref_slice %arg4[%add3A, %mul3A_87, %dma_start3A_92] : memref<32x80x125xi32, #tpu.memory_space<hbm>> -> memref<1x8x125xi32, #tpu.memory_space<hbm>>
      %dma_start3A_94 = tpu.memref_squeeze %dma_start3A_93 : memref<1x8x125xi32, #tpu.memory_space<hbm>> -> memref<8x125xi32, #tpu.memory_space<hbm>>
      %dma_start3A_95 = arith.constant 0 : i32
      %dma_start3A_96 = arith.constant 0 : i32
      %dma_start3A_97 = tpu.memref_slice %arg8[%rem3A_65, %dma_start3A_95, %dma_start3A_96] : memref<2x8x125xi32, #tpu.memory_space<vmem>> -> memref<1x8x125xi32, #tpu.memory_space<vmem>>
      %dma_start3A_98 = tpu.memref_squeeze %dma_start3A_97 : memref<1x8x125xi32, #tpu.memory_space<vmem>> -> memref<8x125xi32, #tpu.memory_space<vmem>>
      %dma_start3A_99 = arith.constant 0 : i32
      %dma_start3A_100 = tpu.memref_slice %arg4[%add3A, %mul3A_87, %dma_start3A_99] : memref<32x80x125xi32, #tpu.memory_space<hbm>> -> memref<1x8x125xi32, #tpu.memory_space<hbm>>
      %dma_start3A_101 = tpu.memref_squeeze %dma_start3A_100 : memref<1x8x125xi32, #tpu.memory_space<hbm>> -> memref<8x125xi32, #tpu.memory_space<hbm>>
      tpu.enqueue_dma source(%dma_start3A_101 : memref<8x125xi32, #tpu.memory_space<hbm>>) target(%dma_start3A_98 : memref<8x125xi32, #tpu.memory_space<vmem>>) target_semaphore(%arg13 : memref<!tpu.dma_semaphore, #tpu.memory_space<semaphore_mem>>)
      %dma_start3A_102 = arith.constant 1 : i32
      %dma_start3A_103 = arith.constant 1 : i32
      %dma_start3A_104 = arith.constant 0 : i32
      %dma_start3A_105 = arith.constant 0 : i32
      %dma_start3A_106 = tpu.memref_slice %arg9[%dma_start3A_103, %dma_start3A_104, %dma_start3A_105] : memref<2x125x128xf32, #tpu.memory_space<vmem>> -> memref<1x125x128xf32, #tpu.memory_space<vmem>>
      %dma_start3A_107 = tpu.memref_squeeze %dma_start3A_106 : memref<1x125x128xf32, #tpu.memory_space<vmem>> -> memref<125x128xf32, #tpu.memory_space<vmem>>
      %dma_start3A_108 = arith.constant 0 : i32
      %dma_start3A_109 = tpu.memref_slice %arg7[%rem3A_61, %dma_start3A_102, %dma_start3A_108] : memref<2x8x125xi32, #tpu.memory_space<vmem>> -> memref<1x1x125xi32, #tpu.memory_space<vmem>>
      %dma_start3A_110 = tpu.memref_squeeze %dma_start3A_109 : memref<1x1x125xi32, #tpu.memory_space<vmem>> -> memref<125xi32, #tpu.memory_space<vmem>>
      %dma_start3A_111 = arith.constant 0 : i32
      %dma_start3A_112 = arith.constant 0 : i32
      %dma_start3A_113 = tpu.memref_slice %arg2[%dma_start3A_111, %dma_start3A_112] : memref<10000x128xf32, #tpu.memory_space<hbm>> -> memref<10000x128xf32, #tpu.memory_space<hbm>>
      tpu.enqueue_indirect_dma source(%dma_start3A_113 : memref<10000x128xf32, #tpu.memory_space<hbm>>) target(%dma_start3A_107 : memref<125x128xf32, #tpu.memory_space<vmem>>) offsets(%dma_start3A_110 : memref<125xi32, #tpu.memory_space<vmem>>) semaphore(%arg12 : memref<!tpu.dma_semaphore, #tpu.memory_space<semaphore_mem>>)
      %dma_wait3A_114 = arith.constant 0 : i32
      %dma_wait3A_115 = arith.constant 0 : i32
      %dma_wait3A_116 = arith.constant 0 : i32
      %dma_wait3A_117 = arith.constant 0 : i32
      %dma_wait3A_118 = tpu.memref_slice %arg9[%dma_wait3A_115, %dma_wait3A_116, %dma_wait3A_117] : memref<2x125x128xf32, #tpu.memory_space<vmem>> -> memref<1x125x128xf32, #tpu.memory_space<vmem>>
      %dma_wait3A_119 = tpu.memref_squeeze %dma_wait3A_118 : memref<1x125x128xf32, #tpu.memory_space<vmem>> -> memref<125x128xf32, #tpu.memory_space<vmem>>
      %dma_wait3A_120 = arith.constant 0 : i32
      %dma_wait3A_121 = tpu.memref_slice %arg7[%rem3A_61, %dma_wait3A_114, %dma_wait3A_120] : memref<2x8x125xi32, #tpu.memory_space<vmem>> -> memref<1x1x125xi32, #tpu.memory_space<vmem>>
      %dma_wait3A_122 = tpu.memref_squeeze %dma_wait3A_121 : memref<1x1x125xi32, #tpu.memory_space<vmem>> -> memref<125xi32, #tpu.memory_space<vmem>>
      %dma_wait3A_123 = arith.constant 0 : i32
      %dma_wait3A_124 = arith.constant 0 : i32
      %dma_wait3A_125 = tpu.memref_slice %arg2[%dma_wait3A_123, %dma_wait3A_124] : memref<10000x128xf32, #tpu.memory_space<hbm>> -> memref<10000x128xf32, #tpu.memory_space<hbm>>
      tpu.wait_indirect_dma semaphore(%arg11 : memref<!tpu.dma_semaphore, #tpu.memory_space<semaphore_mem>>) src(%dma_wait3A_125 : memref<10000x128xf32, #tpu.memory_space<hbm>>) dst(%dma_wait3A_119 : memref<125x128xf32, #tpu.memory_space<vmem>>)
      %run_scoped3A_126 = arith.constant 0 : i32
      %run_scoped3A_127 = arith.constant 0 : i32
      "tpu.region"() ({
        %run_scoped3A_338 = tpu.sem_alloc : memref<!tpu.dma_semaphore, #tpu.memory_space<semaphore_mem>>
        %dma_start3A_339 = arith.constant 0 : i32
        %dma_start3A_340 = arith.constant 0 : i32
        %dma_start3A_341 = tpu.memref_slice %arg9[%run_scoped3A_126, %dma_start3A_339, %dma_start3A_340] : memref<2x125x128xf32, #tpu.memory_space<vmem>> -> memref<1x125x128xf32, #tpu.memory_space<vmem>>
        %dma_start3A_342 = tpu.memref_squeeze %dma_start3A_341 : memref<1x125x128xf32, #tpu.memory_space<vmem>> -> memref<125x128xf32, #tpu.memory_space<vmem>>
        %dma_start3A_343 = arith.constant 0 : i32
        %dma_start3A_344 = tpu.memref_slice %arg8[%rem3A_61, %run_scoped3A_127, %dma_start3A_343] : memref<2x8x125xi32, #tpu.memory_space<vmem>> -> memref<1x1x125xi32, #tpu.memory_space<vmem>>
        %dma_start3A_345 = tpu.memref_squeeze %dma_start3A_344 : memref<1x1x125xi32, #tpu.memory_space<vmem>> -> memref<125xi32, #tpu.memory_space<vmem>>
        %dma_start3A_346 = arith.constant 0 : i32
        %dma_start3A_347 = arith.constant 0 : i32
        %dma_start3A_348 = tpu.memref_slice %arg10[%dma_start3A_346, %dma_start3A_347] : memref<10000x128xf32, #tpu.memory_space<vmem_shared>> -> memref<10000x128xf32, #tpu.memory_space<vmem_shared>>
        tpu.enqueue_indirect_dma source(%dma_start3A_342 : memref<125x128xf32, #tpu.memory_space<vmem>>) target(%dma_start3A_348 : memref<10000x128xf32, #tpu.memory_space<vmem_shared>>) offsets(%dma_start3A_345 : memref<125xi32, #tpu.memory_space<vmem>>) semaphore(%run_scoped3A_338 : memref<!tpu.dma_semaphore, #tpu.memory_space<semaphore_mem>>) {add = true}
        %dma_wait3A_349 = arith.constant 0 : i32
        %dma_wait3A_350 = arith.constant 0 : i32
        %dma_wait3A_351 = tpu.memref_slice %arg9[%run_scoped3A_126, %dma_wait3A_349, %dma_wait3A_350] : memref<2x125x128xf32, #tpu.memory_space<vmem>> -> memref<1x125x128xf32, #tpu.memory_space<vmem>>
        %dma_wait3A_352 = tpu.memref_squeeze %dma_wait3A_351 : memref<1x125x128xf32, #tpu.memory_space<vmem>> -> memref<125x128xf32, #tpu.memory_space<vmem>>
        %dma_wait3A_353 = arith.constant 0 : i32
        %dma_wait3A_354 = tpu.memref_slice %arg8[%rem3A_61, %run_scoped3A_127, %dma_wait3A_353] : memref<2x8x125xi32, #tpu.memory_space<vmem>> -> memref<1x1x125xi32, #tpu.memory_space<vmem>>
        %dma_wait3A_355 = tpu.memref_squeeze %dma_wait3A_354 : memref<1x1x125xi32, #tpu.memory_space<vmem>> -> memref<125xi32, #tpu.memory_space<vmem>>
        %dma_wait3A_356 = arith.constant 0 : i32
        %dma_wait3A_357 = arith.constant 0 : i32
        %dma_wait3A_358 = tpu.memref_slice %arg10[%dma_wait3A_356, %dma_wait3A_357] : memref<10000x128xf32, #tpu.memory_space<vmem_shared>> -> memref<10000x128xf32, #tpu.memory_space<vmem_shared>>
        tpu.wait_indirect_dma semaphore(%run_scoped3A_338 : memref<!tpu.dma_semaphore, #tpu.memory_space<semaphore_mem>>) src(%dma_wait3A_352 : memref<125x128xf32, #tpu.memory_space<vmem>>) dst(%dma_wait3A_358 : memref<10000x128xf32, #tpu.memory_space<vmem_shared>>)
        tpu.yield
      }) : () -> ()
      %dma_start3A_128 = arith.constant 2 : i32
      %dma_start3A_129 = arith.constant 0 : i32
      %dma_start3A_130 = arith.constant 0 : i32
      %dma_start3A_131 = arith.constant 0 : i32
      %dma_start3A_132 = tpu.memref_slice %arg9[%dma_start3A_129, %dma_start3A_130, %dma_start3A_131] : memref<2x125x128xf32, #tpu.memory_space<vmem>> -> memref<1x125x128xf32, #tpu.memory_space<vmem>>
      %dma_start3A_133 = tpu.memref_squeeze %dma_start3A_132 : memref<1x125x128xf32, #tpu.memory_space<vmem>> -> memref<125x128xf32, #tpu.memory_space<vmem>>
      %dma_start3A_134 = arith.constant 0 : i32
      %dma_start3A_135 = tpu.memref_slice %arg7[%rem3A_61, %dma_start3A_128, %dma_start3A_134] : memref<2x8x125xi32, #tpu.memory_space<vmem>> -> memref<1x1x125xi32, #tpu.memory_space<vmem>>
      %dma_start3A_136 = tpu.memref_squeeze %dma_start3A_135 : memref<1x1x125xi32, #tpu.memory_space<vmem>> -> memref<125xi32, #tpu.memory_space<vmem>>
      %dma_start3A_137 = arith.constant 0 : i32
      %dma_start3A_138 = arith.constant 0 : i32
      %dma_start3A_139 = tpu.memref_slice %arg2[%dma_start3A_137, %dma_start3A_138] : memref<10000x128xf32, #tpu.memory_space<hbm>> -> memref<10000x128xf32, #tpu.memory_space<hbm>>
      tpu.enqueue_indirect_dma source(%dma_start3A_139 : memref<10000x128xf32, #tpu.memory_space<hbm>>) target(%dma_start3A_133 : memref<125x128xf32, #tpu.memory_space<vmem>>) offsets(%dma_start3A_136 : memref<125xi32, #tpu.memory_space<vmem>>) semaphore(%arg11 : memref<!tpu.dma_semaphore, #tpu.memory_space<semaphore_mem>>)
      %dma_wait3A_140 = arith.constant 1 : i32
      %dma_wait3A_141 = arith.constant 1 : i32
      %dma_wait3A_142 = arith.constant 0 : i32
      %dma_wait3A_143 = arith.constant 0 : i32
      %dma_wait3A_144 = tpu.memref_slice %arg9[%dma_wait3A_141, %dma_wait3A_142, %dma_wait3A_143] : memref<2x125x128xf32, #tpu.memory_space<vmem>> -> memref<1x125x128xf32, #tpu.memory_space<vmem>>
      %dma_wait3A_145 = tpu.memref_squeeze %dma_wait3A_144 : memref<1x125x128xf32, #tpu.memory_space<vmem>> -> memref<125x128xf32, #tpu.memory_space<vmem>>
      %dma_wait3A_146 = arith.constant 0 : i32
      %dma_wait3A_147 = tpu.memref_slice %arg7[%rem3A_61, %dma_wait3A_140, %dma_wait3A_146] : memref<2x8x125xi32, #tpu.memory_space<vmem>> -> memref<1x1x125xi32, #tpu.memory_space<vmem>>
      %dma_wait3A_148 = tpu.memref_squeeze %dma_wait3A_147 : memref<1x1x125xi32, #tpu.memory_space<vmem>> -> memref<125xi32, #tpu.memory_space<vmem>>
      %dma_wait3A_149 = arith.constant 0 : i32
      %dma_wait3A_150 = arith.constant 0 : i32
      %dma_wait3A_151 = tpu.memref_slice %arg2[%dma_wait3A_149, %dma_wait3A_150] : memref<10000x128xf32, #tpu.memory_space<hbm>> -> memref<10000x128xf32, #tpu.memory_space<hbm>>
      tpu.wait_indirect_dma semaphore(%arg12 : memref<!tpu.dma_semaphore, #tpu.memory_space<semaphore_mem>>) src(%dma_wait3A_151 : memref<10000x128xf32, #tpu.memory_space<hbm>>) dst(%dma_wait3A_145 : memref<125x128xf32, #tpu.memory_space<vmem>>)
      %run_scoped3A_152 = arith.constant 1 : i32
      %run_scoped3A_153 = arith.constant 1 : i32
      "tpu.region"() ({
        %run_scoped3A_338 = tpu.sem_alloc : memref<!tpu.dma_semaphore, #tpu.memory_space<semaphore_mem>>
        %dma_start3A_339 = arith.constant 0 : i32
        %dma_start3A_340 = arith.constant 0 : i32
        %dma_start3A_341 = tpu.memref_slice %arg9[%run_scoped3A_152, %dma_start3A_339, %dma_start3A_340] : memref<2x125x128xf32, #tpu.memory_space<vmem>> -> memref<1x125x128xf32, #tpu.memory_space<vmem>>
        %dma_start3A_342 = tpu.memref_squeeze %dma_start3A_341 : memref<1x125x128xf32, #tpu.memory_space<vmem>> -> memref<125x128xf32, #tpu.memory_space<vmem>>
        %dma_start3A_343 = arith.constant 0 : i32
        %dma_start3A_344 = tpu.memref_slice %arg8[%rem3A_61, %run_scoped3A_153, %dma_start3A_343] : memref<2x8x125xi32, #tpu.memory_space<vmem>> -> memref<1x1x125xi32, #tpu.memory_space<vmem>>
        %dma_start3A_345 = tpu.memref_squeeze %dma_start3A_344 : memref<1x1x125xi32, #tpu.memory_space<vmem>> -> memref<125xi32, #tpu.memory_space<vmem>>
        %dma_start3A_346 = arith.constant 0 : i32
        %dma_start3A_347 = arith.constant 0 : i32
        %dma_start3A_348 = tpu.memref_slice %arg10[%dma_start3A_346, %dma_start3A_347] : memref<10000x128xf32, #tpu.memory_space<vmem_shared>> -> memref<10000x128xf32, #tpu.memory_space<vmem_shared>>
        tpu.enqueue_indirect_dma source(%dma_start3A_342 : memref<125x128xf32, #tpu.memory_space<vmem>>) target(%dma_start3A_348 : memref<10000x128xf32, #tpu.memory_space<vmem_shared>>) offsets(%dma_start3A_345 : memref<125xi32, #tpu.memory_space<vmem>>) semaphore(%run_scoped3A_338 : memref<!tpu.dma_semaphore, #tpu.memory_space<semaphore_mem>>) {add = true}
        %dma_wait3A_349 = arith.constant 0 : i32
        %dma_wait3A_350 = arith.constant 0 : i32
        %dma_wait3A_351 = tpu.memref_slice %arg9[%run_scoped3A_152, %dma_wait3A_349, %dma_wait3A_350] : memref<2x125x128xf32, #tpu.memory_space<vmem>> -> memref<1x125x128xf32, #tpu.memory_space<vmem>>
        %dma_wait3A_352 = tpu.memref_squeeze %dma_wait3A_351 : memref<1x125x128xf32, #tpu.memory_space<vmem>> -> memref<125x128xf32, #tpu.memory_space<vmem>>
        %dma_wait3A_353 = arith.constant 0 : i32
        %dma_wait3A_354 = tpu.memref_slice %arg8[%rem3A_61, %run_scoped3A_153, %dma_wait3A_353] : memref<2x8x125xi32, #tpu.memory_space<vmem>> -> memref<1x1x125xi32, #tpu.memory_space<vmem>>
        %dma_wait3A_355 = tpu.memref_squeeze %dma_wait3A_354 : memref<1x1x125xi32, #tpu.memory_space<vmem>> -> memref<125xi32, #tpu.memory_space<vmem>>
        %dma_wait3A_356 = arith.constant 0 : i32
        %dma_wait3A_357 = arith.constant 0 : i32
        %dma_wait3A_358 = tpu.memref_slice %arg10[%dma_wait3A_356, %dma_wait3A_357] : memref<10000x128xf32, #tpu.memory_space<vmem_shared>> -> memref<10000x128xf32, #tpu.memory_space<vmem_shared>>
        tpu.wait_indirect_dma semaphore(%run_scoped3A_338 : memref<!tpu.dma_semaphore, #tpu.memory_space<semaphore_mem>>) src(%dma_wait3A_352 : memref<125x128xf32, #tpu.memory_space<vmem>>) dst(%dma_wait3A_358 : memref<10000x128xf32, #tpu.memory_space<vmem_shared>>)
        tpu.yield
      }) : () -> ()
      %dma_start3A_154 = arith.constant 3 : i32
      %dma_start3A_155 = arith.constant 1 : i32
      %dma_start3A_156 = arith.constant 0 : i32
      %dma_start3A_157 = arith.constant 0 : i32
      %dma_start3A_158 = tpu.memref_slice %arg9[%dma_start3A_155, %dma_start3A_156, %dma_start3A_157] : memref<2x125x128xf32, #tpu.memory_space<vmem>> -> memref<1x125x128xf32, #tpu.memory_space<vmem>>
      %dma_start3A_159 = tpu.memref_squeeze %dma_start3A_158 : memref<1x125x128xf32, #tpu.memory_space<vmem>> -> memref<125x128xf32, #tpu.memory_space<vmem>>
      %dma_start3A_160 = arith.constant 0 : i32
      %dma_start3A_161 = tpu.memref_slice %arg7[%rem3A_61, %dma_start3A_154, %dma_start3A_160] : memref<2x8x125xi32, #tpu.memory_space<vmem>> -> memref<1x1x125xi32, #tpu.memory_space<vmem>>
      %dma_start3A_162 = tpu.memref_squeeze %dma_start3A_161 : memref<1x1x125xi32, #tpu.memory_space<vmem>> -> memref<125xi32, #tpu.memory_space<vmem>>
      %dma_start3A_163 = arith.constant 0 : i32
      %dma_start3A_164 = arith.constant 0 : i32
      %dma_start3A_165 = tpu.memref_slice %arg2[%dma_start3A_163, %dma_start3A_164] : memref<10000x128xf32, #tpu.memory_space<hbm>> -> memref<10000x128xf32, #tpu.memory_space<hbm>>
      tpu.enqueue_indirect_dma source(%dma_start3A_165 : memref<10000x128xf32, #tpu.memory_space<hbm>>) target(%dma_start3A_159 : memref<125x128xf32, #tpu.memory_space<vmem>>) offsets(%dma_start3A_162 : memref<125xi32, #tpu.memory_space<vmem>>) semaphore(%arg12 : memref<!tpu.dma_semaphore, #tpu.memory_space<semaphore_mem>>)
      %dma_wait3A_166 = arith.constant 2 : i32
      %dma_wait3A_167 = arith.constant 0 : i32
      %dma_wait3A_168 = arith.constant 0 : i32
      %dma_wait3A_169 = arith.constant 0 : i32
      %dma_wait3A_170 = tpu.memref_slice %arg9[%dma_wait3A_167, %dma_wait3A_168, %dma_wait3A_169] : memref<2x125x128xf32, #tpu.memory_space<vmem>> -> memref<1x125x128xf32, #tpu.memory_space<vmem>>
      %dma_wait3A_171 = tpu.memref_squeeze %dma_wait3A_170 : memref<1x125x128xf32, #tpu.memory_space<vmem>> -> memref<125x128xf32, #tpu.memory_space<vmem>>
      %dma_wait3A_172 = arith.constant 0 : i32
      %dma_wait3A_173 = tpu.memref_slice %arg7[%rem3A_61, %dma_wait3A_166, %dma_wait3A_172] : memref<2x8x125xi32, #tpu.memory_space<vmem>> -> memref<1x1x125xi32, #tpu.memory_space<vmem>>
      %dma_wait3A_174 = tpu.memref_squeeze %dma_wait3A_173 : memref<1x1x125xi32, #tpu.memory_space<vmem>> -> memref<125xi32, #tpu.memory_space<vmem>>
      %dma_wait3A_175 = arith.constant 0 : i32
      %dma_wait3A_176 = arith.constant 0 : i32
      %dma_wait3A_177 = tpu.memref_slice %arg2[%dma_wait3A_175, %dma_wait3A_176] : memref<10000x128xf32, #tpu.memory_space<hbm>> -> memref<10000x128xf32, #tpu.memory_space<hbm>>
      tpu.wait_indirect_dma semaphore(%arg11 : memref<!tpu.dma_semaphore, #tpu.memory_space<semaphore_mem>>) src(%dma_wait3A_177 : memref<10000x128xf32, #tpu.memory_space<hbm>>) dst(%dma_wait3A_171 : memref<125x128xf32, #tpu.memory_space<vmem>>)
      %run_scoped3A_178 = arith.constant 0 : i32
      %run_scoped3A_179 = arith.constant 2 : i32
      "tpu.region"() ({
        %run_scoped3A_338 = tpu.sem_alloc : memref<!tpu.dma_semaphore, #tpu.memory_space<semaphore_mem>>
        %dma_start3A_339 = arith.constant 0 : i32
        %dma_start3A_340 = arith.constant 0 : i32
        %dma_start3A_341 = tpu.memref_slice %arg9[%run_scoped3A_178, %dma_start3A_339, %dma_start3A_340] : memref<2x125x128xf32, #tpu.memory_space<vmem>> -> memref<1x125x128xf32, #tpu.memory_space<vmem>>
        %dma_start3A_342 = tpu.memref_squeeze %dma_start3A_341 : memref<1x125x128xf32, #tpu.memory_space<vmem>> -> memref<125x128xf32, #tpu.memory_space<vmem>>
        %dma_start3A_343 = arith.constant 0 : i32
        %dma_start3A_344 = tpu.memref_slice %arg8[%rem3A_61, %run_scoped3A_179, %dma_start3A_343] : memref<2x8x125xi32, #tpu.memory_space<vmem>> -> memref<1x1x125xi32, #tpu.memory_space<vmem>>
        %dma_start3A_345 = tpu.memref_squeeze %dma_start3A_344 : memref<1x1x125xi32, #tpu.memory_space<vmem>> -> memref<125xi32, #tpu.memory_space<vmem>>
        %dma_start3A_346 = arith.constant 0 : i32
        %dma_start3A_347 = arith.constant 0 : i32
        %dma_start3A_348 = tpu.memref_slice %arg10[%dma_start3A_346, %dma_start3A_347] : memref<10000x128xf32, #tpu.memory_space<vmem_shared>> -> memref<10000x128xf32, #tpu.memory_space<vmem_shared>>
        tpu.enqueue_indirect_dma source(%dma_start3A_342 : memref<125x128xf32, #tpu.memory_space<vmem>>) target(%dma_start3A_348 : memref<10000x128xf32, #tpu.memory_space<vmem_shared>>) offsets(%dma_start3A_345 : memref<125xi32, #tpu.memory_space<vmem>>) semaphore(%run_scoped3A_338 : memref<!tpu.dma_semaphore, #tpu.memory_space<semaphore_mem>>) {add = true}
        %dma_wait3A_349 = arith.constant 0 : i32
        %dma_wait3A_350 = arith.constant 0 : i32
        %dma_wait3A_351 = tpu.memref_slice %arg9[%run_scoped3A_178, %dma_wait3A_349, %dma_wait3A_350] : memref<2x125x128xf32, #tpu.memory_space<vmem>> -> memref<1x125x128xf32, #tpu.memory_space<vmem>>
        %dma_wait3A_352 = tpu.memref_squeeze %dma_wait3A_351 : memref<1x125x128xf32, #tpu.memory_space<vmem>> -> memref<125x128xf32, #tpu.memory_space<vmem>>
        %dma_wait3A_353 = arith.constant 0 : i32
        %dma_wait3A_354 = tpu.memref_slice %arg8[%rem3A_61, %run_scoped3A_179, %dma_wait3A_353] : memref<2x8x125xi32, #tpu.memory_space<vmem>> -> memref<1x1x125xi32, #tpu.memory_space<vmem>>
        %dma_wait3A_355 = tpu.memref_squeeze %dma_wait3A_354 : memref<1x1x125xi32, #tpu.memory_space<vmem>> -> memref<125xi32, #tpu.memory_space<vmem>>
        %dma_wait3A_356 = arith.constant 0 : i32
        %dma_wait3A_357 = arith.constant 0 : i32
        %dma_wait3A_358 = tpu.memref_slice %arg10[%dma_wait3A_356, %dma_wait3A_357] : memref<10000x128xf32, #tpu.memory_space<vmem_shared>> -> memref<10000x128xf32, #tpu.memory_space<vmem_shared>>
        tpu.wait_indirect_dma semaphore(%run_scoped3A_338 : memref<!tpu.dma_semaphore, #tpu.memory_space<semaphore_mem>>) src(%dma_wait3A_352 : memref<125x128xf32, #tpu.memory_space<vmem>>) dst(%dma_wait3A_358 : memref<10000x128xf32, #tpu.memory_space<vmem_shared>>)
        tpu.yield
      }) : () -> ()
      %dma_start3A_180 = arith.constant 4 : i32
      %dma_start3A_181 = arith.constant 0 : i32
      %dma_start3A_182 = arith.constant 0 : i32
      %dma_start3A_183 = arith.constant 0 : i32
      %dma_start3A_184 = tpu.memref_slice %arg9[%dma_start3A_181, %dma_start3A_182, %dma_start3A_183] : memref<2x125x128xf32, #tpu.memory_space<vmem>> -> memref<1x125x128xf32, #tpu.memory_space<vmem>>
      %dma_start3A_185 = tpu.memref_squeeze %dma_start3A_184 : memref<1x125x128xf32, #tpu.memory_space<vmem>> -> memref<125x128xf32, #tpu.memory_space<vmem>>
      %dma_start3A_186 = arith.constant 0 : i32
      %dma_start3A_187 = tpu.memref_slice %arg7[%rem3A_61, %dma_start3A_180, %dma_start3A_186] : memref<2x8x125xi32, #tpu.memory_space<vmem>> -> memref<1x1x125xi32, #tpu.memory_space<vmem>>
      %dma_start3A_188 = tpu.memref_squeeze %dma_start3A_187 : memref<1x1x125xi32, #tpu.memory_space<vmem>> -> memref<125xi32, #tpu.memory_space<vmem>>
      %dma_start3A_189 = arith.constant 0 : i32
      %dma_start3A_190 = arith.constant 0 : i32
      %dma_start3A_191 = tpu.memref_slice %arg2[%dma_start3A_189, %dma_start3A_190] : memref<10000x128xf32, #tpu.memory_space<hbm>> -> memref<10000x128xf32, #tpu.memory_space<hbm>>
      tpu.enqueue_indirect_dma source(%dma_start3A_191 : memref<10000x128xf32, #tpu.memory_space<hbm>>) target(%dma_start3A_185 : memref<125x128xf32, #tpu.memory_space<vmem>>) offsets(%dma_start3A_188 : memref<125xi32, #tpu.memory_space<vmem>>) semaphore(%arg11 : memref<!tpu.dma_semaphore, #tpu.memory_space<semaphore_mem>>)
      %dma_wait3A_192 = arith.constant 3 : i32
      %dma_wait3A_193 = arith.constant 1 : i32
      %dma_wait3A_194 = arith.constant 0 : i32
      %dma_wait3A_195 = arith.constant 0 : i32
      %dma_wait3A_196 = tpu.memref_slice %arg9[%dma_wait3A_193, %dma_wait3A_194, %dma_wait3A_195] : memref<2x125x128xf32, #tpu.memory_space<vmem>> -> memref<1x125x128xf32, #tpu.memory_space<vmem>>
      %dma_wait3A_197 = tpu.memref_squeeze %dma_wait3A_196 : memref<1x125x128xf32, #tpu.memory_space<vmem>> -> memref<125x128xf32, #tpu.memory_space<vmem>>
      %dma_wait3A_198 = arith.constant 0 : i32
      %dma_wait3A_199 = tpu.memref_slice %arg7[%rem3A_61, %dma_wait3A_192, %dma_wait3A_198] : memref<2x8x125xi32, #tpu.memory_space<vmem>> -> memref<1x1x125xi32, #tpu.memory_space<vmem>>
      %dma_wait3A_200 = tpu.memref_squeeze %dma_wait3A_199 : memref<1x1x125xi32, #tpu.memory_space<vmem>> -> memref<125xi32, #tpu.memory_space<vmem>>
      %dma_wait3A_201 = arith.constant 0 : i32
      %dma_wait3A_202 = arith.constant 0 : i32
      %dma_wait3A_203 = tpu.memref_slice %arg2[%dma_wait3A_201, %dma_wait3A_202] : memref<10000x128xf32, #tpu.memory_space<hbm>> -> memref<10000x128xf32, #tpu.memory_space<hbm>>
      tpu.wait_indirect_dma semaphore(%arg12 : memref<!tpu.dma_semaphore, #tpu.memory_space<semaphore_mem>>) src(%dma_wait3A_203 : memref<10000x128xf32, #tpu.memory_space<hbm>>) dst(%dma_wait3A_197 : memref<125x128xf32, #tpu.memory_space<vmem>>)
      %run_scoped3A_204 = arith.constant 1 : i32
      %run_scoped3A_205 = arith.constant 3 : i32
      "tpu.region"() ({
        %run_scoped3A_338 = tpu.sem_alloc : memref<!tpu.dma_semaphore, #tpu.memory_space<semaphore_mem>>
        %dma_start3A_339 = arith.constant 0 : i32
        %dma_start3A_340 = arith.constant 0 : i32
        %dma_start3A_341 = tpu.memref_slice %arg9[%run_scoped3A_204, %dma_start3A_339, %dma_start3A_340] : memref<2x125x128xf32, #tpu.memory_space<vmem>> -> memref<1x125x128xf32, #tpu.memory_space<vmem>>
        %dma_start3A_342 = tpu.memref_squeeze %dma_start3A_341 : memref<1x125x128xf32, #tpu.memory_space<vmem>> -> memref<125x128xf32, #tpu.memory_space<vmem>>
        %dma_start3A_343 = arith.constant 0 : i32
        %dma_start3A_344 = tpu.memref_slice %arg8[%rem3A_61, %run_scoped3A_205, %dma_start3A_343] : memref<2x8x125xi32, #tpu.memory_space<vmem>> -> memref<1x1x125xi32, #tpu.memory_space<vmem>>
        %dma_start3A_345 = tpu.memref_squeeze %dma_start3A_344 : memref<1x1x125xi32, #tpu.memory_space<vmem>> -> memref<125xi32, #tpu.memory_space<vmem>>
        %dma_start3A_346 = arith.constant 0 : i32
        %dma_start3A_347 = arith.constant 0 : i32
        %dma_start3A_348 = tpu.memref_slice %arg10[%dma_start3A_346, %dma_start3A_347] : memref<10000x128xf32, #tpu.memory_space<vmem_shared>> -> memref<10000x128xf32, #tpu.memory_space<vmem_shared>>
        tpu.enqueue_indirect_dma source(%dma_start3A_342 : memref<125x128xf32, #tpu.memory_space<vmem>>) target(%dma_start3A_348 : memref<10000x128xf32, #tpu.memory_space<vmem_shared>>) offsets(%dma_start3A_345 : memref<125xi32, #tpu.memory_space<vmem>>) semaphore(%run_scoped3A_338 : memref<!tpu.dma_semaphore, #tpu.memory_space<semaphore_mem>>) {add = true}
        %dma_wait3A_349 = arith.constant 0 : i32
        %dma_wait3A_350 = arith.constant 0 : i32
        %dma_wait3A_351 = tpu.memref_slice %arg9[%run_scoped3A_204, %dma_wait3A_349, %dma_wait3A_350] : memref<2x125x128xf32, #tpu.memory_space<vmem>> -> memref<1x125x128xf32, #tpu.memory_space<vmem>>
        %dma_wait3A_352 = tpu.memref_squeeze %dma_wait3A_351 : memref<1x125x128xf32, #tpu.memory_space<vmem>> -> memref<125x128xf32, #tpu.memory_space<vmem>>
        %dma_wait3A_353 = arith.constant 0 : i32
        %dma_wait3A_354 = tpu.memref_slice %arg8[%rem3A_61, %run_scoped3A_205, %dma_wait3A_353] : memref<2x8x125xi32, #tpu.memory_space<vmem>> -> memref<1x1x125xi32, #tpu.memory_space<vmem>>
        %dma_wait3A_355 = tpu.memref_squeeze %dma_wait3A_354 : memref<1x1x125xi32, #tpu.memory_space<vmem>> -> memref<125xi32, #tpu.memory_space<vmem>>
        %dma_wait3A_356 = arith.constant 0 : i32
        %dma_wait3A_357 = arith.constant 0 : i32
        %dma_wait3A_358 = tpu.memref_slice %arg10[%dma_wait3A_356, %dma_wait3A_357] : memref<10000x128xf32, #tpu.memory_space<vmem_shared>> -> memref<10000x128xf32, #tpu.memory_space<vmem_shared>>
        tpu.wait_indirect_dma semaphore(%run_scoped3A_338 : memref<!tpu.dma_semaphore, #tpu.memory_space<semaphore_mem>>) src(%dma_wait3A_352 : memref<125x128xf32, #tpu.memory_space<vmem>>) dst(%dma_wait3A_358 : memref<10000x128xf32, #tpu.memory_space<vmem_shared>>)
        tpu.yield
      }) : () -> ()
      %dma_start3A_206 = arith.constant 5 : i32
      %dma_start3A_207 = arith.constant 1 : i32
      %dma_start3A_208 = arith.constant 0 : i32
      %dma_start3A_209 = arith.constant 0 : i32
      %dma_start3A_210 = tpu.memref_slice %arg9[%dma_start3A_207, %dma_start3A_208, %dma_start3A_209] : memref<2x125x128xf32, #tpu.memory_space<vmem>> -> memref<1x125x128xf32, #tpu.memory_space<vmem>>
      %dma_start3A_211 = tpu.memref_squeeze %dma_start3A_210 : memref<1x125x128xf32, #tpu.memory_space<vmem>> -> memref<125x128xf32, #tpu.memory_space<vmem>>
      %dma_start3A_212 = arith.constant 0 : i32
      %dma_start3A_213 = tpu.memref_slice %arg7[%rem3A_61, %dma_start3A_206, %dma_start3A_212] : memref<2x8x125xi32, #tpu.memory_space<vmem>> -> memref<1x1x125xi32, #tpu.memory_space<vmem>>
      %dma_start3A_214 = tpu.memref_squeeze %dma_start3A_213 : memref<1x1x125xi32, #tpu.memory_space<vmem>> -> memref<125xi32, #tpu.memory_space<vmem>>
      %dma_start3A_215 = arith.constant 0 : i32
      %dma_start3A_216 = arith.constant 0 : i32
      %dma_start3A_217 = tpu.memref_slice %arg2[%dma_start3A_215, %dma_start3A_216] : memref<10000x128xf32, #tpu.memory_space<hbm>> -> memref<10000x128xf32, #tpu.memory_space<hbm>>
      tpu.enqueue_indirect_dma source(%dma_start3A_217 : memref<10000x128xf32, #tpu.memory_space<hbm>>) target(%dma_start3A_211 : memref<125x128xf32, #tpu.memory_space<vmem>>) offsets(%dma_start3A_214 : memref<125xi32, #tpu.memory_space<vmem>>) semaphore(%arg12 : memref<!tpu.dma_semaphore, #tpu.memory_space<semaphore_mem>>)
      %dma_wait3A_218 = arith.constant 4 : i32
      %dma_wait3A_219 = arith.constant 0 : i32
      %dma_wait3A_220 = arith.constant 0 : i32
      %dma_wait3A_221 = arith.constant 0 : i32
      %dma_wait3A_222 = tpu.memref_slice %arg9[%dma_wait3A_219, %dma_wait3A_220, %dma_wait3A_221] : memref<2x125x128xf32, #tpu.memory_space<vmem>> -> memref<1x125x128xf32, #tpu.memory_space<vmem>>
      %dma_wait3A_223 = tpu.memref_squeeze %dma_wait3A_222 : memref<1x125x128xf32, #tpu.memory_space<vmem>> -> memref<125x128xf32, #tpu.memory_space<vmem>>
      %dma_wait3A_224 = arith.constant 0 : i32
      %dma_wait3A_225 = tpu.memref_slice %arg7[%rem3A_61, %dma_wait3A_218, %dma_wait3A_224] : memref<2x8x125xi32, #tpu.memory_space<vmem>> -> memref<1x1x125xi32, #tpu.memory_space<vmem>>
      %dma_wait3A_226 = tpu.memref_squeeze %dma_wait3A_225 : memref<1x1x125xi32, #tpu.memory_space<vmem>> -> memref<125xi32, #tpu.memory_space<vmem>>
      %dma_wait3A_227 = arith.constant 0 : i32
      %dma_wait3A_228 = arith.constant 0 : i32
      %dma_wait3A_229 = tpu.memref_slice %arg2[%dma_wait3A_227, %dma_wait3A_228] : memref<10000x128xf32, #tpu.memory_space<hbm>> -> memref<10000x128xf32, #tpu.memory_space<hbm>>
      tpu.wait_indirect_dma semaphore(%arg11 : memref<!tpu.dma_semaphore, #tpu.memory_space<semaphore_mem>>) src(%dma_wait3A_229 : memref<10000x128xf32, #tpu.memory_space<hbm>>) dst(%dma_wait3A_223 : memref<125x128xf32, #tpu.memory_space<vmem>>)
      %run_scoped3A_230 = arith.constant 0 : i32
      %run_scoped3A_231 = arith.constant 4 : i32
      "tpu.region"() ({
        %run_scoped3A_338 = tpu.sem_alloc : memref<!tpu.dma_semaphore, #tpu.memory_space<semaphore_mem>>
        %dma_start3A_339 = arith.constant 0 : i32
        %dma_start3A_340 = arith.constant 0 : i32
        %dma_start3A_341 = tpu.memref_slice %arg9[%run_scoped3A_230, %dma_start3A_339, %dma_start3A_340] : memref<2x125x128xf32, #tpu.memory_space<vmem>> -> memref<1x125x128xf32, #tpu.memory_space<vmem>>
        %dma_start3A_342 = tpu.memref_squeeze %dma_start3A_341 : memref<1x125x128xf32, #tpu.memory_space<vmem>> -> memref<125x128xf32, #tpu.memory_space<vmem>>
        %dma_start3A_343 = arith.constant 0 : i32
        %dma_start3A_344 = tpu.memref_slice %arg8[%rem3A_61, %run_scoped3A_231, %dma_start3A_343] : memref<2x8x125xi32, #tpu.memory_space<vmem>> -> memref<1x1x125xi32, #tpu.memory_space<vmem>>
        %dma_start3A_345 = tpu.memref_squeeze %dma_start3A_344 : memref<1x1x125xi32, #tpu.memory_space<vmem>> -> memref<125xi32, #tpu.memory_space<vmem>>
        %dma_start3A_346 = arith.constant 0 : i32
        %dma_start3A_347 = arith.constant 0 : i32
        %dma_start3A_348 = tpu.memref_slice %arg10[%dma_start3A_346, %dma_start3A_347] : memref<10000x128xf32, #tpu.memory_space<vmem_shared>> -> memref<10000x128xf32, #tpu.memory_space<vmem_shared>>
        tpu.enqueue_indirect_dma source(%dma_start3A_342 : memref<125x128xf32, #tpu.memory_space<vmem>>) target(%dma_start3A_348 : memref<10000x128xf32, #tpu.memory_space<vmem_shared>>) offsets(%dma_start3A_345 : memref<125xi32, #tpu.memory_space<vmem>>) semaphore(%run_scoped3A_338 : memref<!tpu.dma_semaphore, #tpu.memory_space<semaphore_mem>>) {add = true}
        %dma_wait3A_349 = arith.constant 0 : i32
        %dma_wait3A_350 = arith.constant 0 : i32
        %dma_wait3A_351 = tpu.memref_slice %arg9[%run_scoped3A_230, %dma_wait3A_349, %dma_wait3A_350] : memref<2x125x128xf32, #tpu.memory_space<vmem>> -> memref<1x125x128xf32, #tpu.memory_space<vmem>>
        %dma_wait3A_352 = tpu.memref_squeeze %dma_wait3A_351 : memref<1x125x128xf32, #tpu.memory_space<vmem>> -> memref<125x128xf32, #tpu.memory_space<vmem>>
        %dma_wait3A_353 = arith.constant 0 : i32
        %dma_wait3A_354 = tpu.memref_slice %arg8[%rem3A_61, %run_scoped3A_231, %dma_wait3A_353] : memref<2x8x125xi32, #tpu.memory_space<vmem>> -> memref<1x1x125xi32, #tpu.memory_space<vmem>>
        %dma_wait3A_355 = tpu.memref_squeeze %dma_wait3A_354 : memref<1x1x125xi32, #tpu.memory_space<vmem>> -> memref<125xi32, #tpu.memory_space<vmem>>
        %dma_wait3A_356 = arith.constant 0 : i32
        %dma_wait3A_357 = arith.constant 0 : i32
        %dma_wait3A_358 = tpu.memref_slice %arg10[%dma_wait3A_356, %dma_wait3A_357] : memref<10000x128xf32, #tpu.memory_space<vmem_shared>> -> memref<10000x128xf32, #tpu.memory_space<vmem_shared>>
        tpu.wait_indirect_dma semaphore(%run_scoped3A_338 : memref<!tpu.dma_semaphore, #tpu.memory_space<semaphore_mem>>) src(%dma_wait3A_352 : memref<125x128xf32, #tpu.memory_space<vmem>>) dst(%dma_wait3A_358 : memref<10000x128xf32, #tpu.memory_space<vmem_shared>>)
        tpu.yield
      }) : () -> ()
      %dma_start3A_232 = arith.constant 6 : i32
      %dma_start3A_233 = arith.constant 0 : i32
      %dma_start3A_234 = arith.constant 0 : i32
      %dma_start3A_235 = arith.constant 0 : i32
      %dma_start3A_236 = tpu.memref_slice %arg9[%dma_start3A_233, %dma_start3A_234, %dma_start3A_235] : memref<2x125x128xf32, #tpu.memory_space<vmem>> -> memref<1x125x128xf32, #tpu.memory_space<vmem>>
      %dma_start3A_237 = tpu.memref_squeeze %dma_start3A_236 : memref<1x125x128xf32, #tpu.memory_space<vmem>> -> memref<125x128xf32, #tpu.memory_space<vmem>>
      %dma_start3A_238 = arith.constant 0 : i32
      %dma_start3A_239 = tpu.memref_slice %arg7[%rem3A_61, %dma_start3A_232, %dma_start3A_238] : memref<2x8x125xi32, #tpu.memory_space<vmem>> -> memref<1x1x125xi32, #tpu.memory_space<vmem>>
      %dma_start3A_240 = tpu.memref_squeeze %dma_start3A_239 : memref<1x1x125xi32, #tpu.memory_space<vmem>> -> memref<125xi32, #tpu.memory_space<vmem>>
      %dma_start3A_241 = arith.constant 0 : i32
      %dma_start3A_242 = arith.constant 0 : i32
      %dma_start3A_243 = tpu.memref_slice %arg2[%dma_start3A_241, %dma_start3A_242] : memref<10000x128xf32, #tpu.memory_space<hbm>> -> memref<10000x128xf32, #tpu.memory_space<hbm>>
      tpu.enqueue_indirect_dma source(%dma_start3A_243 : memref<10000x128xf32, #tpu.memory_space<hbm>>) target(%dma_start3A_237 : memref<125x128xf32, #tpu.memory_space<vmem>>) offsets(%dma_start3A_240 : memref<125xi32, #tpu.memory_space<vmem>>) semaphore(%arg11 : memref<!tpu.dma_semaphore, #tpu.memory_space<semaphore_mem>>)
      %dma_wait3A_244 = arith.constant 5 : i32
      %dma_wait3A_245 = arith.constant 1 : i32
      %dma_wait3A_246 = arith.constant 0 : i32
      %dma_wait3A_247 = arith.constant 0 : i32
      %dma_wait3A_248 = tpu.memref_slice %arg9[%dma_wait3A_245, %dma_wait3A_246, %dma_wait3A_247] : memref<2x125x128xf32, #tpu.memory_space<vmem>> -> memref<1x125x128xf32, #tpu.memory_space<vmem>>
      %dma_wait3A_249 = tpu.memref_squeeze %dma_wait3A_248 : memref<1x125x128xf32, #tpu.memory_space<vmem>> -> memref<125x128xf32, #tpu.memory_space<vmem>>
      %dma_wait3A_250 = arith.constant 0 : i32
      %dma_wait3A_251 = tpu.memref_slice %arg7[%rem3A_61, %dma_wait3A_244, %dma_wait3A_250] : memref<2x8x125xi32, #tpu.memory_space<vmem>> -> memref<1x1x125xi32, #tpu.memory_space<vmem>>
      %dma_wait3A_252 = tpu.memref_squeeze %dma_wait3A_251 : memref<1x1x125xi32, #tpu.memory_space<vmem>> -> memref<125xi32, #tpu.memory_space<vmem>>
      %dma_wait3A_253 = arith.constant 0 : i32
      %dma_wait3A_254 = arith.constant 0 : i32
      %dma_wait3A_255 = tpu.memref_slice %arg2[%dma_wait3A_253, %dma_wait3A_254] : memref<10000x128xf32, #tpu.memory_space<hbm>> -> memref<10000x128xf32, #tpu.memory_space<hbm>>
      tpu.wait_indirect_dma semaphore(%arg12 : memref<!tpu.dma_semaphore, #tpu.memory_space<semaphore_mem>>) src(%dma_wait3A_255 : memref<10000x128xf32, #tpu.memory_space<hbm>>) dst(%dma_wait3A_249 : memref<125x128xf32, #tpu.memory_space<vmem>>)
      %run_scoped3A_256 = arith.constant 1 : i32
      %run_scoped3A_257 = arith.constant 5 : i32
      "tpu.region"() ({
        %run_scoped3A_338 = tpu.sem_alloc : memref<!tpu.dma_semaphore, #tpu.memory_space<semaphore_mem>>
        %dma_start3A_339 = arith.constant 0 : i32
        %dma_start3A_340 = arith.constant 0 : i32
        %dma_start3A_341 = tpu.memref_slice %arg9[%run_scoped3A_256, %dma_start3A_339, %dma_start3A_340] : memref<2x125x128xf32, #tpu.memory_space<vmem>> -> memref<1x125x128xf32, #tpu.memory_space<vmem>>
        %dma_start3A_342 = tpu.memref_squeeze %dma_start3A_341 : memref<1x125x128xf32, #tpu.memory_space<vmem>> -> memref<125x128xf32, #tpu.memory_space<vmem>>
        %dma_start3A_343 = arith.constant 0 : i32
        %dma_start3A_344 = tpu.memref_slice %arg8[%rem3A_61, %run_scoped3A_257, %dma_start3A_343] : memref<2x8x125xi32, #tpu.memory_space<vmem>> -> memref<1x1x125xi32, #tpu.memory_space<vmem>>
        %dma_start3A_345 = tpu.memref_squeeze %dma_start3A_344 : memref<1x1x125xi32, #tpu.memory_space<vmem>> -> memref<125xi32, #tpu.memory_space<vmem>>
        %dma_start3A_346 = arith.constant 0 : i32
        %dma_start3A_347 = arith.constant 0 : i32
        %dma_start3A_348 = tpu.memref_slice %arg10[%dma_start3A_346, %dma_start3A_347] : memref<10000x128xf32, #tpu.memory_space<vmem_shared>> -> memref<10000x128xf32, #tpu.memory_space<vmem_shared>>
        tpu.enqueue_indirect_dma source(%dma_start3A_342 : memref<125x128xf32, #tpu.memory_space<vmem>>) target(%dma_start3A_348 : memref<10000x128xf32, #tpu.memory_space<vmem_shared>>) offsets(%dma_start3A_345 : memref<125xi32, #tpu.memory_space<vmem>>) semaphore(%run_scoped3A_338 : memref<!tpu.dma_semaphore, #tpu.memory_space<semaphore_mem>>) {add = true}
        %dma_wait3A_349 = arith.constant 0 : i32
        %dma_wait3A_350 = arith.constant 0 : i32
        %dma_wait3A_351 = tpu.memref_slice %arg9[%run_scoped3A_256, %dma_wait3A_349, %dma_wait3A_350] : memref<2x125x128xf32, #tpu.memory_space<vmem>> -> memref<1x125x128xf32, #tpu.memory_space<vmem>>
        %dma_wait3A_352 = tpu.memref_squeeze %dma_wait3A_351 : memref<1x125x128xf32, #tpu.memory_space<vmem>> -> memref<125x128xf32, #tpu.memory_space<vmem>>
        %dma_wait3A_353 = arith.constant 0 : i32
        %dma_wait3A_354 = tpu.memref_slice %arg8[%rem3A_61, %run_scoped3A_257, %dma_wait3A_353] : memref<2x8x125xi32, #tpu.memory_space<vmem>> -> memref<1x1x125xi32, #tpu.memory_space<vmem>>
        %dma_wait3A_355 = tpu.memref_squeeze %dma_wait3A_354 : memref<1x1x125xi32, #tpu.memory_space<vmem>> -> memref<125xi32, #tpu.memory_space<vmem>>
        %dma_wait3A_356 = arith.constant 0 : i32
        %dma_wait3A_357 = arith.constant 0 : i32
        %dma_wait3A_358 = tpu.memref_slice %arg10[%dma_wait3A_356, %dma_wait3A_357] : memref<10000x128xf32, #tpu.memory_space<vmem_shared>> -> memref<10000x128xf32, #tpu.memory_space<vmem_shared>>
        tpu.wait_indirect_dma semaphore(%run_scoped3A_338 : memref<!tpu.dma_semaphore, #tpu.memory_space<semaphore_mem>>) src(%dma_wait3A_352 : memref<125x128xf32, #tpu.memory_space<vmem>>) dst(%dma_wait3A_358 : memref<10000x128xf32, #tpu.memory_space<vmem_shared>>)
        tpu.yield
      }) : () -> ()
      %dma_start3A_258 = arith.constant 7 : i32
      %dma_start3A_259 = arith.constant 1 : i32
      %dma_start3A_260 = arith.constant 0 : i32
      %dma_start3A_261 = arith.constant 0 : i32
      %dma_start3A_262 = tpu.memref_slice %arg9[%dma_start3A_259, %dma_start3A_260, %dma_start3A_261] : memref<2x125x128xf32, #tpu.memory_space<vmem>> -> memref<1x125x128xf32, #tpu.memory_space<vmem>>
      %dma_start3A_263 = tpu.memref_squeeze %dma_start3A_262 : memref<1x125x128xf32, #tpu.memory_space<vmem>> -> memref<125x128xf32, #tpu.memory_space<vmem>>
      %dma_start3A_264 = arith.constant 0 : i32
      %dma_start3A_265 = tpu.memref_slice %arg7[%rem3A_61, %dma_start3A_258, %dma_start3A_264] : memref<2x8x125xi32, #tpu.memory_space<vmem>> -> memref<1x1x125xi32, #tpu.memory_space<vmem>>
      %dma_start3A_266 = tpu.memref_squeeze %dma_start3A_265 : memref<1x1x125xi32, #tpu.memory_space<vmem>> -> memref<125xi32, #tpu.memory_space<vmem>>
      %dma_start3A_267 = arith.constant 0 : i32
      %dma_start3A_268 = arith.constant 0 : i32
      %dma_start3A_269 = tpu.memref_slice %arg2[%dma_start3A_267, %dma_start3A_268] : memref<10000x128xf32, #tpu.memory_space<hbm>> -> memref<10000x128xf32, #tpu.memory_space<hbm>>
      tpu.enqueue_indirect_dma source(%dma_start3A_269 : memref<10000x128xf32, #tpu.memory_space<hbm>>) target(%dma_start3A_263 : memref<125x128xf32, #tpu.memory_space<vmem>>) offsets(%dma_start3A_266 : memref<125xi32, #tpu.memory_space<vmem>>) semaphore(%arg12 : memref<!tpu.dma_semaphore, #tpu.memory_space<semaphore_mem>>)
      %dma_wait3A_270 = arith.constant 6 : i32
      %dma_wait3A_271 = arith.constant 0 : i32
      %dma_wait3A_272 = arith.constant 0 : i32
      %dma_wait3A_273 = arith.constant 0 : i32
      %dma_wait3A_274 = tpu.memref_slice %arg9[%dma_wait3A_271, %dma_wait3A_272, %dma_wait3A_273] : memref<2x125x128xf32, #tpu.memory_space<vmem>> -> memref<1x125x128xf32, #tpu.memory_space<vmem>>
      %dma_wait3A_275 = tpu.memref_squeeze %dma_wait3A_274 : memref<1x125x128xf32, #tpu.memory_space<vmem>> -> memref<125x128xf32, #tpu.memory_space<vmem>>
      %dma_wait3A_276 = arith.constant 0 : i32
      %dma_wait3A_277 = tpu.memref_slice %arg7[%rem3A_61, %dma_wait3A_270, %dma_wait3A_276] : memref<2x8x125xi32, #tpu.memory_space<vmem>> -> memref<1x1x125xi32, #tpu.memory_space<vmem>>
      %dma_wait3A_278 = tpu.memref_squeeze %dma_wait3A_277 : memref<1x1x125xi32, #tpu.memory_space<vmem>> -> memref<125xi32, #tpu.memory_space<vmem>>
      %dma_wait3A_279 = arith.constant 0 : i32
      %dma_wait3A_280 = arith.constant 0 : i32
      %dma_wait3A_281 = tpu.memref_slice %arg2[%dma_wait3A_279, %dma_wait3A_280] : memref<10000x128xf32, #tpu.memory_space<hbm>> -> memref<10000x128xf32, #tpu.memory_space<hbm>>
      tpu.wait_indirect_dma semaphore(%arg11 : memref<!tpu.dma_semaphore, #tpu.memory_space<semaphore_mem>>) src(%dma_wait3A_281 : memref<10000x128xf32, #tpu.memory_space<hbm>>) dst(%dma_wait3A_275 : memref<125x128xf32, #tpu.memory_space<vmem>>)
      %run_scoped3A_282 = arith.constant 0 : i32
      %run_scoped3A_283 = arith.constant 6 : i32
      "tpu.region"() ({
        %run_scoped3A_338 = tpu.sem_alloc : memref<!tpu.dma_semaphore, #tpu.memory_space<semaphore_mem>>
        %dma_start3A_339 = arith.constant 0 : i32
        %dma_start3A_340 = arith.constant 0 : i32
        %dma_start3A_341 = tpu.memref_slice %arg9[%run_scoped3A_282, %dma_start3A_339, %dma_start3A_340] : memref<2x125x128xf32, #tpu.memory_space<vmem>> -> memref<1x125x128xf32, #tpu.memory_space<vmem>>
        %dma_start3A_342 = tpu.memref_squeeze %dma_start3A_341 : memref<1x125x128xf32, #tpu.memory_space<vmem>> -> memref<125x128xf32, #tpu.memory_space<vmem>>
        %dma_start3A_343 = arith.constant 0 : i32
        %dma_start3A_344 = tpu.memref_slice %arg8[%rem3A_61, %run_scoped3A_283, %dma_start3A_343] : memref<2x8x125xi32, #tpu.memory_space<vmem>> -> memref<1x1x125xi32, #tpu.memory_space<vmem>>
        %dma_start3A_345 = tpu.memref_squeeze %dma_start3A_344 : memref<1x1x125xi32, #tpu.memory_space<vmem>> -> memref<125xi32, #tpu.memory_space<vmem>>
        %dma_start3A_346 = arith.constant 0 : i32
        %dma_start3A_347 = arith.constant 0 : i32
        %dma_start3A_348 = tpu.memref_slice %arg10[%dma_start3A_346, %dma_start3A_347] : memref<10000x128xf32, #tpu.memory_space<vmem_shared>> -> memref<10000x128xf32, #tpu.memory_space<vmem_shared>>
        tpu.enqueue_indirect_dma source(%dma_start3A_342 : memref<125x128xf32, #tpu.memory_space<vmem>>) target(%dma_start3A_348 : memref<10000x128xf32, #tpu.memory_space<vmem_shared>>) offsets(%dma_start3A_345 : memref<125xi32, #tpu.memory_space<vmem>>) semaphore(%run_scoped3A_338 : memref<!tpu.dma_semaphore, #tpu.memory_space<semaphore_mem>>) {add = true}
        %dma_wait3A_349 = arith.constant 0 : i32
        %dma_wait3A_350 = arith.constant 0 : i32
        %dma_wait3A_351 = tpu.memref_slice %arg9[%run_scoped3A_282, %dma_wait3A_349, %dma_wait3A_350] : memref<2x125x128xf32, #tpu.memory_space<vmem>> -> memref<1x125x128xf32, #tpu.memory_space<vmem>>
        %dma_wait3A_352 = tpu.memref_squeeze %dma_wait3A_351 : memref<1x125x128xf32, #tpu.memory_space<vmem>> -> memref<125x128xf32, #tpu.memory_space<vmem>>
        %dma_wait3A_353 = arith.constant 0 : i32
        %dma_wait3A_354 = tpu.memref_slice %arg8[%rem3A_61, %run_scoped3A_283, %dma_wait3A_353] : memref<2x8x125xi32, #tpu.memory_space<vmem>> -> memref<1x1x125xi32, #tpu.memory_space<vmem>>
        %dma_wait3A_355 = tpu.memref_squeeze %dma_wait3A_354 : memref<1x1x125xi32, #tpu.memory_space<vmem>> -> memref<125xi32, #tpu.memory_space<vmem>>
        %dma_wait3A_356 = arith.constant 0 : i32
        %dma_wait3A_357 = arith.constant 0 : i32
        %dma_wait3A_358 = tpu.memref_slice %arg10[%dma_wait3A_356, %dma_wait3A_357] : memref<10000x128xf32, #tpu.memory_space<vmem_shared>> -> memref<10000x128xf32, #tpu.memory_space<vmem_shared>>
        tpu.wait_indirect_dma semaphore(%run_scoped3A_338 : memref<!tpu.dma_semaphore, #tpu.memory_space<semaphore_mem>>) src(%dma_wait3A_352 : memref<125x128xf32, #tpu.memory_space<vmem>>) dst(%dma_wait3A_358 : memref<10000x128xf32, #tpu.memory_space<vmem_shared>>)
        tpu.yield
      }) : () -> ()
      %dma_wait3A_284 = arith.constant 0 : i32
      %dma_wait3A_285 = arith.constant 0 : i32
      %dma_wait3A_286 = tpu.memref_slice %arg7[%rem3A_65, %dma_wait3A_284, %dma_wait3A_285] : memref<2x8x125xi32, #tpu.memory_space<vmem>> -> memref<1x8x125xi32, #tpu.memory_space<vmem>>
      %dma_wait3A_287 = tpu.memref_squeeze %dma_wait3A_286 : memref<1x8x125xi32, #tpu.memory_space<vmem>> -> memref<8x125xi32, #tpu.memory_space<vmem>>
      %dma_wait3A_288 = arith.constant 0 : i32
      %dma_wait3A_289 = tpu.memref_slice %arg3[%add3A, %mul3A_71, %dma_wait3A_288] : memref<32x80x125xi32, #tpu.memory_space<hbm>> -> memref<1x8x125xi32, #tpu.memory_space<hbm>>
      %dma_wait3A_290 = tpu.memref_squeeze %dma_wait3A_289 : memref<1x8x125xi32, #tpu.memory_space<hbm>> -> memref<8x125xi32, #tpu.memory_space<hbm>>
      %dma_wait3A_291 = arith.constant 0 : i32
      %dma_wait3A_292 = arith.constant 0 : i32
      %dma_wait3A_293 = tpu.memref_slice %arg7[%rem3A_65, %dma_wait3A_291, %dma_wait3A_292] : memref<2x8x125xi32, #tpu.memory_space<vmem>> -> memref<1x8x125xi32, #tpu.memory_space<vmem>>
      %dma_wait3A_294 = tpu.memref_squeeze %dma_wait3A_293 : memref<1x8x125xi32, #tpu.memory_space<vmem>> -> memref<8x125xi32, #tpu.memory_space<vmem>>
      %dma_wait3A_295 = arith.constant 0 : i32
      %dma_wait3A_296 = tpu.memref_slice %arg3[%add3A, %mul3A_71, %dma_wait3A_295] : memref<32x80x125xi32, #tpu.memory_space<hbm>> -> memref<1x8x125xi32, #tpu.memory_space<hbm>>
      %dma_wait3A_297 = tpu.memref_squeeze %dma_wait3A_296 : memref<1x8x125xi32, #tpu.memory_space<hbm>> -> memref<8x125xi32, #tpu.memory_space<hbm>>
      tpu.wait_dma2 semaphore(%arg13 : memref<!tpu.dma_semaphore, #tpu.memory_space<semaphore_mem>>) src(%dma_wait3A_297 : memref<8x125xi32, #tpu.memory_space<hbm>>) dst(%dma_wait3A_294 : memref<8x125xi32, #tpu.memory_space<vmem>>)
      %dma_wait3A_298 = arith.constant 0 : i32
      %dma_wait3A_299 = arith.constant 0 : i32
      %dma_wait3A_300 = tpu.memref_slice %arg8[%rem3A_65, %dma_wait3A_298, %dma_wait3A_299] : memref<2x8x125xi32, #tpu.memory_space<vmem>> -> memref<1x8x125xi32, #tpu.memory_space<vmem>>
      %dma_wait3A_301 = tpu.memref_squeeze %dma_wait3A_300 : memref<1x8x125xi32, #tpu.memory_space<vmem>> -> memref<8x125xi32, #tpu.memory_space<vmem>>
      %dma_wait3A_302 = arith.constant 0 : i32
      %dma_wait3A_303 = tpu.memref_slice %arg4[%add3A, %mul3A_87, %dma_wait3A_302] : memref<32x80x125xi32, #tpu.memory_space<hbm>> -> memref<1x8x125xi32, #tpu.memory_space<hbm>>
      %dma_wait3A_304 = tpu.memref_squeeze %dma_wait3A_303 : memref<1x8x125xi32, #tpu.memory_space<hbm>> -> memref<8x125xi32, #tpu.memory_space<hbm>>
      %dma_wait3A_305 = arith.constant 0 : i32
      %dma_wait3A_306 = arith.constant 0 : i32
      %dma_wait3A_307 = tpu.memref_slice %arg8[%rem3A_65, %dma_wait3A_305, %dma_wait3A_306] : memref<2x8x125xi32, #tpu.memory_space<vmem>> -> memref<1x8x125xi32, #tpu.memory_space<vmem>>
      %dma_wait3A_308 = tpu.memref_squeeze %dma_wait3A_307 : memref<1x8x125xi32, #tpu.memory_space<vmem>> -> memref<8x125xi32, #tpu.memory_space<vmem>>
      %dma_wait3A_309 = arith.constant 0 : i32
      %dma_wait3A_310 = tpu.memref_slice %arg4[%add3A, %mul3A_87, %dma_wait3A_309] : memref<32x80x125xi32, #tpu.memory_space<hbm>> -> memref<1x8x125xi32, #tpu.memory_space<hbm>>
      %dma_wait3A_311 = tpu.memref_squeeze %dma_wait3A_310 : memref<1x8x125xi32, #tpu.memory_space<hbm>> -> memref<8x125xi32, #tpu.memory_space<hbm>>
      tpu.wait_dma2 semaphore(%arg13 : memref<!tpu.dma_semaphore, #tpu.memory_space<semaphore_mem>>) src(%dma_wait3A_311 : memref<8x125xi32, #tpu.memory_space<hbm>>) dst(%dma_wait3A_308 : memref<8x125xi32, #tpu.memory_space<vmem>>)
      %dma_start3A_312 = arith.constant 0 : i32
      %dma_start3A_313 = arith.constant 0 : i32
      %dma_start3A_314 = arith.constant 0 : i32
      %dma_start3A_315 = arith.constant 0 : i32
      %dma_start3A_316 = tpu.memref_slice %arg9[%dma_start3A_313, %dma_start3A_314, %dma_start3A_315] : memref<2x125x128xf32, #tpu.memory_space<vmem>> -> memref<1x125x128xf32, #tpu.memory_space<vmem>>
      %dma_start3A_317 = tpu.memref_squeeze %dma_start3A_316 : memref<1x125x128xf32, #tpu.memory_space<vmem>> -> memref<125x128xf32, #tpu.memory_space<vmem>>
      %dma_start3A_318 = arith.constant 0 : i32
      %dma_start3A_319 = tpu.memref_slice %arg7[%rem3A_65, %dma_start3A_312, %dma_start3A_318] : memref<2x8x125xi32, #tpu.memory_space<vmem>> -> memref<1x1x125xi32, #tpu.memory_space<vmem>>
      %dma_start3A_320 = tpu.memref_squeeze %dma_start3A_319 : memref<1x1x125xi32, #tpu.memory_space<vmem>> -> memref<125xi32, #tpu.memory_space<vmem>>
      %dma_start3A_321 = arith.constant 0 : i32
      %dma_start3A_322 = arith.constant 0 : i32
      %dma_start3A_323 = tpu.memref_slice %arg2[%dma_start3A_321, %dma_start3A_322] : memref<10000x128xf32, #tpu.memory_space<hbm>> -> memref<10000x128xf32, #tpu.memory_space<hbm>>
      tpu.enqueue_indirect_dma source(%dma_start3A_323 : memref<10000x128xf32, #tpu.memory_space<hbm>>) target(%dma_start3A_317 : memref<125x128xf32, #tpu.memory_space<vmem>>) offsets(%dma_start3A_320 : memref<125xi32, #tpu.memory_space<vmem>>) semaphore(%arg11 : memref<!tpu.dma_semaphore, #tpu.memory_space<semaphore_mem>>)
      %dma_wait3A_324 = arith.constant 7 : i32
      %dma_wait3A_325 = arith.constant 1 : i32
      %dma_wait3A_326 = arith.constant 0 : i32
      %dma_wait3A_327 = arith.constant 0 : i32
      %dma_wait3A_328 = tpu.memref_slice %arg9[%dma_wait3A_325, %dma_wait3A_326, %dma_wait3A_327] : memref<2x125x128xf32, #tpu.memory_space<vmem>> -> memref<1x125x128xf32, #tpu.memory_space<vmem>>
      %dma_wait3A_329 = tpu.memref_squeeze %dma_wait3A_328 : memref<1x125x128xf32, #tpu.memory_space<vmem>> -> memref<125x128xf32, #tpu.memory_space<vmem>>
      %dma_wait3A_330 = arith.constant 0 : i32
      %dma_wait3A_331 = tpu.memref_slice %arg7[%rem3A_61, %dma_wait3A_324, %dma_wait3A_330] : memref<2x8x125xi32, #tpu.memory_space<vmem>> -> memref<1x1x125xi32, #tpu.memory_space<vmem>>
      %dma_wait3A_332 = tpu.memref_squeeze %dma_wait3A_331 : memref<1x1x125xi32, #tpu.memory_space<vmem>> -> memref<125xi32, #tpu.memory_space<vmem>>
      %dma_wait3A_333 = arith.constant 0 : i32
      %dma_wait3A_334 = arith.constant 0 : i32
      %dma_wait3A_335 = tpu.memref_slice %arg2[%dma_wait3A_333, %dma_wait3A_334] : memref<10000x128xf32, #tpu.memory_space<hbm>> -> memref<10000x128xf32, #tpu.memory_space<hbm>>
      tpu.wait_indirect_dma semaphore(%arg12 : memref<!tpu.dma_semaphore, #tpu.memory_space<semaphore_mem>>) src(%dma_wait3A_335 : memref<10000x128xf32, #tpu.memory_space<hbm>>) dst(%dma_wait3A_329 : memref<125x128xf32, #tpu.memory_space<vmem>>)
      %run_scoped3A_336 = arith.constant 1 : i32
      %run_scoped3A_337 = arith.constant 7 : i32
      "tpu.region"() ({
        %run_scoped3A_338 = tpu.sem_alloc : memref<!tpu.dma_semaphore, #tpu.memory_space<semaphore_mem>>
        %dma_start3A_339 = arith.constant 0 : i32
        %dma_start3A_340 = arith.constant 0 : i32
        %dma_start3A_341 = tpu.memref_slice %arg9[%run_scoped3A_336, %dma_start3A_339, %dma_start3A_340] : memref<2x125x128xf32, #tpu.memory_space<vmem>> -> memref<1x125x128xf32, #tpu.memory_space<vmem>>
        %dma_start3A_342 = tpu.memref_squeeze %dma_start3A_341 : memref<1x125x128xf32, #tpu.memory_space<vmem>> -> memref<125x128xf32, #tpu.memory_space<vmem>>
        %dma_start3A_343 = arith.constant 0 : i32
        %dma_start3A_344 = tpu.memref_slice %arg8[%rem3A_61, %run_scoped3A_337, %dma_start3A_343] : memref<2x8x125xi32, #tpu.memory_space<vmem>> -> memref<1x1x125xi32, #tpu.memory_space<vmem>>
        %dma_start3A_345 = tpu.memref_squeeze %dma_start3A_344 : memref<1x1x125xi32, #tpu.memory_space<vmem>> -> memref<125xi32, #tpu.memory_space<vmem>>
        %dma_start3A_346 = arith.constant 0 : i32
        %dma_start3A_347 = arith.constant 0 : i32
        %dma_start3A_348 = tpu.memref_slice %arg10[%dma_start3A_346, %dma_start3A_347] : memref<10000x128xf32, #tpu.memory_space<vmem_shared>> -> memref<10000x128xf32, #tpu.memory_space<vmem_shared>>
        tpu.enqueue_indirect_dma source(%dma_start3A_342 : memref<125x128xf32, #tpu.memory_space<vmem>>) target(%dma_start3A_348 : memref<10000x128xf32, #tpu.memory_space<vmem_shared>>) offsets(%dma_start3A_345 : memref<125xi32, #tpu.memory_space<vmem>>) semaphore(%run_scoped3A_338 : memref<!tpu.dma_semaphore, #tpu.memory_space<semaphore_mem>>) {add = true}
        %dma_wait3A_349 = arith.constant 0 : i32
        %dma_wait3A_350 = arith.constant 0 : i32
        %dma_wait3A_351 = tpu.memref_slice %arg9[%run_scoped3A_336, %dma_wait3A_349, %dma_wait3A_350] : memref<2x125x128xf32, #tpu.memory_space<vmem>> -> memref<1x125x128xf32, #tpu.memory_space<vmem>>
        %dma_wait3A_352 = tpu.memref_squeeze %dma_wait3A_351 : memref<1x125x128xf32, #tpu.memory_space<vmem>> -> memref<125x128xf32, #tpu.memory_space<vmem>>
        %dma_wait3A_353 = arith.constant 0 : i32
        %dma_wait3A_354 = tpu.memref_slice %arg8[%rem3A_61, %run_scoped3A_337, %dma_wait3A_353] : memref<2x8x125xi32, #tpu.memory_space<vmem>> -> memref<1x1x125xi32, #tpu.memory_space<vmem>>
        %dma_wait3A_355 = tpu.memref_squeeze %dma_wait3A_354 : memref<1x1x125xi32, #tpu.memory_space<vmem>> -> memref<125xi32, #tpu.memory_space<vmem>>
        %dma_wait3A_356 = arith.constant 0 : i32
        %dma_wait3A_357 = arith.constant 0 : i32
        %dma_wait3A_358 = tpu.memref_slice %arg10[%dma_wait3A_356, %dma_wait3A_357] : memref<10000x128xf32, #tpu.memory_space<vmem_shared>> -> memref<10000x128xf32, #tpu.memory_space<vmem_shared>>
        tpu.wait_indirect_dma semaphore(%run_scoped3A_338 : memref<!tpu.dma_semaphore, #tpu.memory_space<semaphore_mem>>) src(%dma_wait3A_352 : memref<125x128xf32, #tpu.memory_space<vmem>>) dst(%dma_wait3A_358 : memref<10000x128xf32, #tpu.memory_space<vmem_shared>>)
        tpu.yield
      }) : () -> ()
    }
    %scan3A_36 = arith.constant 10 : i32
    %dma_wait3A = arith.constant 0 : i32
    %dma_wait3A_37 = arith.constant 0 : i32
    %dma_wait3A_38 = arith.constant 0 : i32
    %dma_wait3A_39 = arith.constant 0 : i32
    %dma_wait3A_40 = arith.constant 0 : i32
    %dma_wait3A_41 = tpu.memref_slice %arg9[%dma_wait3A_38, %dma_wait3A_39, %dma_wait3A_40] : memref<2x125x128xf32, #tpu.memory_space<vmem>> -> memref<1x125x128xf32, #tpu.memory_space<vmem>>
    %dma_wait3A_42 = tpu.memref_squeeze %dma_wait3A_41 : memref<1x125x128xf32, #tpu.memory_space<vmem>> -> memref<125x128xf32, #tpu.memory_space<vmem>>
    %dma_wait3A_43 = arith.constant 0 : i32
    %dma_wait3A_44 = tpu.memref_slice %arg7[%dma_wait3A, %dma_wait3A_37, %dma_wait3A_43] : memref<2x8x125xi32, #tpu.memory_space<vmem>> -> memref<1x1x125xi32, #tpu.memory_space<vmem>>
    %dma_wait3A_45 = tpu.memref_squeeze %dma_wait3A_44 : memref<1x1x125xi32, #tpu.memory_space<vmem>> -> memref<125xi32, #tpu.memory_space<vmem>>
    %dma_wait3A_46 = arith.constant 0 : i32
    %dma_wait3A_47 = arith.constant 0 : i32
    %dma_wait3A_48 = tpu.memref_slice %arg2[%dma_wait3A_46, %dma_wait3A_47] : memref<10000x128xf32, #tpu.memory_space<hbm>> -> memref<10000x128xf32, #tpu.memory_space<hbm>>
    tpu.wait_indirect_dma semaphore(%arg11 : memref<!tpu.dma_semaphore, #tpu.memory_space<semaphore_mem>>) src(%dma_wait3A_48 : memref<10000x128xf32, #tpu.memory_space<hbm>>) dst(%dma_wait3A_42 : memref<125x128xf32, #tpu.memory_space<vmem>>)
    %barrier3A_49 = arith.constant 0 : index
    tpu.barrier barrier_id(%barrier3A_49)
    %lt3A_50 = arith.constant 15 : i32
    %lt3A_51 = arith.cmpi slt, %arg1, %lt3A_50 : i32
    %convert_element_type3A_52 = arith.extui %lt3A_51 : i1 to i32
    %cond3A_53 = arith.constant 0 : i32
    %cond3A_54 = arith.cmpi ne, %convert_element_type3A_52, %cond3A_53 : i32
    scf.if %cond3A_54 {
      "tpu.region"() ({
        %run_scoped3A_60 = tpu.sem_alloc : memref<!tpu.dma_semaphore, #tpu.memory_space<semaphore_mem>>
        %dma_start3A_61 = arith.constant 0 : i32
        %dma_start3A_62 = tpu.memref_slice %arg6[%arg0, %mul3A_2, %dma_start3A_61] : memref<2x10000x128xf32, #tpu.memory_space<hbm>> -> memref<1x632x128xf32, #tpu.memory_space<hbm>>
        %dma_start3A_63 = tpu.memref_squeeze %dma_start3A_62 : memref<1x632x128xf32, #tpu.memory_space<hbm>> -> memref<632x128xf32, #tpu.memory_space<hbm>>
        %dma_start3A_64 = arith.constant 0 : i32
        %dma_start3A_65 = tpu.memref_slice %arg10[%mul3A_2, %dma_start3A_64] : memref<10000x128xf32, #tpu.memory_space<vmem_shared>> -> memref<632x128xf32, #tpu.memory_space<vmem_shared>>
        tpu.enqueue_dma source(%dma_start3A_65 : memref<632x128xf32, #tpu.memory_space<vmem_shared>>) target(%dma_start3A_63 : memref<632x128xf32, #tpu.memory_space<hbm>>) target_semaphore(%run_scoped3A_60 : memref<!tpu.dma_semaphore, #tpu.memory_space<semaphore_mem>>)
        %dma_wait3A_66 = arith.constant 0 : i32
        %dma_wait3A_67 = tpu.memref_slice %arg6[%arg0, %mul3A_2, %dma_wait3A_66] : memref<2x10000x128xf32, #tpu.memory_space<hbm>> -> memref<1x632x128xf32, #tpu.memory_space<hbm>>
        %dma_wait3A_68 = tpu.memref_squeeze %dma_wait3A_67 : memref<1x632x128xf32, #tpu.memory_space<hbm>> -> memref<632x128xf32, #tpu.memory_space<hbm>>
        %dma_wait3A_69 = arith.constant 0 : i32
        %dma_wait3A_70 = tpu.memref_slice %arg10[%mul3A_2, %dma_wait3A_69] : memref<10000x128xf32, #tpu.memory_space<vmem_shared>> -> memref<632x128xf32, #tpu.memory_space<vmem_shared>>
        tpu.wait_dma2 semaphore(%run_scoped3A_60 : memref<!tpu.dma_semaphore, #tpu.memory_space<semaphore_mem>>) src(%dma_wait3A_70 : memref<632x128xf32, #tpu.memory_space<vmem_shared>>) dst(%dma_wait3A_68 : memref<632x128xf32, #tpu.memory_space<hbm>>)
        tpu.yield
      }) : () -> ()
    } else {
    }
    %eq3A_55 = arith.constant 15 : i32
    %eq3A_56 = arith.cmpi eq, %arg1, %eq3A_55 : i32
    %convert_element_type3A_57 = arith.extui %eq3A_56 : i1 to i32
    %cond3A_58 = arith.constant 0 : i32
    %cond3A_59 = arith.cmpi ne, %convert_element_type3A_57, %cond3A_58 : i32
    scf.if %cond3A_59 {
      "tpu.region"() ({
        %run_scoped3A_60 = tpu.sem_alloc : memref<!tpu.dma_semaphore, #tpu.memory_space<semaphore_mem>>
        %dma_start3A_61 = arith.constant 0 : i32
        %dma_start3A_62 = tpu.memref_slice %arg6[%arg0, %mul3A_2, %dma_start3A_61] : memref<2x10000x128xf32, #tpu.memory_space<hbm>> -> memref<1x520x128xf32, #tpu.memory_space<hbm>>
        %dma_start3A_63 = tpu.memref_squeeze %dma_start3A_62 : memref<1x520x128xf32, #tpu.memory_space<hbm>> -> memref<520x128xf32, #tpu.memory_space<hbm>>
        %dma_start3A_64 = arith.constant 0 : i32
        %dma_start3A_65 = tpu.memref_slice %arg10[%mul3A_2, %dma_start3A_64] : memref<10000x128xf32, #tpu.memory_space<vmem_shared>> -> memref<520x128xf32, #tpu.memory_space<vmem_shared>>
        tpu.enqueue_dma source(%dma_start3A_65 : memref<520x128xf32, #tpu.memory_space<vmem_shared>>) target(%dma_start3A_63 : memref<520x128xf32, #tpu.memory_space<hbm>>) target_semaphore(%run_scoped3A_60 : memref<!tpu.dma_semaphore, #tpu.memory_space<semaphore_mem>>)
        %dma_wait3A_66 = arith.constant 0 : i32
        %dma_wait3A_67 = tpu.memref_slice %arg6[%arg0, %mul3A_2, %dma_wait3A_66] : memref<2x10000x128xf32, #tpu.memory_space<hbm>> -> memref<1x520x128xf32, #tpu.memory_space<hbm>>
        %dma_wait3A_68 = tpu.memref_squeeze %dma_wait3A_67 : memref<1x520x128xf32, #tpu.memory_space<hbm>> -> memref<520x128xf32, #tpu.memory_space<hbm>>
        %dma_wait3A_69 = arith.constant 0 : i32
        %dma_wait3A_70 = tpu.memref_slice %arg10[%mul3A_2, %dma_wait3A_69] : memref<10000x128xf32, #tpu.memory_space<vmem_shared>> -> memref<520x128xf32, #tpu.memory_space<vmem_shared>>
        tpu.wait_dma2 semaphore(%run_scoped3A_60 : memref<!tpu.dma_semaphore, #tpu.memory_space<semaphore_mem>>) src(%dma_wait3A_70 : memref<520x128xf32, #tpu.memory_space<vmem_shared>>) dst(%dma_wait3A_68 : memref<520x128xf32, #tpu.memory_space<hbm>>)
        tpu.yield
      }) : () -> ()
    } else {
    }
    return
  }
}

module attributes {stable_mosaic.version = 14 : i64} {
  func.func @_ka_body(%arg0: i32, %arg1: memref<5000x128xf32, #tpu.memory_space<vmem>>, %arg2: memref<128x128xf32, #tpu.memory_space<vmem>>, %arg3: memref<128xf32, #tpu.memory_space<vmem>>, %arg4: memref<128x128xf32, #tpu.memory_space<vmem>>, %arg5: memref<2x5000x16xf32, #tpu.memory_space<vmem>>, %arg6: memref<5000x128xf32, #tpu.memory_space<vmem>>) attributes {dimension_semantics = [#tpu.dimension_semantics<arbitrary>], iteration_bounds = array<i64: 2>, scalar_prefetch = 0 : i64, scratch_operands = 0 : i64, tpu.core_type = #tpu.core_type<tc>, window_params = [{transform_indices = @transform_0, window_bounds = array<i64: 5000, 128>}, {pipeline_mode = #tpu.pipeline_mode<synchronous>, transform_indices = @transform_1, window_bounds = array<i64: 128, 128>}, {pipeline_mode = #tpu.pipeline_mode<synchronous>, transform_indices = @transform_2, window_bounds = array<i64: 128>}, {pipeline_mode = #tpu.pipeline_mode<synchronous>, transform_indices = @transform_3, window_bounds = array<i64: 128, 128>}, {transform_indices = @transform_4, window_bounds = array<i64: 2, 5000, 16>}, {transform_indices = @transform_5, window_bounds = array<i64: 5000, 128>}]} {
    %get3A = arith.constant 0 : index
    %get3A_0 = arith.constant 0 : index
    %get3A_1 = vector.load %arg1[%get3A, %get3A_0] : memref<5000x128xf32, #tpu.memory_space<vmem>>, vector<5000x128xf32>
    %get3A_2 = arith.constant 0 : index
    %get3A_3 = arith.constant 0 : index
    %get3A_4 = vector.load %arg2[%get3A_2, %get3A_3] : memref<128x128xf32, #tpu.memory_space<vmem>>, vector<128x128xf32>
    %dot_general3A = arith.constant dense<0.000000e+00> : vector<5000x128xf32>
    %dot_general3A_5 = tpu.matmul %get3A_1, %get3A_4, %dot_general3A {dimension_numbers = #tpu.dot_dimension_numbers<[1], [0], [0], [1], [0, 0, 1, 1], [], []>, transpose_lhs_hint = false} : vector<5000x128xf32>, vector<128x128xf32>, vector<5000x128xf32> -> vector<5000x128xf32>
    %get3A_6 = arith.constant 0 : index
    %get3A_7 = vector.load %arg3[%get3A_6] : memref<128xf32, #tpu.memory_space<vmem>>, vector<128xf32>
    %broadcast_in_dim3A = vector.shape_cast %get3A_7 : vector<128xf32> to vector<1x128xf32>
    %add3A = vector.broadcast %broadcast_in_dim3A : vector<1x128xf32> to vector<5000x128xf32>
    %add3A_8 = arith.addf %dot_general3A_5, %add3A : vector<5000x128xf32>
    %max3A = arith.constant 0.000000e+00 : f32
    %max3A_9 = vector.broadcast %max3A : f32 to vector<5000x128xf32>
    %max3A_10 = arith.maximumf %add3A_8, %max3A_9 : vector<5000x128xf32>
    %get3A_11 = arith.constant 0 : index
    %get3A_12 = arith.constant 0 : index
    %get3A_13 = arith.constant 0 : index
    %get3A_14 = vector.load %arg5[%get3A_11, %get3A_12, %get3A_13] : memref<2x5000x16xf32, #tpu.memory_space<vmem>>, vector<2x5000x16xf32>
    %slice3A = vector.extract_strided_slice %get3A_14 {offsets = [0, 0, 0], sizes = [1, 5000, 1], strides = [1, 1, 1]} : vector<2x5000x16xf32> to vector<1x5000x1xf32>
    %squeeze3A = vector.shape_cast %slice3A : vector<1x5000x1xf32> to vector<5000x1xf32>
    %slice3A_15 = vector.extract_strided_slice %get3A_14 {offsets = [1, 0, 0], sizes = [1, 5000, 1], strides = [1, 1, 1]} : vector<2x5000x16xf32> to vector<1x5000x1xf32>
    %squeeze3A_16 = vector.shape_cast %slice3A_15 : vector<1x5000x1xf32> to vector<5000x1xf32>
    %add3A_17 = arith.addf %squeeze3A, %squeeze3A_16 : vector<5000x1xf32>
    %add3A_18 = arith.constant 1.000000e+00 : f32
    %add3A_19 = vector.broadcast %add3A_18 : f32 to vector<5000x1xf32>
    %add3A_20 = arith.addf %add3A_17, %add3A_19 : vector<5000x1xf32>
    %rsqrt3A = math.rsqrt %add3A_20 : vector<5000x1xf32>
    %get3A_21 = arith.constant 0 : index
    %get3A_22 = arith.constant 0 : index
    %get3A_23 = vector.load %arg4[%get3A_21, %get3A_22] : memref<128x128xf32, #tpu.memory_space<vmem>>, vector<128x128xf32>
    %dot_general3A_24 = arith.constant dense<0.000000e+00> : vector<5000x128xf32>
    %dot_general3A_25 = tpu.matmul %max3A_10, %get3A_23, %dot_general3A_24 {dimension_numbers = #tpu.dot_dimension_numbers<[1], [0], [0], [1], [0, 0, 1, 1], [], []>, transpose_lhs_hint = false} : vector<5000x128xf32>, vector<128x128xf32>, vector<5000x128xf32> -> vector<5000x128xf32>
    %mul3A = vector.broadcast %rsqrt3A : vector<5000x1xf32> to vector<5000x128xf32>
    %mul3A_26 = arith.mulf %dot_general3A_25, %mul3A : vector<5000x128xf32>
    %swap3A = arith.constant 0 : index
    %swap3A_27 = arith.constant 0 : index
    %swap3A_28 = vector.load %arg6[%swap3A, %swap3A_27] : memref<5000x128xf32, #tpu.memory_space<vmem>>, vector<5000x128xf32>
    tpu.vector_store %arg6[%swap3A, %swap3A_27], %mul3A_26 {strides = array<i32>} : memref<5000x128xf32, #tpu.memory_space<vmem>>, vector<5000x128xf32>,
    return
  }
  func.func @transform_0(%arg0: i32) -> (i32, i32) {
    %c0_i32 = arith.constant 0 : i32
    %c0_i32_0 = arith.constant 0 : i32
    return %arg0, %c0_i32 : i32, i32
  }
  func.func @transform_1(%arg0: i32) -> (i32, i32) {
    %c0_i32 = arith.constant 0 : i32
    %c0_i32_0 = arith.constant 0 : i32
    %c0_i32_1 = arith.constant 0 : i32
    return %c0_i32, %c0_i32_0 : i32, i32
  }
  func.func @transform_2(%arg0: i32) -> i32 {
    %c0_i32 = arith.constant 0 : i32
    %c0_i32_0 = arith.constant 0 : i32
    return %c0_i32 : i32
  }
  func.func @transform_3(%arg0: i32) -> (i32, i32) {
    %c0_i32 = arith.constant 0 : i32
    %c0_i32_0 = arith.constant 0 : i32
    %c0_i32_1 = arith.constant 0 : i32
    return %c0_i32, %c0_i32_0 : i32, i32
  }
  func.func @transform_4(%arg0: i32) -> (i32, i32, i32) {
    %c0_i32 = arith.constant 0 : i32
    %c0_i32_0 = arith.constant 0 : i32
    %c0_i32_1 = arith.constant 0 : i32
    return %c0_i32, %arg0, %c0_i32_0 : i32, i32, i32
  }
  func.func @transform_5(%arg0: i32) -> (i32, i32) {
    %c0_i32 = arith.constant 0 : i32
    %c0_i32_0 = arith.constant 0 : i32
    return %arg0, %c0_i32 : i32, i32
  }
}

module attributes {stable_mosaic.version = 14 : i64} {
  func.func @_kb_body(%arg0: i32, %arg1: memref<2x5000x128xf32, #tpu.memory_space<vmem>>, %arg2: memref<2x5000x16xf32, #tpu.memory_space<vmem>>, %arg3: memref<128xf32, #tpu.memory_space<vmem>>, %arg4: memref<128x128xf32, #tpu.memory_space<vmem>>, %arg5: memref<5000x128xf32, #tpu.memory_space<vmem>>) attributes {dimension_semantics = [#tpu.dimension_semantics<arbitrary>], iteration_bounds = array<i64: 2>, scalar_prefetch = 0 : i64, scratch_operands = 0 : i64, tpu.core_type = #tpu.core_type<tc>, window_params = [{transform_indices = @transform_0, window_bounds = array<i64: 2, 5000, 128>}, {transform_indices = @transform_1, window_bounds = array<i64: 2, 5000, 16>}, {pipeline_mode = #tpu.pipeline_mode<synchronous>, transform_indices = @transform_2, window_bounds = array<i64: 128>}, {pipeline_mode = #tpu.pipeline_mode<synchronous>, transform_indices = @transform_3, window_bounds = array<i64: 128, 128>}, {transform_indices = @transform_4, window_bounds = array<i64: 5000, 128>}]} {
    %get3A = arith.constant 0 : index
    %get3A_0 = arith.constant 0 : index
    %get3A_1 = arith.constant 0 : index
    %get3A_2 = vector.load %arg2[%get3A, %get3A_0, %get3A_1] : memref<2x5000x16xf32, #tpu.memory_space<vmem>>, vector<2x5000x16xf32>
    %slice3A = vector.extract_strided_slice %get3A_2 {offsets = [0, 0, 0], sizes = [1, 5000, 1], strides = [1, 1, 1]} : vector<2x5000x16xf32> to vector<1x5000x1xf32>
    %squeeze3A = vector.shape_cast %slice3A : vector<1x5000x1xf32> to vector<5000x1xf32>
    %slice3A_3 = vector.extract_strided_slice %get3A_2 {offsets = [1, 0, 0], sizes = [1, 5000, 1], strides = [1, 1, 1]} : vector<2x5000x16xf32> to vector<1x5000x1xf32>
    %squeeze3A_4 = vector.shape_cast %slice3A_3 : vector<1x5000x1xf32> to vector<5000x1xf32>
    %add3A = arith.addf %squeeze3A, %squeeze3A_4 : vector<5000x1xf32>
    %add3A_5 = arith.constant 1.000000e+00 : f32
    %add3A_6 = vector.broadcast %add3A_5 : f32 to vector<5000x1xf32>
    %add3A_7 = arith.addf %add3A, %add3A_6 : vector<5000x1xf32>
    %rsqrt3A = math.rsqrt %add3A_7 : vector<5000x1xf32>
    %get3A_8 = arith.constant 0 : index
    %get3A_9 = arith.constant 0 : index
    %get3A_10 = arith.constant 0 : index
    %get3A_11 = vector.load %arg1[%get3A_8, %get3A_9, %get3A_10] : memref<2x5000x128xf32, #tpu.memory_space<vmem>>, vector<1x5000x128xf32>
    %get3A_12 = vector.shape_cast %get3A_11 : vector<1x5000x128xf32> to vector<5000x128xf32>
    %get3A_13 = arith.constant 1 : index
    %get3A_14 = arith.constant 0 : index
    %get3A_15 = arith.constant 0 : index
    %get3A_16 = vector.load %arg1[%get3A_13, %get3A_14, %get3A_15] : memref<2x5000x128xf32, #tpu.memory_space<vmem>>, vector<1x5000x128xf32>
    %get3A_17 = vector.shape_cast %get3A_16 : vector<1x5000x128xf32> to vector<5000x128xf32>
    %add3A_18 = arith.addf %get3A_12, %get3A_17 : vector<5000x128xf32>
    %mul3A = vector.broadcast %rsqrt3A : vector<5000x1xf32> to vector<5000x128xf32>
    %mul3A_19 = arith.mulf %add3A_18, %mul3A : vector<5000x128xf32>
    %get3A_20 = arith.constant 0 : index
    %get3A_21 = vector.load %arg3[%get3A_20] : memref<128xf32, #tpu.memory_space<vmem>>, vector<128xf32>
    %broadcast_in_dim3A = vector.shape_cast %get3A_21 : vector<128xf32> to vector<1x128xf32>
    %add3A_22 = vector.broadcast %broadcast_in_dim3A : vector<1x128xf32> to vector<5000x128xf32>
    %add3A_23 = arith.addf %mul3A_19, %add3A_22 : vector<5000x128xf32>
    %max3A = arith.constant 0.000000e+00 : f32
    %max3A_24 = vector.broadcast %max3A : f32 to vector<5000x128xf32>
    %max3A_25 = arith.maximumf %add3A_23, %max3A_24 : vector<5000x128xf32>
    %get3A_26 = arith.constant 0 : index
    %get3A_27 = arith.constant 0 : index
    %get3A_28 = vector.load %arg4[%get3A_26, %get3A_27] : memref<128x128xf32, #tpu.memory_space<vmem>>, vector<128x128xf32>
    %dot_general3A = arith.constant dense<0.000000e+00> : vector<5000x128xf32>
    %dot_general3A_29 = tpu.matmul %max3A_25, %get3A_28, %dot_general3A {dimension_numbers = #tpu.dot_dimension_numbers<[1], [0], [0], [1], [0, 0, 1, 1], [], []>, transpose_lhs_hint = false} : vector<5000x128xf32>, vector<128x128xf32>, vector<5000x128xf32> -> vector<5000x128xf32>
    %mul3A_30 = vector.broadcast %rsqrt3A : vector<5000x1xf32> to vector<5000x128xf32>
    %mul3A_31 = arith.mulf %dot_general3A_29, %mul3A_30 : vector<5000x128xf32>
    %swap3A = arith.constant 0 : index
    %swap3A_32 = arith.constant 0 : index
    %swap3A_33 = vector.load %arg5[%swap3A, %swap3A_32] : memref<5000x128xf32, #tpu.memory_space<vmem>>, vector<5000x128xf32>
    tpu.vector_store %arg5[%swap3A, %swap3A_32], %mul3A_31 {strides = array<i32>} : memref<5000x128xf32, #tpu.memory_space<vmem>>, vector<5000x128xf32>,
    return
  }
  func.func @transform_0(%arg0: i32) -> (i32, i32, i32) {
    %c0_i32 = arith.constant 0 : i32
    %c0_i32_0 = arith.constant 0 : i32
    %c0_i32_1 = arith.constant 0 : i32
    return %c0_i32, %arg0, %c0_i32_0 : i32, i32, i32
  }
  func.func @transform_1(%arg0: i32) -> (i32, i32, i32) {
    %c0_i32 = arith.constant 0 : i32
    %c0_i32_0 = arith.constant 0 : i32
    %c0_i32_1 = arith.constant 0 : i32
    return %c0_i32, %arg0, %c0_i32_0 : i32, i32, i32
  }
  func.func @transform_2(%arg0: i32) -> i32 {
    %c0_i32 = arith.constant 0 : i32
    %c0_i32_0 = arith.constant 0 : i32
    return %c0_i32 : i32
  }
  func.func @transform_3(%arg0: i32) -> (i32, i32) {
    %c0_i32 = arith.constant 0 : i32
    %c0_i32_0 = arith.constant 0 : i32
    %c0_i32_1 = arith.constant 0 : i32
    return %c0_i32, %c0_i32_0 : i32, i32
  }
  func.func @transform_4(%arg0: i32) -> (i32, i32) {
    %c0_i32 = arith.constant 0 : i32
    %c0_i32_0 = arith.constant 0 : i32
    return %arg0, %c0_i32 : i32, i32
  }
}

module attributes {stable_mosaic.version = 14 : i64} {
  func.func @_kc_body(%arg0: i32, %arg1: memref<2x5000x128xf32, #tpu.memory_space<vmem>>, %arg2: memref<2x5000x16xf32, #tpu.memory_space<vmem>>, %arg3: memref<128xf32, #tpu.memory_space<vmem>>, %arg4: memref<5000x128xf32, #tpu.memory_space<vmem>>) attributes {dimension_semantics = [#tpu.dimension_semantics<arbitrary>], iteration_bounds = array<i64: 2>, scalar_prefetch = 0 : i64, scratch_operands = 0 : i64, tpu.core_type = #tpu.core_type<tc>, window_params = [{transform_indices = @transform_0, window_bounds = array<i64: 2, 5000, 128>}, {transform_indices = @transform_1, window_bounds = array<i64: 2, 5000, 16>}, {pipeline_mode = #tpu.pipeline_mode<synchronous>, transform_indices = @transform_2, window_bounds = array<i64: 128>}, {transform_indices = @transform_3, window_bounds = array<i64: 5000, 128>}]} {
    %get3A = arith.constant 0 : index
    %get3A_0 = arith.constant 0 : index
    %get3A_1 = arith.constant 0 : index
    %get3A_2 = vector.load %arg2[%get3A, %get3A_0, %get3A_1] : memref<2x5000x16xf32, #tpu.memory_space<vmem>>, vector<2x5000x16xf32>
    %slice3A = vector.extract_strided_slice %get3A_2 {offsets = [0, 0, 0], sizes = [1, 5000, 1], strides = [1, 1, 1]} : vector<2x5000x16xf32> to vector<1x5000x1xf32>
    %squeeze3A = vector.shape_cast %slice3A : vector<1x5000x1xf32> to vector<5000x1xf32>
    %slice3A_3 = vector.extract_strided_slice %get3A_2 {offsets = [1, 0, 0], sizes = [1, 5000, 1], strides = [1, 1, 1]} : vector<2x5000x16xf32> to vector<1x5000x1xf32>
    %squeeze3A_4 = vector.shape_cast %slice3A_3 : vector<1x5000x1xf32> to vector<5000x1xf32>
    %add3A = arith.addf %squeeze3A, %squeeze3A_4 : vector<5000x1xf32>
    %add3A_5 = arith.constant 1.000000e+00 : f32
    %add3A_6 = vector.broadcast %add3A_5 : f32 to vector<5000x1xf32>
    %add3A_7 = arith.addf %add3A, %add3A_6 : vector<5000x1xf32>
    %rsqrt3A = math.rsqrt %add3A_7 : vector<5000x1xf32>
    %get3A_8 = arith.constant 0 : index
    %get3A_9 = arith.constant 0 : index
    %get3A_10 = arith.constant 0 : index
    %get3A_11 = vector.load %arg1[%get3A_8, %get3A_9, %get3A_10] : memref<2x5000x128xf32, #tpu.memory_space<vmem>>, vector<1x5000x128xf32>
    %get3A_12 = vector.shape_cast %get3A_11 : vector<1x5000x128xf32> to vector<5000x128xf32>
    %get3A_13 = arith.constant 1 : index
    %get3A_14 = arith.constant 0 : index
    %get3A_15 = arith.constant 0 : index
    %get3A_16 = vector.load %arg1[%get3A_13, %get3A_14, %get3A_15] : memref<2x5000x128xf32, #tpu.memory_space<vmem>>, vector<1x5000x128xf32>
    %get3A_17 = vector.shape_cast %get3A_16 : vector<1x5000x128xf32> to vector<5000x128xf32>
    %add3A_18 = arith.addf %get3A_12, %get3A_17 : vector<5000x128xf32>
    %mul3A = vector.broadcast %rsqrt3A : vector<5000x1xf32> to vector<5000x128xf32>
    %mul3A_19 = arith.mulf %add3A_18, %mul3A : vector<5000x128xf32>
    %get3A_20 = arith.constant 0 : index
    %get3A_21 = vector.load %arg3[%get3A_20] : memref<128xf32, #tpu.memory_space<vmem>>, vector<128xf32>
    %broadcast_in_dim3A = vector.shape_cast %get3A_21 : vector<128xf32> to vector<1x128xf32>
    %add3A_22 = vector.broadcast %broadcast_in_dim3A : vector<1x128xf32> to vector<5000x128xf32>
    %add3A_23 = arith.addf %mul3A_19, %add3A_22 : vector<5000x128xf32>
    %max3A = arith.constant 0.000000e+00 : f32
    %max3A_24 = vector.broadcast %max3A : f32 to vector<5000x128xf32>
    %max3A_25 = arith.maximumf %add3A_23, %max3A_24 : vector<5000x128xf32>
    %swap3A = arith.constant 0 : index
    %swap3A_26 = arith.constant 0 : index
    %swap3A_27 = vector.load %arg4[%swap3A, %swap3A_26] : memref<5000x128xf32, #tpu.memory_space<vmem>>, vector<5000x128xf32>
    tpu.vector_store %arg4[%swap3A, %swap3A_26], %max3A_25 {strides = array<i32>} : memref<5000x128xf32, #tpu.memory_space<vmem>>, vector<5000x128xf32>,
    return
  }
  func.func @transform_0(%arg0: i32) -> (i32, i32, i32) {
    %c0_i32 = arith.constant 0 : i32
    %c0_i32_0 = arith.constant 0 : i32
    %c0_i32_1 = arith.constant 0 : i32
    return %c0_i32, %arg0, %c0_i32_0 : i32, i32, i32
  }
  func.func @transform_1(%arg0: i32) -> (i32, i32, i32) {
    %c0_i32 = arith.constant 0 : i32
    %c0_i32_0 = arith.constant 0 : i32
    %c0_i32_1 = arith.constant 0 : i32
    return %c0_i32, %arg0, %c0_i32_0 : i32, i32, i32
  }
  func.func @transform_2(%arg0: i32) -> i32 {
    %c0_i32 = arith.constant 0 : i32
    %c0_i32_0 = arith.constant 0 : i32
    return %c0_i32 : i32
  }
  func.func @transform_3(%arg0: i32) -> (i32, i32) {
    %c0_i32 = arith.constant 0 : i32
    %c0_i32_0 = arith.constant 0 : i32
    return %arg0, %c0_i32 : i32, i32
  }
}

</mosaic_0001>

<sc_bundles>
// kernel: kernel.11.cloned.1.call-start
scs
__scs_entry_jumppad:
0x0: {  	(pc) =	sbr.rel $0x88, $3  }
0x1: {  	(tag) =	ssettag $0x0;
	lr =	simm.s32 $0x1  }
0x2: {  	[smem:$0x3F9B] =	sst lr;
	_ =	strace $0xD0000000  }
0x3: {  	_ = 	snop  }
0x4: {  	_ = 	snop  }
0x5: {  	_ = 	snop  }
0x6: {  	_ = 	snop  }
0x7: {  	_ = 	snop  }
__scs_overlays_trampoline_lowered:
0x8: {  	[smem:$0x3FAA] =	sst s0  }
0x9: {  	[smem:$0x3FAB] =	sst s1  }
0xa: {  	[smem:$0x3FAC] =	sst s2  }
0xb: {  	[smem:$0x3FAD] =	sst s3  }
0xc: {  	[smem:$0x3FAE] =	sst s4  }
0xd: {  	[smem:$0x3FAF] =	sst s5  }
0xe: {  	[smem:$0x3FB0] =	sst s6  }
0xf: {  	[smem:$0x3FB1] =	sst s7  }
0x10: {  	[smem:$0x3FB2] =	sst s8  }
0x11: {  	[smem:$0x3FB3] =	sst s9;
	s0 =	simm.s32 @!p0 $0x0  }
0x12: {  	s1 =	sld [smem:$0x3F99];
	s0 =	simm.s32 @p0 $0x1  }
0x13: {  	[smem:$0x3FB4] =	sst s0;
	s0 =	simm.s32 @!p1 $0x0  }
0x14: {  	s2 =	sld [smem:$0x3F98];
	s0 =	simm.s32 @p1 $0x1  }
0x15: {  	[smem:$0x3FB5] =	sst s0;
	s0 =	simm.s32 @!p2 $0x0  }
0x16: {  	s3 =	sld [smem:$0x3FDB];
	s0 =	simm.s32 @p2 $0x1  }
0x17: {  	s4 =	simm.s32 $0x1BF5;
	[smem:$0x3FB7] =	sst s0  }
0x18: {  	s0 =	sld [smem:$0x3F9A];
	_ =	swait.ge [sflag:s4], $0x0  }
0x19: {  	s7 =	sld [smem:$0x3F9B]  }
0x1a: {  	s8 =	sadd.s32 $0xFFFFE003, lr  }
0x1b: {  	s9 =	sadd.s32 $0xFFFFFEF7, lr;
	s5 =	simm.s32 $0xFFFFFFFF;
	p2 =	slt.u32 s8, $0xFFFFF086  }
0x1c: {  	p1 =	slt.u32 s9, $0xF7A;
	s5 =	simm.s32 @!p2 $0x0  }
0x1d: {  	s5 =	simm.s32 @p1 $0x1;
	p0 =	seq.s32 s7, s2  }
0x1e: {  	s7 =	smul.u32 @!p0 $0xF7A, s2;
	p2 =	seq.s32 @!p0 s5, $0x0  }
0x1f: {  	s9 =	smul.u32 $0xF7A, s1;
	s8 =	simm.s32 @!p0 $0x1BF5;
	p2 =	por !p2, p0  }
0x20: {  	[sflag:s8] =	ssyncset.s32 @!p0 $0xFFFFF086;
	s6 =	sadd.s32 @!p0 s3, s7;
	s7 =	simm.s32 @!p0 $0x108  }
0x21: {  	s3 =	sadd.s32 s3, s9;
	s6 =	sadd.s32 @!p0 $0x88, s6;
	s7 =	simm.s32 @p2 $0x1082  }
0x22: {  	[simem:s7], [sflag:s8] =	dma.local @!p0 [hbm:s6], $0xF7A  }
0x23: {  	s9 =	sor.u32 $0xD0000000, s2;
	s6 =	simm.s32 $0x108;
	_ =	swait.ge @!p0 [sflag:s8], $0x0  }
0x24: {  	s3 =	sadd.s32 $0x88, s3;
	s6 =	simm.s32 @!p1 $0x1082;
	[sflag:s4] =	ssyncset.s32 $0xFFFFF086  }
0x25: {  	[simem:s6], [sflag:s4] =	dma.local [hbm:s3], $0xF7A  }
0x26: {  	[smem:$0x3F9B] =	sst s1;
	(tag) =	ssettag s2;
	_ =	strace s9  }
0x27: {  	s1 =	sld [smem:$0x3FAB]  }
0x28: {  	s2 =	sld [smem:$0x3FAC]  }
0x29: {  	s4 =	sld [smem:$0x3FAE]  }
0x2a: {  	p0 =	seq.s32 s5, $0x0;
	s5 =	sld [smem:$0x3FAF]  }
0x2b: {  	s6 =	sld [smem:$0x3FB0]  }
0x2c: {  	s7 =	sld [smem:$0x3FB1]  }
0x2d: {  	s3 =	simm.s32 $0x108;
	s8 =	sld [smem:$0x3FB2]  }
0x2e: {  	s3 =	simm.s32 @!p0 $0x1082;
	s9 =	sld [smem:$0x3FB3]  }
0x2f: {  	lr =	sadd.s32 s0, s3;
	s0 =	sld [smem:$0x3FAA]  }
0x30: {  	s3 =	sld [smem:$0x3FAD]  }
0x31: {  	[smem:$0x3FB6] =	sst s10  }
0x32: {  	s10 =	sld [smem:$0x3FB4];
	_ =	sdelay $0x3  }
0x33: {  	p0 =	seq.s32 s10, $0x1;
	s10 =	sld [smem:$0x3FB6];
	_ =	sdelay $0x3  }
0x34: {  	[smem:$0x3FB6] =	sst s10  }
0x35: {  	s10 =	sld [smem:$0x3FB5];
	_ =	sdelay $0x3  }
0x36: {  	p1 =	seq.s32 s10, $0x1;
	s10 =	sld [smem:$0x3FB6];
	_ =	sdelay $0x3  }
0x37: {  	[smem:$0x3FB6] =	sst s10  }
0x38: {  	s10 =	sld [smem:$0x3FB7]  }
0x39: {  	_ = 	snop;
	(pc) =	sbr.ind lr, $3  }
0x3a: {  	_ = 	snop  }
0x3b: {  	_ = 	snop  }
0x3c: {  	p2 =	seq.s32 s10, $0x1;
	s10 =	sld [smem:$0x3FB6]  }
0x3d: {  	_ =	shalt  }
0x3e: {  	_ =	shalt  }
0x3f: {  	_ =	shalt  }
0x40: {  	_ =	shalt  }
0x41: {  	_ =	shalt  }
0x42: {  	_ =	shalt  }
0x43: {  	_ =	shalt  }
0x44: {  	_ =	shalt  }
0x45: {  	_ =	shalt  }
0x46: {  	_ =	shalt  }
0x47: {  	_ =	shalt  }
0x48: {  	_ =	shalt  }
0x49: {  	_ =	shalt  }
0x4a: {  	_ =	shalt  }
0x4b: {  	_ =	shalt  }
0x4c: {  	_ =	shalt  }
0x4d: {  	_ =	shalt  }
0x4e: {  	_ =	shalt  }
0x4f: {  	_ =	shalt  }
0x50: {  	_ =	shalt  }
0x51: {  	_ =	shalt  }
0x52: {  	_ =	shalt  }
0x53: {  	_ =	shalt  }
0x54: {  	_ =	shalt  }
0x55: {  	_ =	shalt  }
0x56: {  	_ =	shalt  }
0x57: {  	_ =	shalt  }
0x58: {  	_ =	shalt  }
0x59: {  	_ =	shalt  }
0x5a: {  	_ =	shalt  }
0x5b: {  	_ =	shalt  }
0x5c: {  	_ =	shalt  }
0x5d: {  	_ =	shalt  }
0x5e: {  	_ =	shalt  }
0x5f: {  	_ =	shalt  }
0x60: {  	_ =	shalt  }
0x61: {  	_ =	shalt  }
0x62: {  	_ =	shalt  }
0x63: {  	_ =	shalt  }
0x64: {  	_ =	shalt  }
0x65: {  	_ =	shalt  }
0x66: {  	_ =	shalt  }
0x67: {  	_ =	shalt  }
0x68: {  	_ =	shalt  }
0x69: {  	_ =	shalt  }
0x6a: {  	_ =	shalt  }
0x6b: {  	_ =	shalt  }
0x6c: {  	_ =	shalt  }
0x6d: {  	_ =	shalt  }
0x6e: {  	_ =	shalt  }
0x6f: {  	_ =	shalt  }
0x70: {  	_ =	shalt  }
0x71: {  	_ =	shalt  }
0x72: {  	_ =	shalt  }
0x73: {  	_ =	shalt  }
0x74: {  	_ =	shalt  }
0x75: {  	_ =	shalt  }
0x76: {  	_ =	shalt  }
0x77: {  	_ =	shalt  }
0x78: {  	_ =	shalt  }
0x79: {  	_ =	shalt  }
0x7a: {  	_ =	shalt  }
0x7b: {  	_ =	shalt  }
0x7c: {  	_ =	shalt  }
0x7d: {  	_ =	shalt  }
0x7e: {  	_ =	shalt  }
0x7f: {  	_ =	shalt  }
0x80: {  	_ =	shalt  }
0x81: {  	_ =	shalt  }
0x82: {  	_ =	shalt  }
0x83: {  	_ =	shalt  }
0x84: {  	_ =	shalt  }
0x85: {  	_ =	shalt  }
0x86: {  	_ =	shalt  }
0x87: {  	_ =	shalt  }
.Lfunc_end0:
.L_simem_size_0:
called_computation.1_lowered:
.L_overlay_start_0:
0x88: {  	s2 =	sld [smem:$0x3FD9]  }
0x89: {  	s3 =	sld [smem:$0x3FFE];
	_ =	sdelay $0x1  }
0x8a: {  	s1 =	srdreg.scid  }
0x8b: {  	s0 =	sand.u32 $0x1, s1  }
0x8c: {  	s17 =	sshll.u32 s0, $0xA;
	s2 =	sadd.s32 s3, s2  }
0x8d: {  	s2 =	sadd.s32 s2, s17  }
0x8e: {  	[smem:$0x3FC2] =	sst s2  }
0x8f: {  	_ = 	snop  }
0x90: {  	s2 =	sld [smem:$0x3FD0];
	(tm) =	ssettm $0x1  }
0x91: {  	s18 =	sld [smem:$0x3FFB];
	_ =	sdelay $0x3  }
0x92: {  	_ =	strace s18  }
0x93: {  	s3 =	sld [smem:$0x3FFC];
	_ =	sdelay $0x3  }
0x94: {  	_ =	strace s3  }
0x95: {  	s3 =	sld [smem:$0x3FFD];
	_ =	sdelay $0x3  }
0x96: {  	_ =	strace s3  }
0x97: {  	_ =	strace $0x8FFFFFFF  }
0x98: {  	s19 =	sld [smem:$0x3FDB];
	_ =	sdelay $0x1  }
0x99: {  	s4 =	simm.s32 $_scs_section_size  }
0x9a: {  	s5 =	simm.s32 $_size__tile_overlayer_lowered;
	s6 =	simm.s32 $_tile_overlayer_lowered  }
0x9b: {  	s22 =	simm.s32 $0x1BFF;
	s21 =	sshll.u32 s6, $0x1;
	s3 =	sadd.s32 s4, s19  }
0x9c: {  	s7 =	simm.s32 $0x0;
	s20 =	sshll.u32 s5, $0x1;
	s5 =	sadd.s32 s21, s3  }
0x9d: {  	[timem:s7], [sflag:s22] =	dma.local [hbm:s5], s20  }
0x9e: {  	_ =	swait.ge [sflag:s22], s20  }
0x9f: {  	s4 =	ssub.s32 $0x0, s20;
	[sflag:s22] =	ssyncset.done $0x0  }
0xa0: {  	[sflag:s22] =	ssyncadd.s32 s4;
	_ =	sdelay $0x1  }
0xa1: {  	s23 =	simm.s32 $0x1B8B  }
0xa2: {  	_ =	swait.ge [sflag:s23], $0x1  }
0xa3: {  	[sflag:s23] =	ssyncset.done $0x0  }
0xa4: {  	s25 =	simm.s32 $0x1B8E;
	s24 =	sld [smem:$0x3FFE];
	[sflag:s23] =	ssyncadd.s32 $0xFFFFFFFF  }
0xa5: {  	s26 =	simm.s32 $execute0_lowered;
	[smem:$0x3FD2] =	sst s25  }
0xa6: {  	s5 =	sshll.u32 s26, $0x1;
	_ =	strace $0x80000049;
	[dreg:$0x1] =	wrdreg $0xFFFFFFFF  }
0xa7: {  	s28 =	simm.s32 $_size_execute0_lowered;
	s3 =	sadd.s32 s3, s5;
	[dreg:$0x0] =	wrdreg $0x0  }
0xa8: {  	s5 =	sshll.u32 s28, $0x1;
	[dreg:$0x2] =	wrdreg s3  }
0xa9: {  	[dreg:$0x3] =	wrdreg s5  }
0xaa: {  	[dreg:$0x4] =	wrdreg $0xC0  }
0xab: {  	_ =	task [dreg:s7], $0x5FFFF  }
0xac: {  	[dreg:$0x1] =	wrdreg $0xFFFFFFFF  }
0xad: {  	[dreg:$0x0] =	wrdreg $0x60  }
0xae: {  	[dreg:$0x2] =	wrdreg s2  }
0xaf: {  	[dreg:$0x3] =	wrdreg s24  }
0xb0: {  	[dreg:$0x4] =	wrdreg $0x90000  }
0xb1: {  	[dreg:$0x5] =	wrdreg $0x9  }
0xb2: {  	_ =	task.clear_ibuf [dreg:s7], $0x6FFFF;
	_ =	strace $0x90000049  }
0xb3: {  	s29 =	simm.s32 $0x9;
	_ =	strace $0x8000004B  }
0xb4: {  	_ =	swait.ge [sflag:s29], $0x1  }
0xb5: {  	[sflag:s29] =	ssyncadd.s32 $0xFFFFFFFF  }
0xb6: {  	_ =	strace $0x9000004B  }
0xb7: {  	_ =	sfence  }
0xb8: {  	s30 =	sld [smem:$0x0];
	_ =	sdelay $0x2  }
0xb9: {  	s31 =	sshll.u32 s1, $0xD;
	s1 =	sshrl.u32 s1, $0x2  }
0xba: {  	s3 =	sand.u32 $0x4000, s31;
	s1 =	sadd.s32 s1, s30  }
0xbb: {  	s0 =	sor.u32 s3, s0;
	s1 =	sshll.u32 s1, $0x11  }
0xbc: {  	s0 =	sor.u32 s1, s0  }
0xbd: {  	s0 =	sadd.s32 $0x8F2B, s0  }
0xbe: {  	[sflag:s0] =	ssyncadd.remote.s32 $0x1  }
0xbf: {  	_ =	sfence.sel $0xFFFF  }
0xc0: {  	[dreg:$0x0] =	wrdreg $0xFFFFFFFF;
	(pc) =	sbr.abs _section_cstart, $3  }
0xc1: {  	[dreg:$0x1] =	wrdreg $0xFFFFFFFF  }
0xc2: {  	_ =	task.clear_ibuf [dreg:s7], $0x2FFFF;
	_ =	strace $0x9FFFFFFF  }
0xc3: {  	(tm) =	ssettm $0x7FFFFFFF  }
tec
execute0_lowered:
.L_overlay_start_1:
0x0: {  	(tag) =	ssettag $0x1  }
0x1: {  	s1 =	rddreg [dreg:$0x0]  }
0x2: {  	s0 =	rddreg [dreg:$0x1]  }
0x3: {  	s3 =	rddreg [dreg:$0x2];
	s4 =	simm.s32 $0x0;
	s2 =	stileid.u32  }
0x4: {  	s7 =	srdreg.scid;
	s28 =	simm.s32 $0x5000;
	s29 =	simm.s32 $0x1  }
0x5: {  	s30 =	simm.s32 $0x2;
	s31 =	simm.s32 $0x3;
	[smem:$0x7FF] =	sst s4  }
0x6: {  	s9 =	smul.u32 $0x2780, s2;
	s5 =	sadd.s32 $0x1C000, s0;
	s6 =	sadd.s32 $0x3000, s0  }
0x7: {  	s8 =	sand.u32 $0x1, s7;
	s13 =	smul.u32 $0x4F000, s2;
	s17 =	sadd.s32 $0x9B400, s0  }
0x8: {  	s21 =	smul.u32 $0x13C00, s2;
	s22 =	sadd.s32 $0x25080, s1;
	p0 =	seq.s32 s2, $0xF  }
0x9: {  	_ =	strace $0x8000004A;
	s7 =	ssub.s32 $0x2, s8;
	s11 =	sshll.u32 s8, $0x4  }
0xa: {  	p4 =	seq.s32 s8, $0x1;
	s15 =	smul.u32 $0x138800, s8;
	[dreg:$0x6] =	wrdreg s22  }
0xb: {  	s10 =	sadd.s32 s9, s0;
	s12 =	sshrl.u32 s7, $0x1;
	s11 =	sor.u32 s2, s11  }
0xc: {  	s20 =	sshrl.u32 s13, $0x2;
	s9 =	sadd.s32 s1, s9;
	s0 =	sadd.s32 $0x99280, s0  }
0xd: {  	p1 =	por !p4, !p0;
	p2 =	por p4, !p0;
	p3 =	por !p4, p0  }
0xe: {  	p4 =	por p4, p0;
	s12 =	ssub.s32 s7, s12;
	s7 =	smul.u32 $0x2800, s11  }
0xf: {  	s8 =	sadd.s32 s20, s3;
	[dreg:$0x4] =	wrdreg s9;
	s10 =	sadd.s32 $0x74200, s10  }
0x10: {  	s11 =	sadd.s32 $0x128400, s3;
	[dreg:$0x7] =	wrdreg s0;
	s9 =	sadd.s32 s21, s15  }
0x11: {  	s25 =	sshrl.u32 s15, $0x3;
	[dreg:$0x5] =	wrdreg s10;
	s9 =	sshrl.u32 s9, $0x3  }
0x12: {  	s26 =	sadd.s32 s17, s25;
	s18 =	smax.u32 s12, $0x1;
	s19 =	sshrl.u32 @!p1 s11, $0x3  }
0x13: {  	s20 =	sshrl.u32 @!p2 s11, $0x3;
	s22 =	sshrl.u32 @!p3 s8, $0x3;
	s25 =	simm.s32 $0x7D  }
0x14: {  	s23 =	sshrl.u32 s7, $0x3;
	s16 =	sadd.s32 s17, s9;
	s17 =	sadd.s32 $0x25080, s26  }
0x15: {  	s26 =	simm.s32 $0x1000;
	s24 =	sadd.s32 s5, s23;
	s0 =	sadd.s32 s6, s23  }
0x16: {  	s23 =	simm.s32 $0x4;
	[dreg:$0x9] =	wrdreg s0;
	s0 =	sshll.u32 @!p3 s2, $0x6  }
0x17: {  	[dreg:$0x8] =	wrdreg s24;
	s21 =	sor.u32 @!p3 $0x1C03, s0;
	s0 =	simm.s32 $0x0  }
.LBB2_1:
0x18: {  	s9 =	simm.s32 @!p1 $0x1FC3;
	s10 =	rddreg [dreg:$0x7]  }
0x19: {  	[spmem:s19], [sflag:s9] =	dma.local @!p1 [hbm:s10], $0x2080  }
0x1a: {  	s9 =	simm.s32 @!p2 $0x1FC3;
	s10 =	rddreg [dreg:$0x6]  }
0x1b: {  	[spmem:s20], [sflag:s9] =	dma.local @!p2 [hbm:s10], $0x2080  }
0x1c: {  	s9 =	rddreg [dreg:$0x5]  }
0x1d: {  	[spmem:s22], [sflag:s21] =	dma.local @!p3 [hbm:s9], $0x2780  }
0x1e: {  	s9 =	sshll.u32 @!p4 s2, $0x6  }
0x1f: {  	s10 =	sshrl.u32 @!p4 s8, $0x3;
	s9 =	sor.u32 @!p4 $0x1C03, s9;
	s12 =	rddreg [dreg:$0x4]  }
0x20: {  	[spmem:s10], [sflag:s9] =	dma.local @!p4 [hbm:s12], $0x2780  }
0x21: {  	s9 =	rddreg [dreg:$0x8]  }
0x22: {  	[tilespmem:s4], [sflag:$0x4] =	stream.linear.gather [hbm4b:s9+s4], $0x400, $0x38;
	[tilespmem:$0x1C880] =	vst v63  }
0x23: {  	_ =	swait.ge [sflag:s23], $0x400  }
0x24: {  	[sflag:s23] =	ssyncset.done $0x0  }
0x25: {  	s14 =	simm.s32 $0x800;
	s13 =	rddreg [dreg:$0x9];
	[sflag:s23] =	ssyncadd.s32 $0xFFFFFC00  }
0x26: {  	[tilespmem:s14], [sflag:$0x4] =	stream.linear.gather [hbm4b:s13+s4], $0x400, $0x38;
	[tilespmem:$0x1C880] =	vst v63  }
0x27: {  	_ =	swait.ge [sflag:s23], $0x400  }
0x28: {  	[sflag:s23] =	ssyncset.done $0x0  }
0x29: {  	s9 =	simm.s32 @p0 $0x3;
	[sflag:s23] =	ssyncadd.s32 $0xFFFFFC00  }
0x2a: {  	[tilespmem:s26], [sflag:$0x1] =	stream.indirect.gather [hbm4b:s1+s25], $0x80, s4, s25, $0xb8;
	[tilespmem:$0x1C880] =	vst v63  }
0x2b: {  	_ =	swait.ge @p0 [sflag:s9], $0x2080  }
0x2c: {  	p5 =	por $0x0, $0x0;
	[sflag:s9] =	ssyncset.done @p0 $0x0  }
0x2d: {  	s10 =	simm.s32 $0x400;
	s12 =	simm.s32 @!p0 $0x3;
	[sflag:s9] =	ssyncadd.s32 @p0 $0xFFFFDF80  }
0x2e: {  	s9 =	sand.u32 $0x400, s10;
	s10 =	simm.s32 @p5 $0x0;
	_ =	swait.ge @!p0 [sflag:s12], $0x2780  }
0x2f: {  	s10 =	sadd.s32 s7, s10;
	[sflag:s12] =	ssyncset.done @!p0 $0x0  }
0x30: {  	s10 =	sshrl.u32 s10, $0x3;
	[sflag:s12] =	ssyncadd.s32 @!p0 $0xFFFFD880  }
0x31: {  	s15 =	sadd.s32 s5, s10;
	[bflag:$0x0] =	sbarrier.arrive $0xFFFF  }
0x32: {  	[tilespmem:s9], [sflag:$0x3] =	stream.linear.gather [hbm4b:s15+s4], $0x400, $0x38;
	[tilespmem:$0x1C880] =	vst v63  }
0x33: {  	s13 =	simm.s32 $0x0;
	s24 =	sor.u32 $0x800, s9;
	s10 =	sadd.s32 s6, s10  }
0x34: {  	[tilespmem:s24], [sflag:$0x3] =	stream.linear.gather [hbm4b:s10+s4], $0x400, $0x38;
	[tilespmem:$0x1C880] =	vst v63  }
0x35: {  	s10 =	sand.u32 $0x400, s13  }
0x36: {  	s14 =	sor.u32 $0x80, s10  }
0x37: {  	[tilespmem:s28], [sflag:$0x2] =	stream.indirect.gather [hbm4b:s1+s25], $0x80, s14, s25, $0xb8;
	[tilespmem:$0x1C880] =	vst v63  }
0x38: {  	_ =	swait.ge [sflag:s29], $0x3E80  }
0x39: {  	[sflag:s29] =	ssyncset.done $0x0  }
0x3a: {  	s15 =	sor.u32 $0x800, s10;
	[sflag:s29] =	ssyncadd.s32 $0xFFFFC180  }
0x3b: {  	[spmem:s3] =	stream.indirect.scatter.add.f32 [tilespmem:s26], [sflag:$0x4], $0x80, s15, s25, $0xb8;
	[tilespmem:$0x1C880] =	vst v63  }
0x3c: {  	_ =	swait.ge [sflag:s23], $0x3E80  }
0x3d: {  	[sflag:s23] =	ssyncset.done $0x0  }
0x3e: {  	s24 =	sor.u32 $0x100, s10;
	[sflag:s23] =	ssyncadd.s32 $0xFFFFC180  }
0x3f: {  	[tilespmem:s26], [sflag:$0x1] =	stream.indirect.gather [hbm4b:s1+s25], $0x80, s24, s25, $0xb8;
	[tilespmem:$0x1C880] =	vst v63  }
0x40: {  	_ =	swait.ge [sflag:s30], $0x3E80  }
0x41: {  	[sflag:s30] =	ssyncset.done $0x0  }
0x42: {  	s13 =	sor.u32 $0x880, s10;
	[sflag:s30] =	ssyncadd.s32 $0xFFFFC180  }
0x43: {  	[spmem:s3] =	stream.indirect.scatter.add.f32 [tilespmem:s28], [sflag:$0x4], $0x80, s13, s25, $0xb8;
	[tilespmem:$0x1C880] =	vst v63  }
0x44: {  	_ =	swait.ge [sflag:s23], $0x3E80  }
0x45: {  	[sflag:s23] =	ssyncset.done $0x0  }
0x46: {  	s14 =	sor.u32 $0x180, s10;
	[sflag:s23] =	ssyncadd.s32 $0xFFFFC180  }
0x47: {  	[tilespmem:s28], [sflag:$0x2] =	stream.indirect.gather [hbm4b:s1+s25], $0x80, s14, s25, $0xb8;
	[tilespmem:$0x1C880] =	vst v63  }
0x48: {  	_ =	swait.ge [sflag:s29], $0x3E80  }
0x49: {  	[sflag:s29] =	ssyncset.done $0x0  }
0x4a: {  	s15 =	sor.u32 $0x900, s10;
	[sflag:s29] =	ssyncadd.s32 $0xFFFFC180  }
0x4b: {  	[spmem:s3] =	stream.indirect.scatter.add.f32 [tilespmem:s26], [sflag:$0x4], $0x80, s15, s25, $0xb8;
	[tilespmem:$0x1C880] =	vst v63  }
0x4c: {  	_ =	swait.ge [sflag:s23], $0x3E80  }
0x4d: {  	[sflag:s23] =	ssyncset.done $0x0  }
0x4e: {  	s24 =	sor.u32 $0x200, s10;
	[sflag:s23] =	ssyncadd.s32 $0xFFFFC180  }
0x4f: {  	[tilespmem:s26], [sflag:$0x1] =	stream.indirect.gather [hbm4b:s1+s25], $0x80, s24, s25, $0xb8;
	[tilespmem:$0x1C880] =	vst v63  }
0x50: {  	_ =	swait.ge [sflag:s30], $0x3E80  }
0x51: {  	[sflag:s30] =	ssyncset.done $0x0  }
0x52: {  	s13 =	sor.u32 $0x980, s10;
	[sflag:s30] =	ssyncadd.s32 $0xFFFFC180  }
0x53: {  	[spmem:s3] =	stream.indirect.scatter.add.f32 [tilespmem:s28], [sflag:$0x4], $0x80, s13, s25, $0xb8;
	[tilespmem:$0x1C880] =	vst v63  }
0x54: {  	_ =	swait.ge [sflag:s23], $0x3E80  }
0x55: {  	[sflag:s23] =	ssyncset.done $0x0  }
0x56: {  	s14 =	sor.u32 $0x280, s10;
	[sflag:s23] =	ssyncadd.s32 $0xFFFFC180  }
0x57: {  	[tilespmem:s28], [sflag:$0x2] =	stream.indirect.gather [hbm4b:s1+s25], $0x80, s14, s25, $0xb8;
	[tilespmem:$0x1C880] =	vst v63  }
0x58: {  	_ =	swait.ge [sflag:s29], $0x3E80  }
0x59: {  	[sflag:s29] =	ssyncset.done $0x0  }
0x5a: {  	s15 =	sor.u32 $0xA00, s10;
	[sflag:s29] =	ssyncadd.s32 $0xFFFFC180  }
0x5b: {  	[spmem:s3] =	stream.indirect.scatter.add.f32 [tilespmem:s26], [sflag:$0x4], $0x80, s15, s25, $0xb8;
	[tilespmem:$0x1C880] =	vst v63  }
0x5c: {  	_ =	swait.ge [sflag:s23], $0x3E80  }
0x5d: {  	[sflag:s23] =	ssyncset.done $0x0  }
0x5e: {  	s24 =	sor.u32 $0x300, s10;
	[sflag:s23] =	ssyncadd.s32 $0xFFFFC180  }
0x5f: {  	[tilespmem:s26], [sflag:$0x1] =	stream.indirect.gather [hbm4b:s1+s25], $0x80, s24, s25, $0xb8;
	[tilespmem:$0x1C880] =	vst v63  }
0x60: {  	_ =	swait.ge [sflag:s30], $0x3E80  }
0x61: {  	[sflag:s30] =	ssyncset.done $0x0  }
0x62: {  	s13 =	sor.u32 $0xA80, s10;
	[sflag:s30] =	ssyncadd.s32 $0xFFFFC180  }
0x63: {  	[spmem:s3] =	stream.indirect.scatter.add.f32 [tilespmem:s28], [sflag:$0x4], $0x80, s13, s25, $0xb8;
	[tilespmem:$0x1C880] =	vst v63  }
0x64: {  	_ =	swait.ge [sflag:s23], $0x3E80  }
0x65: {  	[sflag:s23] =	ssyncset.done $0x0  }
0x66: {  	s14 =	sor.u32 $0x380, s10;
	[sflag:s23] =	ssyncadd.s32 $0xFFFFC180  }
0x67: {  	[tilespmem:s28], [sflag:$0x2] =	stream.indirect.gather [hbm4b:s1+s25], $0x80, s14, s25, $0xb8;
	[tilespmem:$0x1C880] =	vst v63  }
0x68: {  	_ =	swait.ge [sflag:s29], $0x3E80  }
0x69: {  	[sflag:s29] =	ssyncset.done $0x0  }
0x6a: {  	s15 =	sor.u32 $0xB00, s10;
	[sflag:s29] =	ssyncadd.s32 $0xFFFFC180  }
0x6b: {  	[spmem:s3] =	stream.indirect.scatter.add.f32 [tilespmem:s26], [sflag:$0x4], $0x80, s15, s25, $0xb8;
	[tilespmem:$0x1C880] =	vst v63  }
0x6c: {  	_ =	swait.ge [sflag:s23], $0x3E80  }
0x6d: {  	[sflag:s23] =	ssyncset.done $0x0  }
0x6e: {  	[sflag:s23] =	ssyncadd.s32 $0xFFFFC180  }
0x6f: {  	_ =	swait.ge [sflag:s31], $0x400  }
0x70: {  	[sflag:s31] =	ssyncset.done $0x0  }
0x71: {  	[sflag:s31] =	ssyncadd.s32 $0xFFFFFC00  }
0x72: {  	_ =	swait.ge [sflag:s31], $0x400  }
0x73: {  	[sflag:s31] =	ssyncset.done $0x0  }
0x74: {  	[sflag:s31] =	ssyncadd.s32 $0xFFFFFC00  }
0x75: {  	[tilespmem:s26], [sflag:$0x1] =	stream.indirect.gather [hbm4b:s1+s25], $0x80, s9, s25, $0xb8;
	[tilespmem:$0x1C880] =	vst v63  }
0x76: {  	p5 =	por $0x0, $0x0;
	_ =	swait.ge [sflag:s30], $0x3E80  }
0x77: {  	s24 =	sor.u32 $0xB80, s10;
	s10 =	simm.s32 $0x800;
	[sflag:s30] =	ssyncset.done $0x0  }
0x78: {  	s12 =	simm.s32 $0xC00;
	s10 =	simm.s32 @p5 $0x0;
	[sflag:s30] =	ssyncadd.s32 $0xFFFFC180  }
0x79: {  	[spmem:s3] =	stream.indirect.scatter.add.f32 [tilespmem:s28], [sflag:$0x4], $0x80, s24, s25, $0xb8;
	[tilespmem:$0x1C880] =	vst v63  }
0x7a: {  	s10 =	sadd.s32 s7, s10;
	s24 =	simm.s32 $0x800;
	_ =	swait.ge [sflag:s23], $0x3E80  }
.LBB2_2:
0x7b: {  	s13 =	sshrl.u32 s10, $0x3  }
0x7c: {  	[sflag:s23] =	ssyncset.done $0x0;
	s14 =	smov.u32 s12;
	s9 =	sadd.s32 $0x400, s12  }
0x7d: {  	s10 =	sand.u32 $0x400, s24;
	s15 =	sadd.s32 s5, s13;
	[sflag:s23] =	ssyncadd.s32 $0xFFFFC180  }
0x7e: {  	[tilespmem:s10], [sflag:$0x3] =	stream.linear.gather [hbm4b:s15+s4], $0x400, $0x38;
	[tilespmem:$0x1C880] =	vst v63  }
0x7f: {  	s24 =	sadd.s32 $0xFFFFFC00, s24;
	s13 =	sadd.s32 s6, s13;
	s15 =	sor.u32 $0x800, s10  }
0x80: {  	[tilespmem:s15], [sflag:$0x3] =	stream.linear.gather [hbm4b:s13+s4], $0x400, $0x38;
	[tilespmem:$0x1C880] =	vst v63  }
0x81: {  	p5 =	sne.s32 s12, $0x2800;
	s12 =	sand.u32 $0x400, s24;
	s24 =	smov.u32 s14  }
0x82: {  	s13 =	sor.u32 $0x80, s12  }
0x83: {  	[tilespmem:s28], [sflag:$0x2] =	stream.indirect.gather [hbm4b:s1+s25], $0x80, s13, s25, $0xb8;
	[tilespmem:$0x1C880] =	vst v63  }
0x84: {  	_ =	swait.ge [sflag:s29], $0x3E80  }
0x85: {  	s13 =	sor.u32 $0x800, s12;
	[sflag:s29] =	ssyncset.done $0x0  }
0x86: {  	[sflag:s29] =	ssyncadd.s32 $0xFFFFC180  }
0x87: {  	[spmem:s3] =	stream.indirect.scatter.add.f32 [tilespmem:s26], [sflag:$0x4], $0x80, s13, s25, $0xb8;
	[tilespmem:$0x1C880] =	vst v63  }
0x88: {  	_ =	swait.ge [sflag:s23], $0x3E80  }
0x89: {  	s13 =	sor.u32 $0x100, s12;
	[sflag:s23] =	ssyncset.done $0x0  }
0x8a: {  	[sflag:s23] =	ssyncadd.s32 $0xFFFFC180  }
0x8b: {  	[tilespmem:s26], [sflag:$0x1] =	stream.indirect.gather [hbm4b:s1+s25], $0x80, s13, s25, $0xb8;
	[tilespmem:$0x1C880] =	vst v63  }
0x8c: {  	_ =	swait.ge [sflag:s30], $0x3E80  }
0x8d: {  	s13 =	sor.u32 $0x880, s12;
	[sflag:s30] =	ssyncset.done $0x0  }
0x8e: {  	[sflag:s30] =	ssyncadd.s32 $0xFFFFC180  }
0x8f: {  	[spmem:s3] =	stream.indirect.scatter.add.f32 [tilespmem:s28], [sflag:$0x4], $0x80, s13, s25, $0xb8;
	[tilespmem:$0x1C880] =	vst v63  }
0x90: {  	_ =	swait.ge [sflag:s23], $0x3E80  }
0x91: {  	s13 =	sor.u32 $0x180, s12;
	[sflag:s23] =	ssyncset.done $0x0  }
0x92: {  	[sflag:s23] =	ssyncadd.s32 $0xFFFFC180  }
0x93: {  	[tilespmem:s28], [sflag:$0x2] =	stream.indirect.gather [hbm4b:s1+s25], $0x80, s13, s25, $0xb8;
	[tilespmem:$0x1C880] =	vst v63  }
0x94: {  	_ =	swait.ge [sflag:s29], $0x3E80  }
0x95: {  	s13 =	sor.u32 $0x900, s12;
	[sflag:s29] =	ssyncset.done $0x0  }
0x96: {  	[sflag:s29] =	ssyncadd.s32 $0xFFFFC180  }
0x97: {  	[spmem:s3] =	stream.indirect.scatter.add.f32 [tilespmem:s26], [sflag:$0x4], $0x80, s13, s25, $0xb8;
	[tilespmem:$0x1C880] =	vst v63  }
0x98: {  	_ =	swait.ge [sflag:s23], $0x3E80  }
0x99: {  	s13 =	sor.u32 $0x200, s12;
	[sflag:s23] =	ssyncset.done $0x0  }
0x9a: {  	[sflag:s23] =	ssyncadd.s32 $0xFFFFC180  }
0x9b: {  	[tilespmem:s26], [sflag:$0x1] =	stream.indirect.gather [hbm4b:s1+s25], $0x80, s13, s25, $0xb8;
	[tilespmem:$0x1C880] =	vst v63  }
0x9c: {  	_ =	swait.ge [sflag:s30], $0x3E80  }
0x9d: {  	s13 =	sor.u32 $0x980, s12;
	[sflag:s30] =	ssyncset.done $0x0  }
0x9e: {  	[sflag:s30] =	ssyncadd.s32 $0xFFFFC180  }
0x9f: {  	[spmem:s3] =	stream.indirect.scatter.add.f32 [tilespmem:s28], [sflag:$0x4], $0x80, s13, s25, $0xb8;
	[tilespmem:$0x1C880] =	vst v63  }
0xa0: {  	_ =	swait.ge [sflag:s23], $0x3E80  }
0xa1: {  	s13 =	sor.u32 $0x280, s12;
	[sflag:s23] =	ssyncset.done $0x0  }
0xa2: {  	[sflag:s23] =	ssyncadd.s32 $0xFFFFC180  }
0xa3: {  	[tilespmem:s28], [sflag:$0x2] =	stream.indirect.gather [hbm4b:s1+s25], $0x80, s13, s25, $0xb8;
	[tilespmem:$0x1C880] =	vst v63  }
0xa4: {  	_ =	swait.ge [sflag:s29], $0x3E80  }
0xa5: {  	s13 =	sor.u32 $0xA00, s12;
	[sflag:s29] =	ssyncset.done $0x0  }
0xa6: {  	[sflag:s29] =	ssyncadd.s32 $0xFFFFC180  }
0xa7: {  	[spmem:s3] =	stream.indirect.scatter.add.f32 [tilespmem:s26], [sflag:$0x4], $0x80, s13, s25, $0xb8;
	[tilespmem:$0x1C880] =	vst v63  }
0xa8: {  	_ =	swait.ge [sflag:s23], $0x3E80  }
0xa9: {  	s13 =	sor.u32 $0x300, s12;
	[sflag:s23] =	ssyncset.done $0x0  }
0xaa: {  	[sflag:s23] =	ssyncadd.s32 $0xFFFFC180  }
0xab: {  	[tilespmem:s26], [sflag:$0x1] =	stream.indirect.gather [hbm4b:s1+s25], $0x80, s13, s25, $0xb8;
	[tilespmem:$0x1C880] =	vst v63  }
0xac: {  	_ =	swait.ge [sflag:s30], $0x3E80  }
0xad: {  	s13 =	sor.u32 $0xA80, s12;
	[sflag:s30] =	ssyncset.done $0x0  }
0xae: {  	[sflag:s30] =	ssyncadd.s32 $0xFFFFC180  }
0xaf: {  	[spmem:s3] =	stream.indirect.scatter.add.f32 [tilespmem:s28], [sflag:$0x4], $0x80, s13, s25, $0xb8;
	[tilespmem:$0x1C880] =	vst v63  }
0xb0: {  	_ =	swait.ge [sflag:s23], $0x3E80  }
0xb1: {  	s13 =	sor.u32 $0x380, s12;
	[sflag:s23] =	ssyncset.done $0x0  }
0xb2: {  	[sflag:s23] =	ssyncadd.s32 $0xFFFFC180  }
0xb3: {  	[tilespmem:s28], [sflag:$0x2] =	stream.indirect.gather [hbm4b:s1+s25], $0x80, s13, s25, $0xb8;
	[tilespmem:$0x1C880] =	vst v63  }
0xb4: {  	_ =	swait.ge [sflag:s29], $0x3E80  }
0xb5: {  	s13 =	sor.u32 $0xB00, s12;
	[sflag:s29] =	ssyncset.done $0x0  }
0xb6: {  	[sflag:s29] =	ssyncadd.s32 $0xFFFFC180  }
0xb7: {  	[spmem:s3] =	stream.indirect.scatter.add.f32 [tilespmem:s26], [sflag:$0x4], $0x80, s13, s25, $0xb8;
	[tilespmem:$0x1C880] =	vst v63  }
0xb8: {  	_ =	swait.ge [sflag:s23], $0x3E80  }
0xb9: {  	[sflag:s23] =	ssyncset.done $0x0  }
0xba: {  	[sflag:s23] =	ssyncadd.s32 $0xFFFFC180  }
0xbb: {  	_ =	swait.ge [sflag:s31], $0x400  }
0xbc: {  	[sflag:s31] =	ssyncset.done $0x0  }
0xbd: {  	[sflag:s31] =	ssyncadd.s32 $0xFFFFFC00  }
0xbe: {  	_ =	swait.ge [sflag:s31], $0x400  }
0xbf: {  	[sflag:s31] =	ssyncset.done $0x0  }
0xc0: {  	[sflag:s31] =	ssyncadd.s32 $0xFFFFFC00  }
0xc1: {  	[tilespmem:s26], [sflag:$0x1] =	stream.indirect.gather [hbm4b:s1+s25], $0x80, s10, s25, $0xb8;
	[tilespmem:$0x1C880] =	vst v63  }
.Ltmp0:
0xc2: {  	p6 =	seq.s32 s24, $0x2800;
	_ =	swait.ge [sflag:s30], $0x3E80;
	(pc) =	sbr.rel @p5 .LBB2_2-.Ltmp0, $4  }
0xc3: {  	s10 =	sor.u32 $0xB80, s12;
	s12 =	smov.u32 s24;
	[sflag:s30] =	ssyncset.done $0x0  }
0xc4: {  	s12 =	simm.s32 @p6 $0x0;
	[sflag:s30] =	ssyncadd.s32 $0xFFFFC180  }
0xc5: {  	[spmem:s3] =	stream.indirect.scatter.add.f32 [tilespmem:s28], [sflag:$0x4], $0x80, s10, s25, $0xb8;
	[tilespmem:$0x1C880] =	vst v63  }
0xc6: {  	s10 =	sadd.s32 s7, s12;
	s12 =	smov.u32 s9;
	_ =	swait.ge [sflag:s23], $0x3E80  }
0xc7: {  	s10 =	sshrl.u32 s10, $0x3;
	[sflag:s23] =	ssyncset.done $0x0  }
0xc8: {  	s9 =	sand.u32 $0x400, s24;
	s12 =	sadd.s32 s5, s10;
	[sflag:s23] =	ssyncadd.s32 $0xFFFFC180  }
0xc9: {  	[tilespmem:s9], [sflag:$0x3] =	stream.linear.gather [hbm4b:s12+s4], $0x400, $0x38;
	[tilespmem:$0x1C880] =	vst v63  }
0xca: {  	s13 =	sadd.s32 $0xFFFFFC00, s24;
	s15 =	sor.u32 $0x800, s9;
	s10 =	sadd.s32 s6, s10  }
0xcb: {  	[tilespmem:s15], [sflag:$0x3] =	stream.linear.gather [hbm4b:s10+s4], $0x400, $0x38;
	[tilespmem:$0x1C880] =	vst v63  }
0xcc: {  	s10 =	sand.u32 $0x400, s13  }
0xcd: {  	s14 =	sor.u32 $0x80, s10  }
0xce: {  	[tilespmem:s28], [sflag:$0x2] =	stream.indirect.gather [hbm4b:s1+s25], $0x80, s14, s25, $0xb8;
	[tilespmem:$0x1C880] =	vst v63  }
0xcf: {  	_ =	swait.ge [sflag:s29], $0x3E80  }
0xd0: {  	[sflag:s29] =	ssyncset.done $0x0  }
0xd1: {  	s15 =	sor.u32 $0x800, s10;
	[sflag:s29] =	ssyncadd.s32 $0xFFFFC180  }
0xd2: {  	[spmem:s3] =	stream.indirect.scatter.add.f32 [tilespmem:s26], [sflag:$0x4], $0x80, s15, s25, $0xb8;
	[tilespmem:$0x1C880] =	vst v63  }
0xd3: {  	_ =	swait.ge [sflag:s23], $0x3E80  }
0xd4: {  	[sflag:s23] =	ssyncset.done $0x0  }
0xd5: {  	s24 =	sor.u32 $0x100, s10;
	[sflag:s23] =	ssyncadd.s32 $0xFFFFC180  }
0xd6: {  	[tilespmem:s26], [sflag:$0x1] =	stream.indirect.gather [hbm4b:s1+s25], $0x80, s24, s25, $0xb8;
	[tilespmem:$0x1C880] =	vst v63  }
0xd7: {  	_ =	swait.ge [sflag:s30], $0x3E80  }
0xd8: {  	[sflag:s30] =	ssyncset.done $0x0  }
0xd9: {  	s13 =	sor.u32 $0x880, s10;
	[sflag:s30] =	ssyncadd.s32 $0xFFFFC180  }
0xda: {  	[spmem:s3] =	stream.indirect.scatter.add.f32 [tilespmem:s28], [sflag:$0x4], $0x80, s13, s25, $0xb8;
	[tilespmem:$0x1C880] =	vst v63  }
0xdb: {  	_ =	swait.ge [sflag:s23], $0x3E80  }
0xdc: {  	[sflag:s23] =	ssyncset.done $0x0  }
0xdd: {  	s14 =	sor.u32 $0x180, s10;
	[sflag:s23] =	ssyncadd.s32 $0xFFFFC180  }
0xde: {  	[tilespmem:s28], [sflag:$0x2] =	stream.indirect.gather [hbm4b:s1+s25], $0x80, s14, s25, $0xb8;
	[tilespmem:$0x1C880] =	vst v63  }
0xdf: {  	_ =	swait.ge [sflag:s29], $0x3E80  }
0xe0: {  	[sflag:s29] =	ssyncset.done $0x0  }
0xe1: {  	s15 =	sor.u32 $0x900, s10;
	[sflag:s29] =	ssyncadd.s32 $0xFFFFC180  }
0xe2: {  	[spmem:s3] =	stream.indirect.scatter.add.f32 [tilespmem:s26], [sflag:$0x4], $0x80, s15, s25, $0xb8;
	[tilespmem:$0x1C880] =	vst v63  }
0xe3: {  	_ =	swait.ge [sflag:s23], $0x3E80  }
0xe4: {  	[sflag:s23] =	ssyncset.done $0x0  }
0xe5: {  	s24 =	sor.u32 $0x200, s10;
	[sflag:s23] =	ssyncadd.s32 $0xFFFFC180  }
0xe6: {  	[tilespmem:s26], [sflag:$0x1] =	stream.indirect.gather [hbm4b:s1+s25], $0x80, s24, s25, $0xb8;
	[tilespmem:$0x1C880] =	vst v63  }
0xe7: {  	_ =	swait.ge [sflag:s30], $0x3E80  }
0xe8: {  	[sflag:s30] =	ssyncset.done $0x0  }
0xe9: {  	s13 =	sor.u32 $0x980, s10;
	[sflag:s30] =	ssyncadd.s32 $0xFFFFC180  }
0xea: {  	[spmem:s3] =	stream.indirect.scatter.add.f32 [tilespmem:s28], [sflag:$0x4], $0x80, s13, s25, $0xb8;
	[tilespmem:$0x1C880] =	vst v63  }
0xeb: {  	_ =	swait.ge [sflag:s23], $0x3E80  }
0xec: {  	[sflag:s23] =	ssyncset.done $0x0  }
0xed: {  	s14 =	sor.u32 $0x280, s10;
	[sflag:s23] =	ssyncadd.s32 $0xFFFFC180  }
0xee: {  	[tilespmem:s28], [sflag:$0x2] =	stream.indirect.gather [hbm4b:s1+s25], $0x80, s14, s25, $0xb8;
	[tilespmem:$0x1C880] =	vst v63  }
0xef: {  	_ =	swait.ge [sflag:s29], $0x3E80  }
0xf0: {  	[sflag:s29] =	ssyncset.done $0x0  }
0xf1: {  	s15 =	sor.u32 $0xA00, s10;
	[sflag:s29] =	ssyncadd.s32 $0xFFFFC180  }
0xf2: {  	[spmem:s3] =	stream.indirect.scatter.add.f32 [tilespmem:s26], [sflag:$0x4], $0x80, s15, s25, $0xb8;
	[tilespmem:$0x1C880] =	vst v63  }
0xf3: {  	_ =	swait.ge [sflag:s23], $0x3E80  }
0xf4: {  	[sflag:s23] =	ssyncset.done $0x0  }
0xf5: {  	s24 =	sor.u32 $0x300, s10;
	[sflag:s23] =	ssyncadd.s32 $0xFFFFC180  }
0xf6: {  	[tilespmem:s26], [sflag:$0x1] =	stream.indirect.gather [hbm4b:s1+s25], $0x80, s24, s25, $0xb8;
	[tilespmem:$0x1C880] =	vst v63  }
0xf7: {  	_ =	swait.ge [sflag:s30], $0x3E80  }
0xf8: {  	[sflag:s30] =	ssyncset.done $0x0  }
0xf9: {  	s13 =	sor.u32 $0xA80, s10;
	[sflag:s30] =	ssyncadd.s32 $0xFFFFC180  }
0xfa: {  	[spmem:s3] =	stream.indirect.scatter.add.f32 [tilespmem:s28], [sflag:$0x4], $0x80, s13, s25, $0xb8;
	[tilespmem:$0x1C880] =	vst v63  }
0xfb: {  	_ =	swait.ge [sflag:s23], $0x3E80  }
0xfc: {  	[sflag:s23] =	ssyncset.done $0x0  }
0xfd: {  	s14 =	sor.u32 $0x380, s10;
	[sflag:s23] =	ssyncadd.s32 $0xFFFFC180  }
0xfe: {  	[tilespmem:s28], [sflag:$0x2] =	stream.indirect.gather [hbm4b:s1+s25], $0x80, s14, s25, $0xb8;
	[tilespmem:$0x1C880] =	vst v63  }
0xff: {  	_ =	swait.ge [sflag:s29], $0x3E80  }
0x100: {  	[sflag:s29] =	ssyncset.done $0x0  }
0x101: {  	s15 =	sor.u32 $0xB00, s10;
	[sflag:s29] =	ssyncadd.s32 $0xFFFFC180  }
0x102: {  	[spmem:s3] =	stream.indirect.scatter.add.f32 [tilespmem:s26], [sflag:$0x4], $0x80, s15, s25, $0xb8;
	[tilespmem:$0x1C880] =	vst v63  }
0x103: {  	_ =	swait.ge [sflag:s23], $0x3E80  }
0x104: {  	[sflag:s23] =	ssyncset.done $0x0  }
0x105: {  	[sflag:s23] =	ssyncadd.s32 $0xFFFFC180  }
0x106: {  	_ =	swait.ge [sflag:s31], $0x400  }
0x107: {  	[sflag:s31] =	ssyncset.done $0x0  }
0x108: {  	[sflag:s31] =	ssyncadd.s32 $0xFFFFFC00  }
0x109: {  	_ =	swait.ge [sflag:s31], $0x400  }
0x10a: {  	[sflag:s31] =	ssyncset.done $0x0  }
0x10b: {  	[sflag:s31] =	ssyncadd.s32 $0xFFFFFC00  }
0x10c: {  	[tilespmem:s26], [sflag:$0x1] =	stream.indirect.gather [hbm4b:s1+s25], $0x80, s9, s25, $0xb8;
	[tilespmem:$0x1C880] =	vst v63  }
0x10d: {  	_ =	swait.ge [sflag:s30], $0x3E80  }
0x10e: {  	[sflag:s30] =	ssyncset.done $0x0  }
0x10f: {  	s24 =	sor.u32 $0xB80, s10;
	[sflag:s30] =	ssyncadd.s32 $0xFFFFC180  }
0x110: {  	[spmem:s3] =	stream.indirect.scatter.add.f32 [tilespmem:s28], [sflag:$0x4], $0x80, s24, s25, $0xb8;
	[tilespmem:$0x1C880] =	vst v63  }
0x111: {  	_ =	swait.ge [sflag:s23], $0x3E80  }
0x112: {  	[sflag:s23] =	ssyncset.done $0x0  }
0x113: {  	[sflag:s23] =	ssyncadd.s32 $0xFFFFC180  }
0x114: {  	_ =	swait.ge [sflag:s29], $0x3E80  }
0x115: {  	[sflag:s29] =	ssyncset.done $0x0  }
0x116: {  	[sflag:s29] =	ssyncadd.s32 $0xFFFFC180  }
0x117: {  	s10 =	simm.s32 @p0 $0x1FC4;
	s9 =	sshrl.u32 @p0 s11, $0x3;
	[bflag:$0x0] =	sbarrier.arrive $0xFFFF  }
0x118: {  	[hbm:s17], [sflag:s10] =	dma.local @p0 [spmem:s9], $0x2080  }
0x119: {  	s9 =	simm.s32 @p0 $0x4  }
0x11a: {  	s0 =	sadd.s32 $0x1, s0;
	_ =	swait.ge @p0 [sflag:s9], $0x2080  }
0x11b: {  	p5 =	sne.s32 s0, s18;
	s10 =	sshll.u32 @!p0 s2, $0x6;
	[sflag:s9] =	ssyncset.done @p0 $0x0  }
0x11c: {  	[sflag:s9] =	ssyncadd.s32 @p0 $0xFFFFDF80;
	s9 =	sor.u32 @!p0 $0x1C04, s10;
	s10 =	sshrl.u32 @!p0 s8, $0x3  }
0x11d: {  	[hbm:s16], [sflag:s9] =	dma.local @!p0 [spmem:s10], $0x2780  }
.Ltmp1:
0x11e: {  	_ = 	snop;
	(pc) =	sbr.rel @p5 .LBB2_1-.Ltmp1, $4  }
0x11f: {  	s9 =	simm.s32 @!p0 $0x4  }
0x120: {  	_ =	swait.ge @!p0 [sflag:s9], $0x2780  }
0x121: {  	[sflag:s9] =	ssyncset.done @!p0 $0x0  }
0x122: {  	[sflag:s9] =	ssyncadd.s32 @!p0 $0xFFFFD880  }
0x123: {  	_ =	sfence.sel $0x180000  }
0x124: {  	[bflag:$0x0] =	sbarrier.arrive $0xFFFF  }
0x125: {  	_ =	strace $0x9000004A  }
0x126: {  	[bflag:$0x2] =	sbarrier.arrive $0xFFFF  }
0x127: {  	p0 =	sne.s32 s2, $0x0;
	s0 =	rddreg [dreg:$0x3]  }
0x128: {  	s0 =	sadd.s32 @!p0 $0x100000, s0  }
0x129: {  	[sflag:s0] =	ssyncadd.tile.s32 @!p0 $0x1;
	_ =	shalt  }
.Lfunc_end2:
_tile_overlayer_lowered:
.L_overlay_start_2:
0x12a: {  	(tag) =	ssettag $0x2  }
0x12b: {  	s0 =	rddreg [dreg:$0x0];
	s2 =	stileid.u32  }
0x12c: {  	s1 =	rddreg [dreg:$0x1];
	p0 =	sne.s32 s2, $0x0  }
0x12d: {  	s3 =	rddreg [dreg:$0x2];
	[bflag:$0x3] =	sbarrier.arrive $0xFFFF;
	s2 =	simm.s32 @!p0 $0x1C04  }
0x12e: {  	[timem:s3], [sflag:s2] =	dma.local @!p0 [hbm:s0], s1  }
0x12f: {  	s0 =	simm.s32 @!p0 $0x4  }
0x130: {  	_ =	swait.ge @!p0 [sflag:s0], s1  }
0x131: {  	s1 =	ssub.s32 @!p0 $0x0, s1;
	[sflag:s0] =	ssyncset.done @!p0 $0x0  }
0x132: {  	[sflag:s0] =	ssyncadd.s32 @!p0 s1  }
0x133: {  	[bflag:$0x3] =	sbarrier.arrive $0xFFFF  }
0x134: {  	_ =	shalt  }

// kernel: kernel.14.cloned.1.call-start
scs
__scs_entry_jumppad:
0x0: {  	(pc) =	sbr.rel $0x88, $3  }
0x1: {  	(tag) =	ssettag $0x0;
	lr =	simm.s32 $0x1  }
0x2: {  	[smem:$0x3F9B] =	sst lr;
	_ =	strace $0xD0000000  }
0x3: {  	_ = 	snop  }
0x4: {  	_ = 	snop  }
0x5: {  	_ = 	snop  }
0x6: {  	_ = 	snop  }
0x7: {  	_ = 	snop  }
__scs_overlays_trampoline_lowered:
0x8: {  	[smem:$0x3FAA] =	sst s0  }
0x9: {  	[smem:$0x3FAB] =	sst s1  }
0xa: {  	[smem:$0x3FAC] =	sst s2  }
0xb: {  	[smem:$0x3FAD] =	sst s3  }
0xc: {  	[smem:$0x3FAE] =	sst s4  }
0xd: {  	[smem:$0x3FAF] =	sst s5  }
0xe: {  	[smem:$0x3FB0] =	sst s6  }
0xf: {  	[smem:$0x3FB1] =	sst s7  }
0x10: {  	[smem:$0x3FB2] =	sst s8  }
0x11: {  	[smem:$0x3FB3] =	sst s9;
	s0 =	simm.s32 @!p0 $0x0  }
0x12: {  	s1 =	sld [smem:$0x3F99];
	s0 =	simm.s32 @p0 $0x1  }
0x13: {  	[smem:$0x3FB4] =	sst s0;
	s0 =	simm.s32 @!p1 $0x0  }
0x14: {  	s2 =	sld [smem:$0x3F98];
	s0 =	simm.s32 @p1 $0x1  }
0x15: {  	[smem:$0x3FB5] =	sst s0;
	s0 =	simm.s32 @!p2 $0x0  }
0x16: {  	s3 =	sld [smem:$0x3FDB];
	s0 =	simm.s32 @p2 $0x1  }
0x17: {  	s4 =	simm.s32 $0x1BF5;
	[smem:$0x3FB7] =	sst s0  }
0x18: {  	s0 =	sld [smem:$0x3F9A];
	_ =	swait.ge [sflag:s4], $0x0  }
0x19: {  	s7 =	sld [smem:$0x3F9B]  }
0x1a: {  	s8 =	sadd.s32 $0xFFFFE003, lr  }
0x1b: {  	s9 =	sadd.s32 $0xFFFFFEF7, lr;
	s5 =	simm.s32 $0xFFFFFFFF;
	p2 =	slt.u32 s8, $0xFFFFF086  }
0x1c: {  	p1 =	slt.u32 s9, $0xF7A;
	s5 =	simm.s32 @!p2 $0x0  }
0x1d: {  	s5 =	simm.s32 @p1 $0x1;
	p0 =	seq.s32 s7, s2  }
0x1e: {  	s7 =	smul.u32 @!p0 $0xF7A, s2;
	p2 =	seq.s32 @!p0 s5, $0x0  }
0x1f: {  	s9 =	smul.u32 $0xF7A, s1;
	s8 =	simm.s32 @!p0 $0x1BF5;
	p2 =	por !p2, p0  }
0x20: {  	[sflag:s8] =	ssyncset.s32 @!p0 $0xFFFFF086;
	s6 =	sadd.s32 @!p0 s3, s7;
	s7 =	simm.s32 @!p0 $0x108  }
0x21: {  	s3 =	sadd.s32 s3, s9;
	s6 =	sadd.s32 @!p0 $0x88, s6;
	s7 =	simm.s32 @p2 $0x1082  }
0x22: {  	[simem:s7], [sflag:s8] =	dma.local @!p0 [hbm:s6], $0xF7A  }
0x23: {  	s9 =	sor.u32 $0xD0000000, s2;
	s6 =	simm.s32 $0x108;
	_ =	swait.ge @!p0 [sflag:s8], $0x0  }
0x24: {  	s3 =	sadd.s32 $0x88, s3;
	s6 =	simm.s32 @!p1 $0x1082;
	[sflag:s4] =	ssyncset.s32 $0xFFFFF086  }
0x25: {  	[simem:s6], [sflag:s4] =	dma.local [hbm:s3], $0xF7A  }
0x26: {  	[smem:$0x3F9B] =	sst s1;
	(tag) =	ssettag s2;
	_ =	strace s9  }
0x27: {  	s1 =	sld [smem:$0x3FAB]  }
0x28: {  	s2 =	sld [smem:$0x3FAC]  }
0x29: {  	s4 =	sld [smem:$0x3FAE]  }
0x2a: {  	p0 =	seq.s32 s5, $0x0;
	s5 =	sld [smem:$0x3FAF]  }
0x2b: {  	s6 =	sld [smem:$0x3FB0]  }
0x2c: {  	s7 =	sld [smem:$0x3FB1]  }
0x2d: {  	s3 =	simm.s32 $0x108;
	s8 =	sld [smem:$0x3FB2]  }
0x2e: {  	s3 =	simm.s32 @!p0 $0x1082;
	s9 =	sld [smem:$0x3FB3]  }
0x2f: {  	lr =	sadd.s32 s0, s3;
	s0 =	sld [smem:$0x3FAA]  }
0x30: {  	s3 =	sld [smem:$0x3FAD]  }
0x31: {  	[smem:$0x3FB6] =	sst s10  }
0x32: {  	s10 =	sld [smem:$0x3FB4];
	_ =	sdelay $0x3  }
0x33: {  	p0 =	seq.s32 s10, $0x1;
	s10 =	sld [smem:$0x3FB6];
	_ =	sdelay $0x3  }
0x34: {  	[smem:$0x3FB6] =	sst s10  }
0x35: {  	s10 =	sld [smem:$0x3FB5];
	_ =	sdelay $0x3  }
0x36: {  	p1 =	seq.s32 s10, $0x1;
	s10 =	sld [smem:$0x3FB6];
	_ =	sdelay $0x3  }
0x37: {  	[smem:$0x3FB6] =	sst s10  }
0x38: {  	s10 =	sld [smem:$0x3FB7]  }
0x39: {  	_ = 	snop;
	(pc) =	sbr.ind lr, $3  }
0x3a: {  	_ = 	snop  }
0x3b: {  	_ = 	snop  }
0x3c: {  	p2 =	seq.s32 s10, $0x1;
	s10 =	sld [smem:$0x3FB6]  }
0x3d: {  	_ =	shalt  }
0x3e: {  	_ =	shalt  }
0x3f: {  	_ =	shalt  }
0x40: {  	_ =	shalt  }
0x41: {  	_ =	shalt  }
0x42: {  	_ =	shalt  }
0x43: {  	_ =	shalt  }
0x44: {  	_ =	shalt  }
0x45: {  	_ =	shalt  }
0x46: {  	_ =	shalt  }
0x47: {  	_ =	shalt  }
0x48: {  	_ =	shalt  }
0x49: {  	_ =	shalt  }
0x4a: {  	_ =	shalt  }
0x4b: {  	_ =	shalt  }
0x4c: {  	_ =	shalt  }
0x4d: {  	_ =	shalt  }
0x4e: {  	_ =	shalt  }
0x4f: {  	_ =	shalt  }
0x50: {  	_ =	shalt  }
0x51: {  	_ =	shalt  }
0x52: {  	_ =	shalt  }
0x53: {  	_ =	shalt  }
0x54: {  	_ =	shalt  }
0x55: {  	_ =	shalt  }
0x56: {  	_ =	shalt  }
0x57: {  	_ =	shalt  }
0x58: {  	_ =	shalt  }
0x59: {  	_ =	shalt  }
0x5a: {  	_ =	shalt  }
0x5b: {  	_ =	shalt  }
0x5c: {  	_ =	shalt  }
0x5d: {  	_ =	shalt  }
0x5e: {  	_ =	shalt  }
0x5f: {  	_ =	shalt  }
0x60: {  	_ =	shalt  }
0x61: {  	_ =	shalt  }
0x62: {  	_ =	shalt  }
0x63: {  	_ =	shalt  }
0x64: {  	_ =	shalt  }
0x65: {  	_ =	shalt  }
0x66: {  	_ =	shalt  }
0x67: {  	_ =	shalt  }
0x68: {  	_ =	shalt  }
0x69: {  	_ =	shalt  }
0x6a: {  	_ =	shalt  }
0x6b: {  	_ =	shalt  }
0x6c: {  	_ =	shalt  }
0x6d: {  	_ =	shalt  }
0x6e: {  	_ =	shalt  }
0x6f: {  	_ =	shalt  }
0x70: {  	_ =	shalt  }
0x71: {  	_ =	shalt  }
0x72: {  	_ =	shalt  }
0x73: {  	_ =	shalt  }
0x74: {  	_ =	shalt  }
0x75: {  	_ =	shalt  }
0x76: {  	_ =	shalt  }
0x77: {  	_ =	shalt  }
0x78: {  	_ =	shalt  }
0x79: {  	_ =	shalt  }
0x7a: {  	_ =	shalt  }
0x7b: {  	_ =	shalt  }
0x7c: {  	_ =	shalt  }
0x7d: {  	_ =	shalt  }
0x7e: {  	_ =	shalt  }
0x7f: {  	_ =	shalt  }
0x80: {  	_ =	shalt  }
0x81: {  	_ =	shalt  }
0x82: {  	_ =	shalt  }
0x83: {  	_ =	shalt  }
0x84: {  	_ =	shalt  }
0x85: {  	_ =	shalt  }
0x86: {  	_ =	shalt  }
0x87: {  	_ =	shalt  }
.Lfunc_end0:
.L_simem_size_0:
called_computation.2_lowered:
.L_overlay_start_0:
0x88: {  	s2 =	sld [smem:$0x3FD9]  }
0x89: {  	s3 =	sld [smem:$0x3FFE];
	_ =	sdelay $0x1  }
0x8a: {  	s1 =	srdreg.scid  }
0x8b: {  	s0 =	sand.u32 $0x1, s1  }
0x8c: {  	s17 =	sshll.u32 s0, $0xA;
	s2 =	sadd.s32 s3, s2  }
0x8d: {  	s2 =	sadd.s32 s2, s17  }
0x8e: {  	[smem:$0x3FC2] =	sst s2  }
0x8f: {  	_ = 	snop  }
0x90: {  	s2 =	sld [smem:$0x3FD0];
	(tm) =	ssettm $0x1  }
0x91: {  	s18 =	sld [smem:$0x3FFB];
	_ =	sdelay $0x3  }
0x92: {  	_ =	strace s18  }
0x93: {  	s3 =	sld [smem:$0x3FFC];
	_ =	sdelay $0x3  }
0x94: {  	_ =	strace s3  }
0x95: {  	s3 =	sld [smem:$0x3FFD];
	_ =	sdelay $0x3  }
0x96: {  	_ =	strace s3  }
0x97: {  	_ =	strace $0x8FFFFFFF  }
0x98: {  	s19 =	sld [smem:$0x3FDB];
	_ =	sdelay $0x1  }
0x99: {  	s4 =	simm.s32 $_scs_section_size  }
0x9a: {  	s5 =	simm.s32 $_size__tile_overlayer_lowered;
	s6 =	simm.s32 $_tile_overlayer_lowered  }
0x9b: {  	s22 =	simm.s32 $0x1BFF;
	s21 =	sshll.u32 s6, $0x1;
	s3 =	sadd.s32 s4, s19  }
0x9c: {  	s7 =	simm.s32 $0x0;
	s20 =	sshll.u32 s5, $0x1;
	s5 =	sadd.s32 s21, s3  }
0x9d: {  	[timem:s7], [sflag:s22] =	dma.local [hbm:s5], s20  }
0x9e: {  	_ =	swait.ge [sflag:s22], s20  }
0x9f: {  	s4 =	ssub.s32 $0x0, s20;
	[sflag:s22] =	ssyncset.done $0x0  }
0xa0: {  	[sflag:s22] =	ssyncadd.s32 s4;
	_ =	sdelay $0x1  }
0xa1: {  	s23 =	simm.s32 $0x1B8B  }
0xa2: {  	_ =	swait.ge [sflag:s23], $0x1  }
0xa3: {  	[sflag:s23] =	ssyncset.done $0x0  }
0xa4: {  	s25 =	simm.s32 $0x1B8E;
	s24 =	sld [smem:$0x3FFE];
	[sflag:s23] =	ssyncadd.s32 $0xFFFFFFFF  }
0xa5: {  	s26 =	simm.s32 $execute0_lowered;
	[smem:$0x3FD2] =	sst s25  }
0xa6: {  	s5 =	sshll.u32 s26, $0x1;
	_ =	strace $0x8000004C;
	[dreg:$0x1] =	wrdreg $0xFFFFFFFF  }
0xa7: {  	s28 =	simm.s32 $_size_execute0_lowered;
	s3 =	sadd.s32 s3, s5;
	[dreg:$0x0] =	wrdreg $0x0  }
0xa8: {  	s5 =	sshll.u32 s28, $0x1;
	[dreg:$0x2] =	wrdreg s3  }
0xa9: {  	[dreg:$0x3] =	wrdreg s5  }
0xaa: {  	[dreg:$0x4] =	wrdreg $0xC0  }
0xab: {  	_ =	task [dreg:s7], $0x5FFFF  }
0xac: {  	[dreg:$0x1] =	wrdreg $0xFFFFFFFF  }
0xad: {  	[dreg:$0x0] =	wrdreg $0x60  }
0xae: {  	[dreg:$0x2] =	wrdreg s2  }
0xaf: {  	[dreg:$0x3] =	wrdreg s24  }
0xb0: {  	[dreg:$0x4] =	wrdreg $0x90000  }
0xb1: {  	[dreg:$0x5] =	wrdreg $0x9  }
0xb2: {  	_ =	task.clear_ibuf [dreg:s7], $0x6FFFF;
	_ =	strace $0x9000004C  }
0xb3: {  	s29 =	simm.s32 $0x9;
	_ =	strace $0x8000004E  }
0xb4: {  	_ =	swait.ge [sflag:s29], $0x1  }
0xb5: {  	[sflag:s29] =	ssyncadd.s32 $0xFFFFFFFF  }
0xb6: {  	_ =	strace $0x9000004E  }
0xb7: {  	_ =	sfence  }
0xb8: {  	s30 =	sld [smem:$0x0];
	_ =	sdelay $0x2  }
0xb9: {  	s31 =	sshll.u32 s1, $0xD;
	s1 =	sshrl.u32 s1, $0x2  }
0xba: {  	s3 =	sand.u32 $0x4000, s31;
	s1 =	sadd.s32 s1, s30  }
0xbb: {  	s0 =	sor.u32 s3, s0;
	s1 =	sshll.u32 s1, $0x11  }
0xbc: {  	s0 =	sor.u32 s1, s0  }
0xbd: {  	s0 =	sadd.s32 $0x8F2B, s0  }
0xbe: {  	[sflag:s0] =	ssyncadd.remote.s32 $0x1  }
0xbf: {  	_ =	sfence.sel $0xFFFF  }
0xc0: {  	[dreg:$0x0] =	wrdreg $0xFFFFFFFF;
	(pc) =	sbr.abs _section_cstart, $3  }
0xc1: {  	[dreg:$0x1] =	wrdreg $0xFFFFFFFF  }
0xc2: {  	_ =	task.clear_ibuf [dreg:s7], $0x2FFFF;
	_ =	strace $0x9FFFFFFF  }
0xc3: {  	(tm) =	ssettm $0x7FFFFFFF  }
tec
execute0_lowered:
.L_overlay_start_1:
0x0: {  	(tag) =	ssettag $0x1  }
0x1: {  	s1 =	rddreg [dreg:$0x0]  }
0x2: {  	s0 =	rddreg [dreg:$0x1]  }
0x3: {  	s3 =	rddreg [dreg:$0x2];
	s4 =	simm.s32 $0x0;
	s2 =	stileid.u32  }
0x4: {  	s7 =	srdreg.scid;
	s28 =	simm.s32 $0x5000;
	s29 =	simm.s32 $0x1  }
0x5: {  	s30 =	simm.s32 $0x2;
	s31 =	simm.s32 $0x3;
	[smem:$0x7FF] =	sst s4  }
0x6: {  	s9 =	smul.u32 $0x2780, s2;
	s5 =	sadd.s32 $0x1C000, s0;
	s6 =	sadd.s32 $0x3000, s0  }
0x7: {  	s8 =	sand.u32 $0x1, s7;
	s13 =	smul.u32 $0x4F000, s2;
	s17 =	sadd.s32 $0x9B400, s0  }
0x8: {  	s21 =	smul.u32 $0x13C00, s2;
	s22 =	sadd.s32 $0x25080, s1;
	p0 =	seq.s32 s2, $0xF  }
0x9: {  	_ =	strace $0x8000004D;
	s7 =	ssub.s32 $0x2, s8;
	s11 =	sshll.u32 s8, $0x4  }
0xa: {  	p4 =	seq.s32 s8, $0x1;
	s15 =	smul.u32 $0x138800, s8;
	[dreg:$0x6] =	wrdreg s22  }
0xb: {  	s10 =	sadd.s32 s9, s0;
	s12 =	sshrl.u32 s7, $0x1;
	s11 =	sor.u32 s2, s11  }
0xc: {  	s20 =	sshrl.u32 s13, $0x2;
	s9 =	sadd.s32 s1, s9;
	s0 =	sadd.s32 $0x99280, s0  }
0xd: {  	p1 =	por !p4, !p0;
	p2 =	por p4, !p0;
	p3 =	por !p4, p0  }
0xe: {  	p4 =	por p4, p0;
	s12 =	ssub.s32 s7, s12;
	s7 =	smul.u32 $0x2800, s11  }
0xf: {  	s8 =	sadd.s32 s20, s3;
	[dreg:$0x4] =	wrdreg s9;
	s10 =	sadd.s32 $0x74200, s10  }
0x10: {  	s11 =	sadd.s32 $0x128400, s3;
	[dreg:$0x7] =	wrdreg s0;
	s9 =	sadd.s32 s21, s15  }
0x11: {  	s25 =	sshrl.u32 s15, $0x3;
	[dreg:$0x5] =	wrdreg s10;
	s9 =	sshrl.u32 s9, $0x3  }
0x12: {  	s26 =	sadd.s32 s17, s25;
	s18 =	smax.u32 s12, $0x1;
	s19 =	sshrl.u32 @!p1 s11, $0x3  }
0x13: {  	s20 =	sshrl.u32 @!p2 s11, $0x3;
	s22 =	sshrl.u32 @!p3 s8, $0x3;
	s25 =	simm.s32 $0x7D  }
0x14: {  	s23 =	sshrl.u32 s7, $0x3;
	s16 =	sadd.s32 s17, s9;
	s17 =	sadd.s32 $0x25080, s26  }
0x15: {  	s26 =	simm.s32 $0x1000;
	s24 =	sadd.s32 s5, s23;
	s0 =	sadd.s32 s6, s23  }
0x16: {  	s23 =	simm.s32 $0x4;
	[dreg:$0x9] =	wrdreg s0;
	s0 =	sshll.u32 @!p3 s2, $0x6  }
0x17: {  	[dreg:$0x8] =	wrdreg s24;
	s21 =	sor.u32 @!p3 $0x1C03, s0;
	s0 =	simm.s32 $0x0  }
.LBB2_1:
0x18: {  	s9 =	simm.s32 @!p1 $0x1FC3;
	s10 =	rddreg [dreg:$0x7]  }
0x19: {  	[spmem:s19], [sflag:s9] =	dma.local @!p1 [hbm:s10], $0x2080  }
0x1a: {  	s9 =	simm.s32 @!p2 $0x1FC3;
	s10 =	rddreg [dreg:$0x6]  }
0x1b: {  	[spmem:s20], [sflag:s9] =	dma.local @!p2 [hbm:s10], $0x2080  }
0x1c: {  	s9 =	rddreg [dreg:$0x5]  }
0x1d: {  	[spmem:s22], [sflag:s21] =	dma.local @!p3 [hbm:s9], $0x2780  }
0x1e: {  	s9 =	sshll.u32 @!p4 s2, $0x6  }
0x1f: {  	s10 =	sshrl.u32 @!p4 s8, $0x3;
	s9 =	sor.u32 @!p4 $0x1C03, s9;
	s12 =	rddreg [dreg:$0x4]  }
0x20: {  	[spmem:s10], [sflag:s9] =	dma.local @!p4 [hbm:s12], $0x2780  }
0x21: {  	s9 =	rddreg [dreg:$0x8]  }
0x22: {  	[tilespmem:s4], [sflag:$0x4] =	stream.linear.gather [hbm4b:s9+s4], $0x400, $0x38;
	[tilespmem:$0x1C880] =	vst v63  }
0x23: {  	_ =	swait.ge [sflag:s23], $0x400  }
0x24: {  	[sflag:s23] =	ssyncset.done $0x0  }
0x25: {  	s14 =	simm.s32 $0x800;
	s13 =	rddreg [dreg:$0x9];
	[sflag:s23] =	ssyncadd.s32 $0xFFFFFC00  }
0x26: {  	[tilespmem:s14], [sflag:$0x4] =	stream.linear.gather [hbm4b:s13+s4], $0x400, $0x38;
	[tilespmem:$0x1C880] =	vst v63  }
0x27: {  	_ =	swait.ge [sflag:s23], $0x400  }
0x28: {  	[sflag:s23] =	ssyncset.done $0x0  }
0x29: {  	s9 =	simm.s32 @p0 $0x3;
	[sflag:s23] =	ssyncadd.s32 $0xFFFFFC00  }
0x2a: {  	[tilespmem:s26], [sflag:$0x1] =	stream.indirect.gather [hbm4b:s1+s25], $0x80, s4, s25, $0xb8;
	[tilespmem:$0x1C880] =	vst v63  }
0x2b: {  	_ =	swait.ge @p0 [sflag:s9], $0x2080  }
0x2c: {  	p5 =	por $0x0, $0x0;
	[sflag:s9] =	ssyncset.done @p0 $0x0  }
0x2d: {  	s10 =	simm.s32 $0x400;
	s12 =	simm.s32 @!p0 $0x3;
	[sflag:s9] =	ssyncadd.s32 @p0 $0xFFFFDF80  }
0x2e: {  	s9 =	sand.u32 $0x400, s10;
	s10 =	simm.s32 @p5 $0x0;
	_ =	swait.ge @!p0 [sflag:s12], $0x2780  }
0x2f: {  	s10 =	sadd.s32 s7, s10;
	[sflag:s12] =	ssyncset.done @!p0 $0x0  }
0x30: {  	s10 =	sshrl.u32 s10, $0x3;
	[sflag:s12] =	ssyncadd.s32 @!p0 $0xFFFFD880  }
0x31: {  	s15 =	sadd.s32 s5, s10;
	[bflag:$0x0] =	sbarrier.arrive $0xFFFF  }
0x32: {  	[tilespmem:s9], [sflag:$0x3] =	stream.linear.gather [hbm4b:s15+s4], $0x400, $0x38;
	[tilespmem:$0x1C880] =	vst v63  }
0x33: {  	s13 =	simm.s32 $0x0;
	s24 =	sor.u32 $0x800, s9;
	s10 =	sadd.s32 s6, s10  }
0x34: {  	[tilespmem:s24], [sflag:$0x3] =	stream.linear.gather [hbm4b:s10+s4], $0x400, $0x38;
	[tilespmem:$0x1C880] =	vst v63  }
0x35: {  	s10 =	sand.u32 $0x400, s13  }
0x36: {  	s14 =	sor.u32 $0x80, s10  }
0x37: {  	[tilespmem:s28], [sflag:$0x2] =	stream.indirect.gather [hbm4b:s1+s25], $0x80, s14, s25, $0xb8;
	[tilespmem:$0x1C880] =	vst v63  }
0x38: {  	_ =	swait.ge [sflag:s29], $0x3E80  }
0x39: {  	[sflag:s29] =	ssyncset.done $0x0  }
0x3a: {  	s15 =	sor.u32 $0x800, s10;
	[sflag:s29] =	ssyncadd.s32 $0xFFFFC180  }
0x3b: {  	[spmem:s3] =	stream.indirect.scatter.add.f32 [tilespmem:s26], [sflag:$0x4], $0x80, s15, s25, $0xb8;
	[tilespmem:$0x1C880] =	vst v63  }
0x3c: {  	_ =	swait.ge [sflag:s23], $0x3E80  }
0x3d: {  	[sflag:s23] =	ssyncset.done $0x0  }
0x3e: {  	s24 =	sor.u32 $0x100, s10;
	[sflag:s23] =	ssyncadd.s32 $0xFFFFC180  }
0x3f: {  	[tilespmem:s26], [sflag:$0x1] =	stream.indirect.gather [hbm4b:s1+s25], $0x80, s24, s25, $0xb8;
	[tilespmem:$0x1C880] =	vst v63  }
0x40: {  	_ =	swait.ge [sflag:s30], $0x3E80  }
0x41: {  	[sflag:s30] =	ssyncset.done $0x0  }
0x42: {  	s13 =	sor.u32 $0x880, s10;
	[sflag:s30] =	ssyncadd.s32 $0xFFFFC180  }
0x43: {  	[spmem:s3] =	stream.indirect.scatter.add.f32 [tilespmem:s28], [sflag:$0x4], $0x80, s13, s25, $0xb8;
	[tilespmem:$0x1C880] =	vst v63  }
0x44: {  	_ =	swait.ge [sflag:s23], $0x3E80  }
0x45: {  	[sflag:s23] =	ssyncset.done $0x0  }
0x46: {  	s14 =	sor.u32 $0x180, s10;
	[sflag:s23] =	ssyncadd.s32 $0xFFFFC180  }
0x47: {  	[tilespmem:s28], [sflag:$0x2] =	stream.indirect.gather [hbm4b:s1+s25], $0x80, s14, s25, $0xb8;
	[tilespmem:$0x1C880] =	vst v63  }
0x48: {  	_ =	swait.ge [sflag:s29], $0x3E80  }
0x49: {  	[sflag:s29] =	ssyncset.done $0x0  }
0x4a: {  	s15 =	sor.u32 $0x900, s10;
	[sflag:s29] =	ssyncadd.s32 $0xFFFFC180  }
0x4b: {  	[spmem:s3] =	stream.indirect.scatter.add.f32 [tilespmem:s26], [sflag:$0x4], $0x80, s15, s25, $0xb8;
	[tilespmem:$0x1C880] =	vst v63  }
0x4c: {  	_ =	swait.ge [sflag:s23], $0x3E80  }
0x4d: {  	[sflag:s23] =	ssyncset.done $0x0  }
0x4e: {  	s24 =	sor.u32 $0x200, s10;
	[sflag:s23] =	ssyncadd.s32 $0xFFFFC180  }
0x4f: {  	[tilespmem:s26], [sflag:$0x1] =	stream.indirect.gather [hbm4b:s1+s25], $0x80, s24, s25, $0xb8;
	[tilespmem:$0x1C880] =	vst v63  }
0x50: {  	_ =	swait.ge [sflag:s30], $0x3E80  }
0x51: {  	[sflag:s30] =	ssyncset.done $0x0  }
0x52: {  	s13 =	sor.u32 $0x980, s10;
	[sflag:s30] =	ssyncadd.s32 $0xFFFFC180  }
0x53: {  	[spmem:s3] =	stream.indirect.scatter.add.f32 [tilespmem:s28], [sflag:$0x4], $0x80, s13, s25, $0xb8;
	[tilespmem:$0x1C880] =	vst v63  }
0x54: {  	_ =	swait.ge [sflag:s23], $0x3E80  }
0x55: {  	[sflag:s23] =	ssyncset.done $0x0  }
0x56: {  	s14 =	sor.u32 $0x280, s10;
	[sflag:s23] =	ssyncadd.s32 $0xFFFFC180  }
0x57: {  	[tilespmem:s28], [sflag:$0x2] =	stream.indirect.gather [hbm4b:s1+s25], $0x80, s14, s25, $0xb8;
	[tilespmem:$0x1C880] =	vst v63  }
0x58: {  	_ =	swait.ge [sflag:s29], $0x3E80  }
0x59: {  	[sflag:s29] =	ssyncset.done $0x0  }
0x5a: {  	s15 =	sor.u32 $0xA00, s10;
	[sflag:s29] =	ssyncadd.s32 $0xFFFFC180  }
0x5b: {  	[spmem:s3] =	stream.indirect.scatter.add.f32 [tilespmem:s26], [sflag:$0x4], $0x80, s15, s25, $0xb8;
	[tilespmem:$0x1C880] =	vst v63  }
0x5c: {  	_ =	swait.ge [sflag:s23], $0x3E80  }
0x5d: {  	[sflag:s23] =	ssyncset.done $0x0  }
0x5e: {  	s24 =	sor.u32 $0x300, s10;
	[sflag:s23] =	ssyncadd.s32 $0xFFFFC180  }
0x5f: {  	[tilespmem:s26], [sflag:$0x1] =	stream.indirect.gather [hbm4b:s1+s25], $0x80, s24, s25, $0xb8;
	[tilespmem:$0x1C880] =	vst v63  }
0x60: {  	_ =	swait.ge [sflag:s30], $0x3E80  }
0x61: {  	[sflag:s30] =	ssyncset.done $0x0  }
0x62: {  	s13 =	sor.u32 $0xA80, s10;
	[sflag:s30] =	ssyncadd.s32 $0xFFFFC180  }
0x63: {  	[spmem:s3] =	stream.indirect.scatter.add.f32 [tilespmem:s28], [sflag:$0x4], $0x80, s13, s25, $0xb8;
	[tilespmem:$0x1C880] =	vst v63  }
0x64: {  	_ =	swait.ge [sflag:s23], $0x3E80  }
0x65: {  	[sflag:s23] =	ssyncset.done $0x0  }
0x66: {  	s14 =	sor.u32 $0x380, s10;
	[sflag:s23] =	ssyncadd.s32 $0xFFFFC180  }
0x67: {  	[tilespmem:s28], [sflag:$0x2] =	stream.indirect.gather [hbm4b:s1+s25], $0x80, s14, s25, $0xb8;
	[tilespmem:$0x1C880] =	vst v63  }
0x68: {  	_ =	swait.ge [sflag:s29], $0x3E80  }
0x69: {  	[sflag:s29] =	ssyncset.done $0x0  }
0x6a: {  	s15 =	sor.u32 $0xB00, s10;
	[sflag:s29] =	ssyncadd.s32 $0xFFFFC180  }
0x6b: {  	[spmem:s3] =	stream.indirect.scatter.add.f32 [tilespmem:s26], [sflag:$0x4], $0x80, s15, s25, $0xb8;
	[tilespmem:$0x1C880] =	vst v63  }
0x6c: {  	_ =	swait.ge [sflag:s23], $0x3E80  }
0x6d: {  	[sflag:s23] =	ssyncset.done $0x0  }
0x6e: {  	[sflag:s23] =	ssyncadd.s32 $0xFFFFC180  }
0x6f: {  	_ =	swait.ge [sflag:s31], $0x400  }
0x70: {  	[sflag:s31] =	ssyncset.done $0x0  }
0x71: {  	[sflag:s31] =	ssyncadd.s32 $0xFFFFFC00  }
0x72: {  	_ =	swait.ge [sflag:s31], $0x400  }
0x73: {  	[sflag:s31] =	ssyncset.done $0x0  }
0x74: {  	[sflag:s31] =	ssyncadd.s32 $0xFFFFFC00  }
0x75: {  	[tilespmem:s26], [sflag:$0x1] =	stream.indirect.gather [hbm4b:s1+s25], $0x80, s9, s25, $0xb8;
	[tilespmem:$0x1C880] =	vst v63  }
0x76: {  	p5 =	por $0x0, $0x0;
	_ =	swait.ge [sflag:s30], $0x3E80  }
0x77: {  	s24 =	sor.u32 $0xB80, s10;
	s10 =	simm.s32 $0x800;
	[sflag:s30] =	ssyncset.done $0x0  }
0x78: {  	s12 =	simm.s32 $0xC00;
	s10 =	simm.s32 @p5 $0x0;
	[sflag:s30] =	ssyncadd.s32 $0xFFFFC180  }
0x79: {  	[spmem:s3] =	stream.indirect.scatter.add.f32 [tilespmem:s28], [sflag:$0x4], $0x80, s24, s25, $0xb8;
	[tilespmem:$0x1C880] =	vst v63  }
0x7a: {  	s10 =	sadd.s32 s7, s10;
	s24 =	simm.s32 $0x800;
	_ =	swait.ge [sflag:s23], $0x3E80  }
.LBB2_2:
0x7b: {  	s13 =	sshrl.u32 s10, $0x3  }
0x7c: {  	[sflag:s23] =	ssyncset.done $0x0;
	s14 =	smov.u32 s12;
	s9 =	sadd.s32 $0x400, s12  }
0x7d: {  	s10 =	sand.u32 $0x400, s24;
	s15 =	sadd.s32 s5, s13;
	[sflag:s23] =	ssyncadd.s32 $0xFFFFC180  }
0x7e: {  	[tilespmem:s10], [sflag:$0x3] =	stream.linear.gather [hbm4b:s15+s4], $0x400, $0x38;
	[tilespmem:$0x1C880] =	vst v63  }
0x7f: {  	s24 =	sadd.s32 $0xFFFFFC00, s24;
	s13 =	sadd.s32 s6, s13;
	s15 =	sor.u32 $0x800, s10  }
0x80: {  	[tilespmem:s15], [sflag:$0x3] =	stream.linear.gather [hbm4b:s13+s4], $0x400, $0x38;
	[tilespmem:$0x1C880] =	vst v63  }
0x81: {  	p5 =	sne.s32 s12, $0x2800;
	s12 =	sand.u32 $0x400, s24;
	s24 =	smov.u32 s14  }
0x82: {  	s13 =	sor.u32 $0x80, s12  }
0x83: {  	[tilespmem:s28], [sflag:$0x2] =	stream.indirect.gather [hbm4b:s1+s25], $0x80, s13, s25, $0xb8;
	[tilespmem:$0x1C880] =	vst v63  }
0x84: {  	_ =	swait.ge [sflag:s29], $0x3E80  }
0x85: {  	s13 =	sor.u32 $0x800, s12;
	[sflag:s29] =	ssyncset.done $0x0  }
0x86: {  	[sflag:s29] =	ssyncadd.s32 $0xFFFFC180  }
0x87: {  	[spmem:s3] =	stream.indirect.scatter.add.f32 [tilespmem:s26], [sflag:$0x4], $0x80, s13, s25, $0xb8;
	[tilespmem:$0x1C880] =	vst v63  }
0x88: {  	_ =	swait.ge [sflag:s23], $0x3E80  }
0x89: {  	s13 =	sor.u32 $0x100, s12;
	[sflag:s23] =	ssyncset.done $0x0  }
0x8a: {  	[sflag:s23] =	ssyncadd.s32 $0xFFFFC180  }
0x8b: {  	[tilespmem:s26], [sflag:$0x1] =	stream.indirect.gather [hbm4b:s1+s25], $0x80, s13, s25, $0xb8;
	[tilespmem:$0x1C880] =	vst v63  }
0x8c: {  	_ =	swait.ge [sflag:s30], $0x3E80  }
0x8d: {  	s13 =	sor.u32 $0x880, s12;
	[sflag:s30] =	ssyncset.done $0x0  }
0x8e: {  	[sflag:s30] =	ssyncadd.s32 $0xFFFFC180  }
0x8f: {  	[spmem:s3] =	stream.indirect.scatter.add.f32 [tilespmem:s28], [sflag:$0x4], $0x80, s13, s25, $0xb8;
	[tilespmem:$0x1C880] =	vst v63  }
0x90: {  	_ =	swait.ge [sflag:s23], $0x3E80  }
0x91: {  	s13 =	sor.u32 $0x180, s12;
	[sflag:s23] =	ssyncset.done $0x0  }
0x92: {  	[sflag:s23] =	ssyncadd.s32 $0xFFFFC180  }
0x93: {  	[tilespmem:s28], [sflag:$0x2] =	stream.indirect.gather [hbm4b:s1+s25], $0x80, s13, s25, $0xb8;
	[tilespmem:$0x1C880] =	vst v63  }
0x94: {  	_ =	swait.ge [sflag:s29], $0x3E80  }
0x95: {  	s13 =	sor.u32 $0x900, s12;
	[sflag:s29] =	ssyncset.done $0x0  }
0x96: {  	[sflag:s29] =	ssyncadd.s32 $0xFFFFC180  }
0x97: {  	[spmem:s3] =	stream.indirect.scatter.add.f32 [tilespmem:s26], [sflag:$0x4], $0x80, s13, s25, $0xb8;
	[tilespmem:$0x1C880] =	vst v63  }
0x98: {  	_ =	swait.ge [sflag:s23], $0x3E80  }
0x99: {  	s13 =	sor.u32 $0x200, s12;
	[sflag:s23] =	ssyncset.done $0x0  }
0x9a: {  	[sflag:s23] =	ssyncadd.s32 $0xFFFFC180  }
0x9b: {  	[tilespmem:s26], [sflag:$0x1] =	stream.indirect.gather [hbm4b:s1+s25], $0x80, s13, s25, $0xb8;
	[tilespmem:$0x1C880] =	vst v63  }
0x9c: {  	_ =	swait.ge [sflag:s30], $0x3E80  }
0x9d: {  	s13 =	sor.u32 $0x980, s12;
	[sflag:s30] =	ssyncset.done $0x0  }
0x9e: {  	[sflag:s30] =	ssyncadd.s32 $0xFFFFC180  }
0x9f: {  	[spmem:s3] =	stream.indirect.scatter.add.f32 [tilespmem:s28], [sflag:$0x4], $0x80, s13, s25, $0xb8;
	[tilespmem:$0x1C880] =	vst v63  }
0xa0: {  	_ =	swait.ge [sflag:s23], $0x3E80  }
0xa1: {  	s13 =	sor.u32 $0x280, s12;
	[sflag:s23] =	ssyncset.done $0x0  }
0xa2: {  	[sflag:s23] =	ssyncadd.s32 $0xFFFFC180  }
0xa3: {  	[tilespmem:s28], [sflag:$0x2] =	stream.indirect.gather [hbm4b:s1+s25], $0x80, s13, s25, $0xb8;
	[tilespmem:$0x1C880] =	vst v63  }
0xa4: {  	_ =	swait.ge [sflag:s29], $0x3E80  }
0xa5: {  	s13 =	sor.u32 $0xA00, s12;
	[sflag:s29] =	ssyncset.done $0x0  }
0xa6: {  	[sflag:s29] =	ssyncadd.s32 $0xFFFFC180  }
0xa7: {  	[spmem:s3] =	stream.indirect.scatter.add.f32 [tilespmem:s26], [sflag:$0x4], $0x80, s13, s25, $0xb8;
	[tilespmem:$0x1C880] =	vst v63  }
0xa8: {  	_ =	swait.ge [sflag:s23], $0x3E80  }
0xa9: {  	s13 =	sor.u32 $0x300, s12;
	[sflag:s23] =	ssyncset.done $0x0  }
0xaa: {  	[sflag:s23] =	ssyncadd.s32 $0xFFFFC180  }
0xab: {  	[tilespmem:s26], [sflag:$0x1] =	stream.indirect.gather [hbm4b:s1+s25], $0x80, s13, s25, $0xb8;
	[tilespmem:$0x1C880] =	vst v63  }
0xac: {  	_ =	swait.ge [sflag:s30], $0x3E80  }
0xad: {  	s13 =	sor.u32 $0xA80, s12;
	[sflag:s30] =	ssyncset.done $0x0  }
0xae: {  	[sflag:s30] =	ssyncadd.s32 $0xFFFFC180  }
0xaf: {  	[spmem:s3] =	stream.indirect.scatter.add.f32 [tilespmem:s28], [sflag:$0x4], $0x80, s13, s25, $0xb8;
	[tilespmem:$0x1C880] =	vst v63  }
0xb0: {  	_ =	swait.ge [sflag:s23], $0x3E80  }
0xb1: {  	s13 =	sor.u32 $0x380, s12;
	[sflag:s23] =	ssyncset.done $0x0  }
0xb2: {  	[sflag:s23] =	ssyncadd.s32 $0xFFFFC180  }
0xb3: {  	[tilespmem:s28], [sflag:$0x2] =	stream.indirect.gather [hbm4b:s1+s25], $0x80, s13, s25, $0xb8;
	[tilespmem:$0x1C880] =	vst v63  }
0xb4: {  	_ =	swait.ge [sflag:s29], $0x3E80  }
0xb5: {  	s13 =	sor.u32 $0xB00, s12;
	[sflag:s29] =	ssyncset.done $0x0  }
0xb6: {  	[sflag:s29] =	ssyncadd.s32 $0xFFFFC180  }
0xb7: {  	[spmem:s3] =	stream.indirect.scatter.add.f32 [tilespmem:s26], [sflag:$0x4], $0x80, s13, s25, $0xb8;
	[tilespmem:$0x1C880] =	vst v63  }
0xb8: {  	_ =	swait.ge [sflag:s23], $0x3E80  }
0xb9: {  	[sflag:s23] =	ssyncset.done $0x0  }
0xba: {  	[sflag:s23] =	ssyncadd.s32 $0xFFFFC180  }
0xbb: {  	_ =	swait.ge [sflag:s31], $0x400  }
0xbc: {  	[sflag:s31] =	ssyncset.done $0x0  }
0xbd: {  	[sflag:s31] =	ssyncadd.s32 $0xFFFFFC00  }
0xbe: {  	_ =	swait.ge [sflag:s31], $0x400  }
0xbf: {  	[sflag:s31] =	ssyncset.done $0x0  }
0xc0: {  	[sflag:s31] =	ssyncadd.s32 $0xFFFFFC00  }
0xc1: {  	[tilespmem:s26], [sflag:$0x1] =	stream.indirect.gather [hbm4b:s1+s25], $0x80, s10, s25, $0xb8;
	[tilespmem:$0x1C880] =	vst v63  }
.Ltmp0:
0xc2: {  	p6 =	seq.s32 s24, $0x2800;
	_ =	swait.ge [sflag:s30], $0x3E80;
	(pc) =	sbr.rel @p5 .LBB2_2-.Ltmp0, $4  }
0xc3: {  	s10 =	sor.u32 $0xB80, s12;
	s12 =	smov.u32 s24;
	[sflag:s30] =	ssyncset.done $0x0  }
0xc4: {  	s12 =	simm.s32 @p6 $0x0;
	[sflag:s30] =	ssyncadd.s32 $0xFFFFC180  }
0xc5: {  	[spmem:s3] =	stream.indirect.scatter.add.f32 [tilespmem:s28], [sflag:$0x4], $0x80, s10, s25, $0xb8;
	[tilespmem:$0x1C880] =	vst v63  }
0xc6: {  	s10 =	sadd.s32 s7, s12;
	s12 =	smov.u32 s9;
	_ =	swait.ge [sflag:s23], $0x3E80  }
0xc7: {  	s10 =	sshrl.u32 s10, $0x3;
	[sflag:s23] =	ssyncset.done $0x0  }
0xc8: {  	s9 =	sand.u32 $0x400, s24;
	s12 =	sadd.s32 s5, s10;
	[sflag:s23] =	ssyncadd.s32 $0xFFFFC180  }
0xc9: {  	[tilespmem:s9], [sflag:$0x3] =	stream.linear.gather [hbm4b:s12+s4], $0x400, $0x38;
	[tilespmem:$0x1C880] =	vst v63  }
0xca: {  	s13 =	sadd.s32 $0xFFFFFC00, s24;
	s15 =	sor.u32 $0x800, s9;
	s10 =	sadd.s32 s6, s10  }
0xcb: {  	[tilespmem:s15], [sflag:$0x3] =	stream.linear.gather [hbm4b:s10+s4], $0x400, $0x38;
	[tilespmem:$0x1C880] =	vst v63  }
0xcc: {  	s10 =	sand.u32 $0x400, s13  }
0xcd: {  	s14 =	sor.u32 $0x80, s10  }
0xce: {  	[tilespmem:s28], [sflag:$0x2] =	stream.indirect.gather [hbm4b:s1+s25], $0x80, s14, s25, $0xb8;
	[tilespmem:$0x1C880] =	vst v63  }
0xcf: {  	_ =	swait.ge [sflag:s29], $0x3E80  }
0xd0: {  	[sflag:s29] =	ssyncset.done $0x0  }
0xd1: {  	s15 =	sor.u32 $0x800, s10;
	[sflag:s29] =	ssyncadd.s32 $0xFFFFC180  }
0xd2: {  	[spmem:s3] =	stream.indirect.scatter.add.f32 [tilespmem:s26], [sflag:$0x4], $0x80, s15, s25, $0xb8;
	[tilespmem:$0x1C880] =	vst v63  }
0xd3: {  	_ =	swait.ge [sflag:s23], $0x3E80  }
0xd4: {  	[sflag:s23] =	ssyncset.done $0x0  }
0xd5: {  	s24 =	sor.u32 $0x100, s10;
	[sflag:s23] =	ssyncadd.s32 $0xFFFFC180  }
0xd6: {  	[tilespmem:s26], [sflag:$0x1] =	stream.indirect.gather [hbm4b:s1+s25], $0x80, s24, s25, $0xb8;
	[tilespmem:$0x1C880] =	vst v63  }
0xd7: {  	_ =	swait.ge [sflag:s30], $0x3E80  }
0xd8: {  	[sflag:s30] =	ssyncset.done $0x0  }
0xd9: {  	s13 =	sor.u32 $0x880, s10;
	[sflag:s30] =	ssyncadd.s32 $0xFFFFC180  }
0xda: {  	[spmem:s3] =	stream.indirect.scatter.add.f32 [tilespmem:s28], [sflag:$0x4], $0x80, s13, s25, $0xb8;
	[tilespmem:$0x1C880] =	vst v63  }
0xdb: {  	_ =	swait.ge [sflag:s23], $0x3E80  }
0xdc: {  	[sflag:s23] =	ssyncset.done $0x0  }
0xdd: {  	s14 =	sor.u32 $0x180, s10;
	[sflag:s23] =	ssyncadd.s32 $0xFFFFC180  }
0xde: {  	[tilespmem:s28], [sflag:$0x2] =	stream.indirect.gather [hbm4b:s1+s25], $0x80, s14, s25, $0xb8;
	[tilespmem:$0x1C880] =	vst v63  }
0xdf: {  	_ =	swait.ge [sflag:s29], $0x3E80  }
0xe0: {  	[sflag:s29] =	ssyncset.done $0x0  }
0xe1: {  	s15 =	sor.u32 $0x900, s10;
	[sflag:s29] =	ssyncadd.s32 $0xFFFFC180  }
0xe2: {  	[spmem:s3] =	stream.indirect.scatter.add.f32 [tilespmem:s26], [sflag:$0x4], $0x80, s15, s25, $0xb8;
	[tilespmem:$0x1C880] =	vst v63  }
0xe3: {  	_ =	swait.ge [sflag:s23], $0x3E80  }
0xe4: {  	[sflag:s23] =	ssyncset.done $0x0  }
0xe5: {  	s24 =	sor.u32 $0x200, s10;
	[sflag:s23] =	ssyncadd.s32 $0xFFFFC180  }
0xe6: {  	[tilespmem:s26], [sflag:$0x1] =	stream.indirect.gather [hbm4b:s1+s25], $0x80, s24, s25, $0xb8;
	[tilespmem:$0x1C880] =	vst v63  }
0xe7: {  	_ =	swait.ge [sflag:s30], $0x3E80  }
0xe8: {  	[sflag:s30] =	ssyncset.done $0x0  }
0xe9: {  	s13 =	sor.u32 $0x980, s10;
	[sflag:s30] =	ssyncadd.s32 $0xFFFFC180  }
0xea: {  	[spmem:s3] =	stream.indirect.scatter.add.f32 [tilespmem:s28], [sflag:$0x4], $0x80, s13, s25, $0xb8;
	[tilespmem:$0x1C880] =	vst v63  }
0xeb: {  	_ =	swait.ge [sflag:s23], $0x3E80  }
0xec: {  	[sflag:s23] =	ssyncset.done $0x0  }
0xed: {  	s14 =	sor.u32 $0x280, s10;
	[sflag:s23] =	ssyncadd.s32 $0xFFFFC180  }
0xee: {  	[tilespmem:s28], [sflag:$0x2] =	stream.indirect.gather [hbm4b:s1+s25], $0x80, s14, s25, $0xb8;
	[tilespmem:$0x1C880] =	vst v63  }
0xef: {  	_ =	swait.ge [sflag:s29], $0x3E80  }
0xf0: {  	[sflag:s29] =	ssyncset.done $0x0  }
0xf1: {  	s15 =	sor.u32 $0xA00, s10;
	[sflag:s29] =	ssyncadd.s32 $0xFFFFC180  }
0xf2: {  	[spmem:s3] =	stream.indirect.scatter.add.f32 [tilespmem:s26], [sflag:$0x4], $0x80, s15, s25, $0xb8;
	[tilespmem:$0x1C880] =	vst v63  }
0xf3: {  	_ =	swait.ge [sflag:s23], $0x3E80  }
0xf4: {  	[sflag:s23] =	ssyncset.done $0x0  }
0xf5: {  	s24 =	sor.u32 $0x300, s10;
	[sflag:s23] =	ssyncadd.s32 $0xFFFFC180  }
0xf6: {  	[tilespmem:s26], [sflag:$0x1] =	stream.indirect.gather [hbm4b:s1+s25], $0x80, s24, s25, $0xb8;
	[tilespmem:$0x1C880] =	vst v63  }
0xf7: {  	_ =	swait.ge [sflag:s30], $0x3E80  }
0xf8: {  	[sflag:s30] =	ssyncset.done $0x0  }
0xf9: {  	s13 =	sor.u32 $0xA80, s10;
	[sflag:s30] =	ssyncadd.s32 $0xFFFFC180  }
0xfa: {  	[spmem:s3] =	stream.indirect.scatter.add.f32 [tilespmem:s28], [sflag:$0x4], $0x80, s13, s25, $0xb8;
	[tilespmem:$0x1C880] =	vst v63  }
0xfb: {  	_ =	swait.ge [sflag:s23], $0x3E80  }
0xfc: {  	[sflag:s23] =	ssyncset.done $0x0  }
0xfd: {  	s14 =	sor.u32 $0x380, s10;
	[sflag:s23] =	ssyncadd.s32 $0xFFFFC180  }
0xfe: {  	[tilespmem:s28], [sflag:$0x2] =	stream.indirect.gather [hbm4b:s1+s25], $0x80, s14, s25, $0xb8;
	[tilespmem:$0x1C880] =	vst v63  }
0xff: {  	_ =	swait.ge [sflag:s29], $0x3E80  }
0x100: {  	[sflag:s29] =	ssyncset.done $0x0  }
0x101: {  	s15 =	sor.u32 $0xB00, s10;
	[sflag:s29] =	ssyncadd.s32 $0xFFFFC180  }
0x102: {  	[spmem:s3] =	stream.indirect.scatter.add.f32 [tilespmem:s26], [sflag:$0x4], $0x80, s15, s25, $0xb8;
	[tilespmem:$0x1C880] =	vst v63  }
0x103: {  	_ =	swait.ge [sflag:s23], $0x3E80  }
0x104: {  	[sflag:s23] =	ssyncset.done $0x0  }
0x105: {  	[sflag:s23] =	ssyncadd.s32 $0xFFFFC180  }
0x106: {  	_ =	swait.ge [sflag:s31], $0x400  }
0x107: {  	[sflag:s31] =	ssyncset.done $0x0  }
0x108: {  	[sflag:s31] =	ssyncadd.s32 $0xFFFFFC00  }
0x109: {  	_ =	swait.ge [sflag:s31], $0x400  }
0x10a: {  	[sflag:s31] =	ssyncset.done $0x0  }
0x10b: {  	[sflag:s31] =	ssyncadd.s32 $0xFFFFFC00  }
0x10c: {  	[tilespmem:s26], [sflag:$0x1] =	stream.indirect.gather [hbm4b:s1+s25], $0x80, s9, s25, $0xb8;
	[tilespmem:$0x1C880] =	vst v63  }
0x10d: {  	_ =	swait.ge [sflag:s30], $0x3E80  }
0x10e: {  	[sflag:s30] =	ssyncset.done $0x0  }
0x10f: {  	s24 =	sor.u32 $0xB80, s10;
	[sflag:s30] =	ssyncadd.s32 $0xFFFFC180  }
0x110: {  	[spmem:s3] =	stream.indirect.scatter.add.f32 [tilespmem:s28], [sflag:$0x4], $0x80, s24, s25, $0xb8;
	[tilespmem:$0x1C880] =	vst v63  }
0x111: {  	_ =	swait.ge [sflag:s23], $0x3E80  }
0x112: {  	[sflag:s23] =	ssyncset.done $0x0  }
0x113: {  	[sflag:s23] =	ssyncadd.s32 $0xFFFFC180  }
0x114: {  	_ =	swait.ge [sflag:s29], $0x3E80  }
0x115: {  	[sflag:s29] =	ssyncset.done $0x0  }
0x116: {  	[sflag:s29] =	ssyncadd.s32 $0xFFFFC180  }
0x117: {  	s10 =	simm.s32 @p0 $0x1FC4;
	s9 =	sshrl.u32 @p0 s11, $0x3;
	[bflag:$0x0] =	sbarrier.arrive $0xFFFF  }
0x118: {  	[hbm:s17], [sflag:s10] =	dma.local @p0 [spmem:s9], $0x2080  }
0x119: {  	s9 =	simm.s32 @p0 $0x4  }
0x11a: {  	s0 =	sadd.s32 $0x1, s0;
	_ =	swait.ge @p0 [sflag:s9], $0x2080  }
0x11b: {  	p5 =	sne.s32 s0, s18;
	s10 =	sshll.u32 @!p0 s2, $0x6;
	[sflag:s9] =	ssyncset.done @p0 $0x0  }
0x11c: {  	[sflag:s9] =	ssyncadd.s32 @p0 $0xFFFFDF80;
	s9 =	sor.u32 @!p0 $0x1C04, s10;
	s10 =	sshrl.u32 @!p0 s8, $0x3  }
0x11d: {  	[hbm:s16], [sflag:s9] =	dma.local @!p0 [spmem:s10], $0x2780  }
.Ltmp1:
0x11e: {  	_ = 	snop;
	(pc) =	sbr.rel @p5 .LBB2_1-.Ltmp1, $4  }
0x11f: {  	s9 =	simm.s32 @!p0 $0x4  }
0x120: {  	_ =	swait.ge @!p0 [sflag:s9], $0x2780  }
0x121: {  	[sflag:s9] =	ssyncset.done @!p0 $0x0  }
0x122: {  	[sflag:s9] =	ssyncadd.s32 @!p0 $0xFFFFD880  }
0x123: {  	_ =	sfence.sel $0x180000  }
0x124: {  	[bflag:$0x0] =	sbarrier.arrive $0xFFFF  }
0x125: {  	_ =	strace $0x9000004D  }
0x126: {  	[bflag:$0x2] =	sbarrier.arrive $0xFFFF  }
0x127: {  	p0 =	sne.s32 s2, $0x0;
	s0 =	rddreg [dreg:$0x3]  }
0x128: {  	s0 =	sadd.s32 @!p0 $0x100000, s0  }
0x129: {  	[sflag:s0] =	ssyncadd.tile.s32 @!p0 $0x1;
	_ =	shalt  }
.Lfunc_end2:
_tile_overlayer_lowered:
.L_overlay_start_2:
0x12a: {  	(tag) =	ssettag $0x2  }
0x12b: {  	s0 =	rddreg [dreg:$0x0];
	s2 =	stileid.u32  }
0x12c: {  	s1 =	rddreg [dreg:$0x1];
	p0 =	sne.s32 s2, $0x0  }
0x12d: {  	s3 =	rddreg [dreg:$0x2];
	[bflag:$0x3] =	sbarrier.arrive $0xFFFF;
	s2 =	simm.s32 @!p0 $0x1C04  }
0x12e: {  	[timem:s3], [sflag:s2] =	dma.local @!p0 [hbm:s0], s1  }
0x12f: {  	s0 =	simm.s32 @!p0 $0x4  }
0x130: {  	_ =	swait.ge @!p0 [sflag:s0], s1  }
0x131: {  	s1 =	ssub.s32 @!p0 $0x0, s1;
	[sflag:s0] =	ssyncset.done @!p0 $0x0  }
0x132: {  	[sflag:s0] =	ssyncadd.s32 @!p0 s1  }
0x133: {  	[bflag:$0x3] =	sbarrier.arrive $0xFFFF  }
0x134: {  	_ =	shalt  }

// kernel: kernel.8.cloned.1.call-start
scs
__scs_entry_jumppad:
0x0: {  	(pc) =	sbr.rel $0x88, $3  }
0x1: {  	(tag) =	ssettag $0x0;
	lr =	simm.s32 $0x1  }
0x2: {  	[smem:$0x3F9B] =	sst lr;
	_ =	strace $0xD0000000  }
0x3: {  	_ = 	snop  }
0x4: {  	_ = 	snop  }
0x5: {  	_ = 	snop  }
0x6: {  	_ = 	snop  }
0x7: {  	_ = 	snop  }
__scs_overlays_trampoline_lowered:
0x8: {  	[smem:$0x3FAA] =	sst s0  }
0x9: {  	[smem:$0x3FAB] =	sst s1  }
0xa: {  	[smem:$0x3FAC] =	sst s2  }
0xb: {  	[smem:$0x3FAD] =	sst s3  }
0xc: {  	[smem:$0x3FAE] =	sst s4  }
0xd: {  	[smem:$0x3FAF] =	sst s5  }
0xe: {  	[smem:$0x3FB0] =	sst s6  }
0xf: {  	[smem:$0x3FB1] =	sst s7  }
0x10: {  	[smem:$0x3FB2] =	sst s8  }
0x11: {  	[smem:$0x3FB3] =	sst s9;
	s0 =	simm.s32 @!p0 $0x0  }
0x12: {  	s1 =	sld [smem:$0x3F99];
	s0 =	simm.s32 @p0 $0x1  }
0x13: {  	[smem:$0x3FB4] =	sst s0;
	s0 =	simm.s32 @!p1 $0x0  }
0x14: {  	s2 =	sld [smem:$0x3F98];
	s0 =	simm.s32 @p1 $0x1  }
0x15: {  	[smem:$0x3FB5] =	sst s0;
	s0 =	simm.s32 @!p2 $0x0  }
0x16: {  	s3 =	sld [smem:$0x3FDB];
	s0 =	simm.s32 @p2 $0x1  }
0x17: {  	s4 =	simm.s32 $0x1BF5;
	[smem:$0x3FB7] =	sst s0  }
0x18: {  	s0 =	sld [smem:$0x3F9A];
	_ =	swait.ge [sflag:s4], $0x0  }
0x19: {  	s7 =	sld [smem:$0x3F9B]  }
0x1a: {  	s8 =	sadd.s32 $0xFFFFE003, lr  }
0x1b: {  	s9 =	sadd.s32 $0xFFFFFEF7, lr;
	s5 =	simm.s32 $0xFFFFFFFF;
	p2 =	slt.u32 s8, $0xFFFFF086  }
0x1c: {  	p1 =	slt.u32 s9, $0xF7A;
	s5 =	simm.s32 @!p2 $0x0  }
0x1d: {  	s5 =	simm.s32 @p1 $0x1;
	p0 =	seq.s32 s7, s2  }
0x1e: {  	s7 =	smul.u32 @!p0 $0xF7A, s2;
	p2 =	seq.s32 @!p0 s5, $0x0  }
0x1f: {  	s9 =	smul.u32 $0xF7A, s1;
	s8 =	simm.s32 @!p0 $0x1BF5;
	p2 =	por !p2, p0  }
0x20: {  	[sflag:s8] =	ssyncset.s32 @!p0 $0xFFFFF086;
	s6 =	sadd.s32 @!p0 s3, s7;
	s7 =	simm.s32 @!p0 $0x108  }
0x21: {  	s3 =	sadd.s32 s3, s9;
	s6 =	sadd.s32 @!p0 $0x88, s6;
	s7 =	simm.s32 @p2 $0x1082  }
0x22: {  	[simem:s7], [sflag:s8] =	dma.local @!p0 [hbm:s6], $0xF7A  }
0x23: {  	s9 =	sor.u32 $0xD0000000, s2;
	s6 =	simm.s32 $0x108;
	_ =	swait.ge @!p0 [sflag:s8], $0x0  }
0x24: {  	s3 =	sadd.s32 $0x88, s3;
	s6 =	simm.s32 @!p1 $0x1082;
	[sflag:s4] =	ssyncset.s32 $0xFFFFF086  }
0x25: {  	[simem:s6], [sflag:s4] =	dma.local [hbm:s3], $0xF7A  }
0x26: {  	[smem:$0x3F9B] =	sst s1;
	(tag) =	ssettag s2;
	_ =	strace s9  }
0x27: {  	s1 =	sld [smem:$0x3FAB]  }
0x28: {  	s2 =	sld [smem:$0x3FAC]  }
0x29: {  	s4 =	sld [smem:$0x3FAE]  }
0x2a: {  	p0 =	seq.s32 s5, $0x0;
	s5 =	sld [smem:$0x3FAF]  }
0x2b: {  	s6 =	sld [smem:$0x3FB0]  }
0x2c: {  	s7 =	sld [smem:$0x3FB1]  }
0x2d: {  	s3 =	simm.s32 $0x108;
	s8 =	sld [smem:$0x3FB2]  }
0x2e: {  	s3 =	simm.s32 @!p0 $0x1082;
	s9 =	sld [smem:$0x3FB3]  }
0x2f: {  	lr =	sadd.s32 s0, s3;
	s0 =	sld [smem:$0x3FAA]  }
0x30: {  	s3 =	sld [smem:$0x3FAD]  }
0x31: {  	[smem:$0x3FB6] =	sst s10  }
0x32: {  	s10 =	sld [smem:$0x3FB4];
	_ =	sdelay $0x3  }
0x33: {  	p0 =	seq.s32 s10, $0x1;
	s10 =	sld [smem:$0x3FB6];
	_ =	sdelay $0x3  }
0x34: {  	[smem:$0x3FB6] =	sst s10  }
0x35: {  	s10 =	sld [smem:$0x3FB5];
	_ =	sdelay $0x3  }
0x36: {  	p1 =	seq.s32 s10, $0x1;
	s10 =	sld [smem:$0x3FB6];
	_ =	sdelay $0x3  }
0x37: {  	[smem:$0x3FB6] =	sst s10  }
0x38: {  	s10 =	sld [smem:$0x3FB7]  }
0x39: {  	_ = 	snop;
	(pc) =	sbr.ind lr, $3  }
0x3a: {  	_ = 	snop  }
0x3b: {  	_ = 	snop  }
0x3c: {  	p2 =	seq.s32 s10, $0x1;
	s10 =	sld [smem:$0x3FB6]  }
0x3d: {  	_ =	shalt  }
0x3e: {  	_ =	shalt  }
0x3f: {  	_ =	shalt  }
0x40: {  	_ =	shalt  }
0x41: {  	_ =	shalt  }
0x42: {  	_ =	shalt  }
0x43: {  	_ =	shalt  }
0x44: {  	_ =	shalt  }
0x45: {  	_ =	shalt  }
0x46: {  	_ =	shalt  }
0x47: {  	_ =	shalt  }
0x48: {  	_ =	shalt  }
0x49: {  	_ =	shalt  }
0x4a: {  	_ =	shalt  }
0x4b: {  	_ =	shalt  }
0x4c: {  	_ =	shalt  }
0x4d: {  	_ =	shalt  }
0x4e: {  	_ =	shalt  }
0x4f: {  	_ =	shalt  }
0x50: {  	_ =	shalt  }
0x51: {  	_ =	shalt  }
0x52: {  	_ =	shalt  }
0x53: {  	_ =	shalt  }
0x54: {  	_ =	shalt  }
0x55: {  	_ =	shalt  }
0x56: {  	_ =	shalt  }
0x57: {  	_ =	shalt  }
0x58: {  	_ =	shalt  }
0x59: {  	_ =	shalt  }
0x5a: {  	_ =	shalt  }
0x5b: {  	_ =	shalt  }
0x5c: {  	_ =	shalt  }
0x5d: {  	_ =	shalt  }
0x5e: {  	_ =	shalt  }
0x5f: {  	_ =	shalt  }
0x60: {  	_ =	shalt  }
0x61: {  	_ =	shalt  }
0x62: {  	_ =	shalt  }
0x63: {  	_ =	shalt  }
0x64: {  	_ =	shalt  }
0x65: {  	_ =	shalt  }
0x66: {  	_ =	shalt  }
0x67: {  	_ =	shalt  }
0x68: {  	_ =	shalt  }
0x69: {  	_ =	shalt  }
0x6a: {  	_ =	shalt  }
0x6b: {  	_ =	shalt  }
0x6c: {  	_ =	shalt  }
0x6d: {  	_ =	shalt  }
0x6e: {  	_ =	shalt  }
0x6f: {  	_ =	shalt  }
0x70: {  	_ =	shalt  }
0x71: {  	_ =	shalt  }
0x72: {  	_ =	shalt  }
0x73: {  	_ =	shalt  }
0x74: {  	_ =	shalt  }
0x75: {  	_ =	shalt  }
0x76: {  	_ =	shalt  }
0x77: {  	_ =	shalt  }
0x78: {  	_ =	shalt  }
0x79: {  	_ =	shalt  }
0x7a: {  	_ =	shalt  }
0x7b: {  	_ =	shalt  }
0x7c: {  	_ =	shalt  }
0x7d: {  	_ =	shalt  }
0x7e: {  	_ =	shalt  }
0x7f: {  	_ =	shalt  }
0x80: {  	_ =	shalt  }
0x81: {  	_ =	shalt  }
0x82: {  	_ =	shalt  }
0x83: {  	_ =	shalt  }
0x84: {  	_ =	shalt  }
0x85: {  	_ =	shalt  }
0x86: {  	_ =	shalt  }
0x87: {  	_ =	shalt  }
.Lfunc_end0:
.L_simem_size_0:
called_computation_lowered:
.L_overlay_start_0:
0x88: {  	s2 =	sld [smem:$0x3FD9]  }
0x89: {  	s3 =	sld [smem:$0x3FFE];
	_ =	sdelay $0x1  }
0x8a: {  	s1 =	srdreg.scid  }
0x8b: {  	s0 =	sand.u32 $0x1, s1  }
0x8c: {  	s17 =	sshll.u32 s0, $0xA;
	s2 =	sadd.s32 s3, s2  }
0x8d: {  	s2 =	sadd.s32 s2, s17  }
0x8e: {  	[smem:$0x3FC2] =	sst s2  }
0x8f: {  	_ = 	snop  }
0x90: {  	s2 =	sld [smem:$0x3FD0];
	(tm) =	ssettm $0x1  }
0x91: {  	s18 =	sld [smem:$0x3FFB];
	_ =	sdelay $0x3  }
0x92: {  	_ =	strace s18  }
0x93: {  	s3 =	sld [smem:$0x3FFC];
	_ =	sdelay $0x3  }
0x94: {  	_ =	strace s3  }
0x95: {  	s3 =	sld [smem:$0x3FFD];
	_ =	sdelay $0x3  }
0x96: {  	_ =	strace s3  }
0x97: {  	_ =	strace $0x8FFFFFFF  }
0x98: {  	s19 =	sld [smem:$0x3FDB];
	_ =	sdelay $0x1  }
0x99: {  	s4 =	simm.s32 $_scs_section_size  }
0x9a: {  	s5 =	simm.s32 $_size__tile_overlayer_lowered;
	s6 =	simm.s32 $_tile_overlayer_lowered  }
0x9b: {  	s22 =	simm.s32 $0x1BFF;
	s21 =	sshll.u32 s6, $0x1;
	s3 =	sadd.s32 s4, s19  }
0x9c: {  	s7 =	simm.s32 $0x0;
	s20 =	sshll.u32 s5, $0x1;
	s5 =	sadd.s32 s21, s3  }
0x9d: {  	[timem:s7], [sflag:s22] =	dma.local [hbm:s5], s20  }
0x9e: {  	_ =	swait.ge [sflag:s22], s20  }
0x9f: {  	s4 =	ssub.s32 $0x0, s20;
	[sflag:s22] =	ssyncset.done $0x0  }
0xa0: {  	[sflag:s22] =	ssyncadd.s32 s4;
	_ =	sdelay $0x1  }
0xa1: {  	s23 =	simm.s32 $0x1B8B  }
0xa2: {  	_ =	swait.ge [sflag:s23], $0x1  }
0xa3: {  	[sflag:s23] =	ssyncset.done $0x0  }
0xa4: {  	s25 =	simm.s32 $0x1B8E;
	s24 =	sld [smem:$0x3FFE];
	[sflag:s23] =	ssyncadd.s32 $0xFFFFFFFF  }
0xa5: {  	s26 =	simm.s32 $execute0_lowered;
	[smem:$0x3FD2] =	sst s25  }
0xa6: {  	s5 =	sshll.u32 s26, $0x1;
	_ =	strace $0x80000046;
	[dreg:$0x1] =	wrdreg $0xFFFFFFFF  }
0xa7: {  	s28 =	simm.s32 $_size_execute0_lowered;
	s3 =	sadd.s32 s3, s5;
	[dreg:$0x0] =	wrdreg $0x0  }
0xa8: {  	s5 =	sshll.u32 s28, $0x1;
	[dreg:$0x2] =	wrdreg s3  }
0xa9: {  	[dreg:$0x3] =	wrdreg s5  }
0xaa: {  	[dreg:$0x4] =	wrdreg $0xC0  }
0xab: {  	_ =	task [dreg:s7], $0x5FFFF  }
0xac: {  	[dreg:$0x1] =	wrdreg $0xFFFFFFFF  }
0xad: {  	[dreg:$0x0] =	wrdreg $0x60  }
0xae: {  	[dreg:$0x2] =	wrdreg s2  }
0xaf: {  	[dreg:$0x3] =	wrdreg s24  }
0xb0: {  	[dreg:$0x4] =	wrdreg $0x2FD00  }
0xb1: {  	[dreg:$0x5] =	wrdreg $0x9  }
0xb2: {  	_ =	task.clear_ibuf [dreg:s7], $0x6FFFF;
	_ =	strace $0x90000046  }
0xb3: {  	s29 =	simm.s32 $0x9;
	_ =	strace $0x80000048  }
0xb4: {  	_ =	swait.ge [sflag:s29], $0x1  }
0xb5: {  	[sflag:s29] =	ssyncadd.s32 $0xFFFFFFFF  }
0xb6: {  	_ =	strace $0x90000048  }
0xb7: {  	_ =	sfence  }
0xb8: {  	s30 =	sld [smem:$0x0];
	_ =	sdelay $0x2  }
0xb9: {  	s31 =	sshll.u32 s1, $0xD;
	s1 =	sshrl.u32 s1, $0x2  }
0xba: {  	s3 =	sand.u32 $0x4000, s31;
	s1 =	sadd.s32 s1, s30  }
0xbb: {  	s0 =	sor.u32 s3, s0;
	s1 =	sshll.u32 s1, $0x11  }
0xbc: {  	s0 =	sor.u32 s1, s0  }
0xbd: {  	s0 =	sadd.s32 $0x8F2B, s0  }
0xbe: {  	[sflag:s0] =	ssyncadd.remote.s32 $0x1  }
0xbf: {  	_ =	sfence.sel $0xFFFF  }
0xc0: {  	[dreg:$0x0] =	wrdreg $0xFFFFFFFF;
	(pc) =	sbr.abs _section_cstart, $3  }
0xc1: {  	[dreg:$0x1] =	wrdreg $0xFFFFFFFF  }
0xc2: {  	_ =	task.clear_ibuf [dreg:s7], $0x2FFFF;
	_ =	strace $0x9FFFFFFF  }
0xc3: {  	(tm) =	ssettm $0x7FFFFFFF  }
tec
execute0_lowered:
.L_overlay_start_1:
0x0: {  	(tag) =	ssettag $0x1  }
0x1: {  	s5 =	rddreg [dreg:$0x0]  }
0x2: {  	s7 =	rddreg [dreg:$0x1]  }
0x3: {  	s2 =	rddreg [dreg:$0x2]  }
0x4: {  	s0 =	rddreg [dreg:$0x3];
	s3 =	simm.s32 $0x0;
	s1 =	stileid.u32  }
0x5: {  	s4 =	srdreg.scid;
	s16 =	simm.s32 $0x7D;
	s17 =	simm.s32 $0x80  }
0x6: {  	s18 =	simm.s32 $0x100;
	s19 =	simm.s32 $0x180;
	s20 =	simm.s32 $0x200  }
0x7: {  	s21 =	simm.s32 $0x280;
	s22 =	simm.s32 $0x300;
	s23 =	simm.s32 $0x380  }
0x8: {  	s24 =	simm.s32 $0x1;
	s25 =	simm.s32 $0x0;
	[smem:$0x7FF] =	sst s3  }
0x9: {  	s8 =	smul.u32 $0x2780, s1;
	s6 =	sand.u32 $0x1, s4;
	s4 =	sadd.s32 $0x12000, s7  }
0xa: {  	s12 =	sadd.s32 $0x12200, s7;
	p0 =	seq.s32 s1, $0xF;
	_ =	strace $0x80000047  }
0xb: {  	s9 =	sshll.u32 s6, $0x4;
	s11 =	ssub.s32 $0x2, s6;
	s14 =	smul.u32 $0x27100, s6  }
0xc: {  	s10 =	sshrl.u32 s8, $0x3;
	s9 =	sor.u32 s1, s9;
	s13 =	sshrl.u32 s11, $0x1  }
0xd: {  	s15 =	sadd.s32 s8, s2;
	s10 =	sadd.s32 s10, s7;
	s9 =	smul.u32 $0x500, s9  }
0xe: {  	s11 =	ssub.s32 s11, s13;
	s8 =	sadd.s32 s8, s14;
	s31 =	sshrl.u32 s14, $0x3  }
0xf: {  	s13 =	sadd.s32 $0x25080, s2;
	s7 =	sadd.s32 $0x11A10, s7;
	s14 =	sshll.u32 @!p0 s1, $0x6  }
0x10: {  	s15 =	sshrl.u32 @!p0 s15, $0x3;
	s6 =	sadd.s32 $0xD000, s10;
	s8 =	sshrl.u32 s8, $0x3  }
0x11: {  	s10 =	smax.u32 s11, $0x1;
	s11 =	simm.s32 $0x2;
	s13 =	sshrl.u32 @p0 s13, $0x3  }
0x12: {  	s14 =	sor.u32 @!p0 $0x1C02, s14;
	s5 =	sadd.s32 s5, s9;
	s9 =	sadd.s32 s12, s31  }
0x13: {  	s8 =	sadd.s32 s12, s8;
	s12 =	simm.s32 $0x2800;
	s9 =	sadd.s32 $0x4A10, s9  }
.LBB2_1:
0x14: {  	[tilespmem:s3], [sflag:$0x2] =	stream.linear.gather [hbm4b:s5+s3], $0x2800, $0x38;
	[tilespmem:$0x56E0] =	vst v63  }
0x15: {  	_ =	swait.ge [sflag:s11], $0x2800  }
0x16: {  	[sflag:s11] =	ssyncset.done $0x0  }
0x17: {  	[sflag:s11] =	ssyncadd.s32 $0xFFFFD800  }
0x18: {  	[tilespmem:s12], [sflag:$0x2] =	stream.linear.gather [hbm4b:s4+s3], $0x7D0, $0x38;
	[tilespmem:$0x56E0] =	vst v63  }
0x19: {  	_ =	swait.ge [sflag:s11], $0x7D0  }
0x1a: {  	[sflag:s11] =	ssyncset.done $0x0  }
0x1b: {  	s26 =	simm.s32 @p0 $0x1FC2;
	[sflag:s11] =	ssyncadd.s32 $0xFFFFF830  }
0x1c: {  	[spmem:s13], [sflag:s26] =	dma.local @p0 [hbm:s7], $0x410  }
0x1d: {  	s26 =	simm.s32 @p0 $0x2  }
0x1e: {  	_ =	swait.ge @p0 [sflag:s26], $0x410  }
0x1f: {  	[sflag:s26] =	ssyncset.done @p0 $0x0  }
0x20: {  	[sflag:s26] =	ssyncadd.s32 @p0 $0xFFFFFBF0;
	s26 =	simm.s32 @!p0 $0x2  }
0x21: {  	[spmem:s15], [sflag:s14] =	dma.local @!p0 [hbm:s6], $0x4F0  }
0x22: {  	_ =	swait.ge @!p0 [sflag:s26], $0x4F0  }
0x23: {  	[sflag:s26] =	ssyncset.done @!p0 $0x0  }
0x24: {  	[sflag:s26] =	ssyncadd.s32 @!p0 $0xFFFFFB10  }
0x25: {  	[bflag:$0x0] =	sbarrier.arrive $0xFFFF  }
0x26: {  	[spmem:s2] =	stream.indirect.scatter.add.f32 [tilespmem:s12], [sflag:$0x1], $0x10, s3, s16, $0xb8;
	[tilespmem:$0x56E0] =	vst v63  }
0x27: {  	_ = 	snop  }
0x28: {  	[spmem:s2] =	stream.indirect.scatter.add.f32 [tilespmem:s12], [sflag:$0x1], $0x10, s17, s16, $0xb8;
	[tilespmem:$0x56E0] =	vst v63  }
0x29: {  	_ = 	snop  }
0x2a: {  	[spmem:s2] =	stream.indirect.scatter.add.f32 [tilespmem:s12], [sflag:$0x1], $0x10, s18, s16, $0xb8;
	[tilespmem:$0x56E0] =	vst v63  }
0x2b: {  	_ = 	snop  }
0x2c: {  	[spmem:s2] =	stream.indirect.scatter.add.f32 [tilespmem:s12], [sflag:$0x1], $0x10, s19, s16, $0xb8;
	[tilespmem:$0x56E0] =	vst v63  }
0x2d: {  	_ = 	snop  }
0x2e: {  	[spmem:s2] =	stream.indirect.scatter.add.f32 [tilespmem:s12], [sflag:$0x1], $0x10, s20, s16, $0xb8;
	[tilespmem:$0x56E0] =	vst v63  }
0x2f: {  	_ = 	snop  }
0x30: {  	[spmem:s2] =	stream.indirect.scatter.add.f32 [tilespmem:s12], [sflag:$0x1], $0x10, s21, s16, $0xb8;
	[tilespmem:$0x56E0] =	vst v63  }
0x31: {  	_ = 	snop  }
0x32: {  	[spmem:s2] =	stream.indirect.scatter.add.f32 [tilespmem:s12], [sflag:$0x1], $0x10, s22, s16, $0xb8;
	[tilespmem:$0x56E0] =	vst v63  }
0x33: {  	_ = 	snop  }
0x34: {  	[spmem:s2] =	stream.indirect.scatter.add.f32 [tilespmem:s12], [sflag:$0x1], $0x10, s23, s16, $0xb8;
	[tilespmem:$0x56E0] =	vst v63  }
0x35: {  	s28 =	simm.s32 $0x400  }
0x36: {  	[spmem:s2] =	stream.indirect.scatter.add.f32 [tilespmem:s12], [sflag:$0x1], $0x10, s28, s16, $0xb8;
	[tilespmem:$0x56E0] =	vst v63  }
0x37: {  	s31 =	simm.s32 $0x480  }
0x38: {  	[spmem:s2] =	stream.indirect.scatter.add.f32 [tilespmem:s12], [sflag:$0x1], $0x10, s31, s16, $0xb8;
	[tilespmem:$0x56E0] =	vst v63  }
0x39: {  	s28 =	simm.s32 $0x500  }
0x3a: {  	[spmem:s2] =	stream.indirect.scatter.add.f32 [tilespmem:s12], [sflag:$0x1], $0x10, s28, s16, $0xb8;
	[tilespmem:$0x56E0] =	vst v63  }
0x3b: {  	s31 =	simm.s32 $0x580  }
0x3c: {  	[spmem:s2] =	stream.indirect.scatter.add.f32 [tilespmem:s12], [sflag:$0x1], $0x10, s31, s16, $0xb8;
	[tilespmem:$0x56E0] =	vst v63  }
0x3d: {  	s28 =	simm.s32 $0x600  }
0x3e: {  	[spmem:s2] =	stream.indirect.scatter.add.f32 [tilespmem:s12], [sflag:$0x1], $0x10, s28, s16, $0xb8;
	[tilespmem:$0x56E0] =	vst v63  }
0x3f: {  	s31 =	simm.s32 $0x680  }
0x40: {  	[spmem:s2] =	stream.indirect.scatter.add.f32 [tilespmem:s12], [sflag:$0x1], $0x10, s31, s16, $0xb8;
	[tilespmem:$0x56E0] =	vst v63  }
0x41: {  	s28 =	simm.s32 $0x700  }
0x42: {  	[spmem:s2] =	stream.indirect.scatter.add.f32 [tilespmem:s12], [sflag:$0x1], $0x10, s28, s16, $0xb8;
	[tilespmem:$0x56E0] =	vst v63  }
0x43: {  	s31 =	simm.s32 $0x780  }
0x44: {  	[spmem:s2] =	stream.indirect.scatter.add.f32 [tilespmem:s12], [sflag:$0x1], $0x10, s31, s16, $0xb8;
	[tilespmem:$0x56E0] =	vst v63  }
0x45: {  	_ =	swait.ge [sflag:s24], $0x7D0  }
0x46: {  	[sflag:s24] =	ssyncset.done $0x0  }
0x47: {  	[sflag:s24] =	ssyncadd.s32 $0xFFFFF830  }
0x48: {  	_ =	swait.ge [sflag:s24], $0x7D0  }
0x49: {  	[sflag:s24] =	ssyncset.done $0x0  }
0x4a: {  	[sflag:s24] =	ssyncadd.s32 $0xFFFFF830  }
0x4b: {  	_ =	swait.ge [sflag:s24], $0x7D0  }
0x4c: {  	[sflag:s24] =	ssyncset.done $0x0  }
0x4d: {  	[sflag:s24] =	ssyncadd.s32 $0xFFFFF830  }
0x4e: {  	_ =	swait.ge [sflag:s24], $0x7D0  }
0x4f: {  	[sflag:s24] =	ssyncset.done $0x0  }
0x50: {  	[sflag:s24] =	ssyncadd.s32 $0xFFFFF830  }
0x51: {  	_ =	swait.ge [sflag:s24], $0x7D0  }
0x52: {  	[sflag:s24] =	ssyncset.done $0x0  }
0x53: {  	[sflag:s24] =	ssyncadd.s32 $0xFFFFF830  }
0x54: {  	_ =	swait.ge [sflag:s24], $0x7D0  }
0x55: {  	[sflag:s24] =	ssyncset.done $0x0  }
0x56: {  	[sflag:s24] =	ssyncadd.s32 $0xFFFFF830  }
0x57: {  	_ =	swait.ge [sflag:s24], $0x7D0  }
0x58: {  	[sflag:s24] =	ssyncset.done $0x0  }
0x59: {  	[sflag:s24] =	ssyncadd.s32 $0xFFFFF830  }
0x5a: {  	_ =	swait.ge [sflag:s24], $0x7D0  }
0x5b: {  	s30 =	simm.s32 $0x2000;
	s29 =	simm.s32 $0x400;
	[sflag:s24] =	ssyncset.done $0x0  }
.LBB2_2:
0x5c: {  	s31 =	sadd.s32 $0x400, s29  }
0x5d: {  	[sflag:s24] =	ssyncadd.s32 $0xFFFFF830;
	s28 =	smov.u32 s30;
	s26 =	sadd.s32 $0x1000, s30  }
0x5e: {  	[spmem:s2] =	stream.indirect.scatter.add.f32 [tilespmem:s12], [sflag:$0x1], $0x10, s31, s16, $0xb8;
	[tilespmem:$0x56E0] =	vst v63  }
0x5f: {  	p1 =	sne.s32 s30, $0x8000;
	s30 =	sadd.s32 $0x480, s29  }
0x60: {  	[spmem:s2] =	stream.indirect.scatter.add.f32 [tilespmem:s12], [sflag:$0x1], $0x10, s30, s16, $0xb8;
	[tilespmem:$0x56E0] =	vst v63  }
0x61: {  	s30 =	sadd.s32 $0x500, s29  }
0x62: {  	[spmem:s2] =	stream.indirect.scatter.add.f32 [tilespmem:s12], [sflag:$0x1], $0x10, s30, s16, $0xb8;
	[tilespmem:$0x56E0] =	vst v63  }
0x63: {  	s30 =	sadd.s32 $0x580, s29  }
0x64: {  	[spmem:s2] =	stream.indirect.scatter.add.f32 [tilespmem:s12], [sflag:$0x1], $0x10, s30, s16, $0xb8;
	[tilespmem:$0x56E0] =	vst v63  }
0x65: {  	s30 =	sadd.s32 $0x600, s29  }
0x66: {  	[spmem:s2] =	stream.indirect.scatter.add.f32 [tilespmem:s12], [sflag:$0x1], $0x10, s30, s16, $0xb8;
	[tilespmem:$0x56E0] =	vst v63  }
0x67: {  	s30 =	sadd.s32 $0x680, s29  }
0x68: {  	[spmem:s2] =	stream.indirect.scatter.add.f32 [tilespmem:s12], [sflag:$0x1], $0x10, s30, s16, $0xb8;
	[tilespmem:$0x56E0] =	vst v63  }
0x69: {  	s30 =	sadd.s32 $0x700, s29  }
0x6a: {  	[spmem:s2] =	stream.indirect.scatter.add.f32 [tilespmem:s12], [sflag:$0x1], $0x10, s30, s16, $0xb8;
	[tilespmem:$0x56E0] =	vst v63  }
0x6b: {  	s29 =	sadd.s32 $0x780, s29  }
0x6c: {  	[spmem:s2] =	stream.indirect.scatter.add.f32 [tilespmem:s12], [sflag:$0x1], $0x10, s29, s16, $0xb8;
	[tilespmem:$0x56E0] =	vst v63  }
0x6d: {  	_ =	swait.ge [sflag:s24], $0x7D0  }
0x6e: {  	[sflag:s24] =	ssyncset.done $0x0  }
0x6f: {  	[sflag:s24] =	ssyncadd.s32 $0xFFFFF830  }
0x70: {  	_ =	swait.ge [sflag:s24], $0x7D0  }
0x71: {  	[sflag:s24] =	ssyncset.done $0x0  }
0x72: {  	[sflag:s24] =	ssyncadd.s32 $0xFFFFF830  }
0x73: {  	_ =	swait.ge [sflag:s24], $0x7D0  }
0x74: {  	[sflag:s24] =	ssyncset.done $0x0  }
0x75: {  	[sflag:s24] =	ssyncadd.s32 $0xFFFFF830  }
0x76: {  	_ =	swait.ge [sflag:s24], $0x7D0  }
0x77: {  	[sflag:s24] =	ssyncset.done $0x0  }
0x78: {  	[sflag:s24] =	ssyncadd.s32 $0xFFFFF830  }
0x79: {  	_ =	swait.ge [sflag:s24], $0x7D0  }
0x7a: {  	[sflag:s24] =	ssyncset.done $0x0  }
0x7b: {  	[sflag:s24] =	ssyncadd.s32 $0xFFFFF830  }
0x7c: {  	_ =	swait.ge [sflag:s24], $0x7D0  }
0x7d: {  	[sflag:s24] =	ssyncset.done $0x0  }
0x7e: {  	[sflag:s24] =	ssyncadd.s32 $0xFFFFF830  }
.Ltmp0:
0x7f: {  	_ =	swait.ge [sflag:s24], $0x7D0;
	(pc) =	sbr.rel @p1 .LBB2_2-.Ltmp0, $4  }
0x80: {  	[sflag:s24] =	ssyncset.done $0x0  }
0x81: {  	[sflag:s24] =	ssyncadd.s32 $0xFFFFF830  }
0x82: {  	_ =	swait.ge [sflag:s24], $0x7D0  }
0x83: {  	s30 =	smov.u32 s26;
	s29 =	sshra.s32 s28, $0x2;
	[sflag:s24] =	ssyncset.done $0x0  }
0x84: {  	s26 =	sadd.s32 $0x400, s29;
	[sflag:s24] =	ssyncadd.s32 $0xFFFFF830  }
0x85: {  	[spmem:s2] =	stream.indirect.scatter.add.f32 [tilespmem:s12], [sflag:$0x1], $0x10, s26, s16, $0xb8;
	[tilespmem:$0x56E0] =	vst v63  }
0x86: {  	s31 =	sadd.s32 $0x480, s29  }
0x87: {  	[spmem:s2] =	stream.indirect.scatter.add.f32 [tilespmem:s12], [sflag:$0x1], $0x10, s31, s16, $0xb8;
	[tilespmem:$0x56E0] =	vst v63  }
0x88: {  	s28 =	sadd.s32 $0x500, s29  }
0x89: {  	[spmem:s2] =	stream.indirect.scatter.add.f32 [tilespmem:s12], [sflag:$0x1], $0x10, s28, s16, $0xb8;
	[tilespmem:$0x56E0] =	vst v63  }
0x8a: {  	s30 =	sadd.s32 $0x580, s29  }
0x8b: {  	[spmem:s2] =	stream.indirect.scatter.add.f32 [tilespmem:s12], [sflag:$0x1], $0x10, s30, s16, $0xb8;
	[tilespmem:$0x56E0] =	vst v63  }
0x8c: {  	s31 =	sadd.s32 $0x600, s29  }
0x8d: {  	[spmem:s2] =	stream.indirect.scatter.add.f32 [tilespmem:s12], [sflag:$0x1], $0x10, s31, s16, $0xb8;
	[tilespmem:$0x56E0] =	vst v63  }
0x8e: {  	s28 =	sadd.s32 $0x680, s29  }
0x8f: {  	[spmem:s2] =	stream.indirect.scatter.add.f32 [tilespmem:s12], [sflag:$0x1], $0x10, s28, s16, $0xb8;
	[tilespmem:$0x56E0] =	vst v63  }
0x90: {  	s30 =	sadd.s32 $0x700, s29  }
0x91: {  	[spmem:s2] =	stream.indirect.scatter.add.f32 [tilespmem:s12], [sflag:$0x1], $0x10, s30, s16, $0xb8;
	[tilespmem:$0x56E0] =	vst v63  }
0x92: {  	s31 =	sadd.s32 $0x780, s29  }
0x93: {  	[spmem:s2] =	stream.indirect.scatter.add.f32 [tilespmem:s12], [sflag:$0x1], $0x10, s31, s16, $0xb8;
	[tilespmem:$0x56E0] =	vst v63  }
0x94: {  	_ =	swait.ge [sflag:s24], $0x7D0  }
0x95: {  	[sflag:s24] =	ssyncset.done $0x0  }
0x96: {  	[sflag:s24] =	ssyncadd.s32 $0xFFFFF830  }
0x97: {  	_ =	swait.ge [sflag:s24], $0x7D0  }
0x98: {  	[sflag:s24] =	ssyncset.done $0x0  }
0x99: {  	[sflag:s24] =	ssyncadd.s32 $0xFFFFF830  }
0x9a: {  	_ =	swait.ge [sflag:s24], $0x7D0  }
0x9b: {  	[sflag:s24] =	ssyncset.done $0x0  }
0x9c: {  	[sflag:s24] =	ssyncadd.s32 $0xFFFFF830  }
0x9d: {  	_ =	swait.ge [sflag:s24], $0x7D0  }
0x9e: {  	[sflag:s24] =	ssyncset.done $0x0  }
0x9f: {  	[sflag:s24] =	ssyncadd.s32 $0xFFFFF830  }
0xa0: {  	_ =	swait.ge [sflag:s24], $0x7D0  }
0xa1: {  	[sflag:s24] =	ssyncset.done $0x0  }
0xa2: {  	[sflag:s24] =	ssyncadd.s32 $0xFFFFF830  }
0xa3: {  	_ =	swait.ge [sflag:s24], $0x7D0  }
0xa4: {  	[sflag:s24] =	ssyncset.done $0x0  }
0xa5: {  	[sflag:s24] =	ssyncadd.s32 $0xFFFFF830  }
0xa6: {  	_ =	swait.ge [sflag:s24], $0x7D0  }
0xa7: {  	[sflag:s24] =	ssyncset.done $0x0  }
0xa8: {  	[sflag:s24] =	ssyncadd.s32 $0xFFFFF830  }
0xa9: {  	_ =	swait.ge [sflag:s24], $0x7D0  }
0xaa: {  	[sflag:s24] =	ssyncset.done $0x0  }
0xab: {  	[sflag:s24] =	ssyncadd.s32 $0xFFFFF830  }
0xac: {  	_ =	swait.ge [sflag:s24], $0x7D0  }
0xad: {  	[sflag:s24] =	ssyncset.done $0x0  }
0xae: {  	[sflag:s24] =	ssyncadd.s32 $0xFFFFF830  }
0xaf: {  	_ =	swait.ge [sflag:s24], $0x7D0  }
0xb0: {  	[sflag:s24] =	ssyncset.done $0x0  }
0xb1: {  	[sflag:s24] =	ssyncadd.s32 $0xFFFFF830  }
0xb2: {  	_ =	swait.ge [sflag:s24], $0x7D0  }
0xb3: {  	[sflag:s24] =	ssyncset.done $0x0  }
0xb4: {  	[sflag:s24] =	ssyncadd.s32 $0xFFFFF830  }
0xb5: {  	_ =	swait.ge [sflag:s24], $0x7D0  }
0xb6: {  	[sflag:s24] =	ssyncset.done $0x0  }
0xb7: {  	[sflag:s24] =	ssyncadd.s32 $0xFFFFF830  }
0xb8: {  	_ =	swait.ge [sflag:s24], $0x7D0  }
0xb9: {  	[sflag:s24] =	ssyncset.done $0x0  }
0xba: {  	[sflag:s24] =	ssyncadd.s32 $0xFFFFF830  }
0xbb: {  	_ =	swait.ge [sflag:s24], $0x7D0  }
0xbc: {  	[sflag:s24] =	ssyncset.done $0x0  }
0xbd: {  	[sflag:s24] =	ssyncadd.s32 $0xFFFFF830  }
0xbe: {  	_ =	swait.ge [sflag:s24], $0x7D0  }
0xbf: {  	[sflag:s24] =	ssyncset.done $0x0  }
0xc0: {  	[sflag:s24] =	ssyncadd.s32 $0xFFFFF830  }
0xc1: {  	_ =	swait.ge [sflag:s24], $0x7D0  }
0xc2: {  	[sflag:s24] =	ssyncset.done $0x0  }
0xc3: {  	[sflag:s24] =	ssyncadd.s32 $0xFFFFF830  }
0xc4: {  	s26 =	simm.s32 @p0 $0x1FC2;
	[bflag:$0x0] =	sbarrier.arrive $0xFFFF  }
0xc5: {  	[hbm:s9], [sflag:s26] =	dma.local @p0 [spmem:s13], $0x410  }
0xc6: {  	s26 =	simm.s32 @p0 $0x2  }
0xc7: {  	s25 =	sadd.s32 $0x1, s25;
	_ =	swait.ge @p0 [sflag:s26], $0x410  }
0xc8: {  	p1 =	sne.s32 s25, s10;
	[sflag:s26] =	ssyncset.done @p0 $0x0  }
.Ltmp1:
0xc9: {  	[sflag:s26] =	ssyncadd.s32 @p0 $0xFFFFFBF0;
	s26 =	simm.s32 @!p0 $0x2;
	(pc) =	sbr.rel @p1 .LBB2_1-.Ltmp1, $4  }
0xca: {  	[hbm:s8], [sflag:s14] =	dma.local @!p0 [spmem:s15], $0x4F0  }
0xcb: {  	_ =	swait.ge @!p0 [sflag:s26], $0x4F0  }
0xcc: {  	[sflag:s26] =	ssyncset.done @!p0 $0x0  }
0xcd: {  	[sflag:s26] =	ssyncadd.s32 @!p0 $0xFFFFFB10  }
0xce: {  	_ =	sfence.sel $0x180000  }
0xcf: {  	[bflag:$0x0] =	sbarrier.arrive $0xFFFF  }
0xd0: {  	p0 =	sne.s32 s1, $0x0;
	_ =	strace $0x90000047  }
0xd1: {  	s0 =	sadd.s32 @!p0 $0x100000, s0;
	[bflag:$0x2] =	sbarrier.arrive $0xFFFF  }
0xd2: {  	[sflag:s0] =	ssyncadd.tile.s32 @!p0 $0x1;
	_ =	shalt  }
.Lfunc_end2:
_tile_overlayer_lowered:
.L_overlay_start_2:
0xd3: {  	(tag) =	ssettag $0x2  }
0xd4: {  	s0 =	rddreg [dreg:$0x0];
	s2 =	stileid.u32  }
0xd5: {  	s1 =	rddreg [dreg:$0x1];
	p0 =	sne.s32 s2, $0x0  }
0xd6: {  	s3 =	rddreg [dreg:$0x2];
	[bflag:$0x3] =	sbarrier.arrive $0xFFFF;
	s2 =	simm.s32 @!p0 $0x1C02  }
0xd7: {  	[timem:s3], [sflag:s2] =	dma.local @!p0 [hbm:s0], s1  }
0xd8: {  	s0 =	simm.s32 @!p0 $0x2  }
0xd9: {  	_ =	swait.ge @!p0 [sflag:s0], s1  }
0xda: {  	s1 =	ssub.s32 @!p0 $0x0, s1;
	[sflag:s0] =	ssyncset.done @!p0 $0x0  }
0xdb: {  	[sflag:s0] =	ssyncadd.s32 @!p0 s1  }
0xdc: {  	[bflag:$0x3] =	sbarrier.arrive $0xFFFF  }
0xdd: {  	_ =	shalt  }

</sc_bundles>
